<compile_context>
chip_gen: v7x
topology: tpu7x:2x2x1
jax: 0.10.2.dev20260603
libtpu: 0.0.44.dev20260713+nightly
codegen_flags: <defaults>
</compile_context>

<pallas_src>
import functools

import jax
import jax.numpy as jnp
from jax import lax
from jax.experimental import pallas as pl
from jax.experimental.pallas import tpu as pltpu
from jax.experimental.pallas import tpu_sc as plsc

N = 10000
E = 320000
D_IN = 128
H = 240
S0 = 64
L = 3
NG = 64
LATENT = 128

HP = 256
NP_ = 10240
EP = 327680
CHUNK = 128
NCORE = 2
NSUB = 16
NW = NCORE * NSUB


def _pipeline(nch, nslots, issue1, wait1, issue2, wait2):
    fire = nslots - 2
    for b in range(fire):
        issue1(b)

    @pl.loop(0, nch)
    def _(c):
        wait1()
        issue2(c)

        @pl.when(c >= 2)
        def _():
            wait2()

        @pl.when(c + fire < nch)
        def _():
            issue1(c + fire)

    wait2()
    wait2()


def _make_sc_gather(width, rpc, nslots, nrows):
    mesh = plsc.VectorSubcoreMesh(core_axis_name="c", subcore_axis_name="s")
    ct = nrows // rpc
    ipr = CHUNK // rpc
    aln = 8 * ipr
    a0 = ((3 * ct // 4) // NSUB) // aln * aln
    a1 = (ct - a0 * NSUB) // NSUB
    assert a0 % aln == 0 and a1 % aln == 0 and a1 >= nslots - 2
    ir = a0 // ipr

    def make(npairs):
        @functools.partial(
            pl.kernel, mesh=mesh,
            out_type=[jax.ShapeDtypeStruct((EP, width), jnp.float32)] * npairs,
            scratch_types=[
                pltpu.VMEM((ir, CHUNK), jnp.int32),
                pltpu.VMEM((nslots * rpc, width), jnp.float32),
                pltpu.SemaphoreType.DMA,
                pltpu.SemaphoreType.DMA,
            ],
        )
        def k(table, *rest):
            idxs = rest[:npairs]
            outs = rest[npairs:2 * npairs]
            idx_v, rows_v, sem1, sem2 = rest[2 * npairs:]
            c = lax.axis_index("c")
            s = lax.axis_index("s")
            nch = jnp.where(c == 0, a0, a1)
            cbase = jnp.where(c == 0, s * a0, a0 * NSUB + s * a1)

            def slot(ch):
                return rows_v.at[pl.ds(lax.rem(ch, nslots) * rpc, rpc)]

            for idx, out in zip(idxs, outs):
                pltpu.sync_copy(idx.at[pl.ds(lax.div(cbase, ipr), ir)], idx_v)

                def issue1(ch):
                    iv = (idx_v.at[ch, :] if ipr == 1 else
                          idx_v.at[lax.div(ch, ipr),
                                   pl.ds(lax.rem(ch, ipr) * rpc, rpc)])
                    pltpu.async_copy(table.at[iv], slot(ch), sem1)

                def wait1():
                    pltpu.make_async_copy(
                        table.at[pl.ds(0, rpc)], rows_v.at[pl.ds(0, rpc)],
                        sem1).wait()

                def issue2(ch):
                    pltpu.async_copy(
                        slot(ch),
                        out.at[pl.ds((cbase + ch) * rpc, rpc)], sem2)

                def wait2():
                    pltpu.make_async_copy(
                        rows_v.at[pl.ds(0, rpc)], out.at[pl.ds(0, rpc)],
                        sem2).wait()

                _pipeline(nch, nslots, issue1, wait1, issue2, wait2)

        return k

    return make


def _make_sc_scatter_add(nslots):
    mesh = plsc.VectorSubcoreMesh(core_axis_name="c", subcore_axis_name="s")
    cps = (EP // NSUB) // CHUNK
    NPA = 10112
    rps = NPA // NSUB

    @functools.partial(
        pl.kernel, mesh=mesh,
        out_type=jax.ShapeDtypeStruct((2, NP_, 128), jnp.float32),
        scratch_types=[
            pltpu.VMEM((nslots, CHUNK), jnp.int32),
            pltpu.VMEM((nslots * CHUNK, 128), jnp.float32),
            pltpu.VMEM_SHARED((NPA, 128), jnp.float32),
            pltpu.SemaphoreType.DMA,
            pltpu.SemaphoreType.DMA,
        ],
    )
    def k(gated2, idx, agg2, idx_v, dat_v, acc_sh, sem1, sem2):
        c = lax.axis_index("c")
        s = lax.axis_index("s")

        zv = jnp.zeros((16,), jnp.float32)

        @pl.loop(0, CHUNK)
        def _(r):
            for seg in range(8):
                dat_v[r, pl.ds(seg * 16, 16)] = zv

        done = 0
        while done < rps:
            step = min(CHUNK, rps - done)
            pltpu.sync_copy(dat_v.at[pl.ds(0, step)],
                            acc_sh.at[pl.ds(s * rps + done, step)])
            done += step

        @pl.when(s == 0)
        def _():
            pltpu.sync_copy(dat_v.at[pl.ds(0, NP_ - NPA)],
                            agg2.at[c, pl.ds(NPA, NP_ - NPA), :])
        plsc.subcore_barrier()

        def slot(ch):
            return dat_v.at[pl.ds(lax.rem(ch, nslots) * CHUNK, CHUNK)]

        def islot(ch):
            return idx_v.at[lax.rem(ch, nslots)]

        def issue1(ch):
            pltpu.async_copy(
                gated2.at[c, pl.ds((s * cps + ch) * CHUNK, CHUNK), :],
                slot(ch), sem1)
            pltpu.async_copy(idx.at[s * cps + ch], islot(ch), sem1)

        def wait1():
            pltpu.make_async_copy(
                gated2.at[0, pl.ds(0, CHUNK), :],
                dat_v.at[pl.ds(0, CHUNK)], sem1).wait()
            pltpu.make_async_copy(idx.at[0], idx_v.at[0], sem1).wait()

        def issue2(ch):
            pltpu.async_copy(slot(ch), acc_sh.at[islot(ch)],
                             sem2, add=True)

        def wait2():
            pltpu.make_async_copy(
                dat_v.at[pl.ds(0, CHUNK)], acc_sh.at[pl.ds(0, CHUNK)],
                sem2).wait()

        _pipeline(cps, nslots, issue1, wait1, issue2, wait2)
        plsc.subcore_barrier()
        pltpu.sync_copy(acc_sh.at[pl.ds(s * rps, rps)],
                        agg2.at[c, pl.ds(s * rps, rps), :])

    return k


_sc_gather_cached = functools.lru_cache(None)(
    lambda width, rpc, nslots, nrows, npairs:
        _make_sc_gather(width, rpc, nslots, nrows)(npairs))
_sc_scatter_cached = functools.lru_cache(None)(_make_sc_scatter_add)


def _sc_gather_pos(table, idx_a, idx_b):
    return _sc_gather_cached(128, 128, 6, EP, 2)(table, idx_a, idx_b)


def _sc_gather256(table, idx):
    res = _sc_gather_cached(HP, 64, 7, EP, 1)(table, idx)
    return res[0] if isinstance(res, (list, tuple)) else res


def _sc_scatter(gated2, idx):
    return _sc_scatter_cached(3)(gated2, idx)


_BLK_N = 1024
_BLK_E = 1024


def _edge_attr_call(pr, pc):
    def body(pr_ref, pc_ref, out_ref):
        r = pr_ref[...] - pc_ref[...]
        d2 = jnp.sum(r * r, axis=1, keepdims=True)
        dist = jnp.sqrt(d2)
        inv = 1.0 / (dist + 1e-8)
        lane = lax.broadcasted_iota(jnp.int32, (_BLK_E, 16), 1)
        out_ref[...] = r[:, :16] * inv + jnp.where(lane == 3, dist, 0.0)

    ne = pr.shape[0]
    return pl.pallas_call(
        body,
        grid=(ne // _BLK_E,),
        in_specs=[pl.BlockSpec((_BLK_E, 128), lambda i: (i, 0)),
                  pl.BlockSpec((_BLK_E, 128), lambda i: (i, 0))],
        out_specs=pl.BlockSpec((_BLK_E, 16), lambda i: (i, 0)),
        out_shape=jax.ShapeDtypeStruct((ne, 16), jnp.float32),
    )(pr, pc)


def _prologue_call(xp, w_in, wn0p):
    def body(x_ref, win_ref, wn_ref, h_ref, g_ref):
        h = jnp.dot(x_ref[...], win_ref[...], preferred_element_type=jnp.float32)
        h_ref[...] = h
        g_ref[...] = jnp.dot(h, wn_ref[...], preferred_element_type=jnp.float32)

    return pl.pallas_call(
        body,
        grid=(NP_ // _BLK_N,),
        in_specs=[pl.BlockSpec((_BLK_N, D_IN), lambda i: (i, 0)),
                  pl.BlockSpec((D_IN, H), lambda i: (0, 0)),
                  pl.BlockSpec((H, HP), lambda i: (0, 0))],
        out_specs=[pl.BlockSpec((_BLK_N, H), lambda i: (i, 0)),
                   pl.BlockSpec((_BLK_N, HP), lambda i: (i, 0))],
        out_shape=[jax.ShapeDtypeStruct((NP_, H), jnp.float32),
                   jax.ShapeDtypeStruct((NP_, HP), jnp.float32)],
    )(xp, w_in, wn0p)


def _gate_call(gath, ea, wep, wgext):
    def body(g_ref, ea_ref, we_ref, wg_ref, out_ref):
        a = jnp.dot(ea_ref[...], we_ref[...], preferred_element_type=jnp.float32)
        m = g_ref[...] * a
        z = jnp.dot(m[:, :S0], wg_ref[...], preferred_element_type=jnp.float32)
        res = m * jax.nn.sigmoid(z)
        out_ref[0] = res[:, :128]
        out_ref[1] = res[:, 128:]

    ne = gath.shape[0]
    return pl.pallas_call(
        body,
        grid=(ne // _BLK_E,),
        in_specs=[pl.BlockSpec((_BLK_E, HP), lambda i: (i, 0)),
                  pl.BlockSpec((_BLK_E, 16), lambda i: (i, 0)),
                  pl.BlockSpec((16, HP), lambda i: (0, 0)),
                  pl.BlockSpec((S0, HP), lambda i: (0, 0))],
        out_specs=pl.BlockSpec((2, _BLK_E, 128), lambda i: (0, i, 0)),
        out_shape=jax.ShapeDtypeStruct((2, ne, 128), jnp.float32),
    )(gath, ea, wep, wgext)


def _update_call(h, agg, wlin_msg, wn_upd, wm_upd, wg_ext, wlin_upd, wn_next):
    has_next = wn_next is not None

    def body(h_ref, agg_ref, wl_ref, wn_ref, wm_ref, wg_ref, wu_ref,
             *rest):
        if has_next:
            wnx_ref, h_out, g_out = rest
        else:
            (h_out,) = rest
        h_ = h_ref[...]
        agg = jnp.concatenate([agg_ref[0], agg_ref[1][:, :H - 128]], axis=1)
        aggw = jnp.dot(agg, wl_ref[...],
                       preferred_element_type=jnp.float32)
        u1 = (jnp.dot(h_, wn_ref[...], preferred_element_type=jnp.float32)
              * jnp.dot(aggw, wm_ref[...], preferred_element_type=jnp.float32))
        z = jnp.dot(u1[:, :S0], wg_ref[...], preferred_element_type=jnp.float32)
        u2 = u1 * jax.nn.sigmoid(z)
        hn = h_ + jnp.dot(u2, wu_ref[...], preferred_element_type=jnp.float32)
        h_out[...] = hn
        if has_next:
            g_out[...] = jnp.dot(hn, wnx_ref[...],
                                 preferred_element_type=jnp.float32)

    in_specs = [pl.BlockSpec((_BLK_N, H), lambda i: (i, 0)),
                pl.BlockSpec((2, _BLK_N, 128), lambda i: (0, i, 0)),
                pl.BlockSpec((H, H), lambda i: (0, 0)),
                pl.BlockSpec((H, H), lambda i: (0, 0)),
                pl.BlockSpec((H, H), lambda i: (0, 0)),
                pl.BlockSpec((S0, H), lambda i: (0, 0)),
                pl.BlockSpec((H, H), lambda i: (0, 0))]
    out_specs = [pl.BlockSpec((_BLK_N, H), lambda i: (i, 0))]
    out_shape = [jax.ShapeDtypeStruct((NP_, H), jnp.float32)]
    args = [h, agg, wlin_msg, wn_upd, wm_upd, wg_ext, wlin_upd]
    if has_next:
        in_specs.append(pl.BlockSpec((H, HP), lambda i: (0, 0)))
        out_specs.append(pl.BlockSpec((_BLK_N, HP), lambda i: (i, 0)))
        out_shape.append(jax.ShapeDtypeStruct((NP_, HP), jnp.float32))
        args.append(wn_next)

    return pl.pallas_call(
        body,
        grid=(NP_ // _BLK_N,),
        in_specs=in_specs,
        out_specs=out_specs,
        out_shape=out_shape,
    )(*args)


def _pool_call(h, batch2, w_final):
    nb = NP_ // _BLK_N

    def body(h_ref, b_ref, wf_ref, out_ref, acc_s, cnt_s):
        i = pl.program_id(0)

        @pl.when(i == 0)
        def _():
            acc_s[...] = jnp.zeros_like(acc_s)
            cnt_s[...] = jnp.zeros_like(cnt_s)

        inv = h_ref[:, :S0]
        b = b_ref[...]
        oh = (b == lax.broadcasted_iota(jnp.int32, (_BLK_N, NG), 1)
              ).astype(jnp.float32)
        acc_s[...] += lax.dot_general(oh, inv, (((0,), (0,)), ((), ())),
                                      preferred_element_type=jnp.float32)
        cnt_s[...] += lax.dot_general(oh, jnp.ones((_BLK_N, 8), jnp.float32),
                                      (((0,), (0,)), ((), ())),
                                      preferred_element_type=jnp.float32)

        @pl.when(i == nb - 1)
        def _():
            pooled = acc_s[...] / jnp.maximum(cnt_s[:, :1], 1.0)
            out_ref[...] = jnp.dot(pooled, wf_ref[...],
                                   preferred_element_type=jnp.float32)

    return pl.pallas_call(
        body,
        grid=(nb,),
        in_specs=[pl.BlockSpec((_BLK_N, H), lambda i: (i, 0)),
                  pl.BlockSpec((_BLK_N, 1), lambda i: (i, 0)),
                  pl.BlockSpec((S0, LATENT), lambda i: (0, 0))],
        out_specs=pl.BlockSpec((NG, LATENT), lambda i: (0, 0)),
        out_shape=jax.ShapeDtypeStruct((NG, LATENT), jnp.float32),
        scratch_shapes=[pltpu.VMEM((NG, S0), jnp.float32),
                        pltpu.VMEM((NG, 8), jnp.float32)],
    )(h, batch2, w_final)


@jax.jit
def kernel(x, pos, edge_index, batch, W_in, Wn_msg, We_msg, Wg_msg, Wlin_msg,
           Wn_upd, Wm_upd, Wg_upd, Wlin_upd, W_final):
    f32 = jnp.float32
    row = edge_index[0]
    col = edge_index[1]

    xp = jnp.zeros((NP_, D_IN), f32).at[:N].set(x)
    pos128 = jnp.zeros((NP_, 128), f32).at[:N, :3].set(pos)
    idx_pad = jnp.zeros((80, CHUNK), jnp.int32)
    rowp = jnp.concatenate(
        [row, jnp.full((EP - E,), N, jnp.int32)]).reshape(EP // CHUNK, CHUNK)
    colp = jnp.concatenate(
        [col, jnp.zeros((EP - E,), jnp.int32)]).reshape(EP // CHUNK, CHUNK)
    rowp_g = jnp.concatenate([rowp, idx_pad], axis=0)
    colp_g = jnp.concatenate([colp, idx_pad], axis=0)
    batch2 = jnp.concatenate(
        [batch, jnp.full((NP_ - N,), NG, jnp.int32)]).reshape(NP_, 1)

    eye = jnp.eye(S0, dtype=f32)
    wn_msg_p = jnp.zeros((L, H, HP), f32).at[:, :, :H].set(Wn_msg)
    we_p = jnp.zeros((L, 16, HP), f32).at[:, :4, :H].set(We_msg)
    wg_msg_ext = jnp.zeros((L, S0, HP), f32)
    wg_msg_ext = wg_msg_ext.at[:, :, :S0].set(eye)
    wg_msg_ext = wg_msg_ext.at[:, :, S0:H].set(Wg_msg)
    wg_upd_ext = jnp.concatenate(
        [jnp.broadcast_to(eye, (L, S0, S0)), Wg_upd], axis=2)

    pr, pc = _sc_gather_pos(pos128, rowp_g, colp_g)
    ea = _edge_attr_call(pr, pc)

    h, g = _prologue_call(xp, W_in, wn_msg_p[0])
    for l in range(L):
        gath = _sc_gather256(g, colp_g)
        gated = _gate_call(gath, ea, we_p[l], wg_msg_ext[l])
        agg = _sc_scatter(gated, rowp)
        wn_next = wn_msg_p[l + 1] if l + 1 < L else None
        res = _update_call(h, agg, Wlin_msg[l], Wn_upd[l], Wm_upd[l],
                           wg_upd_ext[l], Wlin_upd[l], wn_next)
        if wn_next is not None:
            h, g = res
        else:
            (h,) = res

    return _pool_call(h, batch2, W_final)

# --- scband reference (transcript-rebuilt; emitter-appended) ---
"""Pipeline reference for scband-real-space-egnnencoder-5806795784728 (READ-ONLY COPY).

The authoritative reference and input builder live on the scoring server;
editing this copy changes nothing except your own understanding.
"""

import jax, jax.numpy as jnp
import numpy as np

N = 10000
E = 320000
D_IN = 128
H = 240      # 64x0e + 32x1o(=96) + 16x2e(=80)
S0 = 64      # scalar (0e) channels
NV = H - S0  # non-scalar channels
L = 3        # n_layers
NG = 64      # number of graphs in batch
LATENT = 128 # config.LATENT_DIM_GNN


def setup_inputs(seed: int = 0):
    key = jax.random.key(seed)
    ks = jax.random.split(key, 16)
    s = 0.05
    x = jax.random.normal(ks[0], (N, D_IN), dtype=jnp.float32)
    pos = jax.random.normal(ks[1], (N, 3), dtype=jnp.float32) * 10.0
    edge_index = jax.random.randint(ks[2], (2, E), 0, N, dtype=jnp.int32)
    batch = jnp.sort(jax.random.randint(ks[3], (N,), 0, NG, dtype=jnp.int32))
    W_in = jax.random.normal(ks[4], (D_IN, H), dtype=jnp.float32) * s
    Wn_msg = jax.random.normal(ks[5], (L, H, H), dtype=jnp.float32) * s
    We_msg = jax.random.normal(ks[6], (L, 4, H), dtype=jnp.float32) * s
    Wg_msg = jax.random.normal(ks[7], (L, S0, NV), dtype=jnp.float32) * s
    Wlin_msg = jax.random.normal(ks[8], (L, H, H), dtype=jnp.float32) * s
    Wn_upd = jax.random.normal(ks[9], (L, H, H), dtype=jnp.float32) * s
    Wm_upd = jax.random.normal(ks[10], (L, H, H), dtype=jnp.float32) * s
    Wg_upd = jax.random.normal(ks[11], (L, S0, NV), dtype=jnp.float32) * s
    Wlin_upd = jax.random.normal(ks[12], (L, H, H), dtype=jnp.float32) * s
    W_final = jax.random.normal(ks[13], (S0, LATENT), dtype=jnp.float32) * s
    return {"x": x, "pos": pos, "edge_index": edge_index, "batch": batch,
            "W_in": W_in, "Wn_msg": Wn_msg, "We_msg": We_msg, "Wg_msg": Wg_msg,
            "Wlin_msg": Wlin_msg, "Wn_upd": Wn_upd, "Wm_upd": Wm_upd,
            "Wg_upd": Wg_upd, "Wlin_upd": Wlin_upd, "W_final": W_final}


def _gate(m, Wg):
    # e3nn Gate analogue: 0e scalars pass through nonlinearity,
    # non-scalar channels are gated by sigmoid of learned scalar mix.
    sc = m[:, :S0]
    vec = m[:, S0:]
    return jnp.concatenate([jax.nn.silu(sc), vec * jax.nn.sigmoid(sc @ Wg)], axis=-1)


def reference(x, pos, edge_index, batch, W_in, Wn_msg, We_msg, Wg_msg, Wlin_msg,
              Wn_upd, Wm_upd, Wg_upd, Wlin_upd, W_final):
    row = edge_index[0]
    col = edge_index[1]
    # edge geometry (radius_graph edges assumed precomputed in edge_index)
    r_vec = pos[row] - pos[col]
    dist = jnp.linalg.norm(r_vec, axis=-1, keepdims=True)
    nrv = r_vec / (dist + 1e-08)
    edge_attr = jnp.concatenate([nrv, dist], axis=-1)  # [E, 4] ~ 1x1o + 1x0e
    # initial projection
    h = x @ W_in
    for l in range(L):
        # tensor-product style message: bilinear interaction of gathered node feats and edge attrs
        m = (h[col] @ Wn_msg[l]) * (edge_attr @ We_msg[l])
        m = _gate(m, Wg_msg[l]) @ Wlin_msg[l]
        # scatter-add aggregation to destination nodes
        agg = jax.ops.segment_sum(m, row, num_segments=N)
        # tensor-product style update
        u = (h @ Wn_upd[l]) * (agg @ Wm_upd[l])
        u = _gate(u, Wg_upd[l]) @ Wlin_upd[l]
        h = h + u
    # invariant (0e) features -> global mean pool per graph -> final linear
    inv = h[:, :S0]
    sums = jax.ops.segment_sum(inv, batch, num_segments=NG)
    cnt = jax.ops.segment_sum(jnp.ones((N, 1), dtype=inv.dtype), batch, num_segments=NG)
    pooled = sums / jnp.maximum(cnt, 1.0)
    return pooled @ W_final

if __name__ == "__main__":
    import jax
    _d = setup_inputs()
    print(jax.jit(kernel)(*tuple(_d.values())))

</pallas_src>

<mosaic_0001>
#map = affine_map<(d0, d1) -> (0, 0)>
module attributes {stable_mosaic.version = 14 : i64} {
  func.func @k(%arg0: i32, %arg1: i32, %arg2: memref<10240x256xf32, #tpu.memory_space<hbm>>, %arg3: memref<2640x128xi32, #tpu.memory_space<hbm>>, %arg4: memref<327680x256xf32, #tpu.memory_space<hbm>>, %arg5: memref<120x128xi32, #tpu.memory_space<vmem>>, %arg6: memref<448x256xf32, #tpu.memory_space<vmem>>, %arg7: memref<!tpu.dma_semaphore, #tpu.memory_space<semaphore_mem>>, %arg8: memref<!tpu.dma_semaphore, #tpu.memory_space<semaphore_mem>>) attributes {dimension_semantics = [#tpu.dimension_semantics<core_parallel>, #tpu.dimension_semantics<subcore_parallel>], iteration_bounds = array<i64: 2, 16>, scalar_prefetch = 0 : i64, scratch_operands = 4 : i64, tpu.core_type = #tpu.core_type<sc_vector_subcore>, window_params = [{transform_indices = #map}, {transform_indices = #map}, {transform_indices = #map}]} {
    %eq3A = arith.constant 0 : i32
    %eq3A_0 = arith.cmpi eq, %arg0, %eq3A : i32
    %jit3A = arith.constant 240 : i32
    %jit3A_1 = arith.constant 80 : i32
    %select_n3A = arith.select %eq3A_0, %jit3A, %jit3A_1 : i32
    %eq3A_2 = arith.constant 0 : i32
    %eq3A_3 = arith.cmpi eq, %arg0, %eq3A_2 : i32
    %mul3A = arith.constant 240 : i32
    %mul3A_4 = arith.muli %arg1, %mul3A : i32
    %mul3A_5 = arith.constant 80 : i32
    %mul3A_6 = arith.muli %arg1, %mul3A_5 : i32
    %add3A = arith.constant 3840 : i32
    %add3A_7 = arith.addi %add3A, %mul3A_6 : i32
    %select_n3A_8 = arith.select %eq3A_3, %mul3A_4, %add3A_7 : i32
    %div3A = arith.constant 2 : i32
    %div3A_9 = arith.divsi %select_n3A_8, %div3A : i32
    "tpu.region"() ({
      %run_scoped3A = tpu.sem_alloc : memref<!tpu.dma_semaphore, #tpu.memory_space<semaphore_mem>>
      %dma_start3A_148 = arith.constant 0 : i32
      %dma_start3A_149 = tpu.memref_slice %arg3[%div3A_9, %dma_start3A_148] : memref<2640x128xi32, #tpu.memory_space<hbm>> -> memref<120x128xi32, #tpu.memory_space<hbm>>
      %dma_start3A_150 = arith.constant 0 : i32
      %dma_start3A_151 = tpu.memref_slice %arg3[%div3A_9, %dma_start3A_150] : memref<2640x128xi32, #tpu.memory_space<hbm>> -> memref<120x128xi32, #tpu.memory_space<hbm>>
      tpu.enqueue_dma source(%dma_start3A_151 : memref<120x128xi32, #tpu.memory_space<hbm>>) target(%arg5 : memref<120x128xi32, #tpu.memory_space<vmem>>) target_semaphore(%run_scoped3A : memref<!tpu.dma_semaphore, #tpu.memory_space<semaphore_mem>>)
      %dma_wait3A_152 = arith.constant 0 : i32
      %dma_wait3A_153 = tpu.memref_slice %arg3[%div3A_9, %dma_wait3A_152] : memref<2640x128xi32, #tpu.memory_space<hbm>> -> memref<120x128xi32, #tpu.memory_space<hbm>>
      %dma_wait3A_154 = arith.constant 0 : i32
      %dma_wait3A_155 = tpu.memref_slice %arg3[%div3A_9, %dma_wait3A_154] : memref<2640x128xi32, #tpu.memory_space<hbm>> -> memref<120x128xi32, #tpu.memory_space<hbm>>
      tpu.wait_dma2 semaphore(%run_scoped3A : memref<!tpu.dma_semaphore, #tpu.memory_space<semaphore_mem>>) src(%dma_wait3A_155 : memref<120x128xi32, #tpu.memory_space<hbm>>) dst(%arg5 : memref<120x128xi32, #tpu.memory_space<vmem>>)
      tpu.yield
    }) : () -> ()
    %div3A_10 = arith.constant 0 : i32
    %div3A_11 = arith.constant 2 : i32
    %div3A_12 = arith.divsi %div3A_10, %div3A_11 : i32
    %rem3A = arith.constant 0 : i32
    %rem3A_13 = arith.constant 2 : i32
    %rem3A_14 = arith.remsi %rem3A, %rem3A_13 : i32
    %mul3A_15 = arith.constant 64 : i32
    %mul3A_16 = arith.muli %rem3A_14, %mul3A_15 : i32
    %rem3A_17 = arith.constant 0 : i32
    %rem3A_18 = arith.constant 7 : i32
    %rem3A_19 = arith.remsi %rem3A_17, %rem3A_18 : i32
    %mul3A_20 = arith.constant 64 : i32
    %mul3A_21 = arith.muli %rem3A_19, %mul3A_20 : i32
    %dma_start3A = arith.constant 0 : i32
    %dma_start3A_22 = tpu.memref_slice %arg6[%mul3A_21, %dma_start3A] : memref<448x256xf32, #tpu.memory_space<vmem>> -> memref<64x256xf32, #tpu.memory_space<vmem>>
    %dma_start3A_23 = tpu.memref_slice %arg5[%div3A_12, %mul3A_16] : memref<120x128xi32, #tpu.memory_space<vmem>> -> memref<1x64xi32, #tpu.memory_space<vmem>>
    %dma_start3A_24 = tpu.memref_squeeze %dma_start3A_23 : memref<1x64xi32, #tpu.memory_space<vmem>> -> memref<64xi32, #tpu.memory_space<vmem>>
    %dma_start3A_25 = arith.constant 0 : i32
    %dma_start3A_26 = arith.constant 0 : i32
    %dma_start3A_27 = tpu.memref_slice %arg2[%dma_start3A_25, %dma_start3A_26] : memref<10240x256xf32, #tpu.memory_space<hbm>> -> memref<10240x256xf32, #tpu.memory_space<hbm>>
    tpu.enqueue_indirect_dma source(%dma_start3A_27 : memref<10240x256xf32, #tpu.memory_space<hbm>>) target(%dma_start3A_22 : memref<64x256xf32, #tpu.memory_space<vmem>>) offsets(%dma_start3A_24 : memref<64xi32, #tpu.memory_space<vmem>>) semaphore(%arg7 : memref<!tpu.dma_semaphore, #tpu.memory_space<semaphore_mem>>)
    %div3A_28 = arith.constant 1 : i32
    %div3A_29 = arith.constant 2 : i32
    %div3A_30 = arith.divsi %div3A_28, %div3A_29 : i32
    %rem3A_31 = arith.constant 1 : i32
    %rem3A_32 = arith.constant 2 : i32
    %rem3A_33 = arith.remsi %rem3A_31, %rem3A_32 : i32
    %mul3A_34 = arith.constant 64 : i32
    %mul3A_35 = arith.muli %rem3A_33, %mul3A_34 : i32
    %rem3A_36 = arith.constant 1 : i32
    %rem3A_37 = arith.constant 7 : i32
    %rem3A_38 = arith.remsi %rem3A_36, %rem3A_37 : i32
    %mul3A_39 = arith.constant 64 : i32
    %mul3A_40 = arith.muli %rem3A_38, %mul3A_39 : i32
    %dma_start3A_41 = arith.constant 0 : i32
    %dma_start3A_42 = tpu.memref_slice %arg6[%mul3A_40, %dma_start3A_41] : memref<448x256xf32, #tpu.memory_space<vmem>> -> memref<64x256xf32, #tpu.memory_space<vmem>>
    %dma_start3A_43 = tpu.memref_slice %arg5[%div3A_30, %mul3A_35] : memref<120x128xi32, #tpu.memory_space<vmem>> -> memref<1x64xi32, #tpu.memory_space<vmem>>
    %dma_start3A_44 = tpu.memref_squeeze %dma_start3A_43 : memref<1x64xi32, #tpu.memory_space<vmem>> -> memref<64xi32, #tpu.memory_space<vmem>>
    %dma_start3A_45 = arith.constant 0 : i32
    %dma_start3A_46 = arith.constant 0 : i32
    %dma_start3A_47 = tpu.memref_slice %arg2[%dma_start3A_45, %dma_start3A_46] : memref<10240x256xf32, #tpu.memory_space<hbm>> -> memref<10240x256xf32, #tpu.memory_space<hbm>>
    tpu.enqueue_indirect_dma source(%dma_start3A_47 : memref<10240x256xf32, #tpu.memory_space<hbm>>) target(%dma_start3A_42 : memref<64x256xf32, #tpu.memory_space<vmem>>) offsets(%dma_start3A_44 : memref<64xi32, #tpu.memory_space<vmem>>) semaphore(%arg7 : memref<!tpu.dma_semaphore, #tpu.memory_space<semaphore_mem>>)
    %div3A_48 = arith.constant 2 : i32
    %div3A_49 = arith.constant 2 : i32
    %div3A_50 = arith.divsi %div3A_48, %div3A_49 : i32
    %rem3A_51 = arith.constant 2 : i32
    %rem3A_52 = arith.constant 2 : i32
    %rem3A_53 = arith.remsi %rem3A_51, %rem3A_52 : i32
    %mul3A_54 = arith.constant 64 : i32
    %mul3A_55 = arith.muli %rem3A_53, %mul3A_54 : i32
    %rem3A_56 = arith.constant 2 : i32
    %rem3A_57 = arith.constant 7 : i32
    %rem3A_58 = arith.remsi %rem3A_56, %rem3A_57 : i32
    %mul3A_59 = arith.constant 64 : i32
    %mul3A_60 = arith.muli %rem3A_58, %mul3A_59 : i32
    %dma_start3A_61 = arith.constant 0 : i32
    %dma_start3A_62 = tpu.memref_slice %arg6[%mul3A_60, %dma_start3A_61] : memref<448x256xf32, #tpu.memory_space<vmem>> -> memref<64x256xf32, #tpu.memory_space<vmem>>
    %dma_start3A_63 = tpu.memref_slice %arg5[%div3A_50, %mul3A_55] : memref<120x128xi32, #tpu.memory_space<vmem>> -> memref<1x64xi32, #tpu.memory_space<vmem>>
    %dma_start3A_64 = tpu.memref_squeeze %dma_start3A_63 : memref<1x64xi32, #tpu.memory_space<vmem>> -> memref<64xi32, #tpu.memory_space<vmem>>
    %dma_start3A_65 = arith.constant 0 : i32
    %dma_start3A_66 = arith.constant 0 : i32
    %dma_start3A_67 = tpu.memref_slice %arg2[%dma_start3A_65, %dma_start3A_66] : memref<10240x256xf32, #tpu.memory_space<hbm>> -> memref<10240x256xf32, #tpu.memory_space<hbm>>
    tpu.enqueue_indirect_dma source(%dma_start3A_67 : memref<10240x256xf32, #tpu.memory_space<hbm>>) target(%dma_start3A_62 : memref<64x256xf32, #tpu.memory_space<vmem>>) offsets(%dma_start3A_64 : memref<64xi32, #tpu.memory_space<vmem>>) semaphore(%arg7 : memref<!tpu.dma_semaphore, #tpu.memory_space<semaphore_mem>>)
    %div3A_68 = arith.constant 3 : i32
    %div3A_69 = arith.constant 2 : i32
    %div3A_70 = arith.divsi %div3A_68, %div3A_69 : i32
    %rem3A_71 = arith.constant 3 : i32
    %rem3A_72 = arith.constant 2 : i32
    %rem3A_73 = arith.remsi %rem3A_71, %rem3A_72 : i32
    %mul3A_74 = arith.constant 64 : i32
    %mul3A_75 = arith.muli %rem3A_73, %mul3A_74 : i32
    %rem3A_76 = arith.constant 3 : i32
    %rem3A_77 = arith.constant 7 : i32
    %rem3A_78 = arith.remsi %rem3A_76, %rem3A_77 : i32
    %mul3A_79 = arith.constant 64 : i32
    %mul3A_80 = arith.muli %rem3A_78, %mul3A_79 : i32
    %dma_start3A_81 = arith.constant 0 : i32
    %dma_start3A_82 = tpu.memref_slice %arg6[%mul3A_80, %dma_start3A_81] : memref<448x256xf32, #tpu.memory_space<vmem>> -> memref<64x256xf32, #tpu.memory_space<vmem>>
    %dma_start3A_83 = tpu.memref_slice %arg5[%div3A_70, %mul3A_75] : memref<120x128xi32, #tpu.memory_space<vmem>> -> memref<1x64xi32, #tpu.memory_space<vmem>>
    %dma_start3A_84 = tpu.memref_squeeze %dma_start3A_83 : memref<1x64xi32, #tpu.memory_space<vmem>> -> memref<64xi32, #tpu.memory_space<vmem>>
    %dma_start3A_85 = arith.constant 0 : i32
    %dma_start3A_86 = arith.constant 0 : i32
    %dma_start3A_87 = tpu.memref_slice %arg2[%dma_start3A_85, %dma_start3A_86] : memref<10240x256xf32, #tpu.memory_space<hbm>> -> memref<10240x256xf32, #tpu.memory_space<hbm>>
    tpu.enqueue_indirect_dma source(%dma_start3A_87 : memref<10240x256xf32, #tpu.memory_space<hbm>>) target(%dma_start3A_82 : memref<64x256xf32, #tpu.memory_space<vmem>>) offsets(%dma_start3A_84 : memref<64xi32, #tpu.memory_space<vmem>>) semaphore(%arg7 : memref<!tpu.dma_semaphore, #tpu.memory_space<semaphore_mem>>)
    %div3A_88 = arith.constant 4 : i32
    %div3A_89 = arith.constant 2 : i32
    %div3A_90 = arith.divsi %div3A_88, %div3A_89 : i32
    %rem3A_91 = arith.constant 4 : i32
    %rem3A_92 = arith.constant 2 : i32
    %rem3A_93 = arith.remsi %rem3A_91, %rem3A_92 : i32
    %mul3A_94 = arith.constant 64 : i32
    %mul3A_95 = arith.muli %rem3A_93, %mul3A_94 : i32
    %rem3A_96 = arith.constant 4 : i32
    %rem3A_97 = arith.constant 7 : i32
    %rem3A_98 = arith.remsi %rem3A_96, %rem3A_97 : i32
    %mul3A_99 = arith.constant 64 : i32
    %mul3A_100 = arith.muli %rem3A_98, %mul3A_99 : i32
    %dma_start3A_101 = arith.constant 0 : i32
    %dma_start3A_102 = tpu.memref_slice %arg6[%mul3A_100, %dma_start3A_101] : memref<448x256xf32, #tpu.memory_space<vmem>> -> memref<64x256xf32, #tpu.memory_space<vmem>>
    %dma_start3A_103 = tpu.memref_slice %arg5[%div3A_90, %mul3A_95] : memref<120x128xi32, #tpu.memory_space<vmem>> -> memref<1x64xi32, #tpu.memory_space<vmem>>
    %dma_start3A_104 = tpu.memref_squeeze %dma_start3A_103 : memref<1x64xi32, #tpu.memory_space<vmem>> -> memref<64xi32, #tpu.memory_space<vmem>>
    %dma_start3A_105 = arith.constant 0 : i32
    %dma_start3A_106 = arith.constant 0 : i32
    %dma_start3A_107 = tpu.memref_slice %arg2[%dma_start3A_105, %dma_start3A_106] : memref<10240x256xf32, #tpu.memory_space<hbm>> -> memref<10240x256xf32, #tpu.memory_space<hbm>>
    tpu.enqueue_indirect_dma source(%dma_start3A_107 : memref<10240x256xf32, #tpu.memory_space<hbm>>) target(%dma_start3A_102 : memref<64x256xf32, #tpu.memory_space<vmem>>) offsets(%dma_start3A_104 : memref<64xi32, #tpu.memory_space<vmem>>) semaphore(%arg7 : memref<!tpu.dma_semaphore, #tpu.memory_space<semaphore_mem>>)
    %sub3A = arith.constant 0 : i32
    %sub3A_108 = arith.subi %select_n3A, %sub3A : i32
    %sub3A_109 = arith.constant 1 : i32
    %sub3A_110 = arith.constant 1 : i32
    %sub3A_111 = arith.subi %sub3A_109, %sub3A_110 : i32
    %add3A_112 = arith.addi %sub3A_108, %sub3A_111 : i32
    %div3A_113 = arith.constant 1 : i32
    %div3A_114 = arith.divsi %add3A_112, %div3A_113 : i32
    %while3A = arith.constant 1 : i32
    %while3A_115 = arith.constant 0 : i32
    %while3A_116 = arith.constant 0 : i32
    %while3A_117 = arith.subi %div3A_114, %while3A_116 : i32
    %while3A_118 = arith.addi %while3A_116, %while3A_117 : i32
    %while3A_119 = arith.constant 1 : i32
    %while3A_120 = arith.divsi %while3A_117, %while3A_119 : i32
    %while3A_121 = arith.muli %while3A_120, %while3A_119 : i32
    %while3A_122 = arith.addi %while3A_116, %while3A_121 : i32
    %while3A_123 = arith.constant 1 : i32
    scf.for %while3A_148 = %while3A_116 to %while3A_122 step %while3A_123  : i32 {
      %mul3A_149 = arith.muli %while3A_148, %while3A : i32
      %add3A_150 = arith.addi %while3A_115, %mul3A_149 : i32
      %dma_wait3A_151 = arith.constant 0 : i32
      %dma_wait3A_152 = arith.constant 0 : i32
      %dma_wait3A_153 = tpu.memref_slice %arg6[%dma_wait3A_151, %dma_wait3A_152] : memref<448x256xf32, #tpu.memory_space<vmem>> -> memref<64x256xf32, #tpu.memory_space<vmem>>
      %dma_wait3A_154 = arith.constant 0 : i32
      %dma_wait3A_155 = arith.constant 0 : i32
      %dma_wait3A_156 = tpu.memref_slice %arg2[%dma_wait3A_154, %dma_wait3A_155] : memref<10240x256xf32, #tpu.memory_space<hbm>> -> memref<64x256xf32, #tpu.memory_space<hbm>>
      %dma_wait3A_157 = arith.constant 0 : i32
      %dma_wait3A_158 = arith.constant 0 : i32
      %dma_wait3A_159 = tpu.memref_slice %arg6[%dma_wait3A_157, %dma_wait3A_158] : memref<448x256xf32, #tpu.memory_space<vmem>> -> memref<64x256xf32, #tpu.memory_space<vmem>>
      %dma_wait3A_160 = arith.constant 0 : i32
      %dma_wait3A_161 = arith.constant 0 : i32
      %dma_wait3A_162 = tpu.memref_slice %arg2[%dma_wait3A_160, %dma_wait3A_161] : memref<10240x256xf32, #tpu.memory_space<hbm>> -> memref<64x256xf32, #tpu.memory_space<hbm>>
      tpu.wait_dma2 semaphore(%arg7 : memref<!tpu.dma_semaphore, #tpu.memory_space<semaphore_mem>>) src(%dma_wait3A_162 : memref<64x256xf32, #tpu.memory_space<hbm>>) dst(%dma_wait3A_159 : memref<64x256xf32, #tpu.memory_space<vmem>>)
      %rem3A_163 = arith.constant 7 : i32
      %rem3A_164 = arith.remsi %add3A_150, %rem3A_163 : i32
      %mul3A_165 = arith.constant 64 : i32
      %mul3A_166 = arith.muli %rem3A_164, %mul3A_165 : i32
      %add3A_167 = arith.addi %select_n3A_8, %add3A_150 : i32
      %mul3A_168 = arith.constant 64 : i32
      %mul3A_169 = arith.muli %add3A_167, %mul3A_168 : i32
      %dma_start3A_170 = arith.constant 0 : i32
      %dma_start3A_171 = tpu.memref_slice %arg6[%mul3A_166, %dma_start3A_170] : memref<448x256xf32, #tpu.memory_space<vmem>> -> memref<64x256xf32, #tpu.memory_space<vmem>>
      %dma_start3A_172 = arith.constant 0 : i32
      %dma_start3A_173 = tpu.memref_slice %arg4[%mul3A_169, %dma_start3A_172] : memref<327680x256xf32, #tpu.memory_space<hbm>> -> memref<64x256xf32, #tpu.memory_space<hbm>>
      %dma_start3A_174 = arith.constant 0 : i32
      %dma_start3A_175 = tpu.memref_slice %arg4[%mul3A_169, %dma_start3A_174] : memref<327680x256xf32, #tpu.memory_space<hbm>> -> memref<64x256xf32, #tpu.memory_space<hbm>>
      %dma_start3A_176 = arith.constant 0 : i32
      %dma_start3A_177 = tpu.memref_slice %arg6[%mul3A_166, %dma_start3A_176] : memref<448x256xf32, #tpu.memory_space<vmem>> -> memref<64x256xf32, #tpu.memory_space<vmem>>
      tpu.enqueue_dma source(%dma_start3A_177 : memref<64x256xf32, #tpu.memory_space<vmem>>) target(%dma_start3A_175 : memref<64x256xf32, #tpu.memory_space<hbm>>) target_semaphore(%arg8 : memref<!tpu.dma_semaphore, #tpu.memory_space<semaphore_mem>>)
      %ge3A = arith.constant 2 : i32
      %ge3A_178 = arith.cmpi sge, %add3A_150, %ge3A : i32
      %convert_element_type3A = arith.extui %ge3A_178 : i1 to i32
      %cond3A = arith.constant 0 : i32
      %cond3A_179 = arith.cmpi ne, %convert_element_type3A, %cond3A : i32
      scf.if %cond3A_179 {
        %dma_wait3A_185 = arith.constant 0 : i32
        %dma_wait3A_186 = arith.constant 0 : i32
        %dma_wait3A_187 = tpu.memref_slice %arg6[%dma_wait3A_185, %dma_wait3A_186] : memref<448x256xf32, #tpu.memory_space<vmem>> -> memref<64x256xf32, #tpu.memory_space<vmem>>
        %dma_wait3A_188 = arith.constant 0 : i32
        %dma_wait3A_189 = arith.constant 0 : i32
        %dma_wait3A_190 = tpu.memref_slice %arg4[%dma_wait3A_188, %dma_wait3A_189] : memref<327680x256xf32, #tpu.memory_space<hbm>> -> memref<64x256xf32, #tpu.memory_space<hbm>>
        %dma_wait3A_191 = arith.constant 0 : i32
        %dma_wait3A_192 = arith.constant 0 : i32
        %dma_wait3A_193 = tpu.memref_slice %arg4[%dma_wait3A_191, %dma_wait3A_192] : memref<327680x256xf32, #tpu.memory_space<hbm>> -> memref<64x256xf32, #tpu.memory_space<hbm>>
        %dma_wait3A_194 = arith.constant 0 : i32
        %dma_wait3A_195 = arith.constant 0 : i32
        %dma_wait3A_196 = tpu.memref_slice %arg6[%dma_wait3A_194, %dma_wait3A_195] : memref<448x256xf32, #tpu.memory_space<vmem>> -> memref<64x256xf32, #tpu.memory_space<vmem>>
        tpu.wait_dma2 semaphore(%arg8 : memref<!tpu.dma_semaphore, #tpu.memory_space<semaphore_mem>>) src(%dma_wait3A_196 : memref<64x256xf32, #tpu.memory_space<vmem>>) dst(%dma_wait3A_193 : memref<64x256xf32, #tpu.memory_space<hbm>>)
      } else {
      }
      %add3A_180 = arith.constant 5 : i32
      %add3A_181 = arith.addi %add3A_150, %add3A_180 : i32
      %lt3A = arith.cmpi slt, %add3A_181, %select_n3A : i32
      %convert_element_type3A_182 = arith.extui %lt3A : i1 to i32
      %cond3A_183 = arith.constant 0 : i32
      %cond3A_184 = arith.cmpi ne, %convert_element_type3A_182, %cond3A_183 : i32
      scf.if %cond3A_184 {
        %add3A_185 = arith.constant 5 : i32
        %add3A_186 = arith.addi %add3A_150, %add3A_185 : i32
        %div3A_187 = arith.constant 2 : i32
        %div3A_188 = arith.divsi %add3A_186, %div3A_187 : i32
        %rem3A_189 = arith.constant 2 : i32
        %rem3A_190 = arith.remsi %add3A_186, %rem3A_189 : i32
        %mul3A_191 = arith.constant 64 : i32
        %mul3A_192 = arith.muli %rem3A_190, %mul3A_191 : i32
        %rem3A_193 = arith.constant 7 : i32
        %rem3A_194 = arith.remsi %add3A_186, %rem3A_193 : i32
        %mul3A_195 = arith.constant 64 : i32
        %mul3A_196 = arith.muli %rem3A_194, %mul3A_195 : i32
        %dma_start3A_197 = arith.constant 0 : i32
        %dma_start3A_198 = tpu.memref_slice %arg6[%mul3A_196, %dma_start3A_197] : memref<448x256xf32, #tpu.memory_space<vmem>> -> memref<64x256xf32, #tpu.memory_space<vmem>>
        %dma_start3A_199 = tpu.memref_slice %arg5[%div3A_188, %mul3A_192] : memref<120x128xi32, #tpu.memory_space<vmem>> -> memref<1x64xi32, #tpu.memory_space<vmem>>
        %dma_start3A_200 = tpu.memref_squeeze %dma_start3A_199 : memref<1x64xi32, #tpu.memory_space<vmem>> -> memref<64xi32, #tpu.memory_space<vmem>>
        %dma_start3A_201 = arith.constant 0 : i32
        %dma_start3A_202 = arith.constant 0 : i32
        %dma_start3A_203 = tpu.memref_slice %arg2[%dma_start3A_201, %dma_start3A_202] : memref<10240x256xf32, #tpu.memory_space<hbm>> -> memref<10240x256xf32, #tpu.memory_space<hbm>>
        tpu.enqueue_indirect_dma source(%dma_start3A_203 : memref<10240x256xf32, #tpu.memory_space<hbm>>) target(%dma_start3A_198 : memref<64x256xf32, #tpu.memory_space<vmem>>) offsets(%dma_start3A_200 : memref<64xi32, #tpu.memory_space<vmem>>) semaphore(%arg7 : memref<!tpu.dma_semaphore, #tpu.memory_space<semaphore_mem>>)
      } else {
      }
    }
    %while3A_124 = arith.constant 1 : i32
    scf.for %while3A_148 = %while3A_122 to %while3A_118 step %while3A_124  : i32 {
      %mul3A_149 = arith.muli %while3A_148, %while3A : i32
      %add3A_150 = arith.addi %while3A_115, %mul3A_149 : i32
      %dma_wait3A_151 = arith.constant 0 : i32
      %dma_wait3A_152 = arith.constant 0 : i32
      %dma_wait3A_153 = tpu.memref_slice %arg6[%dma_wait3A_151, %dma_wait3A_152] : memref<448x256xf32, #tpu.memory_space<vmem>> -> memref<64x256xf32, #tpu.memory_space<vmem>>
      %dma_wait3A_154 = arith.constant 0 : i32
      %dma_wait3A_155 = arith.constant 0 : i32
      %dma_wait3A_156 = tpu.memref_slice %arg2[%dma_wait3A_154, %dma_wait3A_155] : memref<10240x256xf32, #tpu.memory_space<hbm>> -> memref<64x256xf32, #tpu.memory_space<hbm>>
      %dma_wait3A_157 = arith.constant 0 : i32
      %dma_wait3A_158 = arith.constant 0 : i32
      %dma_wait3A_159 = tpu.memref_slice %arg6[%dma_wait3A_157, %dma_wait3A_158] : memref<448x256xf32, #tpu.memory_space<vmem>> -> memref<64x256xf32, #tpu.memory_space<vmem>>
      %dma_wait3A_160 = arith.constant 0 : i32
      %dma_wait3A_161 = arith.constant 0 : i32
      %dma_wait3A_162 = tpu.memref_slice %arg2[%dma_wait3A_160, %dma_wait3A_161] : memref<10240x256xf32, #tpu.memory_space<hbm>> -> memref<64x256xf32, #tpu.memory_space<hbm>>
      tpu.wait_dma2 semaphore(%arg7 : memref<!tpu.dma_semaphore, #tpu.memory_space<semaphore_mem>>) src(%dma_wait3A_162 : memref<64x256xf32, #tpu.memory_space<hbm>>) dst(%dma_wait3A_159 : memref<64x256xf32, #tpu.memory_space<vmem>>)
      %rem3A_163 = arith.constant 7 : i32
      %rem3A_164 = arith.remsi %add3A_150, %rem3A_163 : i32
      %mul3A_165 = arith.constant 64 : i32
      %mul3A_166 = arith.muli %rem3A_164, %mul3A_165 : i32
      %add3A_167 = arith.addi %select_n3A_8, %add3A_150 : i32
      %mul3A_168 = arith.constant 64 : i32
      %mul3A_169 = arith.muli %add3A_167, %mul3A_168 : i32
      %dma_start3A_170 = arith.constant 0 : i32
      %dma_start3A_171 = tpu.memref_slice %arg6[%mul3A_166, %dma_start3A_170] : memref<448x256xf32, #tpu.memory_space<vmem>> -> memref<64x256xf32, #tpu.memory_space<vmem>>
      %dma_start3A_172 = arith.constant 0 : i32
      %dma_start3A_173 = tpu.memref_slice %arg4[%mul3A_169, %dma_start3A_172] : memref<327680x256xf32, #tpu.memory_space<hbm>> -> memref<64x256xf32, #tpu.memory_space<hbm>>
      %dma_start3A_174 = arith.constant 0 : i32
      %dma_start3A_175 = tpu.memref_slice %arg4[%mul3A_169, %dma_start3A_174] : memref<327680x256xf32, #tpu.memory_space<hbm>> -> memref<64x256xf32, #tpu.memory_space<hbm>>
      %dma_start3A_176 = arith.constant 0 : i32
      %dma_start3A_177 = tpu.memref_slice %arg6[%mul3A_166, %dma_start3A_176] : memref<448x256xf32, #tpu.memory_space<vmem>> -> memref<64x256xf32, #tpu.memory_space<vmem>>
      tpu.enqueue_dma source(%dma_start3A_177 : memref<64x256xf32, #tpu.memory_space<vmem>>) target(%dma_start3A_175 : memref<64x256xf32, #tpu.memory_space<hbm>>) target_semaphore(%arg8 : memref<!tpu.dma_semaphore, #tpu.memory_space<semaphore_mem>>)
      %ge3A = arith.constant 2 : i32
      %ge3A_178 = arith.cmpi sge, %add3A_150, %ge3A : i32
      %convert_element_type3A = arith.extui %ge3A_178 : i1 to i32
      %cond3A = arith.constant 0 : i32
      %cond3A_179 = arith.cmpi ne, %convert_element_type3A, %cond3A : i32
      scf.if %cond3A_179 {
        %dma_wait3A_185 = arith.constant 0 : i32
        %dma_wait3A_186 = arith.constant 0 : i32
        %dma_wait3A_187 = tpu.memref_slice %arg6[%dma_wait3A_185, %dma_wait3A_186] : memref<448x256xf32, #tpu.memory_space<vmem>> -> memref<64x256xf32, #tpu.memory_space<vmem>>
        %dma_wait3A_188 = arith.constant 0 : i32
        %dma_wait3A_189 = arith.constant 0 : i32
        %dma_wait3A_190 = tpu.memref_slice %arg4[%dma_wait3A_188, %dma_wait3A_189] : memref<327680x256xf32, #tpu.memory_space<hbm>> -> memref<64x256xf32, #tpu.memory_space<hbm>>
        %dma_wait3A_191 = arith.constant 0 : i32
        %dma_wait3A_192 = arith.constant 0 : i32
        %dma_wait3A_193 = tpu.memref_slice %arg4[%dma_wait3A_191, %dma_wait3A_192] : memref<327680x256xf32, #tpu.memory_space<hbm>> -> memref<64x256xf32, #tpu.memory_space<hbm>>
        %dma_wait3A_194 = arith.constant 0 : i32
        %dma_wait3A_195 = arith.constant 0 : i32
        %dma_wait3A_196 = tpu.memref_slice %arg6[%dma_wait3A_194, %dma_wait3A_195] : memref<448x256xf32, #tpu.memory_space<vmem>> -> memref<64x256xf32, #tpu.memory_space<vmem>>
        tpu.wait_dma2 semaphore(%arg8 : memref<!tpu.dma_semaphore, #tpu.memory_space<semaphore_mem>>) src(%dma_wait3A_196 : memref<64x256xf32, #tpu.memory_space<vmem>>) dst(%dma_wait3A_193 : memref<64x256xf32, #tpu.memory_space<hbm>>)
      } else {
      }
      %add3A_180 = arith.constant 5 : i32
      %add3A_181 = arith.addi %add3A_150, %add3A_180 : i32
      %lt3A = arith.cmpi slt, %add3A_181, %select_n3A : i32
      %convert_element_type3A_182 = arith.extui %lt3A : i1 to i32
      %cond3A_183 = arith.constant 0 : i32
      %cond3A_184 = arith.cmpi ne, %convert_element_type3A_182, %cond3A_183 : i32
      scf.if %cond3A_184 {
        %add3A_185 = arith.constant 5 : i32
        %add3A_186 = arith.addi %add3A_150, %add3A_185 : i32
        %div3A_187 = arith.constant 2 : i32
        %div3A_188 = arith.divsi %add3A_186, %div3A_187 : i32
        %rem3A_189 = arith.constant 2 : i32
        %rem3A_190 = arith.remsi %add3A_186, %rem3A_189 : i32
        %mul3A_191 = arith.constant 64 : i32
        %mul3A_192 = arith.muli %rem3A_190, %mul3A_191 : i32
        %rem3A_193 = arith.constant 7 : i32
        %rem3A_194 = arith.remsi %add3A_186, %rem3A_193 : i32
        %mul3A_195 = arith.constant 64 : i32
        %mul3A_196 = arith.muli %rem3A_194, %mul3A_195 : i32
        %dma_start3A_197 = arith.constant 0 : i32
        %dma_start3A_198 = tpu.memref_slice %arg6[%mul3A_196, %dma_start3A_197] : memref<448x256xf32, #tpu.memory_space<vmem>> -> memref<64x256xf32, #tpu.memory_space<vmem>>
        %dma_start3A_199 = tpu.memref_slice %arg5[%div3A_188, %mul3A_192] : memref<120x128xi32, #tpu.memory_space<vmem>> -> memref<1x64xi32, #tpu.memory_space<vmem>>
        %dma_start3A_200 = tpu.memref_squeeze %dma_start3A_199 : memref<1x64xi32, #tpu.memory_space<vmem>> -> memref<64xi32, #tpu.memory_space<vmem>>
        %dma_start3A_201 = arith.constant 0 : i32
        %dma_start3A_202 = arith.constant 0 : i32
        %dma_start3A_203 = tpu.memref_slice %arg2[%dma_start3A_201, %dma_start3A_202] : memref<10240x256xf32, #tpu.memory_space<hbm>> -> memref<10240x256xf32, #tpu.memory_space<hbm>>
        tpu.enqueue_indirect_dma source(%dma_start3A_203 : memref<10240x256xf32, #tpu.memory_space<hbm>>) target(%dma_start3A_198 : memref<64x256xf32, #tpu.memory_space<vmem>>) offsets(%dma_start3A_200 : memref<64xi32, #tpu.memory_space<vmem>>) semaphore(%arg7 : memref<!tpu.dma_semaphore, #tpu.memory_space<semaphore_mem>>)
      } else {
      }
    }
    %dma_wait3A = arith.constant 0 : i32
    %dma_wait3A_125 = arith.constant 0 : i32
    %dma_wait3A_126 = tpu.memref_slice %arg6[%dma_wait3A, %dma_wait3A_125] : memref<448x256xf32, #tpu.memory_space<vmem>> -> memref<64x256xf32, #tpu.memory_space<vmem>>
    %dma_wait3A_127 = arith.constant 0 : i32
    %dma_wait3A_128 = arith.constant 0 : i32
    %dma_wait3A_129 = tpu.memref_slice %arg4[%dma_wait3A_127, %dma_wait3A_128] : memref<327680x256xf32, #tpu.memory_space<hbm>> -> memref<64x256xf32, #tpu.memory_space<hbm>>
    %dma_wait3A_130 = arith.constant 0 : i32
    %dma_wait3A_131 = arith.constant 0 : i32
    %dma_wait3A_132 = tpu.memref_slice %arg4[%dma_wait3A_130, %dma_wait3A_131] : memref<327680x256xf32, #tpu.memory_space<hbm>> -> memref<64x256xf32, #tpu.memory_space<hbm>>
    %dma_wait3A_133 = arith.constant 0 : i32
    %dma_wait3A_134 = arith.constant 0 : i32
    %dma_wait3A_135 = tpu.memref_slice %arg6[%dma_wait3A_133, %dma_wait3A_134] : memref<448x256xf32, #tpu.memory_space<vmem>> -> memref<64x256xf32, #tpu.memory_space<vmem>>
    tpu.wait_dma2 semaphore(%arg8 : memref<!tpu.dma_semaphore, #tpu.memory_space<semaphore_mem>>) src(%dma_wait3A_135 : memref<64x256xf32, #tpu.memory_space<vmem>>) dst(%dma_wait3A_132 : memref<64x256xf32, #tpu.memory_space<hbm>>)
    %dma_wait3A_136 = arith.constant 0 : i32
    %dma_wait3A_137 = arith.constant 0 : i32
    %dma_wait3A_138 = tpu.memref_slice %arg6[%dma_wait3A_136, %dma_wait3A_137] : memref<448x256xf32, #tpu.memory_space<vmem>> -> memref<64x256xf32, #tpu.memory_space<vmem>>
    %dma_wait3A_139 = arith.constant 0 : i32
    %dma_wait3A_140 = arith.constant 0 : i32
    %dma_wait3A_141 = tpu.memref_slice %arg4[%dma_wait3A_139, %dma_wait3A_140] : memref<327680x256xf32, #tpu.memory_space<hbm>> -> memref<64x256xf32, #tpu.memory_space<hbm>>
    %dma_wait3A_142 = arith.constant 0 : i32
    %dma_wait3A_143 = arith.constant 0 : i32
    %dma_wait3A_144 = tpu.memref_slice %arg4[%dma_wait3A_142, %dma_wait3A_143] : memref<327680x256xf32, #tpu.memory_space<hbm>> -> memref<64x256xf32, #tpu.memory_space<hbm>>
    %dma_wait3A_145 = arith.constant 0 : i32
    %dma_wait3A_146 = arith.constant 0 : i32
    %dma_wait3A_147 = tpu.memref_slice %arg6[%dma_wait3A_145, %dma_wait3A_146] : memref<448x256xf32, #tpu.memory_space<vmem>> -> memref<64x256xf32, #tpu.memory_space<vmem>>
    tpu.wait_dma2 semaphore(%arg8 : memref<!tpu.dma_semaphore, #tpu.memory_space<semaphore_mem>>) src(%dma_wait3A_147 : memref<64x256xf32, #tpu.memory_space<vmem>>) dst(%dma_wait3A_144 : memref<64x256xf32, #tpu.memory_space<hbm>>)
    return
  }
}

#map = affine_map<(d0, d1) -> (0, 0)>
module attributes {stable_mosaic.version = 14 : i64} {
  func.func @k(%arg0: i32, %arg1: i32, %arg2: memref<10240x128xf32, #tpu.memory_space<hbm>>, %arg3: memref<2640x128xi32, #tpu.memory_space<hbm>>, %arg4: memref<2640x128xi32, #tpu.memory_space<hbm>>, %arg5: memref<327680x128xf32, #tpu.memory_space<hbm>>, %arg6: memref<327680x128xf32, #tpu.memory_space<hbm>>, %arg7: memref<120x128xi32, #tpu.memory_space<vmem>>, %arg8: memref<768x128xf32, #tpu.memory_space<vmem>>, %arg9: memref<!tpu.dma_semaphore, #tpu.memory_space<semaphore_mem>>, %arg10: memref<!tpu.dma_semaphore, #tpu.memory_space<semaphore_mem>>) attributes {dimension_semantics = [#tpu.dimension_semantics<core_parallel>, #tpu.dimension_semantics<subcore_parallel>], iteration_bounds = array<i64: 2, 16>, scalar_prefetch = 0 : i64, scratch_operands = 4 : i64, tpu.core_type = #tpu.core_type<sc_vector_subcore>, window_params = [{transform_indices = #map}, {transform_indices = #map}, {transform_indices = #map}, {transform_indices = #map}, {transform_indices = #map}]} {
    %eq3A = arith.constant 0 : i32
    %eq3A_0 = arith.cmpi eq, %arg0, %eq3A : i32
    %jit3A = arith.constant 120 : i32
    %jit3A_1 = arith.constant 40 : i32
    %select_n3A = arith.select %eq3A_0, %jit3A, %jit3A_1 : i32
    %eq3A_2 = arith.constant 0 : i32
    %eq3A_3 = arith.cmpi eq, %arg0, %eq3A_2 : i32
    %mul3A = arith.constant 120 : i32
    %mul3A_4 = arith.muli %arg1, %mul3A : i32
    %mul3A_5 = arith.constant 40 : i32
    %mul3A_6 = arith.muli %arg1, %mul3A_5 : i32
    %add3A = arith.constant 1920 : i32
    %add3A_7 = arith.addi %add3A, %mul3A_6 : i32
    %select_n3A_8 = arith.select %eq3A_3, %mul3A_4, %add3A_7 : i32
    %div3A = arith.constant 1 : i32
    %div3A_9 = arith.divsi %select_n3A_8, %div3A : i32
    "tpu.region"() ({
      %run_scoped3A = tpu.sem_alloc : memref<!tpu.dma_semaphore, #tpu.memory_space<semaphore_mem>>
      %dma_start3A_205 = arith.constant 0 : i32
      %dma_start3A_206 = tpu.memref_slice %arg3[%div3A_9, %dma_start3A_205] : memref<2640x128xi32, #tpu.memory_space<hbm>> -> memref<120x128xi32, #tpu.memory_space<hbm>>
      %dma_start3A_207 = arith.constant 0 : i32
      %dma_start3A_208 = tpu.memref_slice %arg3[%div3A_9, %dma_start3A_207] : memref<2640x128xi32, #tpu.memory_space<hbm>> -> memref<120x128xi32, #tpu.memory_space<hbm>>
      tpu.enqueue_dma source(%dma_start3A_208 : memref<120x128xi32, #tpu.memory_space<hbm>>) target(%arg7 : memref<120x128xi32, #tpu.memory_space<vmem>>) target_semaphore(%run_scoped3A : memref<!tpu.dma_semaphore, #tpu.memory_space<semaphore_mem>>)
      %dma_wait3A_209 = arith.constant 0 : i32
      %dma_wait3A_210 = tpu.memref_slice %arg3[%div3A_9, %dma_wait3A_209] : memref<2640x128xi32, #tpu.memory_space<hbm>> -> memref<120x128xi32, #tpu.memory_space<hbm>>
      %dma_wait3A_211 = arith.constant 0 : i32
      %dma_wait3A_212 = tpu.memref_slice %arg3[%div3A_9, %dma_wait3A_211] : memref<2640x128xi32, #tpu.memory_space<hbm>> -> memref<120x128xi32, #tpu.memory_space<hbm>>
      tpu.wait_dma2 semaphore(%run_scoped3A : memref<!tpu.dma_semaphore, #tpu.memory_space<semaphore_mem>>) src(%dma_wait3A_212 : memref<120x128xi32, #tpu.memory_space<hbm>>) dst(%arg7 : memref<120x128xi32, #tpu.memory_space<vmem>>)
      tpu.yield
    }) : () -> ()
    %rem3A = arith.constant 0 : i32
    %rem3A_10 = arith.constant 6 : i32
    %rem3A_11 = arith.remsi %rem3A, %rem3A_10 : i32
    %mul3A_12 = arith.constant 128 : i32
    %mul3A_13 = arith.muli %rem3A_11, %mul3A_12 : i32
    %dma_start3A = arith.constant 0 : i32
    %dma_start3A_14 = arith.constant 0 : i32
    %dma_start3A_15 = tpu.memref_slice %arg8[%mul3A_13, %dma_start3A_14] : memref<768x128xf32, #tpu.memory_space<vmem>> -> memref<128x128xf32, #tpu.memory_space<vmem>>
    %dma_start3A_16 = arith.constant 0 : i32
    %dma_start3A_17 = tpu.memref_slice %arg7[%dma_start3A, %dma_start3A_16] : memref<120x128xi32, #tpu.memory_space<vmem>> -> memref<1x128xi32, #tpu.memory_space<vmem>>
    %dma_start3A_18 = tpu.memref_squeeze %dma_start3A_17 : memref<1x128xi32, #tpu.memory_space<vmem>> -> memref<128xi32, #tpu.memory_space<vmem>>
    %dma_start3A_19 = arith.constant 0 : i32
    %dma_start3A_20 = arith.constant 0 : i32
    %dma_start3A_21 = tpu.memref_slice %arg2[%dma_start3A_19, %dma_start3A_20] : memref<10240x128xf32, #tpu.memory_space<hbm>> -> memref<10240x128xf32, #tpu.memory_space<hbm>>
    tpu.enqueue_indirect_dma source(%dma_start3A_21 : memref<10240x128xf32, #tpu.memory_space<hbm>>) target(%dma_start3A_15 : memref<128x128xf32, #tpu.memory_space<vmem>>) offsets(%dma_start3A_18 : memref<128xi32, #tpu.memory_space<vmem>>) semaphore(%arg9 : memref<!tpu.dma_semaphore, #tpu.memory_space<semaphore_mem>>)
    %rem3A_22 = arith.constant 1 : i32
    %rem3A_23 = arith.constant 6 : i32
    %rem3A_24 = arith.remsi %rem3A_22, %rem3A_23 : i32
    %mul3A_25 = arith.constant 128 : i32
    %mul3A_26 = arith.muli %rem3A_24, %mul3A_25 : i32
    %dma_start3A_27 = arith.constant 1 : i32
    %dma_start3A_28 = arith.constant 0 : i32
    %dma_start3A_29 = tpu.memref_slice %arg8[%mul3A_26, %dma_start3A_28] : memref<768x128xf32, #tpu.memory_space<vmem>> -> memref<128x128xf32, #tpu.memory_space<vmem>>
    %dma_start3A_30 = arith.constant 0 : i32
    %dma_start3A_31 = tpu.memref_slice %arg7[%dma_start3A_27, %dma_start3A_30] : memref<120x128xi32, #tpu.memory_space<vmem>> -> memref<1x128xi32, #tpu.memory_space<vmem>>
    %dma_start3A_32 = tpu.memref_squeeze %dma_start3A_31 : memref<1x128xi32, #tpu.memory_space<vmem>> -> memref<128xi32, #tpu.memory_space<vmem>>
    %dma_start3A_33 = arith.constant 0 : i32
    %dma_start3A_34 = arith.constant 0 : i32
    %dma_start3A_35 = tpu.memref_slice %arg2[%dma_start3A_33, %dma_start3A_34] : memref<10240x128xf32, #tpu.memory_space<hbm>> -> memref<10240x128xf32, #tpu.memory_space<hbm>>
    tpu.enqueue_indirect_dma source(%dma_start3A_35 : memref<10240x128xf32, #tpu.memory_space<hbm>>) target(%dma_start3A_29 : memref<128x128xf32, #tpu.memory_space<vmem>>) offsets(%dma_start3A_32 : memref<128xi32, #tpu.memory_space<vmem>>) semaphore(%arg9 : memref<!tpu.dma_semaphore, #tpu.memory_space<semaphore_mem>>)
    %rem3A_36 = arith.constant 2 : i32
    %rem3A_37 = arith.constant 6 : i32
    %rem3A_38 = arith.remsi %rem3A_36, %rem3A_37 : i32
    %mul3A_39 = arith.constant 128 : i32
    %mul3A_40 = arith.muli %rem3A_38, %mul3A_39 : i32
    %dma_start3A_41 = arith.constant 2 : i32
    %dma_start3A_42 = arith.constant 0 : i32
    %dma_start3A_43 = tpu.memref_slice %arg8[%mul3A_40, %dma_start3A_42] : memref<768x128xf32, #tpu.memory_space<vmem>> -> memref<128x128xf32, #tpu.memory_space<vmem>>
    %dma_start3A_44 = arith.constant 0 : i32
    %dma_start3A_45 = tpu.memref_slice %arg7[%dma_start3A_41, %dma_start3A_44] : memref<120x128xi32, #tpu.memory_space<vmem>> -> memref<1x128xi32, #tpu.memory_space<vmem>>
    %dma_start3A_46 = tpu.memref_squeeze %dma_start3A_45 : memref<1x128xi32, #tpu.memory_space<vmem>> -> memref<128xi32, #tpu.memory_space<vmem>>
    %dma_start3A_47 = arith.constant 0 : i32
    %dma_start3A_48 = arith.constant 0 : i32
    %dma_start3A_49 = tpu.memref_slice %arg2[%dma_start3A_47, %dma_start3A_48] : memref<10240x128xf32, #tpu.memory_space<hbm>> -> memref<10240x128xf32, #tpu.memory_space<hbm>>
    tpu.enqueue_indirect_dma source(%dma_start3A_49 : memref<10240x128xf32, #tpu.memory_space<hbm>>) target(%dma_start3A_43 : memref<128x128xf32, #tpu.memory_space<vmem>>) offsets(%dma_start3A_46 : memref<128xi32, #tpu.memory_space<vmem>>) semaphore(%arg9 : memref<!tpu.dma_semaphore, #tpu.memory_space<semaphore_mem>>)
    %rem3A_50 = arith.constant 3 : i32
    %rem3A_51 = arith.constant 6 : i32
    %rem3A_52 = arith.remsi %rem3A_50, %rem3A_51 : i32
    %mul3A_53 = arith.constant 128 : i32
    %mul3A_54 = arith.muli %rem3A_52, %mul3A_53 : i32
    %dma_start3A_55 = arith.constant 3 : i32
    %dma_start3A_56 = arith.constant 0 : i32
    %dma_start3A_57 = tpu.memref_slice %arg8[%mul3A_54, %dma_start3A_56] : memref<768x128xf32, #tpu.memory_space<vmem>> -> memref<128x128xf32, #tpu.memory_space<vmem>>
    %dma_start3A_58 = arith.constant 0 : i32
    %dma_start3A_59 = tpu.memref_slice %arg7[%dma_start3A_55, %dma_start3A_58] : memref<120x128xi32, #tpu.memory_space<vmem>> -> memref<1x128xi32, #tpu.memory_space<vmem>>
    %dma_start3A_60 = tpu.memref_squeeze %dma_start3A_59 : memref<1x128xi32, #tpu.memory_space<vmem>> -> memref<128xi32, #tpu.memory_space<vmem>>
    %dma_start3A_61 = arith.constant 0 : i32
    %dma_start3A_62 = arith.constant 0 : i32
    %dma_start3A_63 = tpu.memref_slice %arg2[%dma_start3A_61, %dma_start3A_62] : memref<10240x128xf32, #tpu.memory_space<hbm>> -> memref<10240x128xf32, #tpu.memory_space<hbm>>
    tpu.enqueue_indirect_dma source(%dma_start3A_63 : memref<10240x128xf32, #tpu.memory_space<hbm>>) target(%dma_start3A_57 : memref<128x128xf32, #tpu.memory_space<vmem>>) offsets(%dma_start3A_60 : memref<128xi32, #tpu.memory_space<vmem>>) semaphore(%arg9 : memref<!tpu.dma_semaphore, #tpu.memory_space<semaphore_mem>>)
    %sub3A = arith.constant 0 : i32
    %sub3A_64 = arith.subi %select_n3A, %sub3A : i32
    %sub3A_65 = arith.constant 1 : i32
    %sub3A_66 = arith.constant 1 : i32
    %sub3A_67 = arith.subi %sub3A_65, %sub3A_66 : i32
    %add3A_68 = arith.addi %sub3A_64, %sub3A_67 : i32
    %div3A_69 = arith.constant 1 : i32
    %div3A_70 = arith.divsi %add3A_68, %div3A_69 : i32
    %while3A = arith.constant 1 : i32
    %while3A_71 = arith.constant 0 : i32
    %while3A_72 = arith.constant 0 : i32
    %while3A_73 = arith.subi %div3A_70, %while3A_72 : i32
    %while3A_74 = arith.addi %while3A_72, %while3A_73 : i32
    %while3A_75 = arith.constant 1 : i32
    %while3A_76 = arith.divsi %while3A_73, %while3A_75 : i32
    %while3A_77 = arith.muli %while3A_76, %while3A_75 : i32
    %while3A_78 = arith.addi %while3A_72, %while3A_77 : i32
    %while3A_79 = arith.constant 1 : i32
    scf.for %while3A_205 = %while3A_72 to %while3A_78 step %while3A_79  : i32 {
      %mul3A_206 = arith.muli %while3A_205, %while3A : i32
      %add3A_207 = arith.addi %while3A_71, %mul3A_206 : i32
      %dma_wait3A_208 = arith.constant 0 : i32
      %dma_wait3A_209 = arith.constant 0 : i32
      %dma_wait3A_210 = tpu.memref_slice %arg8[%dma_wait3A_208, %dma_wait3A_209] : memref<768x128xf32, #tpu.memory_space<vmem>> -> memref<128x128xf32, #tpu.memory_space<vmem>>
      %dma_wait3A_211 = arith.constant 0 : i32
      %dma_wait3A_212 = arith.constant 0 : i32
      %dma_wait3A_213 = tpu.memref_slice %arg2[%dma_wait3A_211, %dma_wait3A_212] : memref<10240x128xf32, #tpu.memory_space<hbm>> -> memref<128x128xf32, #tpu.memory_space<hbm>>
      %dma_wait3A_214 = arith.constant 0 : i32
      %dma_wait3A_215 = arith.constant 0 : i32
      %dma_wait3A_216 = tpu.memref_slice %arg8[%dma_wait3A_214, %dma_wait3A_215] : memref<768x128xf32, #tpu.memory_space<vmem>> -> memref<128x128xf32, #tpu.memory_space<vmem>>
      %dma_wait3A_217 = arith.constant 0 : i32
      %dma_wait3A_218 = arith.constant 0 : i32
      %dma_wait3A_219 = tpu.memref_slice %arg2[%dma_wait3A_217, %dma_wait3A_218] : memref<10240x128xf32, #tpu.memory_space<hbm>> -> memref<128x128xf32, #tpu.memory_space<hbm>>
      tpu.wait_dma2 semaphore(%arg9 : memref<!tpu.dma_semaphore, #tpu.memory_space<semaphore_mem>>) src(%dma_wait3A_219 : memref<128x128xf32, #tpu.memory_space<hbm>>) dst(%dma_wait3A_216 : memref<128x128xf32, #tpu.memory_space<vmem>>)
      %rem3A_220 = arith.constant 6 : i32
      %rem3A_221 = arith.remsi %add3A_207, %rem3A_220 : i32
      %mul3A_222 = arith.constant 128 : i32
      %mul3A_223 = arith.muli %rem3A_221, %mul3A_222 : i32
      %add3A_224 = arith.addi %select_n3A_8, %add3A_207 : i32
      %mul3A_225 = arith.constant 128 : i32
      %mul3A_226 = arith.muli %add3A_224, %mul3A_225 : i32
      %dma_start3A_227 = arith.constant 0 : i32
      %dma_start3A_228 = tpu.memref_slice %arg8[%mul3A_223, %dma_start3A_227] : memref<768x128xf32, #tpu.memory_space<vmem>> -> memref<128x128xf32, #tpu.memory_space<vmem>>
      %dma_start3A_229 = arith.constant 0 : i32
      %dma_start3A_230 = tpu.memref_slice %arg5[%mul3A_226, %dma_start3A_229] : memref<327680x128xf32, #tpu.memory_space<hbm>> -> memref<128x128xf32, #tpu.memory_space<hbm>>
      %dma_start3A_231 = arith.constant 0 : i32
      %dma_start3A_232 = tpu.memref_slice %arg5[%mul3A_226, %dma_start3A_231] : memref<327680x128xf32, #tpu.memory_space<hbm>> -> memref<128x128xf32, #tpu.memory_space<hbm>>
      %dma_start3A_233 = arith.constant 0 : i32
      %dma_start3A_234 = tpu.memref_slice %arg8[%mul3A_223, %dma_start3A_233] : memref<768x128xf32, #tpu.memory_space<vmem>> -> memref<128x128xf32, #tpu.memory_space<vmem>>
      tpu.enqueue_dma source(%dma_start3A_234 : memref<128x128xf32, #tpu.memory_space<vmem>>) target(%dma_start3A_232 : memref<128x128xf32, #tpu.memory_space<hbm>>) target_semaphore(%arg10 : memref<!tpu.dma_semaphore, #tpu.memory_space<semaphore_mem>>)
      %ge3A = arith.constant 2 : i32
      %ge3A_235 = arith.cmpi sge, %add3A_207, %ge3A : i32
      %convert_element_type3A = arith.extui %ge3A_235 : i1 to i32
      %cond3A = arith.constant 0 : i32
      %cond3A_236 = arith.cmpi ne, %convert_element_type3A, %cond3A : i32
      scf.if %cond3A_236 {
        %dma_wait3A_242 = arith.constant 0 : i32
        %dma_wait3A_243 = arith.constant 0 : i32
        %dma_wait3A_244 = tpu.memref_slice %arg8[%dma_wait3A_242, %dma_wait3A_243] : memref<768x128xf32, #tpu.memory_space<vmem>> -> memref<128x128xf32, #tpu.memory_space<vmem>>
        %dma_wait3A_245 = arith.constant 0 : i32
        %dma_wait3A_246 = arith.constant 0 : i32
        %dma_wait3A_247 = tpu.memref_slice %arg5[%dma_wait3A_245, %dma_wait3A_246] : memref<327680x128xf32, #tpu.memory_space<hbm>> -> memref<128x128xf32, #tpu.memory_space<hbm>>
        %dma_wait3A_248 = arith.constant 0 : i32
        %dma_wait3A_249 = arith.constant 0 : i32
        %dma_wait3A_250 = tpu.memref_slice %arg5[%dma_wait3A_248, %dma_wait3A_249] : memref<327680x128xf32, #tpu.memory_space<hbm>> -> memref<128x128xf32, #tpu.memory_space<hbm>>
        %dma_wait3A_251 = arith.constant 0 : i32
        %dma_wait3A_252 = arith.constant 0 : i32
        %dma_wait3A_253 = tpu.memref_slice %arg8[%dma_wait3A_251, %dma_wait3A_252] : memref<768x128xf32, #tpu.memory_space<vmem>> -> memref<128x128xf32, #tpu.memory_space<vmem>>
        tpu.wait_dma2 semaphore(%arg10 : memref<!tpu.dma_semaphore, #tpu.memory_space<semaphore_mem>>) src(%dma_wait3A_253 : memref<128x128xf32, #tpu.memory_space<vmem>>) dst(%dma_wait3A_250 : memref<128x128xf32, #tpu.memory_space<hbm>>)
      } else {
      }
      %add3A_237 = arith.constant 4 : i32
      %add3A_238 = arith.addi %add3A_207, %add3A_237 : i32
      %lt3A = arith.cmpi slt, %add3A_238, %select_n3A : i32
      %convert_element_type3A_239 = arith.extui %lt3A : i1 to i32
      %cond3A_240 = arith.constant 0 : i32
      %cond3A_241 = arith.cmpi ne, %convert_element_type3A_239, %cond3A_240 : i32
      scf.if %cond3A_241 {
        %add3A_242 = arith.constant 4 : i32
        %add3A_243 = arith.addi %add3A_207, %add3A_242 : i32
        %rem3A_244 = arith.constant 6 : i32
        %rem3A_245 = arith.remsi %add3A_243, %rem3A_244 : i32
        %mul3A_246 = arith.constant 128 : i32
        %mul3A_247 = arith.muli %rem3A_245, %mul3A_246 : i32
        %dma_start3A_248 = arith.constant 0 : i32
        %dma_start3A_249 = tpu.memref_slice %arg8[%mul3A_247, %dma_start3A_248] : memref<768x128xf32, #tpu.memory_space<vmem>> -> memref<128x128xf32, #tpu.memory_space<vmem>>
        %dma_start3A_250 = arith.constant 0 : i32
        %dma_start3A_251 = tpu.memref_slice %arg7[%add3A_243, %dma_start3A_250] : memref<120x128xi32, #tpu.memory_space<vmem>> -> memref<1x128xi32, #tpu.memory_space<vmem>>
        %dma_start3A_252 = tpu.memref_squeeze %dma_start3A_251 : memref<1x128xi32, #tpu.memory_space<vmem>> -> memref<128xi32, #tpu.memory_space<vmem>>
        %dma_start3A_253 = arith.constant 0 : i32
        %dma_start3A_254 = arith.constant 0 : i32
        %dma_start3A_255 = tpu.memref_slice %arg2[%dma_start3A_253, %dma_start3A_254] : memref<10240x128xf32, #tpu.memory_space<hbm>> -> memref<10240x128xf32, #tpu.memory_space<hbm>>
        tpu.enqueue_indirect_dma source(%dma_start3A_255 : memref<10240x128xf32, #tpu.memory_space<hbm>>) target(%dma_start3A_249 : memref<128x128xf32, #tpu.memory_space<vmem>>) offsets(%dma_start3A_252 : memref<128xi32, #tpu.memory_space<vmem>>) semaphore(%arg9 : memref<!tpu.dma_semaphore, #tpu.memory_space<semaphore_mem>>)
      } else {
      }
    }
    %while3A_80 = arith.constant 1 : i32
    scf.for %while3A_205 = %while3A_78 to %while3A_74 step %while3A_80  : i32 {
      %mul3A_206 = arith.muli %while3A_205, %while3A : i32
      %add3A_207 = arith.addi %while3A_71, %mul3A_206 : i32
      %dma_wait3A_208 = arith.constant 0 : i32
      %dma_wait3A_209 = arith.constant 0 : i32
      %dma_wait3A_210 = tpu.memref_slice %arg8[%dma_wait3A_208, %dma_wait3A_209] : memref<768x128xf32, #tpu.memory_space<vmem>> -> memref<128x128xf32, #tpu.memory_space<vmem>>
      %dma_wait3A_211 = arith.constant 0 : i32
      %dma_wait3A_212 = arith.constant 0 : i32
      %dma_wait3A_213 = tpu.memref_slice %arg2[%dma_wait3A_211, %dma_wait3A_212] : memref<10240x128xf32, #tpu.memory_space<hbm>> -> memref<128x128xf32, #tpu.memory_space<hbm>>
      %dma_wait3A_214 = arith.constant 0 : i32
      %dma_wait3A_215 = arith.constant 0 : i32
      %dma_wait3A_216 = tpu.memref_slice %arg8[%dma_wait3A_214, %dma_wait3A_215] : memref<768x128xf32, #tpu.memory_space<vmem>> -> memref<128x128xf32, #tpu.memory_space<vmem>>
      %dma_wait3A_217 = arith.constant 0 : i32
      %dma_wait3A_218 = arith.constant 0 : i32
      %dma_wait3A_219 = tpu.memref_slice %arg2[%dma_wait3A_217, %dma_wait3A_218] : memref<10240x128xf32, #tpu.memory_space<hbm>> -> memref<128x128xf32, #tpu.memory_space<hbm>>
      tpu.wait_dma2 semaphore(%arg9 : memref<!tpu.dma_semaphore, #tpu.memory_space<semaphore_mem>>) src(%dma_wait3A_219 : memref<128x128xf32, #tpu.memory_space<hbm>>) dst(%dma_wait3A_216 : memref<128x128xf32, #tpu.memory_space<vmem>>)
      %rem3A_220 = arith.constant 6 : i32
      %rem3A_221 = arith.remsi %add3A_207, %rem3A_220 : i32
      %mul3A_222 = arith.constant 128 : i32
      %mul3A_223 = arith.muli %rem3A_221, %mul3A_222 : i32
      %add3A_224 = arith.addi %select_n3A_8, %add3A_207 : i32
      %mul3A_225 = arith.constant 128 : i32
      %mul3A_226 = arith.muli %add3A_224, %mul3A_225 : i32
      %dma_start3A_227 = arith.constant 0 : i32
      %dma_start3A_228 = tpu.memref_slice %arg8[%mul3A_223, %dma_start3A_227] : memref<768x128xf32, #tpu.memory_space<vmem>> -> memref<128x128xf32, #tpu.memory_space<vmem>>
      %dma_start3A_229 = arith.constant 0 : i32
      %dma_start3A_230 = tpu.memref_slice %arg5[%mul3A_226, %dma_start3A_229] : memref<327680x128xf32, #tpu.memory_space<hbm>> -> memref<128x128xf32, #tpu.memory_space<hbm>>
      %dma_start3A_231 = arith.constant 0 : i32
      %dma_start3A_232 = tpu.memref_slice %arg5[%mul3A_226, %dma_start3A_231] : memref<327680x128xf32, #tpu.memory_space<hbm>> -> memref<128x128xf32, #tpu.memory_space<hbm>>
      %dma_start3A_233 = arith.constant 0 : i32
      %dma_start3A_234 = tpu.memref_slice %arg8[%mul3A_223, %dma_start3A_233] : memref<768x128xf32, #tpu.memory_space<vmem>> -> memref<128x128xf32, #tpu.memory_space<vmem>>
      tpu.enqueue_dma source(%dma_start3A_234 : memref<128x128xf32, #tpu.memory_space<vmem>>) target(%dma_start3A_232 : memref<128x128xf32, #tpu.memory_space<hbm>>) target_semaphore(%arg10 : memref<!tpu.dma_semaphore, #tpu.memory_space<semaphore_mem>>)
      %ge3A = arith.constant 2 : i32
      %ge3A_235 = arith.cmpi sge, %add3A_207, %ge3A : i32
      %convert_element_type3A = arith.extui %ge3A_235 : i1 to i32
      %cond3A = arith.constant 0 : i32
      %cond3A_236 = arith.cmpi ne, %convert_element_type3A, %cond3A : i32
      scf.if %cond3A_236 {
        %dma_wait3A_242 = arith.constant 0 : i32
        %dma_wait3A_243 = arith.constant 0 : i32
        %dma_wait3A_244 = tpu.memref_slice %arg8[%dma_wait3A_242, %dma_wait3A_243] : memref<768x128xf32, #tpu.memory_space<vmem>> -> memref<128x128xf32, #tpu.memory_space<vmem>>
        %dma_wait3A_245 = arith.constant 0 : i32
        %dma_wait3A_246 = arith.constant 0 : i32
        %dma_wait3A_247 = tpu.memref_slice %arg5[%dma_wait3A_245, %dma_wait3A_246] : memref<327680x128xf32, #tpu.memory_space<hbm>> -> memref<128x128xf32, #tpu.memory_space<hbm>>
        %dma_wait3A_248 = arith.constant 0 : i32
        %dma_wait3A_249 = arith.constant 0 : i32
        %dma_wait3A_250 = tpu.memref_slice %arg5[%dma_wait3A_248, %dma_wait3A_249] : memref<327680x128xf32, #tpu.memory_space<hbm>> -> memref<128x128xf32, #tpu.memory_space<hbm>>
        %dma_wait3A_251 = arith.constant 0 : i32
        %dma_wait3A_252 = arith.constant 0 : i32
        %dma_wait3A_253 = tpu.memref_slice %arg8[%dma_wait3A_251, %dma_wait3A_252] : memref<768x128xf32, #tpu.memory_space<vmem>> -> memref<128x128xf32, #tpu.memory_space<vmem>>
        tpu.wait_dma2 semaphore(%arg10 : memref<!tpu.dma_semaphore, #tpu.memory_space<semaphore_mem>>) src(%dma_wait3A_253 : memref<128x128xf32, #tpu.memory_space<vmem>>) dst(%dma_wait3A_250 : memref<128x128xf32, #tpu.memory_space<hbm>>)
      } else {
      }
      %add3A_237 = arith.constant 4 : i32
      %add3A_238 = arith.addi %add3A_207, %add3A_237 : i32
      %lt3A = arith.cmpi slt, %add3A_238, %select_n3A : i32
      %convert_element_type3A_239 = arith.extui %lt3A : i1 to i32
      %cond3A_240 = arith.constant 0 : i32
      %cond3A_241 = arith.cmpi ne, %convert_element_type3A_239, %cond3A_240 : i32
      scf.if %cond3A_241 {
        %add3A_242 = arith.constant 4 : i32
        %add3A_243 = arith.addi %add3A_207, %add3A_242 : i32
        %rem3A_244 = arith.constant 6 : i32
        %rem3A_245 = arith.remsi %add3A_243, %rem3A_244 : i32
        %mul3A_246 = arith.constant 128 : i32
        %mul3A_247 = arith.muli %rem3A_245, %mul3A_246 : i32
        %dma_start3A_248 = arith.constant 0 : i32
        %dma_start3A_249 = tpu.memref_slice %arg8[%mul3A_247, %dma_start3A_248] : memref<768x128xf32, #tpu.memory_space<vmem>> -> memref<128x128xf32, #tpu.memory_space<vmem>>
        %dma_start3A_250 = arith.constant 0 : i32
        %dma_start3A_251 = tpu.memref_slice %arg7[%add3A_243, %dma_start3A_250] : memref<120x128xi32, #tpu.memory_space<vmem>> -> memref<1x128xi32, #tpu.memory_space<vmem>>
        %dma_start3A_252 = tpu.memref_squeeze %dma_start3A_251 : memref<1x128xi32, #tpu.memory_space<vmem>> -> memref<128xi32, #tpu.memory_space<vmem>>
        %dma_start3A_253 = arith.constant 0 : i32
        %dma_start3A_254 = arith.constant 0 : i32
        %dma_start3A_255 = tpu.memref_slice %arg2[%dma_start3A_253, %dma_start3A_254] : memref<10240x128xf32, #tpu.memory_space<hbm>> -> memref<10240x128xf32, #tpu.memory_space<hbm>>
        tpu.enqueue_indirect_dma source(%dma_start3A_255 : memref<10240x128xf32, #tpu.memory_space<hbm>>) target(%dma_start3A_249 : memref<128x128xf32, #tpu.memory_space<vmem>>) offsets(%dma_start3A_252 : memref<128xi32, #tpu.memory_space<vmem>>) semaphore(%arg9 : memref<!tpu.dma_semaphore, #tpu.memory_space<semaphore_mem>>)
      } else {
      }
    }
    %dma_wait3A = arith.constant 0 : i32
    %dma_wait3A_81 = arith.constant 0 : i32
    %dma_wait3A_82 = tpu.memref_slice %arg8[%dma_wait3A, %dma_wait3A_81] : memref<768x128xf32, #tpu.memory_space<vmem>> -> memref<128x128xf32, #tpu.memory_space<vmem>>
    %dma_wait3A_83 = arith.constant 0 : i32
    %dma_wait3A_84 = arith.constant 0 : i32
    %dma_wait3A_85 = tpu.memref_slice %arg5[%dma_wait3A_83, %dma_wait3A_84] : memref<327680x128xf32, #tpu.memory_space<hbm>> -> memref<128x128xf32, #tpu.memory_space<hbm>>
    %dma_wait3A_86 = arith.constant 0 : i32
    %dma_wait3A_87 = arith.constant 0 : i32
    %dma_wait3A_88 = tpu.memref_slice %arg5[%dma_wait3A_86, %dma_wait3A_87] : memref<327680x128xf32, #tpu.memory_space<hbm>> -> memref<128x128xf32, #tpu.memory_space<hbm>>
    %dma_wait3A_89 = arith.constant 0 : i32
    %dma_wait3A_90 = arith.constant 0 : i32
    %dma_wait3A_91 = tpu.memref_slice %arg8[%dma_wait3A_89, %dma_wait3A_90] : memref<768x128xf32, #tpu.memory_space<vmem>> -> memref<128x128xf32, #tpu.memory_space<vmem>>
    tpu.wait_dma2 semaphore(%arg10 : memref<!tpu.dma_semaphore, #tpu.memory_space<semaphore_mem>>) src(%dma_wait3A_91 : memref<128x128xf32, #tpu.memory_space<vmem>>) dst(%dma_wait3A_88 : memref<128x128xf32, #tpu.memory_space<hbm>>)
    %dma_wait3A_92 = arith.constant 0 : i32
    %dma_wait3A_93 = arith.constant 0 : i32
    %dma_wait3A_94 = tpu.memref_slice %arg8[%dma_wait3A_92, %dma_wait3A_93] : memref<768x128xf32, #tpu.memory_space<vmem>> -> memref<128x128xf32, #tpu.memory_space<vmem>>
    %dma_wait3A_95 = arith.constant 0 : i32
    %dma_wait3A_96 = arith.constant 0 : i32
    %dma_wait3A_97 = tpu.memref_slice %arg5[%dma_wait3A_95, %dma_wait3A_96] : memref<327680x128xf32, #tpu.memory_space<hbm>> -> memref<128x128xf32, #tpu.memory_space<hbm>>
    %dma_wait3A_98 = arith.constant 0 : i32
    %dma_wait3A_99 = arith.constant 0 : i32
    %dma_wait3A_100 = tpu.memref_slice %arg5[%dma_wait3A_98, %dma_wait3A_99] : memref<327680x128xf32, #tpu.memory_space<hbm>> -> memref<128x128xf32, #tpu.memory_space<hbm>>
    %dma_wait3A_101 = arith.constant 0 : i32
    %dma_wait3A_102 = arith.constant 0 : i32
    %dma_wait3A_103 = tpu.memref_slice %arg8[%dma_wait3A_101, %dma_wait3A_102] : memref<768x128xf32, #tpu.memory_space<vmem>> -> memref<128x128xf32, #tpu.memory_space<vmem>>
    tpu.wait_dma2 semaphore(%arg10 : memref<!tpu.dma_semaphore, #tpu.memory_space<semaphore_mem>>) src(%dma_wait3A_103 : memref<128x128xf32, #tpu.memory_space<vmem>>) dst(%dma_wait3A_100 : memref<128x128xf32, #tpu.memory_space<hbm>>)
    %div3A_104 = arith.constant 1 : i32
    %div3A_105 = arith.divsi %select_n3A_8, %div3A_104 : i32
    "tpu.region"() ({
      %run_scoped3A = tpu.sem_alloc : memref<!tpu.dma_semaphore, #tpu.memory_space<semaphore_mem>>
      %dma_start3A_205 = arith.constant 0 : i32
      %dma_start3A_206 = tpu.memref_slice %arg4[%div3A_105, %dma_start3A_205] : memref<2640x128xi32, #tpu.memory_space<hbm>> -> memref<120x128xi32, #tpu.memory_space<hbm>>
      %dma_start3A_207 = arith.constant 0 : i32
      %dma_start3A_208 = tpu.memref_slice %arg4[%div3A_105, %dma_start3A_207] : memref<2640x128xi32, #tpu.memory_space<hbm>> -> memref<120x128xi32, #tpu.memory_space<hbm>>
      tpu.enqueue_dma source(%dma_start3A_208 : memref<120x128xi32, #tpu.memory_space<hbm>>) target(%arg7 : memref<120x128xi32, #tpu.memory_space<vmem>>) target_semaphore(%run_scoped3A : memref<!tpu.dma_semaphore, #tpu.memory_space<semaphore_mem>>)
      %dma_wait3A_209 = arith.constant 0 : i32
      %dma_wait3A_210 = tpu.memref_slice %arg4[%div3A_105, %dma_wait3A_209] : memref<2640x128xi32, #tpu.memory_space<hbm>> -> memref<120x128xi32, #tpu.memory_space<hbm>>
      %dma_wait3A_211 = arith.constant 0 : i32
      %dma_wait3A_212 = tpu.memref_slice %arg4[%div3A_105, %dma_wait3A_211] : memref<2640x128xi32, #tpu.memory_space<hbm>> -> memref<120x128xi32, #tpu.memory_space<hbm>>
      tpu.wait_dma2 semaphore(%run_scoped3A : memref<!tpu.dma_semaphore, #tpu.memory_space<semaphore_mem>>) src(%dma_wait3A_212 : memref<120x128xi32, #tpu.memory_space<hbm>>) dst(%arg7 : memref<120x128xi32, #tpu.memory_space<vmem>>)
      tpu.yield
    }) : () -> ()
    %rem3A_106 = arith.constant 0 : i32
    %rem3A_107 = arith.constant 6 : i32
    %rem3A_108 = arith.remsi %rem3A_106, %rem3A_107 : i32
    %mul3A_109 = arith.constant 128 : i32
    %mul3A_110 = arith.muli %rem3A_108, %mul3A_109 : i32
    %dma_start3A_111 = arith.constant 0 : i32
    %dma_start3A_112 = arith.constant 0 : i32
    %dma_start3A_113 = tpu.memref_slice %arg8[%mul3A_110, %dma_start3A_112] : memref<768x128xf32, #tpu.memory_space<vmem>> -> memref<128x128xf32, #tpu.memory_space<vmem>>
    %dma_start3A_114 = arith.constant 0 : i32
    %dma_start3A_115 = tpu.memref_slice %arg7[%dma_start3A_111, %dma_start3A_114] : memref<120x128xi32, #tpu.memory_space<vmem>> -> memref<1x128xi32, #tpu.memory_space<vmem>>
    %dma_start3A_116 = tpu.memref_squeeze %dma_start3A_115 : memref<1x128xi32, #tpu.memory_space<vmem>> -> memref<128xi32, #tpu.memory_space<vmem>>
    %dma_start3A_117 = arith.constant 0 : i32
    %dma_start3A_118 = arith.constant 0 : i32
    %dma_start3A_119 = tpu.memref_slice %arg2[%dma_start3A_117, %dma_start3A_118] : memref<10240x128xf32, #tpu.memory_space<hbm>> -> memref<10240x128xf32, #tpu.memory_space<hbm>>
    tpu.enqueue_indirect_dma source(%dma_start3A_119 : memref<10240x128xf32, #tpu.memory_space<hbm>>) target(%dma_start3A_113 : memref<128x128xf32, #tpu.memory_space<vmem>>) offsets(%dma_start3A_116 : memref<128xi32, #tpu.memory_space<vmem>>) semaphore(%arg9 : memref<!tpu.dma_semaphore, #tpu.memory_space<semaphore_mem>>)
    %rem3A_120 = arith.constant 1 : i32
    %rem3A_121 = arith.constant 6 : i32
    %rem3A_122 = arith.remsi %rem3A_120, %rem3A_121 : i32
    %mul3A_123 = arith.constant 128 : i32
    %mul3A_124 = arith.muli %rem3A_122, %mul3A_123 : i32
    %dma_start3A_125 = arith.constant 1 : i32
    %dma_start3A_126 = arith.constant 0 : i32
    %dma_start3A_127 = tpu.memref_slice %arg8[%mul3A_124, %dma_start3A_126] : memref<768x128xf32, #tpu.memory_space<vmem>> -> memref<128x128xf32, #tpu.memory_space<vmem>>
    %dma_start3A_128 = arith.constant 0 : i32
    %dma_start3A_129 = tpu.memref_slice %arg7[%dma_start3A_125, %dma_start3A_128] : memref<120x128xi32, #tpu.memory_space<vmem>> -> memref<1x128xi32, #tpu.memory_space<vmem>>
    %dma_start3A_130 = tpu.memref_squeeze %dma_start3A_129 : memref<1x128xi32, #tpu.memory_space<vmem>> -> memref<128xi32, #tpu.memory_space<vmem>>
    %dma_start3A_131 = arith.constant 0 : i32
    %dma_start3A_132 = arith.constant 0 : i32
    %dma_start3A_133 = tpu.memref_slice %arg2[%dma_start3A_131, %dma_start3A_132] : memref<10240x128xf32, #tpu.memory_space<hbm>> -> memref<10240x128xf32, #tpu.memory_space<hbm>>
    tpu.enqueue_indirect_dma source(%dma_start3A_133 : memref<10240x128xf32, #tpu.memory_space<hbm>>) target(%dma_start3A_127 : memref<128x128xf32, #tpu.memory_space<vmem>>) offsets(%dma_start3A_130 : memref<128xi32, #tpu.memory_space<vmem>>) semaphore(%arg9 : memref<!tpu.dma_semaphore, #tpu.memory_space<semaphore_mem>>)
    %rem3A_134 = arith.constant 2 : i32
    %rem3A_135 = arith.constant 6 : i32
    %rem3A_136 = arith.remsi %rem3A_134, %rem3A_135 : i32
    %mul3A_137 = arith.constant 128 : i32
    %mul3A_138 = arith.muli %rem3A_136, %mul3A_137 : i32
    %dma_start3A_139 = arith.constant 2 : i32
    %dma_start3A_140 = arith.constant 0 : i32
    %dma_start3A_141 = tpu.memref_slice %arg8[%mul3A_138, %dma_start3A_140] : memref<768x128xf32, #tpu.memory_space<vmem>> -> memref<128x128xf32, #tpu.memory_space<vmem>>
    %dma_start3A_142 = arith.constant 0 : i32
    %dma_start3A_143 = tpu.memref_slice %arg7[%dma_start3A_139, %dma_start3A_142] : memref<120x128xi32, #tpu.memory_space<vmem>> -> memref<1x128xi32, #tpu.memory_space<vmem>>
    %dma_start3A_144 = tpu.memref_squeeze %dma_start3A_143 : memref<1x128xi32, #tpu.memory_space<vmem>> -> memref<128xi32, #tpu.memory_space<vmem>>
    %dma_start3A_145 = arith.constant 0 : i32
    %dma_start3A_146 = arith.constant 0 : i32
    %dma_start3A_147 = tpu.memref_slice %arg2[%dma_start3A_145, %dma_start3A_146] : memref<10240x128xf32, #tpu.memory_space<hbm>> -> memref<10240x128xf32, #tpu.memory_space<hbm>>
    tpu.enqueue_indirect_dma source(%dma_start3A_147 : memref<10240x128xf32, #tpu.memory_space<hbm>>) target(%dma_start3A_141 : memref<128x128xf32, #tpu.memory_space<vmem>>) offsets(%dma_start3A_144 : memref<128xi32, #tpu.memory_space<vmem>>) semaphore(%arg9 : memref<!tpu.dma_semaphore, #tpu.memory_space<semaphore_mem>>)
    %rem3A_148 = arith.constant 3 : i32
    %rem3A_149 = arith.constant 6 : i32
    %rem3A_150 = arith.remsi %rem3A_148, %rem3A_149 : i32
    %mul3A_151 = arith.constant 128 : i32
    %mul3A_152 = arith.muli %rem3A_150, %mul3A_151 : i32
    %dma_start3A_153 = arith.constant 3 : i32
    %dma_start3A_154 = arith.constant 0 : i32
    %dma_start3A_155 = tpu.memref_slice %arg8[%mul3A_152, %dma_start3A_154] : memref<768x128xf32, #tpu.memory_space<vmem>> -> memref<128x128xf32, #tpu.memory_space<vmem>>
    %dma_start3A_156 = arith.constant 0 : i32
    %dma_start3A_157 = tpu.memref_slice %arg7[%dma_start3A_153, %dma_start3A_156] : memref<120x128xi32, #tpu.memory_space<vmem>> -> memref<1x128xi32, #tpu.memory_space<vmem>>
    %dma_start3A_158 = tpu.memref_squeeze %dma_start3A_157 : memref<1x128xi32, #tpu.memory_space<vmem>> -> memref<128xi32, #tpu.memory_space<vmem>>
    %dma_start3A_159 = arith.constant 0 : i32
    %dma_start3A_160 = arith.constant 0 : i32
    %dma_start3A_161 = tpu.memref_slice %arg2[%dma_start3A_159, %dma_start3A_160] : memref<10240x128xf32, #tpu.memory_space<hbm>> -> memref<10240x128xf32, #tpu.memory_space<hbm>>
    tpu.enqueue_indirect_dma source(%dma_start3A_161 : memref<10240x128xf32, #tpu.memory_space<hbm>>) target(%dma_start3A_155 : memref<128x128xf32, #tpu.memory_space<vmem>>) offsets(%dma_start3A_158 : memref<128xi32, #tpu.memory_space<vmem>>) semaphore(%arg9 : memref<!tpu.dma_semaphore, #tpu.memory_space<semaphore_mem>>)
    %sub3A_162 = arith.constant 0 : i32
    %sub3A_163 = arith.subi %select_n3A, %sub3A_162 : i32
    %sub3A_164 = arith.constant 1 : i32
    %sub3A_165 = arith.constant 1 : i32
    %sub3A_166 = arith.subi %sub3A_164, %sub3A_165 : i32
    %add3A_167 = arith.addi %sub3A_163, %sub3A_166 : i32
    %div3A_168 = arith.constant 1 : i32
    %div3A_169 = arith.divsi %add3A_167, %div3A_168 : i32
    %while3A_170 = arith.constant 1 : i32
    %while3A_171 = arith.constant 0 : i32
    %while3A_172 = arith.constant 0 : i32
    %while3A_173 = arith.subi %div3A_169, %while3A_172 : i32
    %while3A_174 = arith.addi %while3A_172, %while3A_173 : i32
    %while3A_175 = arith.constant 1 : i32
    %while3A_176 = arith.divsi %while3A_173, %while3A_175 : i32
    %while3A_177 = arith.muli %while3A_176, %while3A_175 : i32
    %while3A_178 = arith.addi %while3A_172, %while3A_177 : i32
    %while3A_179 = arith.constant 1 : i32
    scf.for %while3A_205 = %while3A_172 to %while3A_178 step %while3A_179  : i32 {
      %mul3A_206 = arith.muli %while3A_205, %while3A_170 : i32
      %add3A_207 = arith.addi %while3A_171, %mul3A_206 : i32
      %dma_wait3A_208 = arith.constant 0 : i32
      %dma_wait3A_209 = arith.constant 0 : i32
      %dma_wait3A_210 = tpu.memref_slice %arg8[%dma_wait3A_208, %dma_wait3A_209] : memref<768x128xf32, #tpu.memory_space<vmem>> -> memref<128x128xf32, #tpu.memory_space<vmem>>
      %dma_wait3A_211 = arith.constant 0 : i32
      %dma_wait3A_212 = arith.constant 0 : i32
      %dma_wait3A_213 = tpu.memref_slice %arg2[%dma_wait3A_211, %dma_wait3A_212] : memref<10240x128xf32, #tpu.memory_space<hbm>> -> memref<128x128xf32, #tpu.memory_space<hbm>>
      %dma_wait3A_214 = arith.constant 0 : i32
      %dma_wait3A_215 = arith.constant 0 : i32
      %dma_wait3A_216 = tpu.memref_slice %arg8[%dma_wait3A_214, %dma_wait3A_215] : memref<768x128xf32, #tpu.memory_space<vmem>> -> memref<128x128xf32, #tpu.memory_space<vmem>>
      %dma_wait3A_217 = arith.constant 0 : i32
      %dma_wait3A_218 = arith.constant 0 : i32
      %dma_wait3A_219 = tpu.memref_slice %arg2[%dma_wait3A_217, %dma_wait3A_218] : memref<10240x128xf32, #tpu.memory_space<hbm>> -> memref<128x128xf32, #tpu.memory_space<hbm>>
      tpu.wait_dma2 semaphore(%arg9 : memref<!tpu.dma_semaphore, #tpu.memory_space<semaphore_mem>>) src(%dma_wait3A_219 : memref<128x128xf32, #tpu.memory_space<hbm>>) dst(%dma_wait3A_216 : memref<128x128xf32, #tpu.memory_space<vmem>>)
      %rem3A_220 = arith.constant 6 : i32
      %rem3A_221 = arith.remsi %add3A_207, %rem3A_220 : i32
      %mul3A_222 = arith.constant 128 : i32
      %mul3A_223 = arith.muli %rem3A_221, %mul3A_222 : i32
      %add3A_224 = arith.addi %select_n3A_8, %add3A_207 : i32
      %mul3A_225 = arith.constant 128 : i32
      %mul3A_226 = arith.muli %add3A_224, %mul3A_225 : i32
      %dma_start3A_227 = arith.constant 0 : i32
      %dma_start3A_228 = tpu.memref_slice %arg8[%mul3A_223, %dma_start3A_227] : memref<768x128xf32, #tpu.memory_space<vmem>> -> memref<128x128xf32, #tpu.memory_space<vmem>>
      %dma_start3A_229 = arith.constant 0 : i32
      %dma_start3A_230 = tpu.memref_slice %arg6[%mul3A_226, %dma_start3A_229] : memref<327680x128xf32, #tpu.memory_space<hbm>> -> memref<128x128xf32, #tpu.memory_space<hbm>>
      %dma_start3A_231 = arith.constant 0 : i32
      %dma_start3A_232 = tpu.memref_slice %arg6[%mul3A_226, %dma_start3A_231] : memref<327680x128xf32, #tpu.memory_space<hbm>> -> memref<128x128xf32, #tpu.memory_space<hbm>>
      %dma_start3A_233 = arith.constant 0 : i32
      %dma_start3A_234 = tpu.memref_slice %arg8[%mul3A_223, %dma_start3A_233] : memref<768x128xf32, #tpu.memory_space<vmem>> -> memref<128x128xf32, #tpu.memory_space<vmem>>
      tpu.enqueue_dma source(%dma_start3A_234 : memref<128x128xf32, #tpu.memory_space<vmem>>) target(%dma_start3A_232 : memref<128x128xf32, #tpu.memory_space<hbm>>) target_semaphore(%arg10 : memref<!tpu.dma_semaphore, #tpu.memory_space<semaphore_mem>>)
      %ge3A = arith.constant 2 : i32
      %ge3A_235 = arith.cmpi sge, %add3A_207, %ge3A : i32
      %convert_element_type3A = arith.extui %ge3A_235 : i1 to i32
      %cond3A = arith.constant 0 : i32
      %cond3A_236 = arith.cmpi ne, %convert_element_type3A, %cond3A : i32
      scf.if %cond3A_236 {
        %dma_wait3A_242 = arith.constant 0 : i32
        %dma_wait3A_243 = arith.constant 0 : i32
        %dma_wait3A_244 = tpu.memref_slice %arg8[%dma_wait3A_242, %dma_wait3A_243] : memref<768x128xf32, #tpu.memory_space<vmem>> -> memref<128x128xf32, #tpu.memory_space<vmem>>
        %dma_wait3A_245 = arith.constant 0 : i32
        %dma_wait3A_246 = arith.constant 0 : i32
        %dma_wait3A_247 = tpu.memref_slice %arg6[%dma_wait3A_245, %dma_wait3A_246] : memref<327680x128xf32, #tpu.memory_space<hbm>> -> memref<128x128xf32, #tpu.memory_space<hbm>>
        %dma_wait3A_248 = arith.constant 0 : i32
        %dma_wait3A_249 = arith.constant 0 : i32
        %dma_wait3A_250 = tpu.memref_slice %arg6[%dma_wait3A_248, %dma_wait3A_249] : memref<327680x128xf32, #tpu.memory_space<hbm>> -> memref<128x128xf32, #tpu.memory_space<hbm>>
        %dma_wait3A_251 = arith.constant 0 : i32
        %dma_wait3A_252 = arith.constant 0 : i32
        %dma_wait3A_253 = tpu.memref_slice %arg8[%dma_wait3A_251, %dma_wait3A_252] : memref<768x128xf32, #tpu.memory_space<vmem>> -> memref<128x128xf32, #tpu.memory_space<vmem>>
        tpu.wait_dma2 semaphore(%arg10 : memref<!tpu.dma_semaphore, #tpu.memory_space<semaphore_mem>>) src(%dma_wait3A_253 : memref<128x128xf32, #tpu.memory_space<vmem>>) dst(%dma_wait3A_250 : memref<128x128xf32, #tpu.memory_space<hbm>>)
      } else {
      }
      %add3A_237 = arith.constant 4 : i32
      %add3A_238 = arith.addi %add3A_207, %add3A_237 : i32
      %lt3A = arith.cmpi slt, %add3A_238, %select_n3A : i32
      %convert_element_type3A_239 = arith.extui %lt3A : i1 to i32
      %cond3A_240 = arith.constant 0 : i32
      %cond3A_241 = arith.cmpi ne, %convert_element_type3A_239, %cond3A_240 : i32
      scf.if %cond3A_241 {
        %add3A_242 = arith.constant 4 : i32
        %add3A_243 = arith.addi %add3A_207, %add3A_242 : i32
        %rem3A_244 = arith.constant 6 : i32
        %rem3A_245 = arith.remsi %add3A_243, %rem3A_244 : i32
        %mul3A_246 = arith.constant 128 : i32
        %mul3A_247 = arith.muli %rem3A_245, %mul3A_246 : i32
        %dma_start3A_248 = arith.constant 0 : i32
        %dma_start3A_249 = tpu.memref_slice %arg8[%mul3A_247, %dma_start3A_248] : memref<768x128xf32, #tpu.memory_space<vmem>> -> memref<128x128xf32, #tpu.memory_space<vmem>>
        %dma_start3A_250 = arith.constant 0 : i32
        %dma_start3A_251 = tpu.memref_slice %arg7[%add3A_243, %dma_start3A_250] : memref<120x128xi32, #tpu.memory_space<vmem>> -> memref<1x128xi32, #tpu.memory_space<vmem>>
        %dma_start3A_252 = tpu.memref_squeeze %dma_start3A_251 : memref<1x128xi32, #tpu.memory_space<vmem>> -> memref<128xi32, #tpu.memory_space<vmem>>
        %dma_start3A_253 = arith.constant 0 : i32
        %dma_start3A_254 = arith.constant 0 : i32
        %dma_start3A_255 = tpu.memref_slice %arg2[%dma_start3A_253, %dma_start3A_254] : memref<10240x128xf32, #tpu.memory_space<hbm>> -> memref<10240x128xf32, #tpu.memory_space<hbm>>
        tpu.enqueue_indirect_dma source(%dma_start3A_255 : memref<10240x128xf32, #tpu.memory_space<hbm>>) target(%dma_start3A_249 : memref<128x128xf32, #tpu.memory_space<vmem>>) offsets(%dma_start3A_252 : memref<128xi32, #tpu.memory_space<vmem>>) semaphore(%arg9 : memref<!tpu.dma_semaphore, #tpu.memory_space<semaphore_mem>>)
      } else {
      }
    }
    %while3A_180 = arith.constant 1 : i32
    scf.for %while3A_205 = %while3A_178 to %while3A_174 step %while3A_180  : i32 {
      %mul3A_206 = arith.muli %while3A_205, %while3A_170 : i32
      %add3A_207 = arith.addi %while3A_171, %mul3A_206 : i32
      %dma_wait3A_208 = arith.constant 0 : i32
      %dma_wait3A_209 = arith.constant 0 : i32
      %dma_wait3A_210 = tpu.memref_slice %arg8[%dma_wait3A_208, %dma_wait3A_209] : memref<768x128xf32, #tpu.memory_space<vmem>> -> memref<128x128xf32, #tpu.memory_space<vmem>>
      %dma_wait3A_211 = arith.constant 0 : i32
      %dma_wait3A_212 = arith.constant 0 : i32
      %dma_wait3A_213 = tpu.memref_slice %arg2[%dma_wait3A_211, %dma_wait3A_212] : memref<10240x128xf32, #tpu.memory_space<hbm>> -> memref<128x128xf32, #tpu.memory_space<hbm>>
      %dma_wait3A_214 = arith.constant 0 : i32
      %dma_wait3A_215 = arith.constant 0 : i32
      %dma_wait3A_216 = tpu.memref_slice %arg8[%dma_wait3A_214, %dma_wait3A_215] : memref<768x128xf32, #tpu.memory_space<vmem>> -> memref<128x128xf32, #tpu.memory_space<vmem>>
      %dma_wait3A_217 = arith.constant 0 : i32
      %dma_wait3A_218 = arith.constant 0 : i32
      %dma_wait3A_219 = tpu.memref_slice %arg2[%dma_wait3A_217, %dma_wait3A_218] : memref<10240x128xf32, #tpu.memory_space<hbm>> -> memref<128x128xf32, #tpu.memory_space<hbm>>
      tpu.wait_dma2 semaphore(%arg9 : memref<!tpu.dma_semaphore, #tpu.memory_space<semaphore_mem>>) src(%dma_wait3A_219 : memref<128x128xf32, #tpu.memory_space<hbm>>) dst(%dma_wait3A_216 : memref<128x128xf32, #tpu.memory_space<vmem>>)
      %rem3A_220 = arith.constant 6 : i32
      %rem3A_221 = arith.remsi %add3A_207, %rem3A_220 : i32
      %mul3A_222 = arith.constant 128 : i32
      %mul3A_223 = arith.muli %rem3A_221, %mul3A_222 : i32
      %add3A_224 = arith.addi %select_n3A_8, %add3A_207 : i32
      %mul3A_225 = arith.constant 128 : i32
      %mul3A_226 = arith.muli %add3A_224, %mul3A_225 : i32
      %dma_start3A_227 = arith.constant 0 : i32
      %dma_start3A_228 = tpu.memref_slice %arg8[%mul3A_223, %dma_start3A_227] : memref<768x128xf32, #tpu.memory_space<vmem>> -> memref<128x128xf32, #tpu.memory_space<vmem>>
      %dma_start3A_229 = arith.constant 0 : i32
      %dma_start3A_230 = tpu.memref_slice %arg6[%mul3A_226, %dma_start3A_229] : memref<327680x128xf32, #tpu.memory_space<hbm>> -> memref<128x128xf32, #tpu.memory_space<hbm>>
      %dma_start3A_231 = arith.constant 0 : i32
      %dma_start3A_232 = tpu.memref_slice %arg6[%mul3A_226, %dma_start3A_231] : memref<327680x128xf32, #tpu.memory_space<hbm>> -> memref<128x128xf32, #tpu.memory_space<hbm>>
      %dma_start3A_233 = arith.constant 0 : i32
      %dma_start3A_234 = tpu.memref_slice %arg8[%mul3A_223, %dma_start3A_233] : memref<768x128xf32, #tpu.memory_space<vmem>> -> memref<128x128xf32, #tpu.memory_space<vmem>>
      tpu.enqueue_dma source(%dma_start3A_234 : memref<128x128xf32, #tpu.memory_space<vmem>>) target(%dma_start3A_232 : memref<128x128xf32, #tpu.memory_space<hbm>>) target_semaphore(%arg10 : memref<!tpu.dma_semaphore, #tpu.memory_space<semaphore_mem>>)
      %ge3A = arith.constant 2 : i32
      %ge3A_235 = arith.cmpi sge, %add3A_207, %ge3A : i32
      %convert_element_type3A = arith.extui %ge3A_235 : i1 to i32
      %cond3A = arith.constant 0 : i32
      %cond3A_236 = arith.cmpi ne, %convert_element_type3A, %cond3A : i32
      scf.if %cond3A_236 {
        %dma_wait3A_242 = arith.constant 0 : i32
        %dma_wait3A_243 = arith.constant 0 : i32
        %dma_wait3A_244 = tpu.memref_slice %arg8[%dma_wait3A_242, %dma_wait3A_243] : memref<768x128xf32, #tpu.memory_space<vmem>> -> memref<128x128xf32, #tpu.memory_space<vmem>>
        %dma_wait3A_245 = arith.constant 0 : i32
        %dma_wait3A_246 = arith.constant 0 : i32
        %dma_wait3A_247 = tpu.memref_slice %arg6[%dma_wait3A_245, %dma_wait3A_246] : memref<327680x128xf32, #tpu.memory_space<hbm>> -> memref<128x128xf32, #tpu.memory_space<hbm>>
        %dma_wait3A_248 = arith.constant 0 : i32
        %dma_wait3A_249 = arith.constant 0 : i32
        %dma_wait3A_250 = tpu.memref_slice %arg6[%dma_wait3A_248, %dma_wait3A_249] : memref<327680x128xf32, #tpu.memory_space<hbm>> -> memref<128x128xf32, #tpu.memory_space<hbm>>
        %dma_wait3A_251 = arith.constant 0 : i32
        %dma_wait3A_252 = arith.constant 0 : i32
        %dma_wait3A_253 = tpu.memref_slice %arg8[%dma_wait3A_251, %dma_wait3A_252] : memref<768x128xf32, #tpu.memory_space<vmem>> -> memref<128x128xf32, #tpu.memory_space<vmem>>
        tpu.wait_dma2 semaphore(%arg10 : memref<!tpu.dma_semaphore, #tpu.memory_space<semaphore_mem>>) src(%dma_wait3A_253 : memref<128x128xf32, #tpu.memory_space<vmem>>) dst(%dma_wait3A_250 : memref<128x128xf32, #tpu.memory_space<hbm>>)
      } else {
      }
      %add3A_237 = arith.constant 4 : i32
      %add3A_238 = arith.addi %add3A_207, %add3A_237 : i32
      %lt3A = arith.cmpi slt, %add3A_238, %select_n3A : i32
      %convert_element_type3A_239 = arith.extui %lt3A : i1 to i32
      %cond3A_240 = arith.constant 0 : i32
      %cond3A_241 = arith.cmpi ne, %convert_element_type3A_239, %cond3A_240 : i32
      scf.if %cond3A_241 {
        %add3A_242 = arith.constant 4 : i32
        %add3A_243 = arith.addi %add3A_207, %add3A_242 : i32
        %rem3A_244 = arith.constant 6 : i32
        %rem3A_245 = arith.remsi %add3A_243, %rem3A_244 : i32
        %mul3A_246 = arith.constant 128 : i32
        %mul3A_247 = arith.muli %rem3A_245, %mul3A_246 : i32
        %dma_start3A_248 = arith.constant 0 : i32
        %dma_start3A_249 = tpu.memref_slice %arg8[%mul3A_247, %dma_start3A_248] : memref<768x128xf32, #tpu.memory_space<vmem>> -> memref<128x128xf32, #tpu.memory_space<vmem>>
        %dma_start3A_250 = arith.constant 0 : i32
        %dma_start3A_251 = tpu.memref_slice %arg7[%add3A_243, %dma_start3A_250] : memref<120x128xi32, #tpu.memory_space<vmem>> -> memref<1x128xi32, #tpu.memory_space<vmem>>
        %dma_start3A_252 = tpu.memref_squeeze %dma_start3A_251 : memref<1x128xi32, #tpu.memory_space<vmem>> -> memref<128xi32, #tpu.memory_space<vmem>>
        %dma_start3A_253 = arith.constant 0 : i32
        %dma_start3A_254 = arith.constant 0 : i32
        %dma_start3A_255 = tpu.memref_slice %arg2[%dma_start3A_253, %dma_start3A_254] : memref<10240x128xf32, #tpu.memory_space<hbm>> -> memref<10240x128xf32, #tpu.memory_space<hbm>>
        tpu.enqueue_indirect_dma source(%dma_start3A_255 : memref<10240x128xf32, #tpu.memory_space<hbm>>) target(%dma_start3A_249 : memref<128x128xf32, #tpu.memory_space<vmem>>) offsets(%dma_start3A_252 : memref<128xi32, #tpu.memory_space<vmem>>) semaphore(%arg9 : memref<!tpu.dma_semaphore, #tpu.memory_space<semaphore_mem>>)
      } else {
      }
    }
    %dma_wait3A_181 = arith.constant 0 : i32
    %dma_wait3A_182 = arith.constant 0 : i32
    %dma_wait3A_183 = tpu.memref_slice %arg8[%dma_wait3A_181, %dma_wait3A_182] : memref<768x128xf32, #tpu.memory_space<vmem>> -> memref<128x128xf32, #tpu.memory_space<vmem>>
    %dma_wait3A_184 = arith.constant 0 : i32
    %dma_wait3A_185 = arith.constant 0 : i32
    %dma_wait3A_186 = tpu.memref_slice %arg6[%dma_wait3A_184, %dma_wait3A_185] : memref<327680x128xf32, #tpu.memory_space<hbm>> -> memref<128x128xf32, #tpu.memory_space<hbm>>
    %dma_wait3A_187 = arith.constant 0 : i32
    %dma_wait3A_188 = arith.constant 0 : i32
    %dma_wait3A_189 = tpu.memref_slice %arg6[%dma_wait3A_187, %dma_wait3A_188] : memref<327680x128xf32, #tpu.memory_space<hbm>> -> memref<128x128xf32, #tpu.memory_space<hbm>>
    %dma_wait3A_190 = arith.constant 0 : i32
    %dma_wait3A_191 = arith.constant 0 : i32
    %dma_wait3A_192 = tpu.memref_slice %arg8[%dma_wait3A_190, %dma_wait3A_191] : memref<768x128xf32, #tpu.memory_space<vmem>> -> memref<128x128xf32, #tpu.memory_space<vmem>>
    tpu.wait_dma2 semaphore(%arg10 : memref<!tpu.dma_semaphore, #tpu.memory_space<semaphore_mem>>) src(%dma_wait3A_192 : memref<128x128xf32, #tpu.memory_space<vmem>>) dst(%dma_wait3A_189 : memref<128x128xf32, #tpu.memory_space<hbm>>)
    %dma_wait3A_193 = arith.constant 0 : i32
    %dma_wait3A_194 = arith.constant 0 : i32
    %dma_wait3A_195 = tpu.memref_slice %arg8[%dma_wait3A_193, %dma_wait3A_194] : memref<768x128xf32, #tpu.memory_space<vmem>> -> memref<128x128xf32, #tpu.memory_space<vmem>>
    %dma_wait3A_196 = arith.constant 0 : i32
    %dma_wait3A_197 = arith.constant 0 : i32
    %dma_wait3A_198 = tpu.memref_slice %arg6[%dma_wait3A_196, %dma_wait3A_197] : memref<327680x128xf32, #tpu.memory_space<hbm>> -> memref<128x128xf32, #tpu.memory_space<hbm>>
    %dma_wait3A_199 = arith.constant 0 : i32
    %dma_wait3A_200 = arith.constant 0 : i32
    %dma_wait3A_201 = tpu.memref_slice %arg6[%dma_wait3A_199, %dma_wait3A_200] : memref<327680x128xf32, #tpu.memory_space<hbm>> -> memref<128x128xf32, #tpu.memory_space<hbm>>
    %dma_wait3A_202 = arith.constant 0 : i32
    %dma_wait3A_203 = arith.constant 0 : i32
    %dma_wait3A_204 = tpu.memref_slice %arg8[%dma_wait3A_202, %dma_wait3A_203] : memref<768x128xf32, #tpu.memory_space<vmem>> -> memref<128x128xf32, #tpu.memory_space<vmem>>
    tpu.wait_dma2 semaphore(%arg10 : memref<!tpu.dma_semaphore, #tpu.memory_space<semaphore_mem>>) src(%dma_wait3A_204 : memref<128x128xf32, #tpu.memory_space<vmem>>) dst(%dma_wait3A_201 : memref<128x128xf32, #tpu.memory_space<hbm>>)
    return
  }
}

#map = affine_map<(d0, d1) -> (0, 0, 0)>
#map1 = affine_map<(d0, d1) -> (0, 0)>
module attributes {stable_mosaic.version = 14 : i64} {
  func.func @k(%arg0: i32, %arg1: i32, %arg2: memref<2x327680x128xf32, #tpu.memory_space<hbm>>, %arg3: memref<2560x128xi32, #tpu.memory_space<hbm>>, %arg4: memref<2x10240x128xf32, #tpu.memory_space<hbm>>, %arg5: memref<3x128xi32, #tpu.memory_space<vmem>>, %arg6: memref<384x128xf32, #tpu.memory_space<vmem>>, %arg7: memref<10112x128xf32, #tpu.memory_space<vmem_shared>>, %arg8: memref<!tpu.dma_semaphore, #tpu.memory_space<semaphore_mem>>, %arg9: memref<!tpu.dma_semaphore, #tpu.memory_space<semaphore_mem>>) attributes {dimension_semantics = [#tpu.dimension_semantics<core_parallel>, #tpu.dimension_semantics<subcore_parallel>], iteration_bounds = array<i64: 2, 16>, scalar_prefetch = 0 : i64, scratch_operands = 5 : i64, tpu.core_type = #tpu.core_type<sc_vector_subcore>, window_params = [{transform_indices = #map}, {transform_indices = #map1}, {transform_indices = #map}]} {
    %broadcast_in_dim3A = arith.constant 0.000000e+00 : f32
    %broadcast_in_dim3A_0 = vector.broadcast %broadcast_in_dim3A : f32 to vector<16xf32>
    %scan3A = arith.constant 0 : i32
    %scan3A_1 = arith.constant 128 : i32
    %scan3A_2 = arith.addi %scan3A, %scan3A_1 : i32
    %scan3A_3 = arith.constant 1 : i32
    scf.for %scan3A_96 = %scan3A to %scan3A_2 step %scan3A_3  : i32 {
      %mul3A_97 = arith.constant 1 : i32
      %mul3A_98 = arith.muli %scan3A_96, %mul3A_97 : i32
      %add3A_99 = arith.constant 0 : i32
      %add3A_100 = arith.addi %add3A_99, %mul3A_98 : i32
      %swap3A = arith.index_cast %add3A_100 : i32 to index
      %swap3A_101 = arith.constant 0 : index
      %swap3A_102 = tpu.vector_load %arg6[%swap3A, %swap3A_101] {strides = array<i32>} : memref<384x128xf32, #tpu.memory_space<vmem>>, vector<1x16xf32>,
      %swap3A_103 = vector.shape_cast %swap3A_102 : vector<1x16xf32> to vector<16xf32>
      %swap3A_104 = vector.shape_cast %broadcast_in_dim3A_0 : vector<16xf32> to vector<1x16xf32>
      tpu.vector_store %arg6[%swap3A, %swap3A_101], %swap3A_104 {strides = array<i32>} : memref<384x128xf32, #tpu.memory_space<vmem>>, vector<1x16xf32>,
      %swap3A_105 = arith.index_cast %add3A_100 : i32 to index
      %swap3A_106 = arith.constant 16 : index
      %swap3A_107 = tpu.vector_load %arg6[%swap3A_105, %swap3A_106] {strides = array<i32>} : memref<384x128xf32, #tpu.memory_space<vmem>>, vector<1x16xf32>,
      %swap3A_108 = vector.shape_cast %swap3A_107 : vector<1x16xf32> to vector<16xf32>
      %swap3A_109 = vector.shape_cast %broadcast_in_dim3A_0 : vector<16xf32> to vector<1x16xf32>
      tpu.vector_store %arg6[%swap3A_105, %swap3A_106], %swap3A_109 {strides = array<i32>} : memref<384x128xf32, #tpu.memory_space<vmem>>, vector<1x16xf32>,
      %swap3A_110 = arith.index_cast %add3A_100 : i32 to index
      %swap3A_111 = arith.constant 32 : index
      %swap3A_112 = tpu.vector_load %arg6[%swap3A_110, %swap3A_111] {strides = array<i32>} : memref<384x128xf32, #tpu.memory_space<vmem>>, vector<1x16xf32>,
      %swap3A_113 = vector.shape_cast %swap3A_112 : vector<1x16xf32> to vector<16xf32>
      %swap3A_114 = vector.shape_cast %broadcast_in_dim3A_0 : vector<16xf32> to vector<1x16xf32>
      tpu.vector_store %arg6[%swap3A_110, %swap3A_111], %swap3A_114 {strides = array<i32>} : memref<384x128xf32, #tpu.memory_space<vmem>>, vector<1x16xf32>,
      %swap3A_115 = arith.index_cast %add3A_100 : i32 to index
      %swap3A_116 = arith.constant 48 : index
      %swap3A_117 = tpu.vector_load %arg6[%swap3A_115, %swap3A_116] {strides = array<i32>} : memref<384x128xf32, #tpu.memory_space<vmem>>, vector<1x16xf32>,
      %swap3A_118 = vector.shape_cast %swap3A_117 : vector<1x16xf32> to vector<16xf32>
      %swap3A_119 = vector.shape_cast %broadcast_in_dim3A_0 : vector<16xf32> to vector<1x16xf32>
      tpu.vector_store %arg6[%swap3A_115, %swap3A_116], %swap3A_119 {strides = array<i32>} : memref<384x128xf32, #tpu.memory_space<vmem>>, vector<1x16xf32>,
      %swap3A_120 = arith.index_cast %add3A_100 : i32 to index
      %swap3A_121 = arith.constant 64 : index
      %swap3A_122 = tpu.vector_load %arg6[%swap3A_120, %swap3A_121] {strides = array<i32>} : memref<384x128xf32, #tpu.memory_space<vmem>>, vector<1x16xf32>,
      %swap3A_123 = vector.shape_cast %swap3A_122 : vector<1x16xf32> to vector<16xf32>
      %swap3A_124 = vector.shape_cast %broadcast_in_dim3A_0 : vector<16xf32> to vector<1x16xf32>
      tpu.vector_store %arg6[%swap3A_120, %swap3A_121], %swap3A_124 {strides = array<i32>} : memref<384x128xf32, #tpu.memory_space<vmem>>, vector<1x16xf32>,
      %swap3A_125 = arith.index_cast %add3A_100 : i32 to index
      %swap3A_126 = arith.constant 80 : index
      %swap3A_127 = tpu.vector_load %arg6[%swap3A_125, %swap3A_126] {strides = array<i32>} : memref<384x128xf32, #tpu.memory_space<vmem>>, vector<1x16xf32>,
      %swap3A_128 = vector.shape_cast %swap3A_127 : vector<1x16xf32> to vector<16xf32>
      %swap3A_129 = vector.shape_cast %broadcast_in_dim3A_0 : vector<16xf32> to vector<1x16xf32>
      tpu.vector_store %arg6[%swap3A_125, %swap3A_126], %swap3A_129 {strides = array<i32>} : memref<384x128xf32, #tpu.memory_space<vmem>>, vector<1x16xf32>,
      %swap3A_130 = arith.index_cast %add3A_100 : i32 to index
      %swap3A_131 = arith.constant 96 : index
      %swap3A_132 = tpu.vector_load %arg6[%swap3A_130, %swap3A_131] {strides = array<i32>} : memref<384x128xf32, #tpu.memory_space<vmem>>, vector<1x16xf32>,
      %swap3A_133 = vector.shape_cast %swap3A_132 : vector<1x16xf32> to vector<16xf32>
      %swap3A_134 = vector.shape_cast %broadcast_in_dim3A_0 : vector<16xf32> to vector<1x16xf32>
      tpu.vector_store %arg6[%swap3A_130, %swap3A_131], %swap3A_134 {strides = array<i32>} : memref<384x128xf32, #tpu.memory_space<vmem>>, vector<1x16xf32>,
      %swap3A_135 = arith.index_cast %add3A_100 : i32 to index
      %swap3A_136 = arith.constant 112 : index
      %swap3A_137 = tpu.vector_load %arg6[%swap3A_135, %swap3A_136] {strides = array<i32>} : memref<384x128xf32, #tpu.memory_space<vmem>>, vector<1x16xf32>,
      %swap3A_138 = vector.shape_cast %swap3A_137 : vector<1x16xf32> to vector<16xf32>
      %swap3A_139 = vector.shape_cast %broadcast_in_dim3A_0 : vector<16xf32> to vector<1x16xf32>
      tpu.vector_store %arg6[%swap3A_135, %swap3A_136], %swap3A_139 {strides = array<i32>} : memref<384x128xf32, #tpu.memory_space<vmem>>, vector<1x16xf32>,
    }
    %scan3A_4 = arith.constant 128 : i32
    %mul3A = arith.constant 632 : i32
    %mul3A_5 = arith.muli %arg1, %mul3A : i32
    %add3A = arith.constant 0 : i32
    %add3A_6 = arith.addi %mul3A_5, %add3A : i32
    "tpu.region"() ({
      %run_scoped3A = tpu.sem_alloc : memref<!tpu.dma_semaphore, #tpu.memory_space<semaphore_mem>>
      %dma_start3A_96 = arith.constant 0 : i32
      %dma_start3A_97 = arith.constant 0 : i32
      %dma_start3A_98 = tpu.memref_slice %arg6[%dma_start3A_96, %dma_start3A_97] : memref<384x128xf32, #tpu.memory_space<vmem>> -> memref<128x128xf32, #tpu.memory_space<vmem>>
      %dma_start3A_99 = arith.constant 0 : i32
      %dma_start3A_100 = tpu.memref_slice %arg7[%add3A_6, %dma_start3A_99] : memref<10112x128xf32, #tpu.memory_space<vmem_shared>> -> memref<128x128xf32, #tpu.memory_space<vmem_shared>>
      %dma_start3A_101 = arith.constant 0 : i32
      %dma_start3A_102 = tpu.memref_slice %arg7[%add3A_6, %dma_start3A_101] : memref<10112x128xf32, #tpu.memory_space<vmem_shared>> -> memref<128x128xf32, #tpu.memory_space<vmem_shared>>
      %dma_start3A_103 = arith.constant 0 : i32
      %dma_start3A_104 = arith.constant 0 : i32
      %dma_start3A_105 = tpu.memref_slice %arg6[%dma_start3A_103, %dma_start3A_104] : memref<384x128xf32, #tpu.memory_space<vmem>> -> memref<128x128xf32, #tpu.memory_space<vmem>>
      tpu.enqueue_dma source(%dma_start3A_105 : memref<128x128xf32, #tpu.memory_space<vmem>>) target(%dma_start3A_102 : memref<128x128xf32, #tpu.memory_space<vmem_shared>>) target_semaphore(%run_scoped3A : memref<!tpu.dma_semaphore, #tpu.memory_space<semaphore_mem>>)
      %dma_wait3A_106 = arith.constant 0 : i32
      %dma_wait3A_107 = arith.constant 0 : i32
      %dma_wait3A_108 = tpu.memref_slice %arg6[%dma_wait3A_106, %dma_wait3A_107] : memref<384x128xf32, #tpu.memory_space<vmem>> -> memref<128x128xf32, #tpu.memory_space<vmem>>
      %dma_wait3A_109 = arith.constant 0 : i32
      %dma_wait3A_110 = tpu.memref_slice %arg7[%add3A_6, %dma_wait3A_109] : memref<10112x128xf32, #tpu.memory_space<vmem_shared>> -> memref<128x128xf32, #tpu.memory_space<vmem_shared>>
      %dma_wait3A_111 = arith.constant 0 : i32
      %dma_wait3A_112 = tpu.memref_slice %arg7[%add3A_6, %dma_wait3A_111] : memref<10112x128xf32, #tpu.memory_space<vmem_shared>> -> memref<128x128xf32, #tpu.memory_space<vmem_shared>>
      %dma_wait3A_113 = arith.constant 0 : i32
      %dma_wait3A_114 = arith.constant 0 : i32
      %dma_wait3A_115 = tpu.memref_slice %arg6[%dma_wait3A_113, %dma_wait3A_114] : memref<384x128xf32, #tpu.memory_space<vmem>> -> memref<128x128xf32, #tpu.memory_space<vmem>>
      tpu.wait_dma2 semaphore(%run_scoped3A : memref<!tpu.dma_semaphore, #tpu.memory_space<semaphore_mem>>) src(%dma_wait3A_115 : memref<128x128xf32, #tpu.memory_space<vmem>>) dst(%dma_wait3A_112 : memref<128x128xf32, #tpu.memory_space<vmem_shared>>)
      tpu.yield
    }) : () -> ()
    %mul3A_7 = arith.constant 632 : i32
    %mul3A_8 = arith.muli %arg1, %mul3A_7 : i32
    %add3A_9 = arith.constant 128 : i32
    %add3A_10 = arith.addi %mul3A_8, %add3A_9 : i32
    "tpu.region"() ({
      %run_scoped3A = tpu.sem_alloc : memref<!tpu.dma_semaphore, #tpu.memory_space<semaphore_mem>>
      %dma_start3A_96 = arith.constant 0 : i32
      %dma_start3A_97 = arith.constant 0 : i32
      %dma_start3A_98 = tpu.memref_slice %arg6[%dma_start3A_96, %dma_start3A_97] : memref<384x128xf32, #tpu.memory_space<vmem>> -> memref<128x128xf32, #tpu.memory_space<vmem>>
      %dma_start3A_99 = arith.constant 0 : i32
      %dma_start3A_100 = tpu.memref_slice %arg7[%add3A_10, %dma_start3A_99] : memref<10112x128xf32, #tpu.memory_space<vmem_shared>> -> memref<128x128xf32, #tpu.memory_space<vmem_shared>>
      %dma_start3A_101 = arith.constant 0 : i32
      %dma_start3A_102 = tpu.memref_slice %arg7[%add3A_10, %dma_start3A_101] : memref<10112x128xf32, #tpu.memory_space<vmem_shared>> -> memref<128x128xf32, #tpu.memory_space<vmem_shared>>
      %dma_start3A_103 = arith.constant 0 : i32
      %dma_start3A_104 = arith.constant 0 : i32
      %dma_start3A_105 = tpu.memref_slice %arg6[%dma_start3A_103, %dma_start3A_104] : memref<384x128xf32, #tpu.memory_space<vmem>> -> memref<128x128xf32, #tpu.memory_space<vmem>>
      tpu.enqueue_dma source(%dma_start3A_105 : memref<128x128xf32, #tpu.memory_space<vmem>>) target(%dma_start3A_102 : memref<128x128xf32, #tpu.memory_space<vmem_shared>>) target_semaphore(%run_scoped3A : memref<!tpu.dma_semaphore, #tpu.memory_space<semaphore_mem>>)
      %dma_wait3A_106 = arith.constant 0 : i32
      %dma_wait3A_107 = arith.constant 0 : i32
      %dma_wait3A_108 = tpu.memref_slice %arg6[%dma_wait3A_106, %dma_wait3A_107] : memref<384x128xf32, #tpu.memory_space<vmem>> -> memref<128x128xf32, #tpu.memory_space<vmem>>
      %dma_wait3A_109 = arith.constant 0 : i32
      %dma_wait3A_110 = tpu.memref_slice %arg7[%add3A_10, %dma_wait3A_109] : memref<10112x128xf32, #tpu.memory_space<vmem_shared>> -> memref<128x128xf32, #tpu.memory_space<vmem_shared>>
      %dma_wait3A_111 = arith.constant 0 : i32
      %dma_wait3A_112 = tpu.memref_slice %arg7[%add3A_10, %dma_wait3A_111] : memref<10112x128xf32, #tpu.memory_space<vmem_shared>> -> memref<128x128xf32, #tpu.memory_space<vmem_shared>>
      %dma_wait3A_113 = arith.constant 0 : i32
      %dma_wait3A_114 = arith.constant 0 : i32
      %dma_wait3A_115 = tpu.memref_slice %arg6[%dma_wait3A_113, %dma_wait3A_114] : memref<384x128xf32, #tpu.memory_space<vmem>> -> memref<128x128xf32, #tpu.memory_space<vmem>>
      tpu.wait_dma2 semaphore(%run_scoped3A : memref<!tpu.dma_semaphore, #tpu.memory_space<semaphore_mem>>) src(%dma_wait3A_115 : memref<128x128xf32, #tpu.memory_space<vmem>>) dst(%dma_wait3A_112 : memref<128x128xf32, #tpu.memory_space<vmem_shared>>)
      tpu.yield
    }) : () -> ()
    %mul3A_11 = arith.constant 632 : i32
    %mul3A_12 = arith.muli %arg1, %mul3A_11 : i32
    %add3A_13 = arith.constant 256 : i32
    %add3A_14 = arith.addi %mul3A_12, %add3A_13 : i32
    "tpu.region"() ({
      %run_scoped3A = tpu.sem_alloc : memref<!tpu.dma_semaphore, #tpu.memory_space<semaphore_mem>>
      %dma_start3A_96 = arith.constant 0 : i32
      %dma_start3A_97 = arith.constant 0 : i32
      %dma_start3A_98 = tpu.memref_slice %arg6[%dma_start3A_96, %dma_start3A_97] : memref<384x128xf32, #tpu.memory_space<vmem>> -> memref<128x128xf32, #tpu.memory_space<vmem>>
      %dma_start3A_99 = arith.constant 0 : i32
      %dma_start3A_100 = tpu.memref_slice %arg7[%add3A_14, %dma_start3A_99] : memref<10112x128xf32, #tpu.memory_space<vmem_shared>> -> memref<128x128xf32, #tpu.memory_space<vmem_shared>>
      %dma_start3A_101 = arith.constant 0 : i32
      %dma_start3A_102 = tpu.memref_slice %arg7[%add3A_14, %dma_start3A_101] : memref<10112x128xf32, #tpu.memory_space<vmem_shared>> -> memref<128x128xf32, #tpu.memory_space<vmem_shared>>
      %dma_start3A_103 = arith.constant 0 : i32
      %dma_start3A_104 = arith.constant 0 : i32
      %dma_start3A_105 = tpu.memref_slice %arg6[%dma_start3A_103, %dma_start3A_104] : memref<384x128xf32, #tpu.memory_space<vmem>> -> memref<128x128xf32, #tpu.memory_space<vmem>>
      tpu.enqueue_dma source(%dma_start3A_105 : memref<128x128xf32, #tpu.memory_space<vmem>>) target(%dma_start3A_102 : memref<128x128xf32, #tpu.memory_space<vmem_shared>>) target_semaphore(%run_scoped3A : memref<!tpu.dma_semaphore, #tpu.memory_space<semaphore_mem>>)
      %dma_wait3A_106 = arith.constant 0 : i32
      %dma_wait3A_107 = arith.constant 0 : i32
      %dma_wait3A_108 = tpu.memref_slice %arg6[%dma_wait3A_106, %dma_wait3A_107] : memref<384x128xf32, #tpu.memory_space<vmem>> -> memref<128x128xf32, #tpu.memory_space<vmem>>
      %dma_wait3A_109 = arith.constant 0 : i32
      %dma_wait3A_110 = tpu.memref_slice %arg7[%add3A_14, %dma_wait3A_109] : memref<10112x128xf32, #tpu.memory_space<vmem_shared>> -> memref<128x128xf32, #tpu.memory_space<vmem_shared>>
      %dma_wait3A_111 = arith.constant 0 : i32
      %dma_wait3A_112 = tpu.memref_slice %arg7[%add3A_14, %dma_wait3A_111] : memref<10112x128xf32, #tpu.memory_space<vmem_shared>> -> memref<128x128xf32, #tpu.memory_space<vmem_shared>>
      %dma_wait3A_113 = arith.constant 0 : i32
      %dma_wait3A_114 = arith.constant 0 : i32
      %dma_wait3A_115 = tpu.memref_slice %arg6[%dma_wait3A_113, %dma_wait3A_114] : memref<384x128xf32, #tpu.memory_space<vmem>> -> memref<128x128xf32, #tpu.memory_space<vmem>>
      tpu.wait_dma2 semaphore(%run_scoped3A : memref<!tpu.dma_semaphore, #tpu.memory_space<semaphore_mem>>) src(%dma_wait3A_115 : memref<128x128xf32, #tpu.memory_space<vmem>>) dst(%dma_wait3A_112 : memref<128x128xf32, #tpu.memory_space<vmem_shared>>)
      tpu.yield
    }) : () -> ()
    %mul3A_15 = arith.constant 632 : i32
    %mul3A_16 = arith.muli %arg1, %mul3A_15 : i32
    %add3A_17 = arith.constant 384 : i32
    %add3A_18 = arith.addi %mul3A_16, %add3A_17 : i32
    "tpu.region"() ({
      %run_scoped3A = tpu.sem_alloc : memref<!tpu.dma_semaphore, #tpu.memory_space<semaphore_mem>>
      %dma_start3A_96 = arith.constant 0 : i32
      %dma_start3A_97 = arith.constant 0 : i32
      %dma_start3A_98 = tpu.memref_slice %arg6[%dma_start3A_96, %dma_start3A_97] : memref<384x128xf32, #tpu.memory_space<vmem>> -> memref<128x128xf32, #tpu.memory_space<vmem>>
      %dma_start3A_99 = arith.constant 0 : i32
      %dma_start3A_100 = tpu.memref_slice %arg7[%add3A_18, %dma_start3A_99] : memref<10112x128xf32, #tpu.memory_space<vmem_shared>> -> memref<128x128xf32, #tpu.memory_space<vmem_shared>>
      %dma_start3A_101 = arith.constant 0 : i32
      %dma_start3A_102 = tpu.memref_slice %arg7[%add3A_18, %dma_start3A_101] : memref<10112x128xf32, #tpu.memory_space<vmem_shared>> -> memref<128x128xf32, #tpu.memory_space<vmem_shared>>
      %dma_start3A_103 = arith.constant 0 : i32
      %dma_start3A_104 = arith.constant 0 : i32
      %dma_start3A_105 = tpu.memref_slice %arg6[%dma_start3A_103, %dma_start3A_104] : memref<384x128xf32, #tpu.memory_space<vmem>> -> memref<128x128xf32, #tpu.memory_space<vmem>>
      tpu.enqueue_dma source(%dma_start3A_105 : memref<128x128xf32, #tpu.memory_space<vmem>>) target(%dma_start3A_102 : memref<128x128xf32, #tpu.memory_space<vmem_shared>>) target_semaphore(%run_scoped3A : memref<!tpu.dma_semaphore, #tpu.memory_space<semaphore_mem>>)
      %dma_wait3A_106 = arith.constant 0 : i32
      %dma_wait3A_107 = arith.constant 0 : i32
      %dma_wait3A_108 = tpu.memref_slice %arg6[%dma_wait3A_106, %dma_wait3A_107] : memref<384x128xf32, #tpu.memory_space<vmem>> -> memref<128x128xf32, #tpu.memory_space<vmem>>
      %dma_wait3A_109 = arith.constant 0 : i32
      %dma_wait3A_110 = tpu.memref_slice %arg7[%add3A_18, %dma_wait3A_109] : memref<10112x128xf32, #tpu.memory_space<vmem_shared>> -> memref<128x128xf32, #tpu.memory_space<vmem_shared>>
      %dma_wait3A_111 = arith.constant 0 : i32
      %dma_wait3A_112 = tpu.memref_slice %arg7[%add3A_18, %dma_wait3A_111] : memref<10112x128xf32, #tpu.memory_space<vmem_shared>> -> memref<128x128xf32, #tpu.memory_space<vmem_shared>>
      %dma_wait3A_113 = arith.constant 0 : i32
      %dma_wait3A_114 = arith.constant 0 : i32
      %dma_wait3A_115 = tpu.memref_slice %arg6[%dma_wait3A_113, %dma_wait3A_114] : memref<384x128xf32, #tpu.memory_space<vmem>> -> memref<128x128xf32, #tpu.memory_space<vmem>>
      tpu.wait_dma2 semaphore(%run_scoped3A : memref<!tpu.dma_semaphore, #tpu.memory_space<semaphore_mem>>) src(%dma_wait3A_115 : memref<128x128xf32, #tpu.memory_space<vmem>>) dst(%dma_wait3A_112 : memref<128x128xf32, #tpu.memory_space<vmem_shared>>)
      tpu.yield
    }) : () -> ()
    %mul3A_19 = arith.constant 632 : i32
    %mul3A_20 = arith.muli %arg1, %mul3A_19 : i32
    %add3A_21 = arith.constant 512 : i32
    %add3A_22 = arith.addi %mul3A_20, %add3A_21 : i32
    "tpu.region"() ({
      %run_scoped3A = tpu.sem_alloc : memref<!tpu.dma_semaphore, #tpu.memory_space<semaphore_mem>>
      %dma_start3A_96 = arith.constant 0 : i32
      %dma_start3A_97 = arith.constant 0 : i32
      %dma_start3A_98 = tpu.memref_slice %arg6[%dma_start3A_96, %dma_start3A_97] : memref<384x128xf32, #tpu.memory_space<vmem>> -> memref<120x128xf32, #tpu.memory_space<vmem>>
      %dma_start3A_99 = arith.constant 0 : i32
      %dma_start3A_100 = tpu.memref_slice %arg7[%add3A_22, %dma_start3A_99] : memref<10112x128xf32, #tpu.memory_space<vmem_shared>> -> memref<120x128xf32, #tpu.memory_space<vmem_shared>>
      %dma_start3A_101 = arith.constant 0 : i32
      %dma_start3A_102 = tpu.memref_slice %arg7[%add3A_22, %dma_start3A_101] : memref<10112x128xf32, #tpu.memory_space<vmem_shared>> -> memref<120x128xf32, #tpu.memory_space<vmem_shared>>
      %dma_start3A_103 = arith.constant 0 : i32
      %dma_start3A_104 = arith.constant 0 : i32
      %dma_start3A_105 = tpu.memref_slice %arg6[%dma_start3A_103, %dma_start3A_104] : memref<384x128xf32, #tpu.memory_space<vmem>> -> memref<120x128xf32, #tpu.memory_space<vmem>>
      tpu.enqueue_dma source(%dma_start3A_105 : memref<120x128xf32, #tpu.memory_space<vmem>>) target(%dma_start3A_102 : memref<120x128xf32, #tpu.memory_space<vmem_shared>>) target_semaphore(%run_scoped3A : memref<!tpu.dma_semaphore, #tpu.memory_space<semaphore_mem>>)
      %dma_wait3A_106 = arith.constant 0 : i32
      %dma_wait3A_107 = arith.constant 0 : i32
      %dma_wait3A_108 = tpu.memref_slice %arg6[%dma_wait3A_106, %dma_wait3A_107] : memref<384x128xf32, #tpu.memory_space<vmem>> -> memref<120x128xf32, #tpu.memory_space<vmem>>
      %dma_wait3A_109 = arith.constant 0 : i32
      %dma_wait3A_110 = tpu.memref_slice %arg7[%add3A_22, %dma_wait3A_109] : memref<10112x128xf32, #tpu.memory_space<vmem_shared>> -> memref<120x128xf32, #tpu.memory_space<vmem_shared>>
      %dma_wait3A_111 = arith.constant 0 : i32
      %dma_wait3A_112 = tpu.memref_slice %arg7[%add3A_22, %dma_wait3A_111] : memref<10112x128xf32, #tpu.memory_space<vmem_shared>> -> memref<120x128xf32, #tpu.memory_space<vmem_shared>>
      %dma_wait3A_113 = arith.constant 0 : i32
      %dma_wait3A_114 = arith.constant 0 : i32
      %dma_wait3A_115 = tpu.memref_slice %arg6[%dma_wait3A_113, %dma_wait3A_114] : memref<384x128xf32, #tpu.memory_space<vmem>> -> memref<120x128xf32, #tpu.memory_space<vmem>>
      tpu.wait_dma2 semaphore(%run_scoped3A : memref<!tpu.dma_semaphore, #tpu.memory_space<semaphore_mem>>) src(%dma_wait3A_115 : memref<120x128xf32, #tpu.memory_space<vmem>>) dst(%dma_wait3A_112 : memref<120x128xf32, #tpu.memory_space<vmem_shared>>)
      tpu.yield
    }) : () -> ()
    %eq3A = arith.constant 0 : i32
    %eq3A_23 = arith.cmpi eq, %arg1, %eq3A : i32
    %convert_element_type3A = arith.extui %eq3A_23 : i1 to i32
    %cond3A = arith.constant 0 : i32
    %cond3A_24 = arith.cmpi ne, %convert_element_type3A, %cond3A : i32
    scf.if %cond3A_24 {
      "tpu.region"() ({
        %run_scoped3A = tpu.sem_alloc : memref<!tpu.dma_semaphore, #tpu.memory_space<semaphore_mem>>
        %dma_start3A_96 = arith.constant 0 : i32
        %dma_start3A_97 = arith.constant 0 : i32
        %dma_start3A_98 = tpu.memref_slice %arg6[%dma_start3A_96, %dma_start3A_97] : memref<384x128xf32, #tpu.memory_space<vmem>> -> memref<128x128xf32, #tpu.memory_space<vmem>>
        %dma_start3A_99 = arith.constant 10112 : i32
        %dma_start3A_100 = arith.constant 0 : i32
        %dma_start3A_101 = tpu.memref_slice %arg4[%arg0, %dma_start3A_99, %dma_start3A_100] : memref<2x10240x128xf32, #tpu.memory_space<hbm>> -> memref<1x128x128xf32, #tpu.memory_space<hbm>>
        %dma_start3A_102 = tpu.memref_squeeze %dma_start3A_101 : memref<1x128x128xf32, #tpu.memory_space<hbm>> -> memref<128x128xf32, #tpu.memory_space<hbm>>
        %dma_start3A_103 = arith.constant 10112 : i32
        %dma_start3A_104 = arith.constant 0 : i32
        %dma_start3A_105 = tpu.memref_slice %arg4[%arg0, %dma_start3A_103, %dma_start3A_104] : memref<2x10240x128xf32, #tpu.memory_space<hbm>> -> memref<1x128x128xf32, #tpu.memory_space<hbm>>
        %dma_start3A_106 = tpu.memref_squeeze %dma_start3A_105 : memref<1x128x128xf32, #tpu.memory_space<hbm>> -> memref<128x128xf32, #tpu.memory_space<hbm>>
        %dma_start3A_107 = arith.constant 0 : i32
        %dma_start3A_108 = arith.constant 0 : i32
        %dma_start3A_109 = tpu.memref_slice %arg6[%dma_start3A_107, %dma_start3A_108] : memref<384x128xf32, #tpu.memory_space<vmem>> -> memref<128x128xf32, #tpu.memory_space<vmem>>
        tpu.enqueue_dma source(%dma_start3A_109 : memref<128x128xf32, #tpu.memory_space<vmem>>) target(%dma_start3A_106 : memref<128x128xf32, #tpu.memory_space<hbm>>) target_semaphore(%run_scoped3A : memref<!tpu.dma_semaphore, #tpu.memory_space<semaphore_mem>>)
        %dma_wait3A_110 = arith.constant 0 : i32
        %dma_wait3A_111 = arith.constant 0 : i32
        %dma_wait3A_112 = tpu.memref_slice %arg6[%dma_wait3A_110, %dma_wait3A_111] : memref<384x128xf32, #tpu.memory_space<vmem>> -> memref<128x128xf32, #tpu.memory_space<vmem>>
        %dma_wait3A_113 = arith.constant 10112 : i32
        %dma_wait3A_114 = arith.constant 0 : i32
        %dma_wait3A_115 = tpu.memref_slice %arg4[%arg0, %dma_wait3A_113, %dma_wait3A_114] : memref<2x10240x128xf32, #tpu.memory_space<hbm>> -> memref<1x128x128xf32, #tpu.memory_space<hbm>>
        %dma_wait3A_116 = tpu.memref_squeeze %dma_wait3A_115 : memref<1x128x128xf32, #tpu.memory_space<hbm>> -> memref<128x128xf32, #tpu.memory_space<hbm>>
        %dma_wait3A_117 = arith.constant 10112 : i32
        %dma_wait3A_118 = arith.constant 0 : i32
        %dma_wait3A_119 = tpu.memref_slice %arg4[%arg0, %dma_wait3A_117, %dma_wait3A_118] : memref<2x10240x128xf32, #tpu.memory_space<hbm>> -> memref<1x128x128xf32, #tpu.memory_space<hbm>>
        %dma_wait3A_120 = tpu.memref_squeeze %dma_wait3A_119 : memref<1x128x128xf32, #tpu.memory_space<hbm>> -> memref<128x128xf32, #tpu.memory_space<hbm>>
        %dma_wait3A_121 = arith.constant 0 : i32
        %dma_wait3A_122 = arith.constant 0 : i32
        %dma_wait3A_123 = tpu.memref_slice %arg6[%dma_wait3A_121, %dma_wait3A_122] : memref<384x128xf32, #tpu.memory_space<vmem>> -> memref<128x128xf32, #tpu.memory_space<vmem>>
        tpu.wait_dma2 semaphore(%run_scoped3A : memref<!tpu.dma_semaphore, #tpu.memory_space<semaphore_mem>>) src(%dma_wait3A_123 : memref<128x128xf32, #tpu.memory_space<vmem>>) dst(%dma_wait3A_120 : memref<128x128xf32, #tpu.memory_space<hbm>>)
        tpu.yield
      }) : () -> ()
    } else {
    }
    %barrier3A = arith.constant 0 : index
    tpu.barrier barrier_id(%barrier3A)
    %mul3A_25 = arith.constant 160 : i32
    %mul3A_26 = arith.muli %arg1, %mul3A_25 : i32
    %add3A_27 = arith.constant 0 : i32
    %add3A_28 = arith.addi %mul3A_26, %add3A_27 : i32
    %mul3A_29 = arith.constant 128 : i32
    %mul3A_30 = arith.muli %add3A_28, %mul3A_29 : i32
    %rem3A = arith.constant 0 : i32
    %rem3A_31 = arith.constant 3 : i32
    %rem3A_32 = arith.remsi %rem3A, %rem3A_31 : i32
    %mul3A_33 = arith.constant 128 : i32
    %mul3A_34 = arith.muli %rem3A_32, %mul3A_33 : i32
    %dma_start3A = arith.constant 0 : i32
    %dma_start3A_35 = tpu.memref_slice %arg6[%mul3A_34, %dma_start3A] : memref<384x128xf32, #tpu.memory_space<vmem>> -> memref<128x128xf32, #tpu.memory_space<vmem>>
    %dma_start3A_36 = arith.constant 0 : i32
    %dma_start3A_37 = tpu.memref_slice %arg2[%arg0, %mul3A_30, %dma_start3A_36] : memref<2x327680x128xf32, #tpu.memory_space<hbm>> -> memref<1x128x128xf32, #tpu.memory_space<hbm>>
    %dma_start3A_38 = tpu.memref_squeeze %dma_start3A_37 : memref<1x128x128xf32, #tpu.memory_space<hbm>> -> memref<128x128xf32, #tpu.memory_space<hbm>>
    %dma_start3A_39 = arith.constant 0 : i32
    %dma_start3A_40 = tpu.memref_slice %arg6[%mul3A_34, %dma_start3A_39] : memref<384x128xf32, #tpu.memory_space<vmem>> -> memref<128x128xf32, #tpu.memory_space<vmem>>
    %dma_start3A_41 = arith.constant 0 : i32
    %dma_start3A_42 = tpu.memref_slice %arg2[%arg0, %mul3A_30, %dma_start3A_41] : memref<2x327680x128xf32, #tpu.memory_space<hbm>> -> memref<1x128x128xf32, #tpu.memory_space<hbm>>
    %dma_start3A_43 = tpu.memref_squeeze %dma_start3A_42 : memref<1x128x128xf32, #tpu.memory_space<hbm>> -> memref<128x128xf32, #tpu.memory_space<hbm>>
    tpu.enqueue_dma source(%dma_start3A_43 : memref<128x128xf32, #tpu.memory_space<hbm>>) target(%dma_start3A_40 : memref<128x128xf32, #tpu.memory_space<vmem>>) target_semaphore(%arg8 : memref<!tpu.dma_semaphore, #tpu.memory_space<semaphore_mem>>)
    %mul3A_44 = arith.constant 160 : i32
    %mul3A_45 = arith.muli %arg1, %mul3A_44 : i32
    %add3A_46 = arith.constant 0 : i32
    %add3A_47 = arith.addi %mul3A_45, %add3A_46 : i32
    %rem3A_48 = arith.constant 0 : i32
    %rem3A_49 = arith.constant 3 : i32
    %rem3A_50 = arith.remsi %rem3A_48, %rem3A_49 : i32
    %dma_start3A_51 = arith.constant 0 : i32
    %dma_start3A_52 = tpu.memref_slice %arg5[%rem3A_50, %dma_start3A_51] : memref<3x128xi32, #tpu.memory_space<vmem>> -> memref<1x128xi32, #tpu.memory_space<vmem>>
    %dma_start3A_53 = tpu.memref_squeeze %dma_start3A_52 : memref<1x128xi32, #tpu.memory_space<vmem>> -> memref<128xi32, #tpu.memory_space<vmem>>
    %dma_start3A_54 = arith.constant 0 : i32
    %dma_start3A_55 = tpu.memref_slice %arg3[%add3A_47, %dma_start3A_54] : memref<2560x128xi32, #tpu.memory_space<hbm>> -> memref<1x128xi32, #tpu.memory_space<hbm>>
    %dma_start3A_56 = tpu.memref_squeeze %dma_start3A_55 : memref<1x128xi32, #tpu.memory_space<hbm>> -> memref<128xi32, #tpu.memory_space<hbm>>
    %dma_start3A_57 = arith.constant 0 : i32
    %dma_start3A_58 = tpu.memref_slice %arg5[%rem3A_50, %dma_start3A_57] : memref<3x128xi32, #tpu.memory_space<vmem>> -> memref<1x128xi32, #tpu.memory_space<vmem>>
    %dma_start3A_59 = tpu.memref_squeeze %dma_start3A_58 : memref<1x128xi32, #tpu.memory_space<vmem>> -> memref<128xi32, #tpu.memory_space<vmem>>
    %dma_start3A_60 = arith.constant 0 : i32
    %dma_start3A_61 = tpu.memref_slice %arg3[%add3A_47, %dma_start3A_60] : memref<2560x128xi32, #tpu.memory_space<hbm>> -> memref<1x128xi32, #tpu.memory_space<hbm>>
    %dma_start3A_62 = tpu.memref_squeeze %dma_start3A_61 : memref<1x128xi32, #tpu.memory_space<hbm>> -> memref<128xi32, #tpu.memory_space<hbm>>
    tpu.enqueue_dma source(%dma_start3A_62 : memref<128xi32, #tpu.memory_space<hbm>>) target(%dma_start3A_59 : memref<128xi32, #tpu.memory_space<vmem>>) target_semaphore(%arg8 : memref<!tpu.dma_semaphore, #tpu.memory_space<semaphore_mem>>)
    %scan3A_63 = arith.constant 0 : i32
    %scan3A_64 = arith.constant 160 : i32
    %scan3A_65 = arith.addi %scan3A_63, %scan3A_64 : i32
    %scan3A_66 = arith.constant 1 : i32
    scf.for %scan3A_96 = %scan3A_63 to %scan3A_65 step %scan3A_66  : i32 {
      %mul3A_97 = arith.constant 1 : i32
      %mul3A_98 = arith.muli %scan3A_96, %mul3A_97 : i32
      %add3A_99 = arith.constant 0 : i32
      %add3A_100 = arith.addi %add3A_99, %mul3A_98 : i32
      %dma_wait3A_101 = arith.constant 0 : i32
      %dma_wait3A_102 = arith.constant 0 : i32
      %dma_wait3A_103 = arith.constant 0 : i32
      %dma_wait3A_104 = tpu.memref_slice %arg6[%dma_wait3A_102, %dma_wait3A_103] : memref<384x128xf32, #tpu.memory_space<vmem>> -> memref<128x128xf32, #tpu.memory_space<vmem>>
      %dma_wait3A_105 = arith.constant 0 : i32
      %dma_wait3A_106 = arith.constant 0 : i32
      %dma_wait3A_107 = tpu.memref_slice %arg2[%dma_wait3A_101, %dma_wait3A_105, %dma_wait3A_106] : memref<2x327680x128xf32, #tpu.memory_space<hbm>> -> memref<1x128x128xf32, #tpu.memory_space<hbm>>
      %dma_wait3A_108 = tpu.memref_squeeze %dma_wait3A_107 : memref<1x128x128xf32, #tpu.memory_space<hbm>> -> memref<128x128xf32, #tpu.memory_space<hbm>>
      %dma_wait3A_109 = arith.constant 0 : i32
      %dma_wait3A_110 = arith.constant 0 : i32
      %dma_wait3A_111 = tpu.memref_slice %arg6[%dma_wait3A_109, %dma_wait3A_110] : memref<384x128xf32, #tpu.memory_space<vmem>> -> memref<128x128xf32, #tpu.memory_space<vmem>>
      %dma_wait3A_112 = arith.constant 0 : i32
      %dma_wait3A_113 = arith.constant 0 : i32
      %dma_wait3A_114 = tpu.memref_slice %arg2[%dma_wait3A_101, %dma_wait3A_112, %dma_wait3A_113] : memref<2x327680x128xf32, #tpu.memory_space<hbm>> -> memref<1x128x128xf32, #tpu.memory_space<hbm>>
      %dma_wait3A_115 = tpu.memref_squeeze %dma_wait3A_114 : memref<1x128x128xf32, #tpu.memory_space<hbm>> -> memref<128x128xf32, #tpu.memory_space<hbm>>
      tpu.wait_dma2 semaphore(%arg8 : memref<!tpu.dma_semaphore, #tpu.memory_space<semaphore_mem>>) src(%dma_wait3A_115 : memref<128x128xf32, #tpu.memory_space<hbm>>) dst(%dma_wait3A_111 : memref<128x128xf32, #tpu.memory_space<vmem>>)
      %dma_wait3A_116 = arith.constant 0 : i32
      %dma_wait3A_117 = arith.constant 0 : i32
      %dma_wait3A_118 = arith.constant 0 : i32
      %dma_wait3A_119 = tpu.memref_slice %arg5[%dma_wait3A_117, %dma_wait3A_118] : memref<3x128xi32, #tpu.memory_space<vmem>> -> memref<1x128xi32, #tpu.memory_space<vmem>>
      %dma_wait3A_120 = tpu.memref_squeeze %dma_wait3A_119 : memref<1x128xi32, #tpu.memory_space<vmem>> -> memref<128xi32, #tpu.memory_space<vmem>>
      %dma_wait3A_121 = arith.constant 0 : i32
      %dma_wait3A_122 = tpu.memref_slice %arg3[%dma_wait3A_116, %dma_wait3A_121] : memref<2560x128xi32, #tpu.memory_space<hbm>> -> memref<1x128xi32, #tpu.memory_space<hbm>>
      %dma_wait3A_123 = tpu.memref_squeeze %dma_wait3A_122 : memref<1x128xi32, #tpu.memory_space<hbm>> -> memref<128xi32, #tpu.memory_space<hbm>>
      %dma_wait3A_124 = arith.constant 0 : i32
      %dma_wait3A_125 = tpu.memref_slice %arg5[%dma_wait3A_117, %dma_wait3A_124] : memref<3x128xi32, #tpu.memory_space<vmem>> -> memref<1x128xi32, #tpu.memory_space<vmem>>
      %dma_wait3A_126 = tpu.memref_squeeze %dma_wait3A_125 : memref<1x128xi32, #tpu.memory_space<vmem>> -> memref<128xi32, #tpu.memory_space<vmem>>
      %dma_wait3A_127 = arith.constant 0 : i32
      %dma_wait3A_128 = tpu.memref_slice %arg3[%dma_wait3A_116, %dma_wait3A_127] : memref<2560x128xi32, #tpu.memory_space<hbm>> -> memref<1x128xi32, #tpu.memory_space<hbm>>
      %dma_wait3A_129 = tpu.memref_squeeze %dma_wait3A_128 : memref<1x128xi32, #tpu.memory_space<hbm>> -> memref<128xi32, #tpu.memory_space<hbm>>
      tpu.wait_dma2 semaphore(%arg8 : memref<!tpu.dma_semaphore, #tpu.memory_space<semaphore_mem>>) src(%dma_wait3A_129 : memref<128xi32, #tpu.memory_space<hbm>>) dst(%dma_wait3A_126 : memref<128xi32, #tpu.memory_space<vmem>>)
      %rem3A_130 = arith.constant 3 : i32
      %rem3A_131 = arith.remsi %add3A_100, %rem3A_130 : i32
      %mul3A_132 = arith.constant 128 : i32
      %mul3A_133 = arith.muli %rem3A_131, %mul3A_132 : i32
      %rem3A_134 = arith.constant 3 : i32
      %rem3A_135 = arith.remsi %add3A_100, %rem3A_134 : i32
      %dma_start3A_136 = arith.constant 0 : i32
      %dma_start3A_137 = tpu.memref_slice %arg6[%mul3A_133, %dma_start3A_136] : memref<384x128xf32, #tpu.memory_space<vmem>> -> memref<128x128xf32, #tpu.memory_space<vmem>>
      %dma_start3A_138 = arith.constant 0 : i32
      %dma_start3A_139 = tpu.memref_slice %arg5[%rem3A_135, %dma_start3A_138] : memref<3x128xi32, #tpu.memory_space<vmem>> -> memref<1x128xi32, #tpu.memory_space<vmem>>
      %dma_start3A_140 = tpu.memref_squeeze %dma_start3A_139 : memref<1x128xi32, #tpu.memory_space<vmem>> -> memref<128xi32, #tpu.memory_space<vmem>>
      %dma_start3A_141 = arith.constant 0 : i32
      %dma_start3A_142 = arith.constant 0 : i32
      %dma_start3A_143 = tpu.memref_slice %arg7[%dma_start3A_141, %dma_start3A_142] : memref<10112x128xf32, #tpu.memory_space<vmem_shared>> -> memref<10112x128xf32, #tpu.memory_space<vmem_shared>>
      tpu.enqueue_indirect_dma source(%dma_start3A_137 : memref<128x128xf32, #tpu.memory_space<vmem>>) target(%dma_start3A_143 : memref<10112x128xf32, #tpu.memory_space<vmem_shared>>) offsets(%dma_start3A_140 : memref<128xi32, #tpu.memory_space<vmem>>) semaphore(%arg9 : memref<!tpu.dma_semaphore, #tpu.memory_space<semaphore_mem>>) {add = true}
      %ge3A = arith.constant 2 : i32
      %ge3A_144 = arith.cmpi sge, %add3A_100, %ge3A : i32
      %convert_element_type3A_145 = arith.extui %ge3A_144 : i1 to i32
      %cond3A_146 = arith.constant 0 : i32
      %cond3A_147 = arith.cmpi ne, %convert_element_type3A_145, %cond3A_146 : i32
      scf.if %cond3A_147 {
        %dma_wait3A_154 = arith.constant 0 : i32
        %dma_wait3A_155 = arith.constant 0 : i32
        %dma_wait3A_156 = tpu.memref_slice %arg6[%dma_wait3A_154, %dma_wait3A_155] : memref<384x128xf32, #tpu.memory_space<vmem>> -> memref<128x128xf32, #tpu.memory_space<vmem>>
        %dma_wait3A_157 = arith.constant 0 : i32
        %dma_wait3A_158 = arith.constant 0 : i32
        %dma_wait3A_159 = tpu.memref_slice %arg7[%dma_wait3A_157, %dma_wait3A_158] : memref<10112x128xf32, #tpu.memory_space<vmem_shared>> -> memref<128x128xf32, #tpu.memory_space<vmem_shared>>
        %dma_wait3A_160 = arith.constant 0 : i32
        %dma_wait3A_161 = arith.constant 0 : i32
        %dma_wait3A_162 = tpu.memref_slice %arg7[%dma_wait3A_160, %dma_wait3A_161] : memref<10112x128xf32, #tpu.memory_space<vmem_shared>> -> memref<128x128xf32, #tpu.memory_space<vmem_shared>>
        %dma_wait3A_163 = arith.constant 0 : i32
        %dma_wait3A_164 = arith.constant 0 : i32
        %dma_wait3A_165 = tpu.memref_slice %arg6[%dma_wait3A_163, %dma_wait3A_164] : memref<384x128xf32, #tpu.memory_space<vmem>> -> memref<128x128xf32, #tpu.memory_space<vmem>>
        tpu.wait_dma2 semaphore(%arg9 : memref<!tpu.dma_semaphore, #tpu.memory_space<semaphore_mem>>) src(%dma_wait3A_165 : memref<128x128xf32, #tpu.memory_space<vmem>>) dst(%dma_wait3A_162 : memref<128x128xf32, #tpu.memory_space<vmem_shared>>)
      } else {
      }
      %add3A_148 = arith.constant 1 : i32
      %add3A_149 = arith.addi %add3A_100, %add3A_148 : i32
      %lt3A = arith.constant 160 : i32
      %lt3A_150 = arith.cmpi slt, %add3A_149, %lt3A : i32
      %convert_element_type3A_151 = arith.extui %lt3A_150 : i1 to i32
      %cond3A_152 = arith.constant 0 : i32
      %cond3A_153 = arith.cmpi ne, %convert_element_type3A_151, %cond3A_152 : i32
      scf.if %cond3A_153 {
        %add3A_154 = arith.constant 1 : i32
        %add3A_155 = arith.addi %add3A_100, %add3A_154 : i32
        %mul3A_156 = arith.constant 160 : i32
        %mul3A_157 = arith.muli %arg1, %mul3A_156 : i32
        %add3A_158 = arith.addi %mul3A_157, %add3A_155 : i32
        %mul3A_159 = arith.constant 128 : i32
        %mul3A_160 = arith.muli %add3A_158, %mul3A_159 : i32
        %rem3A_161 = arith.constant 3 : i32
        %rem3A_162 = arith.remsi %add3A_155, %rem3A_161 : i32
        %mul3A_163 = arith.constant 128 : i32
        %mul3A_164 = arith.muli %rem3A_162, %mul3A_163 : i32
        %dma_start3A_165 = arith.constant 0 : i32
        %dma_start3A_166 = tpu.memref_slice %arg6[%mul3A_164, %dma_start3A_165] : memref<384x128xf32, #tpu.memory_space<vmem>> -> memref<128x128xf32, #tpu.memory_space<vmem>>
        %dma_start3A_167 = arith.constant 0 : i32
        %dma_start3A_168 = tpu.memref_slice %arg2[%arg0, %mul3A_160, %dma_start3A_167] : memref<2x327680x128xf32, #tpu.memory_space<hbm>> -> memref<1x128x128xf32, #tpu.memory_space<hbm>>
        %dma_start3A_169 = tpu.memref_squeeze %dma_start3A_168 : memref<1x128x128xf32, #tpu.memory_space<hbm>> -> memref<128x128xf32, #tpu.memory_space<hbm>>
        %dma_start3A_170 = arith.constant 0 : i32
        %dma_start3A_171 = tpu.memref_slice %arg6[%mul3A_164, %dma_start3A_170] : memref<384x128xf32, #tpu.memory_space<vmem>> -> memref<128x128xf32, #tpu.memory_space<vmem>>
        %dma_start3A_172 = arith.constant 0 : i32
        %dma_start3A_173 = tpu.memref_slice %arg2[%arg0, %mul3A_160, %dma_start3A_172] : memref<2x327680x128xf32, #tpu.memory_space<hbm>> -> memref<1x128x128xf32, #tpu.memory_space<hbm>>
        %dma_start3A_174 = tpu.memref_squeeze %dma_start3A_173 : memref<1x128x128xf32, #tpu.memory_space<hbm>> -> memref<128x128xf32, #tpu.memory_space<hbm>>
        tpu.enqueue_dma source(%dma_start3A_174 : memref<128x128xf32, #tpu.memory_space<hbm>>) target(%dma_start3A_171 : memref<128x128xf32, #tpu.memory_space<vmem>>) target_semaphore(%arg8 : memref<!tpu.dma_semaphore, #tpu.memory_space<semaphore_mem>>)
        %mul3A_175 = arith.constant 160 : i32
        %mul3A_176 = arith.muli %arg1, %mul3A_175 : i32
        %add3A_177 = arith.addi %mul3A_176, %add3A_155 : i32
        %rem3A_178 = arith.constant 3 : i32
        %rem3A_179 = arith.remsi %add3A_155, %rem3A_178 : i32
        %dma_start3A_180 = arith.constant 0 : i32
        %dma_start3A_181 = tpu.memref_slice %arg5[%rem3A_179, %dma_start3A_180] : memref<3x128xi32, #tpu.memory_space<vmem>> -> memref<1x128xi32, #tpu.memory_space<vmem>>
        %dma_start3A_182 = tpu.memref_squeeze %dma_start3A_181 : memref<1x128xi32, #tpu.memory_space<vmem>> -> memref<128xi32, #tpu.memory_space<vmem>>
        %dma_start3A_183 = arith.constant 0 : i32
        %dma_start3A_184 = tpu.memref_slice %arg3[%add3A_177, %dma_start3A_183] : memref<2560x128xi32, #tpu.memory_space<hbm>> -> memref<1x128xi32, #tpu.memory_space<hbm>>
        %dma_start3A_185 = tpu.memref_squeeze %dma_start3A_184 : memref<1x128xi32, #tpu.memory_space<hbm>> -> memref<128xi32, #tpu.memory_space<hbm>>
        %dma_start3A_186 = arith.constant 0 : i32
        %dma_start3A_187 = tpu.memref_slice %arg5[%rem3A_179, %dma_start3A_186] : memref<3x128xi32, #tpu.memory_space<vmem>> -> memref<1x128xi32, #tpu.memory_space<vmem>>
        %dma_start3A_188 = tpu.memref_squeeze %dma_start3A_187 : memref<1x128xi32, #tpu.memory_space<vmem>> -> memref<128xi32, #tpu.memory_space<vmem>>
        %dma_start3A_189 = arith.constant 0 : i32
        %dma_start3A_190 = tpu.memref_slice %arg3[%add3A_177, %dma_start3A_189] : memref<2560x128xi32, #tpu.memory_space<hbm>> -> memref<1x128xi32, #tpu.memory_space<hbm>>
        %dma_start3A_191 = tpu.memref_squeeze %dma_start3A_190 : memref<1x128xi32, #tpu.memory_space<hbm>> -> memref<128xi32, #tpu.memory_space<hbm>>
        tpu.enqueue_dma source(%dma_start3A_191 : memref<128xi32, #tpu.memory_space<hbm>>) target(%dma_start3A_188 : memref<128xi32, #tpu.memory_space<vmem>>) target_semaphore(%arg8 : memref<!tpu.dma_semaphore, #tpu.memory_space<semaphore_mem>>)
      } else {
      }
    }
    %scan3A_67 = arith.constant 160 : i32
    %dma_wait3A = arith.constant 0 : i32
    %dma_wait3A_68 = arith.constant 0 : i32
    %dma_wait3A_69 = tpu.memref_slice %arg6[%dma_wait3A, %dma_wait3A_68] : memref<384x128xf32, #tpu.memory_space<vmem>> -> memref<128x128xf32, #tpu.memory_space<vmem>>
    %dma_wait3A_70 = arith.constant 0 : i32
    %dma_wait3A_71 = arith.constant 0 : i32
    %dma_wait3A_72 = tpu.memref_slice %arg7[%dma_wait3A_70, %dma_wait3A_71] : memref<10112x128xf32, #tpu.memory_space<vmem_shared>> -> memref<128x128xf32, #tpu.memory_space<vmem_shared>>
    %dma_wait3A_73 = arith.constant 0 : i32
    %dma_wait3A_74 = arith.constant 0 : i32
    %dma_wait3A_75 = tpu.memref_slice %arg7[%dma_wait3A_73, %dma_wait3A_74] : memref<10112x128xf32, #tpu.memory_space<vmem_shared>> -> memref<128x128xf32, #tpu.memory_space<vmem_shared>>
    %dma_wait3A_76 = arith.constant 0 : i32
    %dma_wait3A_77 = arith.constant 0 : i32
    %dma_wait3A_78 = tpu.memref_slice %arg6[%dma_wait3A_76, %dma_wait3A_77] : memref<384x128xf32, #tpu.memory_space<vmem>> -> memref<128x128xf32, #tpu.memory_space<vmem>>
    tpu.wait_dma2 semaphore(%arg9 : memref<!tpu.dma_semaphore, #tpu.memory_space<semaphore_mem>>) src(%dma_wait3A_78 : memref<128x128xf32, #tpu.memory_space<vmem>>) dst(%dma_wait3A_75 : memref<128x128xf32, #tpu.memory_space<vmem_shared>>)
    %dma_wait3A_79 = arith.constant 0 : i32
    %dma_wait3A_80 = arith.constant 0 : i32
    %dma_wait3A_81 = tpu.memref_slice %arg6[%dma_wait3A_79, %dma_wait3A_80] : memref<384x128xf32, #tpu.memory_space<vmem>> -> memref<128x128xf32, #tpu.memory_space<vmem>>
    %dma_wait3A_82 = arith.constant 0 : i32
    %dma_wait3A_83 = arith.constant 0 : i32
    %dma_wait3A_84 = tpu.memref_slice %arg7[%dma_wait3A_82, %dma_wait3A_83] : memref<10112x128xf32, #tpu.memory_space<vmem_shared>> -> memref<128x128xf32, #tpu.memory_space<vmem_shared>>
    %dma_wait3A_85 = arith.constant 0 : i32
    %dma_wait3A_86 = arith.constant 0 : i32
    %dma_wait3A_87 = tpu.memref_slice %arg7[%dma_wait3A_85, %dma_wait3A_86] : memref<10112x128xf32, #tpu.memory_space<vmem_shared>> -> memref<128x128xf32, #tpu.memory_space<vmem_shared>>
    %dma_wait3A_88 = arith.constant 0 : i32
    %dma_wait3A_89 = arith.constant 0 : i32
    %dma_wait3A_90 = tpu.memref_slice %arg6[%dma_wait3A_88, %dma_wait3A_89] : memref<384x128xf32, #tpu.memory_space<vmem>> -> memref<128x128xf32, #tpu.memory_space<vmem>>
    tpu.wait_dma2 semaphore(%arg9 : memref<!tpu.dma_semaphore, #tpu.memory_space<semaphore_mem>>) src(%dma_wait3A_90 : memref<128x128xf32, #tpu.memory_space<vmem>>) dst(%dma_wait3A_87 : memref<128x128xf32, #tpu.memory_space<vmem_shared>>)
    %barrier3A_91 = arith.constant 0 : index
    tpu.barrier barrier_id(%barrier3A_91)
    %mul3A_92 = arith.constant 632 : i32
    %mul3A_93 = arith.muli %arg1, %mul3A_92 : i32
    %mul3A_94 = arith.constant 632 : i32
    %mul3A_95 = arith.muli %arg1, %mul3A_94 : i32
    "tpu.region"() ({
      %run_scoped3A = tpu.sem_alloc : memref<!tpu.dma_semaphore, #tpu.memory_space<semaphore_mem>>
      %dma_start3A_96 = arith.constant 0 : i32
      %dma_start3A_97 = tpu.memref_slice %arg4[%arg0, %mul3A_95, %dma_start3A_96] : memref<2x10240x128xf32, #tpu.memory_space<hbm>> -> memref<1x632x128xf32, #tpu.memory_space<hbm>>
      %dma_start3A_98 = tpu.memref_squeeze %dma_start3A_97 : memref<1x632x128xf32, #tpu.memory_space<hbm>> -> memref<632x128xf32, #tpu.memory_space<hbm>>
      %dma_start3A_99 = arith.constant 0 : i32
      %dma_start3A_100 = tpu.memref_slice %arg7[%mul3A_93, %dma_start3A_99] : memref<10112x128xf32, #tpu.memory_space<vmem_shared>> -> memref<632x128xf32, #tpu.memory_space<vmem_shared>>
      tpu.enqueue_dma source(%dma_start3A_100 : memref<632x128xf32, #tpu.memory_space<vmem_shared>>) target(%dma_start3A_98 : memref<632x128xf32, #tpu.memory_space<hbm>>) target_semaphore(%run_scoped3A : memref<!tpu.dma_semaphore, #tpu.memory_space<semaphore_mem>>)
      %dma_wait3A_101 = arith.constant 0 : i32
      %dma_wait3A_102 = tpu.memref_slice %arg4[%arg0, %mul3A_95, %dma_wait3A_101] : memref<2x10240x128xf32, #tpu.memory_space<hbm>> -> memref<1x632x128xf32, #tpu.memory_space<hbm>>
      %dma_wait3A_103 = tpu.memref_squeeze %dma_wait3A_102 : memref<1x632x128xf32, #tpu.memory_space<hbm>> -> memref<632x128xf32, #tpu.memory_space<hbm>>
      %dma_wait3A_104 = arith.constant 0 : i32
      %dma_wait3A_105 = tpu.memref_slice %arg7[%mul3A_93, %dma_wait3A_104] : memref<10112x128xf32, #tpu.memory_space<vmem_shared>> -> memref<632x128xf32, #tpu.memory_space<vmem_shared>>
      tpu.wait_dma2 semaphore(%run_scoped3A : memref<!tpu.dma_semaphore, #tpu.memory_space<semaphore_mem>>) src(%dma_wait3A_105 : memref<632x128xf32, #tpu.memory_space<vmem_shared>>) dst(%dma_wait3A_103 : memref<632x128xf32, #tpu.memory_space<hbm>>)
      tpu.yield
    }) : () -> ()
    return
  }
}

#map = affine_map<(d0, d1) -> (0, 0)>
module attributes {stable_mosaic.version = 14 : i64} {
  func.func @k(%arg0: i32, %arg1: i32, %arg2: memref<10240x256xf32, #tpu.memory_space<hbm>>, %arg3: memref<2640x128xi32, #tpu.memory_space<hbm>>, %arg4: memref<327680x256xf32, #tpu.memory_space<hbm>>, %arg5: memref<120x128xi32, #tpu.memory_space<vmem>>, %arg6: memref<448x256xf32, #tpu.memory_space<vmem>>, %arg7: memref<!tpu.dma_semaphore, #tpu.memory_space<semaphore_mem>>, %arg8: memref<!tpu.dma_semaphore, #tpu.memory_space<semaphore_mem>>) attributes {dimension_semantics = [#tpu.dimension_semantics<core_parallel>, #tpu.dimension_semantics<subcore_parallel>], iteration_bounds = array<i64: 2, 16>, scalar_prefetch = 0 : i64, scratch_operands = 4 : i64, tpu.core_type = #tpu.core_type<sc_vector_subcore>, window_params = [{transform_indices = #map}, {transform_indices = #map}, {transform_indices = #map}]} {
    %eq3A = arith.constant 0 : i32
    %eq3A_0 = arith.cmpi eq, %arg0, %eq3A : i32
    %jit3A = arith.constant 240 : i32
    %jit3A_1 = arith.constant 80 : i32
    %select_n3A = arith.select %eq3A_0, %jit3A, %jit3A_1 : i32
    %eq3A_2 = arith.constant 0 : i32
    %eq3A_3 = arith.cmpi eq, %arg0, %eq3A_2 : i32
    %mul3A = arith.constant 240 : i32
    %mul3A_4 = arith.muli %arg1, %mul3A : i32
    %mul3A_5 = arith.constant 80 : i32
    %mul3A_6 = arith.muli %arg1, %mul3A_5 : i32
    %add3A = arith.constant 3840 : i32
    %add3A_7 = arith.addi %add3A, %mul3A_6 : i32
    %select_n3A_8 = arith.select %eq3A_3, %mul3A_4, %add3A_7 : i32
    %div3A = arith.constant 2 : i32
    %div3A_9 = arith.divsi %select_n3A_8, %div3A : i32
    "tpu.region"() ({
      %run_scoped3A = tpu.sem_alloc : memref<!tpu.dma_semaphore, #tpu.memory_space<semaphore_mem>>
      %dma_start3A_148 = arith.constant 0 : i32
      %dma_start3A_149 = tpu.memref_slice %arg3[%div3A_9, %dma_start3A_148] : memref<2640x128xi32, #tpu.memory_space<hbm>> -> memref<120x128xi32, #tpu.memory_space<hbm>>
      %dma_start3A_150 = arith.constant 0 : i32
      %dma_start3A_151 = tpu.memref_slice %arg3[%div3A_9, %dma_start3A_150] : memref<2640x128xi32, #tpu.memory_space<hbm>> -> memref<120x128xi32, #tpu.memory_space<hbm>>
      tpu.enqueue_dma source(%dma_start3A_151 : memref<120x128xi32, #tpu.memory_space<hbm>>) target(%arg5 : memref<120x128xi32, #tpu.memory_space<vmem>>) target_semaphore(%run_scoped3A : memref<!tpu.dma_semaphore, #tpu.memory_space<semaphore_mem>>)
      %dma_wait3A_152 = arith.constant 0 : i32
      %dma_wait3A_153 = tpu.memref_slice %arg3[%div3A_9, %dma_wait3A_152] : memref<2640x128xi32, #tpu.memory_space<hbm>> -> memref<120x128xi32, #tpu.memory_space<hbm>>
      %dma_wait3A_154 = arith.constant 0 : i32
      %dma_wait3A_155 = tpu.memref_slice %arg3[%div3A_9, %dma_wait3A_154] : memref<2640x128xi32, #tpu.memory_space<hbm>> -> memref<120x128xi32, #tpu.memory_space<hbm>>
      tpu.wait_dma2 semaphore(%run_scoped3A : memref<!tpu.dma_semaphore, #tpu.memory_space<semaphore_mem>>) src(%dma_wait3A_155 : memref<120x128xi32, #tpu.memory_space<hbm>>) dst(%arg5 : memref<120x128xi32, #tpu.memory_space<vmem>>)
      tpu.yield
    }) : () -> ()
    %div3A_10 = arith.constant 0 : i32
    %div3A_11 = arith.constant 2 : i32
    %div3A_12 = arith.divsi %div3A_10, %div3A_11 : i32
    %rem3A = arith.constant 0 : i32
    %rem3A_13 = arith.constant 2 : i32
    %rem3A_14 = arith.remsi %rem3A, %rem3A_13 : i32
    %mul3A_15 = arith.constant 64 : i32
    %mul3A_16 = arith.muli %rem3A_14, %mul3A_15 : i32
    %rem3A_17 = arith.constant 0 : i32
    %rem3A_18 = arith.constant 7 : i32
    %rem3A_19 = arith.remsi %rem3A_17, %rem3A_18 : i32
    %mul3A_20 = arith.constant 64 : i32
    %mul3A_21 = arith.muli %rem3A_19, %mul3A_20 : i32
    %dma_start3A = arith.constant 0 : i32
    %dma_start3A_22 = tpu.memref_slice %arg6[%mul3A_21, %dma_start3A] : memref<448x256xf32, #tpu.memory_space<vmem>> -> memref<64x256xf32, #tpu.memory_space<vmem>>
    %dma_start3A_23 = tpu.memref_slice %arg5[%div3A_12, %mul3A_16] : memref<120x128xi32, #tpu.memory_space<vmem>> -> memref<1x64xi32, #tpu.memory_space<vmem>>
    %dma_start3A_24 = tpu.memref_squeeze %dma_start3A_23 : memref<1x64xi32, #tpu.memory_space<vmem>> -> memref<64xi32, #tpu.memory_space<vmem>>
    %dma_start3A_25 = arith.constant 0 : i32
    %dma_start3A_26 = arith.constant 0 : i32
    %dma_start3A_27 = tpu.memref_slice %arg2[%dma_start3A_25, %dma_start3A_26] : memref<10240x256xf32, #tpu.memory_space<hbm>> -> memref<10240x256xf32, #tpu.memory_space<hbm>>
    tpu.enqueue_indirect_dma source(%dma_start3A_27 : memref<10240x256xf32, #tpu.memory_space<hbm>>) target(%dma_start3A_22 : memref<64x256xf32, #tpu.memory_space<vmem>>) offsets(%dma_start3A_24 : memref<64xi32, #tpu.memory_space<vmem>>) semaphore(%arg7 : memref<!tpu.dma_semaphore, #tpu.memory_space<semaphore_mem>>)
    %div3A_28 = arith.constant 1 : i32
    %div3A_29 = arith.constant 2 : i32
    %div3A_30 = arith.divsi %div3A_28, %div3A_29 : i32
    %rem3A_31 = arith.constant 1 : i32
    %rem3A_32 = arith.constant 2 : i32
    %rem3A_33 = arith.remsi %rem3A_31, %rem3A_32 : i32
    %mul3A_34 = arith.constant 64 : i32
    %mul3A_35 = arith.muli %rem3A_33, %mul3A_34 : i32
    %rem3A_36 = arith.constant 1 : i32
    %rem3A_37 = arith.constant 7 : i32
    %rem3A_38 = arith.remsi %rem3A_36, %rem3A_37 : i32
    %mul3A_39 = arith.constant 64 : i32
    %mul3A_40 = arith.muli %rem3A_38, %mul3A_39 : i32
    %dma_start3A_41 = arith.constant 0 : i32
    %dma_start3A_42 = tpu.memref_slice %arg6[%mul3A_40, %dma_start3A_41] : memref<448x256xf32, #tpu.memory_space<vmem>> -> memref<64x256xf32, #tpu.memory_space<vmem>>
    %dma_start3A_43 = tpu.memref_slice %arg5[%div3A_30, %mul3A_35] : memref<120x128xi32, #tpu.memory_space<vmem>> -> memref<1x64xi32, #tpu.memory_space<vmem>>
    %dma_start3A_44 = tpu.memref_squeeze %dma_start3A_43 : memref<1x64xi32, #tpu.memory_space<vmem>> -> memref<64xi32, #tpu.memory_space<vmem>>
    %dma_start3A_45 = arith.constant 0 : i32
    %dma_start3A_46 = arith.constant 0 : i32
    %dma_start3A_47 = tpu.memref_slice %arg2[%dma_start3A_45, %dma_start3A_46] : memref<10240x256xf32, #tpu.memory_space<hbm>> -> memref<10240x256xf32, #tpu.memory_space<hbm>>
    tpu.enqueue_indirect_dma source(%dma_start3A_47 : memref<10240x256xf32, #tpu.memory_space<hbm>>) target(%dma_start3A_42 : memref<64x256xf32, #tpu.memory_space<vmem>>) offsets(%dma_start3A_44 : memref<64xi32, #tpu.memory_space<vmem>>) semaphore(%arg7 : memref<!tpu.dma_semaphore, #tpu.memory_space<semaphore_mem>>)
    %div3A_48 = arith.constant 2 : i32
    %div3A_49 = arith.constant 2 : i32
    %div3A_50 = arith.divsi %div3A_48, %div3A_49 : i32
    %rem3A_51 = arith.constant 2 : i32
    %rem3A_52 = arith.constant 2 : i32
    %rem3A_53 = arith.remsi %rem3A_51, %rem3A_52 : i32
    %mul3A_54 = arith.constant 64 : i32
    %mul3A_55 = arith.muli %rem3A_53, %mul3A_54 : i32
    %rem3A_56 = arith.constant 2 : i32
    %rem3A_57 = arith.constant 7 : i32
    %rem3A_58 = arith.remsi %rem3A_56, %rem3A_57 : i32
    %mul3A_59 = arith.constant 64 : i32
    %mul3A_60 = arith.muli %rem3A_58, %mul3A_59 : i32
    %dma_start3A_61 = arith.constant 0 : i32
    %dma_start3A_62 = tpu.memref_slice %arg6[%mul3A_60, %dma_start3A_61] : memref<448x256xf32, #tpu.memory_space<vmem>> -> memref<64x256xf32, #tpu.memory_space<vmem>>
    %dma_start3A_63 = tpu.memref_slice %arg5[%div3A_50, %mul3A_55] : memref<120x128xi32, #tpu.memory_space<vmem>> -> memref<1x64xi32, #tpu.memory_space<vmem>>
    %dma_start3A_64 = tpu.memref_squeeze %dma_start3A_63 : memref<1x64xi32, #tpu.memory_space<vmem>> -> memref<64xi32, #tpu.memory_space<vmem>>
    %dma_start3A_65 = arith.constant 0 : i32
    %dma_start3A_66 = arith.constant 0 : i32
    %dma_start3A_67 = tpu.memref_slice %arg2[%dma_start3A_65, %dma_start3A_66] : memref<10240x256xf32, #tpu.memory_space<hbm>> -> memref<10240x256xf32, #tpu.memory_space<hbm>>
    tpu.enqueue_indirect_dma source(%dma_start3A_67 : memref<10240x256xf32, #tpu.memory_space<hbm>>) target(%dma_start3A_62 : memref<64x256xf32, #tpu.memory_space<vmem>>) offsets(%dma_start3A_64 : memref<64xi32, #tpu.memory_space<vmem>>) semaphore(%arg7 : memref<!tpu.dma_semaphore, #tpu.memory_space<semaphore_mem>>)
    %div3A_68 = arith.constant 3 : i32
    %div3A_69 = arith.constant 2 : i32
    %div3A_70 = arith.divsi %div3A_68, %div3A_69 : i32
    %rem3A_71 = arith.constant 3 : i32
    %rem3A_72 = arith.constant 2 : i32
    %rem3A_73 = arith.remsi %rem3A_71, %rem3A_72 : i32
    %mul3A_74 = arith.constant 64 : i32
    %mul3A_75 = arith.muli %rem3A_73, %mul3A_74 : i32
    %rem3A_76 = arith.constant 3 : i32
    %rem3A_77 = arith.constant 7 : i32
    %rem3A_78 = arith.remsi %rem3A_76, %rem3A_77 : i32
    %mul3A_79 = arith.constant 64 : i32
    %mul3A_80 = arith.muli %rem3A_78, %mul3A_79 : i32
    %dma_start3A_81 = arith.constant 0 : i32
    %dma_start3A_82 = tpu.memref_slice %arg6[%mul3A_80, %dma_start3A_81] : memref<448x256xf32, #tpu.memory_space<vmem>> -> memref<64x256xf32, #tpu.memory_space<vmem>>
    %dma_start3A_83 = tpu.memref_slice %arg5[%div3A_70, %mul3A_75] : memref<120x128xi32, #tpu.memory_space<vmem>> -> memref<1x64xi32, #tpu.memory_space<vmem>>
    %dma_start3A_84 = tpu.memref_squeeze %dma_start3A_83 : memref<1x64xi32, #tpu.memory_space<vmem>> -> memref<64xi32, #tpu.memory_space<vmem>>
    %dma_start3A_85 = arith.constant 0 : i32
    %dma_start3A_86 = arith.constant 0 : i32
    %dma_start3A_87 = tpu.memref_slice %arg2[%dma_start3A_85, %dma_start3A_86] : memref<10240x256xf32, #tpu.memory_space<hbm>> -> memref<10240x256xf32, #tpu.memory_space<hbm>>
    tpu.enqueue_indirect_dma source(%dma_start3A_87 : memref<10240x256xf32, #tpu.memory_space<hbm>>) target(%dma_start3A_82 : memref<64x256xf32, #tpu.memory_space<vmem>>) offsets(%dma_start3A_84 : memref<64xi32, #tpu.memory_space<vmem>>) semaphore(%arg7 : memref<!tpu.dma_semaphore, #tpu.memory_space<semaphore_mem>>)
    %div3A_88 = arith.constant 4 : i32
    %div3A_89 = arith.constant 2 : i32
    %div3A_90 = arith.divsi %div3A_88, %div3A_89 : i32
    %rem3A_91 = arith.constant 4 : i32
    %rem3A_92 = arith.constant 2 : i32
    %rem3A_93 = arith.remsi %rem3A_91, %rem3A_92 : i32
    %mul3A_94 = arith.constant 64 : i32
    %mul3A_95 = arith.muli %rem3A_93, %mul3A_94 : i32
    %rem3A_96 = arith.constant 4 : i32
    %rem3A_97 = arith.constant 7 : i32
    %rem3A_98 = arith.remsi %rem3A_96, %rem3A_97 : i32
    %mul3A_99 = arith.constant 64 : i32
    %mul3A_100 = arith.muli %rem3A_98, %mul3A_99 : i32
    %dma_start3A_101 = arith.constant 0 : i32
    %dma_start3A_102 = tpu.memref_slice %arg6[%mul3A_100, %dma_start3A_101] : memref<448x256xf32, #tpu.memory_space<vmem>> -> memref<64x256xf32, #tpu.memory_space<vmem>>
    %dma_start3A_103 = tpu.memref_slice %arg5[%div3A_90, %mul3A_95] : memref<120x128xi32, #tpu.memory_space<vmem>> -> memref<1x64xi32, #tpu.memory_space<vmem>>
    %dma_start3A_104 = tpu.memref_squeeze %dma_start3A_103 : memref<1x64xi32, #tpu.memory_space<vmem>> -> memref<64xi32, #tpu.memory_space<vmem>>
    %dma_start3A_105 = arith.constant 0 : i32
    %dma_start3A_106 = arith.constant 0 : i32
    %dma_start3A_107 = tpu.memref_slice %arg2[%dma_start3A_105, %dma_start3A_106] : memref<10240x256xf32, #tpu.memory_space<hbm>> -> memref<10240x256xf32, #tpu.memory_space<hbm>>
    tpu.enqueue_indirect_dma source(%dma_start3A_107 : memref<10240x256xf32, #tpu.memory_space<hbm>>) target(%dma_start3A_102 : memref<64x256xf32, #tpu.memory_space<vmem>>) offsets(%dma_start3A_104 : memref<64xi32, #tpu.memory_space<vmem>>) semaphore(%arg7 : memref<!tpu.dma_semaphore, #tpu.memory_space<semaphore_mem>>)
    %sub3A = arith.constant 0 : i32
    %sub3A_108 = arith.subi %select_n3A, %sub3A : i32
    %sub3A_109 = arith.constant 1 : i32
    %sub3A_110 = arith.constant 1 : i32
    %sub3A_111 = arith.subi %sub3A_109, %sub3A_110 : i32
    %add3A_112 = arith.addi %sub3A_108, %sub3A_111 : i32
    %div3A_113 = arith.constant 1 : i32
    %div3A_114 = arith.divsi %add3A_112, %div3A_113 : i32
    %while3A = arith.constant 1 : i32
    %while3A_115 = arith.constant 0 : i32
    %while3A_116 = arith.constant 0 : i32
    %while3A_117 = arith.subi %div3A_114, %while3A_116 : i32
    %while3A_118 = arith.addi %while3A_116, %while3A_117 : i32
    %while3A_119 = arith.constant 1 : i32
    %while3A_120 = arith.divsi %while3A_117, %while3A_119 : i32
    %while3A_121 = arith.muli %while3A_120, %while3A_119 : i32
    %while3A_122 = arith.addi %while3A_116, %while3A_121 : i32
    %while3A_123 = arith.constant 1 : i32
    scf.for %while3A_148 = %while3A_116 to %while3A_122 step %while3A_123  : i32 {
      %mul3A_149 = arith.muli %while3A_148, %while3A : i32
      %add3A_150 = arith.addi %while3A_115, %mul3A_149 : i32
      %dma_wait3A_151 = arith.constant 0 : i32
      %dma_wait3A_152 = arith.constant 0 : i32
      %dma_wait3A_153 = tpu.memref_slice %arg6[%dma_wait3A_151, %dma_wait3A_152] : memref<448x256xf32, #tpu.memory_space<vmem>> -> memref<64x256xf32, #tpu.memory_space<vmem>>
      %dma_wait3A_154 = arith.constant 0 : i32
      %dma_wait3A_155 = arith.constant 0 : i32
      %dma_wait3A_156 = tpu.memref_slice %arg2[%dma_wait3A_154, %dma_wait3A_155] : memref<10240x256xf32, #tpu.memory_space<hbm>> -> memref<64x256xf32, #tpu.memory_space<hbm>>
      %dma_wait3A_157 = arith.constant 0 : i32
      %dma_wait3A_158 = arith.constant 0 : i32
      %dma_wait3A_159 = tpu.memref_slice %arg6[%dma_wait3A_157, %dma_wait3A_158] : memref<448x256xf32, #tpu.memory_space<vmem>> -> memref<64x256xf32, #tpu.memory_space<vmem>>
      %dma_wait3A_160 = arith.constant 0 : i32
      %dma_wait3A_161 = arith.constant 0 : i32
      %dma_wait3A_162 = tpu.memref_slice %arg2[%dma_wait3A_160, %dma_wait3A_161] : memref<10240x256xf32, #tpu.memory_space<hbm>> -> memref<64x256xf32, #tpu.memory_space<hbm>>
      tpu.wait_dma2 semaphore(%arg7 : memref<!tpu.dma_semaphore, #tpu.memory_space<semaphore_mem>>) src(%dma_wait3A_162 : memref<64x256xf32, #tpu.memory_space<hbm>>) dst(%dma_wait3A_159 : memref<64x256xf32, #tpu.memory_space<vmem>>)
      %rem3A_163 = arith.constant 7 : i32
      %rem3A_164 = arith.remsi %add3A_150, %rem3A_163 : i32
      %mul3A_165 = arith.constant 64 : i32
      %mul3A_166 = arith.muli %rem3A_164, %mul3A_165 : i32
      %add3A_167 = arith.addi %select_n3A_8, %add3A_150 : i32
      %mul3A_168 = arith.constant 64 : i32
      %mul3A_169 = arith.muli %add3A_167, %mul3A_168 : i32
      %dma_start3A_170 = arith.constant 0 : i32
      %dma_start3A_171 = tpu.memref_slice %arg6[%mul3A_166, %dma_start3A_170] : memref<448x256xf32, #tpu.memory_space<vmem>> -> memref<64x256xf32, #tpu.memory_space<vmem>>
      %dma_start3A_172 = arith.constant 0 : i32
      %dma_start3A_173 = tpu.memref_slice %arg4[%mul3A_169, %dma_start3A_172] : memref<327680x256xf32, #tpu.memory_space<hbm>> -> memref<64x256xf32, #tpu.memory_space<hbm>>
      %dma_start3A_174 = arith.constant 0 : i32
      %dma_start3A_175 = tpu.memref_slice %arg4[%mul3A_169, %dma_start3A_174] : memref<327680x256xf32, #tpu.memory_space<hbm>> -> memref<64x256xf32, #tpu.memory_space<hbm>>
      %dma_start3A_176 = arith.constant 0 : i32
      %dma_start3A_177 = tpu.memref_slice %arg6[%mul3A_166, %dma_start3A_176] : memref<448x256xf32, #tpu.memory_space<vmem>> -> memref<64x256xf32, #tpu.memory_space<vmem>>
      tpu.enqueue_dma source(%dma_start3A_177 : memref<64x256xf32, #tpu.memory_space<vmem>>) target(%dma_start3A_175 : memref<64x256xf32, #tpu.memory_space<hbm>>) target_semaphore(%arg8 : memref<!tpu.dma_semaphore, #tpu.memory_space<semaphore_mem>>)
      %ge3A = arith.constant 2 : i32
      %ge3A_178 = arith.cmpi sge, %add3A_150, %ge3A : i32
      %convert_element_type3A = arith.extui %ge3A_178 : i1 to i32
      %cond3A = arith.constant 0 : i32
      %cond3A_179 = arith.cmpi ne, %convert_element_type3A, %cond3A : i32
      scf.if %cond3A_179 {
        %dma_wait3A_185 = arith.constant 0 : i32
        %dma_wait3A_186 = arith.constant 0 : i32
        %dma_wait3A_187 = tpu.memref_slice %arg6[%dma_wait3A_185, %dma_wait3A_186] : memref<448x256xf32, #tpu.memory_space<vmem>> -> memref<64x256xf32, #tpu.memory_space<vmem>>
        %dma_wait3A_188 = arith.constant 0 : i32
        %dma_wait3A_189 = arith.constant 0 : i32
        %dma_wait3A_190 = tpu.memref_slice %arg4[%dma_wait3A_188, %dma_wait3A_189] : memref<327680x256xf32, #tpu.memory_space<hbm>> -> memref<64x256xf32, #tpu.memory_space<hbm>>
        %dma_wait3A_191 = arith.constant 0 : i32
        %dma_wait3A_192 = arith.constant 0 : i32
        %dma_wait3A_193 = tpu.memref_slice %arg4[%dma_wait3A_191, %dma_wait3A_192] : memref<327680x256xf32, #tpu.memory_space<hbm>> -> memref<64x256xf32, #tpu.memory_space<hbm>>
        %dma_wait3A_194 = arith.constant 0 : i32
        %dma_wait3A_195 = arith.constant 0 : i32
        %dma_wait3A_196 = tpu.memref_slice %arg6[%dma_wait3A_194, %dma_wait3A_195] : memref<448x256xf32, #tpu.memory_space<vmem>> -> memref<64x256xf32, #tpu.memory_space<vmem>>
        tpu.wait_dma2 semaphore(%arg8 : memref<!tpu.dma_semaphore, #tpu.memory_space<semaphore_mem>>) src(%dma_wait3A_196 : memref<64x256xf32, #tpu.memory_space<vmem>>) dst(%dma_wait3A_193 : memref<64x256xf32, #tpu.memory_space<hbm>>)
      } else {
      }
      %add3A_180 = arith.constant 5 : i32
      %add3A_181 = arith.addi %add3A_150, %add3A_180 : i32
      %lt3A = arith.cmpi slt, %add3A_181, %select_n3A : i32
      %convert_element_type3A_182 = arith.extui %lt3A : i1 to i32
      %cond3A_183 = arith.constant 0 : i32
      %cond3A_184 = arith.cmpi ne, %convert_element_type3A_182, %cond3A_183 : i32
      scf.if %cond3A_184 {
        %add3A_185 = arith.constant 5 : i32
        %add3A_186 = arith.addi %add3A_150, %add3A_185 : i32
        %div3A_187 = arith.constant 2 : i32
        %div3A_188 = arith.divsi %add3A_186, %div3A_187 : i32
        %rem3A_189 = arith.constant 2 : i32
        %rem3A_190 = arith.remsi %add3A_186, %rem3A_189 : i32
        %mul3A_191 = arith.constant 64 : i32
        %mul3A_192 = arith.muli %rem3A_190, %mul3A_191 : i32
        %rem3A_193 = arith.constant 7 : i32
        %rem3A_194 = arith.remsi %add3A_186, %rem3A_193 : i32
        %mul3A_195 = arith.constant 64 : i32
        %mul3A_196 = arith.muli %rem3A_194, %mul3A_195 : i32
        %dma_start3A_197 = arith.constant 0 : i32
        %dma_start3A_198 = tpu.memref_slice %arg6[%mul3A_196, %dma_start3A_197] : memref<448x256xf32, #tpu.memory_space<vmem>> -> memref<64x256xf32, #tpu.memory_space<vmem>>
        %dma_start3A_199 = tpu.memref_slice %arg5[%div3A_188, %mul3A_192] : memref<120x128xi32, #tpu.memory_space<vmem>> -> memref<1x64xi32, #tpu.memory_space<vmem>>
        %dma_start3A_200 = tpu.memref_squeeze %dma_start3A_199 : memref<1x64xi32, #tpu.memory_space<vmem>> -> memref<64xi32, #tpu.memory_space<vmem>>
        %dma_start3A_201 = arith.constant 0 : i32
        %dma_start3A_202 = arith.constant 0 : i32
        %dma_start3A_203 = tpu.memref_slice %arg2[%dma_start3A_201, %dma_start3A_202] : memref<10240x256xf32, #tpu.memory_space<hbm>> -> memref<10240x256xf32, #tpu.memory_space<hbm>>
        tpu.enqueue_indirect_dma source(%dma_start3A_203 : memref<10240x256xf32, #tpu.memory_space<hbm>>) target(%dma_start3A_198 : memref<64x256xf32, #tpu.memory_space<vmem>>) offsets(%dma_start3A_200 : memref<64xi32, #tpu.memory_space<vmem>>) semaphore(%arg7 : memref<!tpu.dma_semaphore, #tpu.memory_space<semaphore_mem>>)
      } else {
      }
    }
    %while3A_124 = arith.constant 1 : i32
    scf.for %while3A_148 = %while3A_122 to %while3A_118 step %while3A_124  : i32 {
      %mul3A_149 = arith.muli %while3A_148, %while3A : i32
      %add3A_150 = arith.addi %while3A_115, %mul3A_149 : i32
      %dma_wait3A_151 = arith.constant 0 : i32
      %dma_wait3A_152 = arith.constant 0 : i32
      %dma_wait3A_153 = tpu.memref_slice %arg6[%dma_wait3A_151, %dma_wait3A_152] : memref<448x256xf32, #tpu.memory_space<vmem>> -> memref<64x256xf32, #tpu.memory_space<vmem>>
      %dma_wait3A_154 = arith.constant 0 : i32
      %dma_wait3A_155 = arith.constant 0 : i32
      %dma_wait3A_156 = tpu.memref_slice %arg2[%dma_wait3A_154, %dma_wait3A_155] : memref<10240x256xf32, #tpu.memory_space<hbm>> -> memref<64x256xf32, #tpu.memory_space<hbm>>
      %dma_wait3A_157 = arith.constant 0 : i32
      %dma_wait3A_158 = arith.constant 0 : i32
      %dma_wait3A_159 = tpu.memref_slice %arg6[%dma_wait3A_157, %dma_wait3A_158] : memref<448x256xf32, #tpu.memory_space<vmem>> -> memref<64x256xf32, #tpu.memory_space<vmem>>
      %dma_wait3A_160 = arith.constant 0 : i32
      %dma_wait3A_161 = arith.constant 0 : i32
      %dma_wait3A_162 = tpu.memref_slice %arg2[%dma_wait3A_160, %dma_wait3A_161] : memref<10240x256xf32, #tpu.memory_space<hbm>> -> memref<64x256xf32, #tpu.memory_space<hbm>>
      tpu.wait_dma2 semaphore(%arg7 : memref<!tpu.dma_semaphore, #tpu.memory_space<semaphore_mem>>) src(%dma_wait3A_162 : memref<64x256xf32, #tpu.memory_space<hbm>>) dst(%dma_wait3A_159 : memref<64x256xf32, #tpu.memory_space<vmem>>)
      %rem3A_163 = arith.constant 7 : i32
      %rem3A_164 = arith.remsi %add3A_150, %rem3A_163 : i32
      %mul3A_165 = arith.constant 64 : i32
      %mul3A_166 = arith.muli %rem3A_164, %mul3A_165 : i32
      %add3A_167 = arith.addi %select_n3A_8, %add3A_150 : i32
      %mul3A_168 = arith.constant 64 : i32
      %mul3A_169 = arith.muli %add3A_167, %mul3A_168 : i32
      %dma_start3A_170 = arith.constant 0 : i32
      %dma_start3A_171 = tpu.memref_slice %arg6[%mul3A_166, %dma_start3A_170] : memref<448x256xf32, #tpu.memory_space<vmem>> -> memref<64x256xf32, #tpu.memory_space<vmem>>
      %dma_start3A_172 = arith.constant 0 : i32
      %dma_start3A_173 = tpu.memref_slice %arg4[%mul3A_169, %dma_start3A_172] : memref<327680x256xf32, #tpu.memory_space<hbm>> -> memref<64x256xf32, #tpu.memory_space<hbm>>
      %dma_start3A_174 = arith.constant 0 : i32
      %dma_start3A_175 = tpu.memref_slice %arg4[%mul3A_169, %dma_start3A_174] : memref<327680x256xf32, #tpu.memory_space<hbm>> -> memref<64x256xf32, #tpu.memory_space<hbm>>
      %dma_start3A_176 = arith.constant 0 : i32
      %dma_start3A_177 = tpu.memref_slice %arg6[%mul3A_166, %dma_start3A_176] : memref<448x256xf32, #tpu.memory_space<vmem>> -> memref<64x256xf32, #tpu.memory_space<vmem>>
      tpu.enqueue_dma source(%dma_start3A_177 : memref<64x256xf32, #tpu.memory_space<vmem>>) target(%dma_start3A_175 : memref<64x256xf32, #tpu.memory_space<hbm>>) target_semaphore(%arg8 : memref<!tpu.dma_semaphore, #tpu.memory_space<semaphore_mem>>)
      %ge3A = arith.constant 2 : i32
      %ge3A_178 = arith.cmpi sge, %add3A_150, %ge3A : i32
      %convert_element_type3A = arith.extui %ge3A_178 : i1 to i32
      %cond3A = arith.constant 0 : i32
      %cond3A_179 = arith.cmpi ne, %convert_element_type3A, %cond3A : i32
      scf.if %cond3A_179 {
        %dma_wait3A_185 = arith.constant 0 : i32
        %dma_wait3A_186 = arith.constant 0 : i32
        %dma_wait3A_187 = tpu.memref_slice %arg6[%dma_wait3A_185, %dma_wait3A_186] : memref<448x256xf32, #tpu.memory_space<vmem>> -> memref<64x256xf32, #tpu.memory_space<vmem>>
        %dma_wait3A_188 = arith.constant 0 : i32
        %dma_wait3A_189 = arith.constant 0 : i32
        %dma_wait3A_190 = tpu.memref_slice %arg4[%dma_wait3A_188, %dma_wait3A_189] : memref<327680x256xf32, #tpu.memory_space<hbm>> -> memref<64x256xf32, #tpu.memory_space<hbm>>
        %dma_wait3A_191 = arith.constant 0 : i32
        %dma_wait3A_192 = arith.constant 0 : i32
        %dma_wait3A_193 = tpu.memref_slice %arg4[%dma_wait3A_191, %dma_wait3A_192] : memref<327680x256xf32, #tpu.memory_space<hbm>> -> memref<64x256xf32, #tpu.memory_space<hbm>>
        %dma_wait3A_194 = arith.constant 0 : i32
        %dma_wait3A_195 = arith.constant 0 : i32
        %dma_wait3A_196 = tpu.memref_slice %arg6[%dma_wait3A_194, %dma_wait3A_195] : memref<448x256xf32, #tpu.memory_space<vmem>> -> memref<64x256xf32, #tpu.memory_space<vmem>>
        tpu.wait_dma2 semaphore(%arg8 : memref<!tpu.dma_semaphore, #tpu.memory_space<semaphore_mem>>) src(%dma_wait3A_196 : memref<64x256xf32, #tpu.memory_space<vmem>>) dst(%dma_wait3A_193 : memref<64x256xf32, #tpu.memory_space<hbm>>)
      } else {
      }
      %add3A_180 = arith.constant 5 : i32
      %add3A_181 = arith.addi %add3A_150, %add3A_180 : i32
      %lt3A = arith.cmpi slt, %add3A_181, %select_n3A : i32
      %convert_element_type3A_182 = arith.extui %lt3A : i1 to i32
      %cond3A_183 = arith.constant 0 : i32
      %cond3A_184 = arith.cmpi ne, %convert_element_type3A_182, %cond3A_183 : i32
      scf.if %cond3A_184 {
        %add3A_185 = arith.constant 5 : i32
        %add3A_186 = arith.addi %add3A_150, %add3A_185 : i32
        %div3A_187 = arith.constant 2 : i32
        %div3A_188 = arith.divsi %add3A_186, %div3A_187 : i32
        %rem3A_189 = arith.constant 2 : i32
        %rem3A_190 = arith.remsi %add3A_186, %rem3A_189 : i32
        %mul3A_191 = arith.constant 64 : i32
        %mul3A_192 = arith.muli %rem3A_190, %mul3A_191 : i32
        %rem3A_193 = arith.constant 7 : i32
        %rem3A_194 = arith.remsi %add3A_186, %rem3A_193 : i32
        %mul3A_195 = arith.constant 64 : i32
        %mul3A_196 = arith.muli %rem3A_194, %mul3A_195 : i32
        %dma_start3A_197 = arith.constant 0 : i32
        %dma_start3A_198 = tpu.memref_slice %arg6[%mul3A_196, %dma_start3A_197] : memref<448x256xf32, #tpu.memory_space<vmem>> -> memref<64x256xf32, #tpu.memory_space<vmem>>
        %dma_start3A_199 = tpu.memref_slice %arg5[%div3A_188, %mul3A_192] : memref<120x128xi32, #tpu.memory_space<vmem>> -> memref<1x64xi32, #tpu.memory_space<vmem>>
        %dma_start3A_200 = tpu.memref_squeeze %dma_start3A_199 : memref<1x64xi32, #tpu.memory_space<vmem>> -> memref<64xi32, #tpu.memory_space<vmem>>
        %dma_start3A_201 = arith.constant 0 : i32
        %dma_start3A_202 = arith.constant 0 : i32
        %dma_start3A_203 = tpu.memref_slice %arg2[%dma_start3A_201, %dma_start3A_202] : memref<10240x256xf32, #tpu.memory_space<hbm>> -> memref<10240x256xf32, #tpu.memory_space<hbm>>
        tpu.enqueue_indirect_dma source(%dma_start3A_203 : memref<10240x256xf32, #tpu.memory_space<hbm>>) target(%dma_start3A_198 : memref<64x256xf32, #tpu.memory_space<vmem>>) offsets(%dma_start3A_200 : memref<64xi32, #tpu.memory_space<vmem>>) semaphore(%arg7 : memref<!tpu.dma_semaphore, #tpu.memory_space<semaphore_mem>>)
      } else {
      }
    }
    %dma_wait3A = arith.constant 0 : i32
    %dma_wait3A_125 = arith.constant 0 : i32
    %dma_wait3A_126 = tpu.memref_slice %arg6[%dma_wait3A, %dma_wait3A_125] : memref<448x256xf32, #tpu.memory_space<vmem>> -> memref<64x256xf32, #tpu.memory_space<vmem>>
    %dma_wait3A_127 = arith.constant 0 : i32
    %dma_wait3A_128 = arith.constant 0 : i32
    %dma_wait3A_129 = tpu.memref_slice %arg4[%dma_wait3A_127, %dma_wait3A_128] : memref<327680x256xf32, #tpu.memory_space<hbm>> -> memref<64x256xf32, #tpu.memory_space<hbm>>
    %dma_wait3A_130 = arith.constant 0 : i32
    %dma_wait3A_131 = arith.constant 0 : i32
    %dma_wait3A_132 = tpu.memref_slice %arg4[%dma_wait3A_130, %dma_wait3A_131] : memref<327680x256xf32, #tpu.memory_space<hbm>> -> memref<64x256xf32, #tpu.memory_space<hbm>>
    %dma_wait3A_133 = arith.constant 0 : i32
    %dma_wait3A_134 = arith.constant 0 : i32
    %dma_wait3A_135 = tpu.memref_slice %arg6[%dma_wait3A_133, %dma_wait3A_134] : memref<448x256xf32, #tpu.memory_space<vmem>> -> memref<64x256xf32, #tpu.memory_space<vmem>>
    tpu.wait_dma2 semaphore(%arg8 : memref<!tpu.dma_semaphore, #tpu.memory_space<semaphore_mem>>) src(%dma_wait3A_135 : memref<64x256xf32, #tpu.memory_space<vmem>>) dst(%dma_wait3A_132 : memref<64x256xf32, #tpu.memory_space<hbm>>)
    %dma_wait3A_136 = arith.constant 0 : i32
    %dma_wait3A_137 = arith.constant 0 : i32
    %dma_wait3A_138 = tpu.memref_slice %arg6[%dma_wait3A_136, %dma_wait3A_137] : memref<448x256xf32, #tpu.memory_space<vmem>> -> memref<64x256xf32, #tpu.memory_space<vmem>>
    %dma_wait3A_139 = arith.constant 0 : i32
    %dma_wait3A_140 = arith.constant 0 : i32
    %dma_wait3A_141 = tpu.memref_slice %arg4[%dma_wait3A_139, %dma_wait3A_140] : memref<327680x256xf32, #tpu.memory_space<hbm>> -> memref<64x256xf32, #tpu.memory_space<hbm>>
    %dma_wait3A_142 = arith.constant 0 : i32
    %dma_wait3A_143 = arith.constant 0 : i32
    %dma_wait3A_144 = tpu.memref_slice %arg4[%dma_wait3A_142, %dma_wait3A_143] : memref<327680x256xf32, #tpu.memory_space<hbm>> -> memref<64x256xf32, #tpu.memory_space<hbm>>
    %dma_wait3A_145 = arith.constant 0 : i32
    %dma_wait3A_146 = arith.constant 0 : i32
    %dma_wait3A_147 = tpu.memref_slice %arg6[%dma_wait3A_145, %dma_wait3A_146] : memref<448x256xf32, #tpu.memory_space<vmem>> -> memref<64x256xf32, #tpu.memory_space<vmem>>
    tpu.wait_dma2 semaphore(%arg8 : memref<!tpu.dma_semaphore, #tpu.memory_space<semaphore_mem>>) src(%dma_wait3A_147 : memref<64x256xf32, #tpu.memory_space<vmem>>) dst(%dma_wait3A_144 : memref<64x256xf32, #tpu.memory_space<hbm>>)
    return
  }
}

#map = affine_map<(d0, d1) -> (0, 0, 0)>
#map1 = affine_map<(d0, d1) -> (0, 0)>
module attributes {stable_mosaic.version = 14 : i64} {
  func.func @k(%arg0: i32, %arg1: i32, %arg2: memref<2x327680x128xf32, #tpu.memory_space<hbm>>, %arg3: memref<2560x128xi32, #tpu.memory_space<hbm>>, %arg4: memref<2x10240x128xf32, #tpu.memory_space<hbm>>, %arg5: memref<3x128xi32, #tpu.memory_space<vmem>>, %arg6: memref<384x128xf32, #tpu.memory_space<vmem>>, %arg7: memref<10112x128xf32, #tpu.memory_space<vmem_shared>>, %arg8: memref<!tpu.dma_semaphore, #tpu.memory_space<semaphore_mem>>, %arg9: memref<!tpu.dma_semaphore, #tpu.memory_space<semaphore_mem>>) attributes {dimension_semantics = [#tpu.dimension_semantics<core_parallel>, #tpu.dimension_semantics<subcore_parallel>], iteration_bounds = array<i64: 2, 16>, scalar_prefetch = 0 : i64, scratch_operands = 5 : i64, tpu.core_type = #tpu.core_type<sc_vector_subcore>, window_params = [{transform_indices = #map}, {transform_indices = #map1}, {transform_indices = #map}]} {
    %broadcast_in_dim3A = arith.constant 0.000000e+00 : f32
    %broadcast_in_dim3A_0 = vector.broadcast %broadcast_in_dim3A : f32 to vector<16xf32>
    %scan3A = arith.constant 0 : i32
    %scan3A_1 = arith.constant 128 : i32
    %scan3A_2 = arith.addi %scan3A, %scan3A_1 : i32
    %scan3A_3 = arith.constant 1 : i32
    scf.for %scan3A_96 = %scan3A to %scan3A_2 step %scan3A_3  : i32 {
      %mul3A_97 = arith.constant 1 : i32
      %mul3A_98 = arith.muli %scan3A_96, %mul3A_97 : i32
      %add3A_99 = arith.constant 0 : i32
      %add3A_100 = arith.addi %add3A_99, %mul3A_98 : i32
      %swap3A = arith.index_cast %add3A_100 : i32 to index
      %swap3A_101 = arith.constant 0 : index
      %swap3A_102 = tpu.vector_load %arg6[%swap3A, %swap3A_101] {strides = array<i32>} : memref<384x128xf32, #tpu.memory_space<vmem>>, vector<1x16xf32>,
      %swap3A_103 = vector.shape_cast %swap3A_102 : vector<1x16xf32> to vector<16xf32>
      %swap3A_104 = vector.shape_cast %broadcast_in_dim3A_0 : vector<16xf32> to vector<1x16xf32>
      tpu.vector_store %arg6[%swap3A, %swap3A_101], %swap3A_104 {strides = array<i32>} : memref<384x128xf32, #tpu.memory_space<vmem>>, vector<1x16xf32>,
      %swap3A_105 = arith.index_cast %add3A_100 : i32 to index
      %swap3A_106 = arith.constant 16 : index
      %swap3A_107 = tpu.vector_load %arg6[%swap3A_105, %swap3A_106] {strides = array<i32>} : memref<384x128xf32, #tpu.memory_space<vmem>>, vector<1x16xf32>,
      %swap3A_108 = vector.shape_cast %swap3A_107 : vector<1x16xf32> to vector<16xf32>
      %swap3A_109 = vector.shape_cast %broadcast_in_dim3A_0 : vector<16xf32> to vector<1x16xf32>
      tpu.vector_store %arg6[%swap3A_105, %swap3A_106], %swap3A_109 {strides = array<i32>} : memref<384x128xf32, #tpu.memory_space<vmem>>, vector<1x16xf32>,
      %swap3A_110 = arith.index_cast %add3A_100 : i32 to index
      %swap3A_111 = arith.constant 32 : index
      %swap3A_112 = tpu.vector_load %arg6[%swap3A_110, %swap3A_111] {strides = array<i32>} : memref<384x128xf32, #tpu.memory_space<vmem>>, vector<1x16xf32>,
      %swap3A_113 = vector.shape_cast %swap3A_112 : vector<1x16xf32> to vector<16xf32>
      %swap3A_114 = vector.shape_cast %broadcast_in_dim3A_0 : vector<16xf32> to vector<1x16xf32>
      tpu.vector_store %arg6[%swap3A_110, %swap3A_111], %swap3A_114 {strides = array<i32>} : memref<384x128xf32, #tpu.memory_space<vmem>>, vector<1x16xf32>,
      %swap3A_115 = arith.index_cast %add3A_100 : i32 to index
      %swap3A_116 = arith.constant 48 : index
      %swap3A_117 = tpu.vector_load %arg6[%swap3A_115, %swap3A_116] {strides = array<i32>} : memref<384x128xf32, #tpu.memory_space<vmem>>, vector<1x16xf32>,
      %swap3A_118 = vector.shape_cast %swap3A_117 : vector<1x16xf32> to vector<16xf32>
      %swap3A_119 = vector.shape_cast %broadcast_in_dim3A_0 : vector<16xf32> to vector<1x16xf32>
      tpu.vector_store %arg6[%swap3A_115, %swap3A_116], %swap3A_119 {strides = array<i32>} : memref<384x128xf32, #tpu.memory_space<vmem>>, vector<1x16xf32>,
      %swap3A_120 = arith.index_cast %add3A_100 : i32 to index
      %swap3A_121 = arith.constant 64 : index
      %swap3A_122 = tpu.vector_load %arg6[%swap3A_120, %swap3A_121] {strides = array<i32>} : memref<384x128xf32, #tpu.memory_space<vmem>>, vector<1x16xf32>,
      %swap3A_123 = vector.shape_cast %swap3A_122 : vector<1x16xf32> to vector<16xf32>
      %swap3A_124 = vector.shape_cast %broadcast_in_dim3A_0 : vector<16xf32> to vector<1x16xf32>
      tpu.vector_store %arg6[%swap3A_120, %swap3A_121], %swap3A_124 {strides = array<i32>} : memref<384x128xf32, #tpu.memory_space<vmem>>, vector<1x16xf32>,
      %swap3A_125 = arith.index_cast %add3A_100 : i32 to index
      %swap3A_126 = arith.constant 80 : index
      %swap3A_127 = tpu.vector_load %arg6[%swap3A_125, %swap3A_126] {strides = array<i32>} : memref<384x128xf32, #tpu.memory_space<vmem>>, vector<1x16xf32>,
      %swap3A_128 = vector.shape_cast %swap3A_127 : vector<1x16xf32> to vector<16xf32>
      %swap3A_129 = vector.shape_cast %broadcast_in_dim3A_0 : vector<16xf32> to vector<1x16xf32>
      tpu.vector_store %arg6[%swap3A_125, %swap3A_126], %swap3A_129 {strides = array<i32>} : memref<384x128xf32, #tpu.memory_space<vmem>>, vector<1x16xf32>,
      %swap3A_130 = arith.index_cast %add3A_100 : i32 to index
      %swap3A_131 = arith.constant 96 : index
      %swap3A_132 = tpu.vector_load %arg6[%swap3A_130, %swap3A_131] {strides = array<i32>} : memref<384x128xf32, #tpu.memory_space<vmem>>, vector<1x16xf32>,
      %swap3A_133 = vector.shape_cast %swap3A_132 : vector<1x16xf32> to vector<16xf32>
      %swap3A_134 = vector.shape_cast %broadcast_in_dim3A_0 : vector<16xf32> to vector<1x16xf32>
      tpu.vector_store %arg6[%swap3A_130, %swap3A_131], %swap3A_134 {strides = array<i32>} : memref<384x128xf32, #tpu.memory_space<vmem>>, vector<1x16xf32>,
      %swap3A_135 = arith.index_cast %add3A_100 : i32 to index
      %swap3A_136 = arith.constant 112 : index
      %swap3A_137 = tpu.vector_load %arg6[%swap3A_135, %swap3A_136] {strides = array<i32>} : memref<384x128xf32, #tpu.memory_space<vmem>>, vector<1x16xf32>,
      %swap3A_138 = vector.shape_cast %swap3A_137 : vector<1x16xf32> to vector<16xf32>
      %swap3A_139 = vector.shape_cast %broadcast_in_dim3A_0 : vector<16xf32> to vector<1x16xf32>
      tpu.vector_store %arg6[%swap3A_135, %swap3A_136], %swap3A_139 {strides = array<i32>} : memref<384x128xf32, #tpu.memory_space<vmem>>, vector<1x16xf32>,
    }
    %scan3A_4 = arith.constant 128 : i32
    %mul3A = arith.constant 632 : i32
    %mul3A_5 = arith.muli %arg1, %mul3A : i32
    %add3A = arith.constant 0 : i32
    %add3A_6 = arith.addi %mul3A_5, %add3A : i32
    "tpu.region"() ({
      %run_scoped3A = tpu.sem_alloc : memref<!tpu.dma_semaphore, #tpu.memory_space<semaphore_mem>>
      %dma_start3A_96 = arith.constant 0 : i32
      %dma_start3A_97 = arith.constant 0 : i32
      %dma_start3A_98 = tpu.memref_slice %arg6[%dma_start3A_96, %dma_start3A_97] : memref<384x128xf32, #tpu.memory_space<vmem>> -> memref<128x128xf32, #tpu.memory_space<vmem>>
      %dma_start3A_99 = arith.constant 0 : i32
      %dma_start3A_100 = tpu.memref_slice %arg7[%add3A_6, %dma_start3A_99] : memref<10112x128xf32, #tpu.memory_space<vmem_shared>> -> memref<128x128xf32, #tpu.memory_space<vmem_shared>>
      %dma_start3A_101 = arith.constant 0 : i32
      %dma_start3A_102 = tpu.memref_slice %arg7[%add3A_6, %dma_start3A_101] : memref<10112x128xf32, #tpu.memory_space<vmem_shared>> -> memref<128x128xf32, #tpu.memory_space<vmem_shared>>
      %dma_start3A_103 = arith.constant 0 : i32
      %dma_start3A_104 = arith.constant 0 : i32
      %dma_start3A_105 = tpu.memref_slice %arg6[%dma_start3A_103, %dma_start3A_104] : memref<384x128xf32, #tpu.memory_space<vmem>> -> memref<128x128xf32, #tpu.memory_space<vmem>>
      tpu.enqueue_dma source(%dma_start3A_105 : memref<128x128xf32, #tpu.memory_space<vmem>>) target(%dma_start3A_102 : memref<128x128xf32, #tpu.memory_space<vmem_shared>>) target_semaphore(%run_scoped3A : memref<!tpu.dma_semaphore, #tpu.memory_space<semaphore_mem>>)
      %dma_wait3A_106 = arith.constant 0 : i32
      %dma_wait3A_107 = arith.constant 0 : i32
      %dma_wait3A_108 = tpu.memref_slice %arg6[%dma_wait3A_106, %dma_wait3A_107] : memref<384x128xf32, #tpu.memory_space<vmem>> -> memref<128x128xf32, #tpu.memory_space<vmem>>
      %dma_wait3A_109 = arith.constant 0 : i32
      %dma_wait3A_110 = tpu.memref_slice %arg7[%add3A_6, %dma_wait3A_109] : memref<10112x128xf32, #tpu.memory_space<vmem_shared>> -> memref<128x128xf32, #tpu.memory_space<vmem_shared>>
      %dma_wait3A_111 = arith.constant 0 : i32
      %dma_wait3A_112 = tpu.memref_slice %arg7[%add3A_6, %dma_wait3A_111] : memref<10112x128xf32, #tpu.memory_space<vmem_shared>> -> memref<128x128xf32, #tpu.memory_space<vmem_shared>>
      %dma_wait3A_113 = arith.constant 0 : i32
      %dma_wait3A_114 = arith.constant 0 : i32
      %dma_wait3A_115 = tpu.memref_slice %arg6[%dma_wait3A_113, %dma_wait3A_114] : memref<384x128xf32, #tpu.memory_space<vmem>> -> memref<128x128xf32, #tpu.memory_space<vmem>>
      tpu.wait_dma2 semaphore(%run_scoped3A : memref<!tpu.dma_semaphore, #tpu.memory_space<semaphore_mem>>) src(%dma_wait3A_115 : memref<128x128xf32, #tpu.memory_space<vmem>>) dst(%dma_wait3A_112 : memref<128x128xf32, #tpu.memory_space<vmem_shared>>)
      tpu.yield
    }) : () -> ()
    %mul3A_7 = arith.constant 632 : i32
    %mul3A_8 = arith.muli %arg1, %mul3A_7 : i32
    %add3A_9 = arith.constant 128 : i32
    %add3A_10 = arith.addi %mul3A_8, %add3A_9 : i32
    "tpu.region"() ({
      %run_scoped3A = tpu.sem_alloc : memref<!tpu.dma_semaphore, #tpu.memory_space<semaphore_mem>>
      %dma_start3A_96 = arith.constant 0 : i32
      %dma_start3A_97 = arith.constant 0 : i32
      %dma_start3A_98 = tpu.memref_slice %arg6[%dma_start3A_96, %dma_start3A_97] : memref<384x128xf32, #tpu.memory_space<vmem>> -> memref<128x128xf32, #tpu.memory_space<vmem>>
      %dma_start3A_99 = arith.constant 0 : i32
      %dma_start3A_100 = tpu.memref_slice %arg7[%add3A_10, %dma_start3A_99] : memref<10112x128xf32, #tpu.memory_space<vmem_shared>> -> memref<128x128xf32, #tpu.memory_space<vmem_shared>>
      %dma_start3A_101 = arith.constant 0 : i32
      %dma_start3A_102 = tpu.memref_slice %arg7[%add3A_10, %dma_start3A_101] : memref<10112x128xf32, #tpu.memory_space<vmem_shared>> -> memref<128x128xf32, #tpu.memory_space<vmem_shared>>
      %dma_start3A_103 = arith.constant 0 : i32
      %dma_start3A_104 = arith.constant 0 : i32
      %dma_start3A_105 = tpu.memref_slice %arg6[%dma_start3A_103, %dma_start3A_104] : memref<384x128xf32, #tpu.memory_space<vmem>> -> memref<128x128xf32, #tpu.memory_space<vmem>>
      tpu.enqueue_dma source(%dma_start3A_105 : memref<128x128xf32, #tpu.memory_space<vmem>>) target(%dma_start3A_102 : memref<128x128xf32, #tpu.memory_space<vmem_shared>>) target_semaphore(%run_scoped3A : memref<!tpu.dma_semaphore, #tpu.memory_space<semaphore_mem>>)
      %dma_wait3A_106 = arith.constant 0 : i32
      %dma_wait3A_107 = arith.constant 0 : i32
      %dma_wait3A_108 = tpu.memref_slice %arg6[%dma_wait3A_106, %dma_wait3A_107] : memref<384x128xf32, #tpu.memory_space<vmem>> -> memref<128x128xf32, #tpu.memory_space<vmem>>
      %dma_wait3A_109 = arith.constant 0 : i32
      %dma_wait3A_110 = tpu.memref_slice %arg7[%add3A_10, %dma_wait3A_109] : memref<10112x128xf32, #tpu.memory_space<vmem_shared>> -> memref<128x128xf32, #tpu.memory_space<vmem_shared>>
      %dma_wait3A_111 = arith.constant 0 : i32
      %dma_wait3A_112 = tpu.memref_slice %arg7[%add3A_10, %dma_wait3A_111] : memref<10112x128xf32, #tpu.memory_space<vmem_shared>> -> memref<128x128xf32, #tpu.memory_space<vmem_shared>>
      %dma_wait3A_113 = arith.constant 0 : i32
      %dma_wait3A_114 = arith.constant 0 : i32
      %dma_wait3A_115 = tpu.memref_slice %arg6[%dma_wait3A_113, %dma_wait3A_114] : memref<384x128xf32, #tpu.memory_space<vmem>> -> memref<128x128xf32, #tpu.memory_space<vmem>>
      tpu.wait_dma2 semaphore(%run_scoped3A : memref<!tpu.dma_semaphore, #tpu.memory_space<semaphore_mem>>) src(%dma_wait3A_115 : memref<128x128xf32, #tpu.memory_space<vmem>>) dst(%dma_wait3A_112 : memref<128x128xf32, #tpu.memory_space<vmem_shared>>)
      tpu.yield
    }) : () -> ()
    %mul3A_11 = arith.constant 632 : i32
    %mul3A_12 = arith.muli %arg1, %mul3A_11 : i32
    %add3A_13 = arith.constant 256 : i32
    %add3A_14 = arith.addi %mul3A_12, %add3A_13 : i32
    "tpu.region"() ({
      %run_scoped3A = tpu.sem_alloc : memref<!tpu.dma_semaphore, #tpu.memory_space<semaphore_mem>>
      %dma_start3A_96 = arith.constant 0 : i32
      %dma_start3A_97 = arith.constant 0 : i32
      %dma_start3A_98 = tpu.memref_slice %arg6[%dma_start3A_96, %dma_start3A_97] : memref<384x128xf32, #tpu.memory_space<vmem>> -> memref<128x128xf32, #tpu.memory_space<vmem>>
      %dma_start3A_99 = arith.constant 0 : i32
      %dma_start3A_100 = tpu.memref_slice %arg7[%add3A_14, %dma_start3A_99] : memref<10112x128xf32, #tpu.memory_space<vmem_shared>> -> memref<128x128xf32, #tpu.memory_space<vmem_shared>>
      %dma_start3A_101 = arith.constant 0 : i32
      %dma_start3A_102 = tpu.memref_slice %arg7[%add3A_14, %dma_start3A_101] : memref<10112x128xf32, #tpu.memory_space<vmem_shared>> -> memref<128x128xf32, #tpu.memory_space<vmem_shared>>
      %dma_start3A_103 = arith.constant 0 : i32
      %dma_start3A_104 = arith.constant 0 : i32
      %dma_start3A_105 = tpu.memref_slice %arg6[%dma_start3A_103, %dma_start3A_104] : memref<384x128xf32, #tpu.memory_space<vmem>> -> memref<128x128xf32, #tpu.memory_space<vmem>>
      tpu.enqueue_dma source(%dma_start3A_105 : memref<128x128xf32, #tpu.memory_space<vmem>>) target(%dma_start3A_102 : memref<128x128xf32, #tpu.memory_space<vmem_shared>>) target_semaphore(%run_scoped3A : memref<!tpu.dma_semaphore, #tpu.memory_space<semaphore_mem>>)
      %dma_wait3A_106 = arith.constant 0 : i32
      %dma_wait3A_107 = arith.constant 0 : i32
      %dma_wait3A_108 = tpu.memref_slice %arg6[%dma_wait3A_106, %dma_wait3A_107] : memref<384x128xf32, #tpu.memory_space<vmem>> -> memref<128x128xf32, #tpu.memory_space<vmem>>
      %dma_wait3A_109 = arith.constant 0 : i32
      %dma_wait3A_110 = tpu.memref_slice %arg7[%add3A_14, %dma_wait3A_109] : memref<10112x128xf32, #tpu.memory_space<vmem_shared>> -> memref<128x128xf32, #tpu.memory_space<vmem_shared>>
      %dma_wait3A_111 = arith.constant 0 : i32
      %dma_wait3A_112 = tpu.memref_slice %arg7[%add3A_14, %dma_wait3A_111] : memref<10112x128xf32, #tpu.memory_space<vmem_shared>> -> memref<128x128xf32, #tpu.memory_space<vmem_shared>>
      %dma_wait3A_113 = arith.constant 0 : i32
      %dma_wait3A_114 = arith.constant 0 : i32
      %dma_wait3A_115 = tpu.memref_slice %arg6[%dma_wait3A_113, %dma_wait3A_114] : memref<384x128xf32, #tpu.memory_space<vmem>> -> memref<128x128xf32, #tpu.memory_space<vmem>>
      tpu.wait_dma2 semaphore(%run_scoped3A : memref<!tpu.dma_semaphore, #tpu.memory_space<semaphore_mem>>) src(%dma_wait3A_115 : memref<128x128xf32, #tpu.memory_space<vmem>>) dst(%dma_wait3A_112 : memref<128x128xf32, #tpu.memory_space<vmem_shared>>)
      tpu.yield
    }) : () -> ()
    %mul3A_15 = arith.constant 632 : i32
    %mul3A_16 = arith.muli %arg1, %mul3A_15 : i32
    %add3A_17 = arith.constant 384 : i32
    %add3A_18 = arith.addi %mul3A_16, %add3A_17 : i32
    "tpu.region"() ({
      %run_scoped3A = tpu.sem_alloc : memref<!tpu.dma_semaphore, #tpu.memory_space<semaphore_mem>>
      %dma_start3A_96 = arith.constant 0 : i32
      %dma_start3A_97 = arith.constant 0 : i32
      %dma_start3A_98 = tpu.memref_slice %arg6[%dma_start3A_96, %dma_start3A_97] : memref<384x128xf32, #tpu.memory_space<vmem>> -> memref<128x128xf32, #tpu.memory_space<vmem>>
      %dma_start3A_99 = arith.constant 0 : i32
      %dma_start3A_100 = tpu.memref_slice %arg7[%add3A_18, %dma_start3A_99] : memref<10112x128xf32, #tpu.memory_space<vmem_shared>> -> memref<128x128xf32, #tpu.memory_space<vmem_shared>>
      %dma_start3A_101 = arith.constant 0 : i32
      %dma_start3A_102 = tpu.memref_slice %arg7[%add3A_18, %dma_start3A_101] : memref<10112x128xf32, #tpu.memory_space<vmem_shared>> -> memref<128x128xf32, #tpu.memory_space<vmem_shared>>
      %dma_start3A_103 = arith.constant 0 : i32
      %dma_start3A_104 = arith.constant 0 : i32
      %dma_start3A_105 = tpu.memref_slice %arg6[%dma_start3A_103, %dma_start3A_104] : memref<384x128xf32, #tpu.memory_space<vmem>> -> memref<128x128xf32, #tpu.memory_space<vmem>>
      tpu.enqueue_dma source(%dma_start3A_105 : memref<128x128xf32, #tpu.memory_space<vmem>>) target(%dma_start3A_102 : memref<128x128xf32, #tpu.memory_space<vmem_shared>>) target_semaphore(%run_scoped3A : memref<!tpu.dma_semaphore, #tpu.memory_space<semaphore_mem>>)
      %dma_wait3A_106 = arith.constant 0 : i32
      %dma_wait3A_107 = arith.constant 0 : i32
      %dma_wait3A_108 = tpu.memref_slice %arg6[%dma_wait3A_106, %dma_wait3A_107] : memref<384x128xf32, #tpu.memory_space<vmem>> -> memref<128x128xf32, #tpu.memory_space<vmem>>
      %dma_wait3A_109 = arith.constant 0 : i32
      %dma_wait3A_110 = tpu.memref_slice %arg7[%add3A_18, %dma_wait3A_109] : memref<10112x128xf32, #tpu.memory_space<vmem_shared>> -> memref<128x128xf32, #tpu.memory_space<vmem_shared>>
      %dma_wait3A_111 = arith.constant 0 : i32
      %dma_wait3A_112 = tpu.memref_slice %arg7[%add3A_18, %dma_wait3A_111] : memref<10112x128xf32, #tpu.memory_space<vmem_shared>> -> memref<128x128xf32, #tpu.memory_space<vmem_shared>>
      %dma_wait3A_113 = arith.constant 0 : i32
      %dma_wait3A_114 = arith.constant 0 : i32
      %dma_wait3A_115 = tpu.memref_slice %arg6[%dma_wait3A_113, %dma_wait3A_114] : memref<384x128xf32, #tpu.memory_space<vmem>> -> memref<128x128xf32, #tpu.memory_space<vmem>>
      tpu.wait_dma2 semaphore(%run_scoped3A : memref<!tpu.dma_semaphore, #tpu.memory_space<semaphore_mem>>) src(%dma_wait3A_115 : memref<128x128xf32, #tpu.memory_space<vmem>>) dst(%dma_wait3A_112 : memref<128x128xf32, #tpu.memory_space<vmem_shared>>)
      tpu.yield
    }) : () -> ()
    %mul3A_19 = arith.constant 632 : i32
    %mul3A_20 = arith.muli %arg1, %mul3A_19 : i32
    %add3A_21 = arith.constant 512 : i32
    %add3A_22 = arith.addi %mul3A_20, %add3A_21 : i32
    "tpu.region"() ({
      %run_scoped3A = tpu.sem_alloc : memref<!tpu.dma_semaphore, #tpu.memory_space<semaphore_mem>>
      %dma_start3A_96 = arith.constant 0 : i32
      %dma_start3A_97 = arith.constant 0 : i32
      %dma_start3A_98 = tpu.memref_slice %arg6[%dma_start3A_96, %dma_start3A_97] : memref<384x128xf32, #tpu.memory_space<vmem>> -> memref<120x128xf32, #tpu.memory_space<vmem>>
      %dma_start3A_99 = arith.constant 0 : i32
      %dma_start3A_100 = tpu.memref_slice %arg7[%add3A_22, %dma_start3A_99] : memref<10112x128xf32, #tpu.memory_space<vmem_shared>> -> memref<120x128xf32, #tpu.memory_space<vmem_shared>>
      %dma_start3A_101 = arith.constant 0 : i32
      %dma_start3A_102 = tpu.memref_slice %arg7[%add3A_22, %dma_start3A_101] : memref<10112x128xf32, #tpu.memory_space<vmem_shared>> -> memref<120x128xf32, #tpu.memory_space<vmem_shared>>
      %dma_start3A_103 = arith.constant 0 : i32
      %dma_start3A_104 = arith.constant 0 : i32
      %dma_start3A_105 = tpu.memref_slice %arg6[%dma_start3A_103, %dma_start3A_104] : memref<384x128xf32, #tpu.memory_space<vmem>> -> memref<120x128xf32, #tpu.memory_space<vmem>>
      tpu.enqueue_dma source(%dma_start3A_105 : memref<120x128xf32, #tpu.memory_space<vmem>>) target(%dma_start3A_102 : memref<120x128xf32, #tpu.memory_space<vmem_shared>>) target_semaphore(%run_scoped3A : memref<!tpu.dma_semaphore, #tpu.memory_space<semaphore_mem>>)
      %dma_wait3A_106 = arith.constant 0 : i32
      %dma_wait3A_107 = arith.constant 0 : i32
      %dma_wait3A_108 = tpu.memref_slice %arg6[%dma_wait3A_106, %dma_wait3A_107] : memref<384x128xf32, #tpu.memory_space<vmem>> -> memref<120x128xf32, #tpu.memory_space<vmem>>
      %dma_wait3A_109 = arith.constant 0 : i32
      %dma_wait3A_110 = tpu.memref_slice %arg7[%add3A_22, %dma_wait3A_109] : memref<10112x128xf32, #tpu.memory_space<vmem_shared>> -> memref<120x128xf32, #tpu.memory_space<vmem_shared>>
      %dma_wait3A_111 = arith.constant 0 : i32
      %dma_wait3A_112 = tpu.memref_slice %arg7[%add3A_22, %dma_wait3A_111] : memref<10112x128xf32, #tpu.memory_space<vmem_shared>> -> memref<120x128xf32, #tpu.memory_space<vmem_shared>>
      %dma_wait3A_113 = arith.constant 0 : i32
      %dma_wait3A_114 = arith.constant 0 : i32
      %dma_wait3A_115 = tpu.memref_slice %arg6[%dma_wait3A_113, %dma_wait3A_114] : memref<384x128xf32, #tpu.memory_space<vmem>> -> memref<120x128xf32, #tpu.memory_space<vmem>>
      tpu.wait_dma2 semaphore(%run_scoped3A : memref<!tpu.dma_semaphore, #tpu.memory_space<semaphore_mem>>) src(%dma_wait3A_115 : memref<120x128xf32, #tpu.memory_space<vmem>>) dst(%dma_wait3A_112 : memref<120x128xf32, #tpu.memory_space<vmem_shared>>)
      tpu.yield
    }) : () -> ()
    %eq3A = arith.constant 0 : i32
    %eq3A_23 = arith.cmpi eq, %arg1, %eq3A : i32
    %convert_element_type3A = arith.extui %eq3A_23 : i1 to i32
    %cond3A = arith.constant 0 : i32
    %cond3A_24 = arith.cmpi ne, %convert_element_type3A, %cond3A : i32
    scf.if %cond3A_24 {
      "tpu.region"() ({
        %run_scoped3A = tpu.sem_alloc : memref<!tpu.dma_semaphore, #tpu.memory_space<semaphore_mem>>
        %dma_start3A_96 = arith.constant 0 : i32
        %dma_start3A_97 = arith.constant 0 : i32
        %dma_start3A_98 = tpu.memref_slice %arg6[%dma_start3A_96, %dma_start3A_97] : memref<384x128xf32, #tpu.memory_space<vmem>> -> memref<128x128xf32, #tpu.memory_space<vmem>>
        %dma_start3A_99 = arith.constant 10112 : i32
        %dma_start3A_100 = arith.constant 0 : i32
        %dma_start3A_101 = tpu.memref_slice %arg4[%arg0, %dma_start3A_99, %dma_start3A_100] : memref<2x10240x128xf32, #tpu.memory_space<hbm>> -> memref<1x128x128xf32, #tpu.memory_space<hbm>>
        %dma_start3A_102 = tpu.memref_squeeze %dma_start3A_101 : memref<1x128x128xf32, #tpu.memory_space<hbm>> -> memref<128x128xf32, #tpu.memory_space<hbm>>
        %dma_start3A_103 = arith.constant 10112 : i32
        %dma_start3A_104 = arith.constant 0 : i32
        %dma_start3A_105 = tpu.memref_slice %arg4[%arg0, %dma_start3A_103, %dma_start3A_104] : memref<2x10240x128xf32, #tpu.memory_space<hbm>> -> memref<1x128x128xf32, #tpu.memory_space<hbm>>
        %dma_start3A_106 = tpu.memref_squeeze %dma_start3A_105 : memref<1x128x128xf32, #tpu.memory_space<hbm>> -> memref<128x128xf32, #tpu.memory_space<hbm>>
        %dma_start3A_107 = arith.constant 0 : i32
        %dma_start3A_108 = arith.constant 0 : i32
        %dma_start3A_109 = tpu.memref_slice %arg6[%dma_start3A_107, %dma_start3A_108] : memref<384x128xf32, #tpu.memory_space<vmem>> -> memref<128x128xf32, #tpu.memory_space<vmem>>
        tpu.enqueue_dma source(%dma_start3A_109 : memref<128x128xf32, #tpu.memory_space<vmem>>) target(%dma_start3A_106 : memref<128x128xf32, #tpu.memory_space<hbm>>) target_semaphore(%run_scoped3A : memref<!tpu.dma_semaphore, #tpu.memory_space<semaphore_mem>>)
        %dma_wait3A_110 = arith.constant 0 : i32
        %dma_wait3A_111 = arith.constant 0 : i32
        %dma_wait3A_112 = tpu.memref_slice %arg6[%dma_wait3A_110, %dma_wait3A_111] : memref<384x128xf32, #tpu.memory_space<vmem>> -> memref<128x128xf32, #tpu.memory_space<vmem>>
        %dma_wait3A_113 = arith.constant 10112 : i32
        %dma_wait3A_114 = arith.constant 0 : i32
        %dma_wait3A_115 = tpu.memref_slice %arg4[%arg0, %dma_wait3A_113, %dma_wait3A_114] : memref<2x10240x128xf32, #tpu.memory_space<hbm>> -> memref<1x128x128xf32, #tpu.memory_space<hbm>>
        %dma_wait3A_116 = tpu.memref_squeeze %dma_wait3A_115 : memref<1x128x128xf32, #tpu.memory_space<hbm>> -> memref<128x128xf32, #tpu.memory_space<hbm>>
        %dma_wait3A_117 = arith.constant 10112 : i32
        %dma_wait3A_118 = arith.constant 0 : i32
        %dma_wait3A_119 = tpu.memref_slice %arg4[%arg0, %dma_wait3A_117, %dma_wait3A_118] : memref<2x10240x128xf32, #tpu.memory_space<hbm>> -> memref<1x128x128xf32, #tpu.memory_space<hbm>>
        %dma_wait3A_120 = tpu.memref_squeeze %dma_wait3A_119 : memref<1x128x128xf32, #tpu.memory_space<hbm>> -> memref<128x128xf32, #tpu.memory_space<hbm>>
        %dma_wait3A_121 = arith.constant 0 : i32
        %dma_wait3A_122 = arith.constant 0 : i32
        %dma_wait3A_123 = tpu.memref_slice %arg6[%dma_wait3A_121, %dma_wait3A_122] : memref<384x128xf32, #tpu.memory_space<vmem>> -> memref<128x128xf32, #tpu.memory_space<vmem>>
        tpu.wait_dma2 semaphore(%run_scoped3A : memref<!tpu.dma_semaphore, #tpu.memory_space<semaphore_mem>>) src(%dma_wait3A_123 : memref<128x128xf32, #tpu.memory_space<vmem>>) dst(%dma_wait3A_120 : memref<128x128xf32, #tpu.memory_space<hbm>>)
        tpu.yield
      }) : () -> ()
    } else {
    }
    %barrier3A = arith.constant 0 : index
    tpu.barrier barrier_id(%barrier3A)
    %mul3A_25 = arith.constant 160 : i32
    %mul3A_26 = arith.muli %arg1, %mul3A_25 : i32
    %add3A_27 = arith.constant 0 : i32
    %add3A_28 = arith.addi %mul3A_26, %add3A_27 : i32
    %mul3A_29 = arith.constant 128 : i32
    %mul3A_30 = arith.muli %add3A_28, %mul3A_29 : i32
    %rem3A = arith.constant 0 : i32
    %rem3A_31 = arith.constant 3 : i32
    %rem3A_32 = arith.remsi %rem3A, %rem3A_31 : i32
    %mul3A_33 = arith.constant 128 : i32
    %mul3A_34 = arith.muli %rem3A_32, %mul3A_33 : i32
    %dma_start3A = arith.constant 0 : i32
    %dma_start3A_35 = tpu.memref_slice %arg6[%mul3A_34, %dma_start3A] : memref<384x128xf32, #tpu.memory_space<vmem>> -> memref<128x128xf32, #tpu.memory_space<vmem>>
    %dma_start3A_36 = arith.constant 0 : i32
    %dma_start3A_37 = tpu.memref_slice %arg2[%arg0, %mul3A_30, %dma_start3A_36] : memref<2x327680x128xf32, #tpu.memory_space<hbm>> -> memref<1x128x128xf32, #tpu.memory_space<hbm>>
    %dma_start3A_38 = tpu.memref_squeeze %dma_start3A_37 : memref<1x128x128xf32, #tpu.memory_space<hbm>> -> memref<128x128xf32, #tpu.memory_space<hbm>>
    %dma_start3A_39 = arith.constant 0 : i32
    %dma_start3A_40 = tpu.memref_slice %arg6[%mul3A_34, %dma_start3A_39] : memref<384x128xf32, #tpu.memory_space<vmem>> -> memref<128x128xf32, #tpu.memory_space<vmem>>
    %dma_start3A_41 = arith.constant 0 : i32
    %dma_start3A_42 = tpu.memref_slice %arg2[%arg0, %mul3A_30, %dma_start3A_41] : memref<2x327680x128xf32, #tpu.memory_space<hbm>> -> memref<1x128x128xf32, #tpu.memory_space<hbm>>
    %dma_start3A_43 = tpu.memref_squeeze %dma_start3A_42 : memref<1x128x128xf32, #tpu.memory_space<hbm>> -> memref<128x128xf32, #tpu.memory_space<hbm>>
    tpu.enqueue_dma source(%dma_start3A_43 : memref<128x128xf32, #tpu.memory_space<hbm>>) target(%dma_start3A_40 : memref<128x128xf32, #tpu.memory_space<vmem>>) target_semaphore(%arg8 : memref<!tpu.dma_semaphore, #tpu.memory_space<semaphore_mem>>)
    %mul3A_44 = arith.constant 160 : i32
    %mul3A_45 = arith.muli %arg1, %mul3A_44 : i32
    %add3A_46 = arith.constant 0 : i32
    %add3A_47 = arith.addi %mul3A_45, %add3A_46 : i32
    %rem3A_48 = arith.constant 0 : i32
    %rem3A_49 = arith.constant 3 : i32
    %rem3A_50 = arith.remsi %rem3A_48, %rem3A_49 : i32
    %dma_start3A_51 = arith.constant 0 : i32
    %dma_start3A_52 = tpu.memref_slice %arg5[%rem3A_50, %dma_start3A_51] : memref<3x128xi32, #tpu.memory_space<vmem>> -> memref<1x128xi32, #tpu.memory_space<vmem>>
    %dma_start3A_53 = tpu.memref_squeeze %dma_start3A_52 : memref<1x128xi32, #tpu.memory_space<vmem>> -> memref<128xi32, #tpu.memory_space<vmem>>
    %dma_start3A_54 = arith.constant 0 : i32
    %dma_start3A_55 = tpu.memref_slice %arg3[%add3A_47, %dma_start3A_54] : memref<2560x128xi32, #tpu.memory_space<hbm>> -> memref<1x128xi32, #tpu.memory_space<hbm>>
    %dma_start3A_56 = tpu.memref_squeeze %dma_start3A_55 : memref<1x128xi32, #tpu.memory_space<hbm>> -> memref<128xi32, #tpu.memory_space<hbm>>
    %dma_start3A_57 = arith.constant 0 : i32
    %dma_start3A_58 = tpu.memref_slice %arg5[%rem3A_50, %dma_start3A_57] : memref<3x128xi32, #tpu.memory_space<vmem>> -> memref<1x128xi32, #tpu.memory_space<vmem>>
    %dma_start3A_59 = tpu.memref_squeeze %dma_start3A_58 : memref<1x128xi32, #tpu.memory_space<vmem>> -> memref<128xi32, #tpu.memory_space<vmem>>
    %dma_start3A_60 = arith.constant 0 : i32
    %dma_start3A_61 = tpu.memref_slice %arg3[%add3A_47, %dma_start3A_60] : memref<2560x128xi32, #tpu.memory_space<hbm>> -> memref<1x128xi32, #tpu.memory_space<hbm>>
    %dma_start3A_62 = tpu.memref_squeeze %dma_start3A_61 : memref<1x128xi32, #tpu.memory_space<hbm>> -> memref<128xi32, #tpu.memory_space<hbm>>
    tpu.enqueue_dma source(%dma_start3A_62 : memref<128xi32, #tpu.memory_space<hbm>>) target(%dma_start3A_59 : memref<128xi32, #tpu.memory_space<vmem>>) target_semaphore(%arg8 : memref<!tpu.dma_semaphore, #tpu.memory_space<semaphore_mem>>)
    %scan3A_63 = arith.constant 0 : i32
    %scan3A_64 = arith.constant 160 : i32
    %scan3A_65 = arith.addi %scan3A_63, %scan3A_64 : i32
    %scan3A_66 = arith.constant 1 : i32
    scf.for %scan3A_96 = %scan3A_63 to %scan3A_65 step %scan3A_66  : i32 {
      %mul3A_97 = arith.constant 1 : i32
      %mul3A_98 = arith.muli %scan3A_96, %mul3A_97 : i32
      %add3A_99 = arith.constant 0 : i32
      %add3A_100 = arith.addi %add3A_99, %mul3A_98 : i32
      %dma_wait3A_101 = arith.constant 0 : i32
      %dma_wait3A_102 = arith.constant 0 : i32
      %dma_wait3A_103 = arith.constant 0 : i32
      %dma_wait3A_104 = tpu.memref_slice %arg6[%dma_wait3A_102, %dma_wait3A_103] : memref<384x128xf32, #tpu.memory_space<vmem>> -> memref<128x128xf32, #tpu.memory_space<vmem>>
      %dma_wait3A_105 = arith.constant 0 : i32
      %dma_wait3A_106 = arith.constant 0 : i32
      %dma_wait3A_107 = tpu.memref_slice %arg2[%dma_wait3A_101, %dma_wait3A_105, %dma_wait3A_106] : memref<2x327680x128xf32, #tpu.memory_space<hbm>> -> memref<1x128x128xf32, #tpu.memory_space<hbm>>
      %dma_wait3A_108 = tpu.memref_squeeze %dma_wait3A_107 : memref<1x128x128xf32, #tpu.memory_space<hbm>> -> memref<128x128xf32, #tpu.memory_space<hbm>>
      %dma_wait3A_109 = arith.constant 0 : i32
      %dma_wait3A_110 = arith.constant 0 : i32
      %dma_wait3A_111 = tpu.memref_slice %arg6[%dma_wait3A_109, %dma_wait3A_110] : memref<384x128xf32, #tpu.memory_space<vmem>> -> memref<128x128xf32, #tpu.memory_space<vmem>>
      %dma_wait3A_112 = arith.constant 0 : i32
      %dma_wait3A_113 = arith.constant 0 : i32
      %dma_wait3A_114 = tpu.memref_slice %arg2[%dma_wait3A_101, %dma_wait3A_112, %dma_wait3A_113] : memref<2x327680x128xf32, #tpu.memory_space<hbm>> -> memref<1x128x128xf32, #tpu.memory_space<hbm>>
      %dma_wait3A_115 = tpu.memref_squeeze %dma_wait3A_114 : memref<1x128x128xf32, #tpu.memory_space<hbm>> -> memref<128x128xf32, #tpu.memory_space<hbm>>
      tpu.wait_dma2 semaphore(%arg8 : memref<!tpu.dma_semaphore, #tpu.memory_space<semaphore_mem>>) src(%dma_wait3A_115 : memref<128x128xf32, #tpu.memory_space<hbm>>) dst(%dma_wait3A_111 : memref<128x128xf32, #tpu.memory_space<vmem>>)
      %dma_wait3A_116 = arith.constant 0 : i32
      %dma_wait3A_117 = arith.constant 0 : i32
      %dma_wait3A_118 = arith.constant 0 : i32
      %dma_wait3A_119 = tpu.memref_slice %arg5[%dma_wait3A_117, %dma_wait3A_118] : memref<3x128xi32, #tpu.memory_space<vmem>> -> memref<1x128xi32, #tpu.memory_space<vmem>>
      %dma_wait3A_120 = tpu.memref_squeeze %dma_wait3A_119 : memref<1x128xi32, #tpu.memory_space<vmem>> -> memref<128xi32, #tpu.memory_space<vmem>>
      %dma_wait3A_121 = arith.constant 0 : i32
      %dma_wait3A_122 = tpu.memref_slice %arg3[%dma_wait3A_116, %dma_wait3A_121] : memref<2560x128xi32, #tpu.memory_space<hbm>> -> memref<1x128xi32, #tpu.memory_space<hbm>>
      %dma_wait3A_123 = tpu.memref_squeeze %dma_wait3A_122 : memref<1x128xi32, #tpu.memory_space<hbm>> -> memref<128xi32, #tpu.memory_space<hbm>>
      %dma_wait3A_124 = arith.constant 0 : i32
      %dma_wait3A_125 = tpu.memref_slice %arg5[%dma_wait3A_117, %dma_wait3A_124] : memref<3x128xi32, #tpu.memory_space<vmem>> -> memref<1x128xi32, #tpu.memory_space<vmem>>
      %dma_wait3A_126 = tpu.memref_squeeze %dma_wait3A_125 : memref<1x128xi32, #tpu.memory_space<vmem>> -> memref<128xi32, #tpu.memory_space<vmem>>
      %dma_wait3A_127 = arith.constant 0 : i32
      %dma_wait3A_128 = tpu.memref_slice %arg3[%dma_wait3A_116, %dma_wait3A_127] : memref<2560x128xi32, #tpu.memory_space<hbm>> -> memref<1x128xi32, #tpu.memory_space<hbm>>
      %dma_wait3A_129 = tpu.memref_squeeze %dma_wait3A_128 : memref<1x128xi32, #tpu.memory_space<hbm>> -> memref<128xi32, #tpu.memory_space<hbm>>
      tpu.wait_dma2 semaphore(%arg8 : memref<!tpu.dma_semaphore, #tpu.memory_space<semaphore_mem>>) src(%dma_wait3A_129 : memref<128xi32, #tpu.memory_space<hbm>>) dst(%dma_wait3A_126 : memref<128xi32, #tpu.memory_space<vmem>>)
      %rem3A_130 = arith.constant 3 : i32
      %rem3A_131 = arith.remsi %add3A_100, %rem3A_130 : i32
      %mul3A_132 = arith.constant 128 : i32
      %mul3A_133 = arith.muli %rem3A_131, %mul3A_132 : i32
      %rem3A_134 = arith.constant 3 : i32
      %rem3A_135 = arith.remsi %add3A_100, %rem3A_134 : i32
      %dma_start3A_136 = arith.constant 0 : i32
      %dma_start3A_137 = tpu.memref_slice %arg6[%mul3A_133, %dma_start3A_136] : memref<384x128xf32, #tpu.memory_space<vmem>> -> memref<128x128xf32, #tpu.memory_space<vmem>>
      %dma_start3A_138 = arith.constant 0 : i32
      %dma_start3A_139 = tpu.memref_slice %arg5[%rem3A_135, %dma_start3A_138] : memref<3x128xi32, #tpu.memory_space<vmem>> -> memref<1x128xi32, #tpu.memory_space<vmem>>
      %dma_start3A_140 = tpu.memref_squeeze %dma_start3A_139 : memref<1x128xi32, #tpu.memory_space<vmem>> -> memref<128xi32, #tpu.memory_space<vmem>>
      %dma_start3A_141 = arith.constant 0 : i32
      %dma_start3A_142 = arith.constant 0 : i32
      %dma_start3A_143 = tpu.memref_slice %arg7[%dma_start3A_141, %dma_start3A_142] : memref<10112x128xf32, #tpu.memory_space<vmem_shared>> -> memref<10112x128xf32, #tpu.memory_space<vmem_shared>>
      tpu.enqueue_indirect_dma source(%dma_start3A_137 : memref<128x128xf32, #tpu.memory_space<vmem>>) target(%dma_start3A_143 : memref<10112x128xf32, #tpu.memory_space<vmem_shared>>) offsets(%dma_start3A_140 : memref<128xi32, #tpu.memory_space<vmem>>) semaphore(%arg9 : memref<!tpu.dma_semaphore, #tpu.memory_space<semaphore_mem>>) {add = true}
      %ge3A = arith.constant 2 : i32
      %ge3A_144 = arith.cmpi sge, %add3A_100, %ge3A : i32
      %convert_element_type3A_145 = arith.extui %ge3A_144 : i1 to i32
      %cond3A_146 = arith.constant 0 : i32
      %cond3A_147 = arith.cmpi ne, %convert_element_type3A_145, %cond3A_146 : i32
      scf.if %cond3A_147 {
        %dma_wait3A_154 = arith.constant 0 : i32
        %dma_wait3A_155 = arith.constant 0 : i32
        %dma_wait3A_156 = tpu.memref_slice %arg6[%dma_wait3A_154, %dma_wait3A_155] : memref<384x128xf32, #tpu.memory_space<vmem>> -> memref<128x128xf32, #tpu.memory_space<vmem>>
        %dma_wait3A_157 = arith.constant 0 : i32
        %dma_wait3A_158 = arith.constant 0 : i32
        %dma_wait3A_159 = tpu.memref_slice %arg7[%dma_wait3A_157, %dma_wait3A_158] : memref<10112x128xf32, #tpu.memory_space<vmem_shared>> -> memref<128x128xf32, #tpu.memory_space<vmem_shared>>
        %dma_wait3A_160 = arith.constant 0 : i32
        %dma_wait3A_161 = arith.constant 0 : i32
        %dma_wait3A_162 = tpu.memref_slice %arg7[%dma_wait3A_160, %dma_wait3A_161] : memref<10112x128xf32, #tpu.memory_space<vmem_shared>> -> memref<128x128xf32, #tpu.memory_space<vmem_shared>>
        %dma_wait3A_163 = arith.constant 0 : i32
        %dma_wait3A_164 = arith.constant 0 : i32
        %dma_wait3A_165 = tpu.memref_slice %arg6[%dma_wait3A_163, %dma_wait3A_164] : memref<384x128xf32, #tpu.memory_space<vmem>> -> memref<128x128xf32, #tpu.memory_space<vmem>>
        tpu.wait_dma2 semaphore(%arg9 : memref<!tpu.dma_semaphore, #tpu.memory_space<semaphore_mem>>) src(%dma_wait3A_165 : memref<128x128xf32, #tpu.memory_space<vmem>>) dst(%dma_wait3A_162 : memref<128x128xf32, #tpu.memory_space<vmem_shared>>)
      } else {
      }
      %add3A_148 = arith.constant 1 : i32
      %add3A_149 = arith.addi %add3A_100, %add3A_148 : i32
      %lt3A = arith.constant 160 : i32
      %lt3A_150 = arith.cmpi slt, %add3A_149, %lt3A : i32
      %convert_element_type3A_151 = arith.extui %lt3A_150 : i1 to i32
      %cond3A_152 = arith.constant 0 : i32
      %cond3A_153 = arith.cmpi ne, %convert_element_type3A_151, %cond3A_152 : i32
      scf.if %cond3A_153 {
        %add3A_154 = arith.constant 1 : i32
        %add3A_155 = arith.addi %add3A_100, %add3A_154 : i32
        %mul3A_156 = arith.constant 160 : i32
        %mul3A_157 = arith.muli %arg1, %mul3A_156 : i32
        %add3A_158 = arith.addi %mul3A_157, %add3A_155 : i32
        %mul3A_159 = arith.constant 128 : i32
        %mul3A_160 = arith.muli %add3A_158, %mul3A_159 : i32
        %rem3A_161 = arith.constant 3 : i32
        %rem3A_162 = arith.remsi %add3A_155, %rem3A_161 : i32
        %mul3A_163 = arith.constant 128 : i32
        %mul3A_164 = arith.muli %rem3A_162, %mul3A_163 : i32
        %dma_start3A_165 = arith.constant 0 : i32
        %dma_start3A_166 = tpu.memref_slice %arg6[%mul3A_164, %dma_start3A_165] : memref<384x128xf32, #tpu.memory_space<vmem>> -> memref<128x128xf32, #tpu.memory_space<vmem>>
        %dma_start3A_167 = arith.constant 0 : i32
        %dma_start3A_168 = tpu.memref_slice %arg2[%arg0, %mul3A_160, %dma_start3A_167] : memref<2x327680x128xf32, #tpu.memory_space<hbm>> -> memref<1x128x128xf32, #tpu.memory_space<hbm>>
        %dma_start3A_169 = tpu.memref_squeeze %dma_start3A_168 : memref<1x128x128xf32, #tpu.memory_space<hbm>> -> memref<128x128xf32, #tpu.memory_space<hbm>>
        %dma_start3A_170 = arith.constant 0 : i32
        %dma_start3A_171 = tpu.memref_slice %arg6[%mul3A_164, %dma_start3A_170] : memref<384x128xf32, #tpu.memory_space<vmem>> -> memref<128x128xf32, #tpu.memory_space<vmem>>
        %dma_start3A_172 = arith.constant 0 : i32
        %dma_start3A_173 = tpu.memref_slice %arg2[%arg0, %mul3A_160, %dma_start3A_172] : memref<2x327680x128xf32, #tpu.memory_space<hbm>> -> memref<1x128x128xf32, #tpu.memory_space<hbm>>
        %dma_start3A_174 = tpu.memref_squeeze %dma_start3A_173 : memref<1x128x128xf32, #tpu.memory_space<hbm>> -> memref<128x128xf32, #tpu.memory_space<hbm>>
        tpu.enqueue_dma source(%dma_start3A_174 : memref<128x128xf32, #tpu.memory_space<hbm>>) target(%dma_start3A_171 : memref<128x128xf32, #tpu.memory_space<vmem>>) target_semaphore(%arg8 : memref<!tpu.dma_semaphore, #tpu.memory_space<semaphore_mem>>)
        %mul3A_175 = arith.constant 160 : i32
        %mul3A_176 = arith.muli %arg1, %mul3A_175 : i32
        %add3A_177 = arith.addi %mul3A_176, %add3A_155 : i32
        %rem3A_178 = arith.constant 3 : i32
        %rem3A_179 = arith.remsi %add3A_155, %rem3A_178 : i32
        %dma_start3A_180 = arith.constant 0 : i32
        %dma_start3A_181 = tpu.memref_slice %arg5[%rem3A_179, %dma_start3A_180] : memref<3x128xi32, #tpu.memory_space<vmem>> -> memref<1x128xi32, #tpu.memory_space<vmem>>
        %dma_start3A_182 = tpu.memref_squeeze %dma_start3A_181 : memref<1x128xi32, #tpu.memory_space<vmem>> -> memref<128xi32, #tpu.memory_space<vmem>>
        %dma_start3A_183 = arith.constant 0 : i32
        %dma_start3A_184 = tpu.memref_slice %arg3[%add3A_177, %dma_start3A_183] : memref<2560x128xi32, #tpu.memory_space<hbm>> -> memref<1x128xi32, #tpu.memory_space<hbm>>
        %dma_start3A_185 = tpu.memref_squeeze %dma_start3A_184 : memref<1x128xi32, #tpu.memory_space<hbm>> -> memref<128xi32, #tpu.memory_space<hbm>>
        %dma_start3A_186 = arith.constant 0 : i32
        %dma_start3A_187 = tpu.memref_slice %arg5[%rem3A_179, %dma_start3A_186] : memref<3x128xi32, #tpu.memory_space<vmem>> -> memref<1x128xi32, #tpu.memory_space<vmem>>
        %dma_start3A_188 = tpu.memref_squeeze %dma_start3A_187 : memref<1x128xi32, #tpu.memory_space<vmem>> -> memref<128xi32, #tpu.memory_space<vmem>>
        %dma_start3A_189 = arith.constant 0 : i32
        %dma_start3A_190 = tpu.memref_slice %arg3[%add3A_177, %dma_start3A_189] : memref<2560x128xi32, #tpu.memory_space<hbm>> -> memref<1x128xi32, #tpu.memory_space<hbm>>
        %dma_start3A_191 = tpu.memref_squeeze %dma_start3A_190 : memref<1x128xi32, #tpu.memory_space<hbm>> -> memref<128xi32, #tpu.memory_space<hbm>>
        tpu.enqueue_dma source(%dma_start3A_191 : memref<128xi32, #tpu.memory_space<hbm>>) target(%dma_start3A_188 : memref<128xi32, #tpu.memory_space<vmem>>) target_semaphore(%arg8 : memref<!tpu.dma_semaphore, #tpu.memory_space<semaphore_mem>>)
      } else {
      }
    }
    %scan3A_67 = arith.constant 160 : i32
    %dma_wait3A = arith.constant 0 : i32
    %dma_wait3A_68 = arith.constant 0 : i32
    %dma_wait3A_69 = tpu.memref_slice %arg6[%dma_wait3A, %dma_wait3A_68] : memref<384x128xf32, #tpu.memory_space<vmem>> -> memref<128x128xf32, #tpu.memory_space<vmem>>
    %dma_wait3A_70 = arith.constant 0 : i32
    %dma_wait3A_71 = arith.constant 0 : i32
    %dma_wait3A_72 = tpu.memref_slice %arg7[%dma_wait3A_70, %dma_wait3A_71] : memref<10112x128xf32, #tpu.memory_space<vmem_shared>> -> memref<128x128xf32, #tpu.memory_space<vmem_shared>>
    %dma_wait3A_73 = arith.constant 0 : i32
    %dma_wait3A_74 = arith.constant 0 : i32
    %dma_wait3A_75 = tpu.memref_slice %arg7[%dma_wait3A_73, %dma_wait3A_74] : memref<10112x128xf32, #tpu.memory_space<vmem_shared>> -> memref<128x128xf32, #tpu.memory_space<vmem_shared>>
    %dma_wait3A_76 = arith.constant 0 : i32
    %dma_wait3A_77 = arith.constant 0 : i32
    %dma_wait3A_78 = tpu.memref_slice %arg6[%dma_wait3A_76, %dma_wait3A_77] : memref<384x128xf32, #tpu.memory_space<vmem>> -> memref<128x128xf32, #tpu.memory_space<vmem>>
    tpu.wait_dma2 semaphore(%arg9 : memref<!tpu.dma_semaphore, #tpu.memory_space<semaphore_mem>>) src(%dma_wait3A_78 : memref<128x128xf32, #tpu.memory_space<vmem>>) dst(%dma_wait3A_75 : memref<128x128xf32, #tpu.memory_space<vmem_shared>>)
    %dma_wait3A_79 = arith.constant 0 : i32
    %dma_wait3A_80 = arith.constant 0 : i32
    %dma_wait3A_81 = tpu.memref_slice %arg6[%dma_wait3A_79, %dma_wait3A_80] : memref<384x128xf32, #tpu.memory_space<vmem>> -> memref<128x128xf32, #tpu.memory_space<vmem>>
    %dma_wait3A_82 = arith.constant 0 : i32
    %dma_wait3A_83 = arith.constant 0 : i32
    %dma_wait3A_84 = tpu.memref_slice %arg7[%dma_wait3A_82, %dma_wait3A_83] : memref<10112x128xf32, #tpu.memory_space<vmem_shared>> -> memref<128x128xf32, #tpu.memory_space<vmem_shared>>
    %dma_wait3A_85 = arith.constant 0 : i32
    %dma_wait3A_86 = arith.constant 0 : i32
    %dma_wait3A_87 = tpu.memref_slice %arg7[%dma_wait3A_85, %dma_wait3A_86] : memref<10112x128xf32, #tpu.memory_space<vmem_shared>> -> memref<128x128xf32, #tpu.memory_space<vmem_shared>>
    %dma_wait3A_88 = arith.constant 0 : i32
    %dma_wait3A_89 = arith.constant 0 : i32
    %dma_wait3A_90 = tpu.memref_slice %arg6[%dma_wait3A_88, %dma_wait3A_89] : memref<384x128xf32, #tpu.memory_space<vmem>> -> memref<128x128xf32, #tpu.memory_space<vmem>>
    tpu.wait_dma2 semaphore(%arg9 : memref<!tpu.dma_semaphore, #tpu.memory_space<semaphore_mem>>) src(%dma_wait3A_90 : memref<128x128xf32, #tpu.memory_space<vmem>>) dst(%dma_wait3A_87 : memref<128x128xf32, #tpu.memory_space<vmem_shared>>)
    %barrier3A_91 = arith.constant 0 : index
    tpu.barrier barrier_id(%barrier3A_91)
    %mul3A_92 = arith.constant 632 : i32
    %mul3A_93 = arith.muli %arg1, %mul3A_92 : i32
    %mul3A_94 = arith.constant 632 : i32
    %mul3A_95 = arith.muli %arg1, %mul3A_94 : i32
    "tpu.region"() ({
      %run_scoped3A = tpu.sem_alloc : memref<!tpu.dma_semaphore, #tpu.memory_space<semaphore_mem>>
      %dma_start3A_96 = arith.constant 0 : i32
      %dma_start3A_97 = tpu.memref_slice %arg4[%arg0, %mul3A_95, %dma_start3A_96] : memref<2x10240x128xf32, #tpu.memory_space<hbm>> -> memref<1x632x128xf32, #tpu.memory_space<hbm>>
      %dma_start3A_98 = tpu.memref_squeeze %dma_start3A_97 : memref<1x632x128xf32, #tpu.memory_space<hbm>> -> memref<632x128xf32, #tpu.memory_space<hbm>>
      %dma_start3A_99 = arith.constant 0 : i32
      %dma_start3A_100 = tpu.memref_slice %arg7[%mul3A_93, %dma_start3A_99] : memref<10112x128xf32, #tpu.memory_space<vmem_shared>> -> memref<632x128xf32, #tpu.memory_space<vmem_shared>>
      tpu.enqueue_dma source(%dma_start3A_100 : memref<632x128xf32, #tpu.memory_space<vmem_shared>>) target(%dma_start3A_98 : memref<632x128xf32, #tpu.memory_space<hbm>>) target_semaphore(%run_scoped3A : memref<!tpu.dma_semaphore, #tpu.memory_space<semaphore_mem>>)
      %dma_wait3A_101 = arith.constant 0 : i32
      %dma_wait3A_102 = tpu.memref_slice %arg4[%arg0, %mul3A_95, %dma_wait3A_101] : memref<2x10240x128xf32, #tpu.memory_space<hbm>> -> memref<1x632x128xf32, #tpu.memory_space<hbm>>
      %dma_wait3A_103 = tpu.memref_squeeze %dma_wait3A_102 : memref<1x632x128xf32, #tpu.memory_space<hbm>> -> memref<632x128xf32, #tpu.memory_space<hbm>>
      %dma_wait3A_104 = arith.constant 0 : i32
      %dma_wait3A_105 = tpu.memref_slice %arg7[%mul3A_93, %dma_wait3A_104] : memref<10112x128xf32, #tpu.memory_space<vmem_shared>> -> memref<632x128xf32, #tpu.memory_space<vmem_shared>>
      tpu.wait_dma2 semaphore(%run_scoped3A : memref<!tpu.dma_semaphore, #tpu.memory_space<semaphore_mem>>) src(%dma_wait3A_105 : memref<632x128xf32, #tpu.memory_space<vmem_shared>>) dst(%dma_wait3A_103 : memref<632x128xf32, #tpu.memory_space<hbm>>)
      tpu.yield
    }) : () -> ()
    return
  }
}

#map = affine_map<(d0, d1) -> (0, 0)>
module attributes {stable_mosaic.version = 14 : i64} {
  func.func @k(%arg0: i32, %arg1: i32, %arg2: memref<10240x256xf32, #tpu.memory_space<hbm>>, %arg3: memref<2640x128xi32, #tpu.memory_space<hbm>>, %arg4: memref<327680x256xf32, #tpu.memory_space<hbm>>, %arg5: memref<120x128xi32, #tpu.memory_space<vmem>>, %arg6: memref<448x256xf32, #tpu.memory_space<vmem>>, %arg7: memref<!tpu.dma_semaphore, #tpu.memory_space<semaphore_mem>>, %arg8: memref<!tpu.dma_semaphore, #tpu.memory_space<semaphore_mem>>) attributes {dimension_semantics = [#tpu.dimension_semantics<core_parallel>, #tpu.dimension_semantics<subcore_parallel>], iteration_bounds = array<i64: 2, 16>, scalar_prefetch = 0 : i64, scratch_operands = 4 : i64, tpu.core_type = #tpu.core_type<sc_vector_subcore>, window_params = [{transform_indices = #map}, {transform_indices = #map}, {transform_indices = #map}]} {
    %eq3A = arith.constant 0 : i32
    %eq3A_0 = arith.cmpi eq, %arg0, %eq3A : i32
    %jit3A = arith.constant 240 : i32
    %jit3A_1 = arith.constant 80 : i32
    %select_n3A = arith.select %eq3A_0, %jit3A, %jit3A_1 : i32
    %eq3A_2 = arith.constant 0 : i32
    %eq3A_3 = arith.cmpi eq, %arg0, %eq3A_2 : i32
    %mul3A = arith.constant 240 : i32
    %mul3A_4 = arith.muli %arg1, %mul3A : i32
    %mul3A_5 = arith.constant 80 : i32
    %mul3A_6 = arith.muli %arg1, %mul3A_5 : i32
    %add3A = arith.constant 3840 : i32
    %add3A_7 = arith.addi %add3A, %mul3A_6 : i32
    %select_n3A_8 = arith.select %eq3A_3, %mul3A_4, %add3A_7 : i32
    %div3A = arith.constant 2 : i32
    %div3A_9 = arith.divsi %select_n3A_8, %div3A : i32
    "tpu.region"() ({
      %run_scoped3A = tpu.sem_alloc : memref<!tpu.dma_semaphore, #tpu.memory_space<semaphore_mem>>
      %dma_start3A_148 = arith.constant 0 : i32
      %dma_start3A_149 = tpu.memref_slice %arg3[%div3A_9, %dma_start3A_148] : memref<2640x128xi32, #tpu.memory_space<hbm>> -> memref<120x128xi32, #tpu.memory_space<hbm>>
      %dma_start3A_150 = arith.constant 0 : i32
      %dma_start3A_151 = tpu.memref_slice %arg3[%div3A_9, %dma_start3A_150] : memref<2640x128xi32, #tpu.memory_space<hbm>> -> memref<120x128xi32, #tpu.memory_space<hbm>>
      tpu.enqueue_dma source(%dma_start3A_151 : memref<120x128xi32, #tpu.memory_space<hbm>>) target(%arg5 : memref<120x128xi32, #tpu.memory_space<vmem>>) target_semaphore(%run_scoped3A : memref<!tpu.dma_semaphore, #tpu.memory_space<semaphore_mem>>)
      %dma_wait3A_152 = arith.constant 0 : i32
      %dma_wait3A_153 = tpu.memref_slice %arg3[%div3A_9, %dma_wait3A_152] : memref<2640x128xi32, #tpu.memory_space<hbm>> -> memref<120x128xi32, #tpu.memory_space<hbm>>
      %dma_wait3A_154 = arith.constant 0 : i32
      %dma_wait3A_155 = tpu.memref_slice %arg3[%div3A_9, %dma_wait3A_154] : memref<2640x128xi32, #tpu.memory_space<hbm>> -> memref<120x128xi32, #tpu.memory_space<hbm>>
      tpu.wait_dma2 semaphore(%run_scoped3A : memref<!tpu.dma_semaphore, #tpu.memory_space<semaphore_mem>>) src(%dma_wait3A_155 : memref<120x128xi32, #tpu.memory_space<hbm>>) dst(%arg5 : memref<120x128xi32, #tpu.memory_space<vmem>>)
      tpu.yield
    }) : () -> ()
    %div3A_10 = arith.constant 0 : i32
    %div3A_11 = arith.constant 2 : i32
    %div3A_12 = arith.divsi %div3A_10, %div3A_11 : i32
    %rem3A = arith.constant 0 : i32
    %rem3A_13 = arith.constant 2 : i32
    %rem3A_14 = arith.remsi %rem3A, %rem3A_13 : i32
    %mul3A_15 = arith.constant 64 : i32
    %mul3A_16 = arith.muli %rem3A_14, %mul3A_15 : i32
    %rem3A_17 = arith.constant 0 : i32
    %rem3A_18 = arith.constant 7 : i32
    %rem3A_19 = arith.remsi %rem3A_17, %rem3A_18 : i32
    %mul3A_20 = arith.constant 64 : i32
    %mul3A_21 = arith.muli %rem3A_19, %mul3A_20 : i32
    %dma_start3A = arith.constant 0 : i32
    %dma_start3A_22 = tpu.memref_slice %arg6[%mul3A_21, %dma_start3A] : memref<448x256xf32, #tpu.memory_space<vmem>> -> memref<64x256xf32, #tpu.memory_space<vmem>>
    %dma_start3A_23 = tpu.memref_slice %arg5[%div3A_12, %mul3A_16] : memref<120x128xi32, #tpu.memory_space<vmem>> -> memref<1x64xi32, #tpu.memory_space<vmem>>
    %dma_start3A_24 = tpu.memref_squeeze %dma_start3A_23 : memref<1x64xi32, #tpu.memory_space<vmem>> -> memref<64xi32, #tpu.memory_space<vmem>>
    %dma_start3A_25 = arith.constant 0 : i32
    %dma_start3A_26 = arith.constant 0 : i32
    %dma_start3A_27 = tpu.memref_slice %arg2[%dma_start3A_25, %dma_start3A_26] : memref<10240x256xf32, #tpu.memory_space<hbm>> -> memref<10240x256xf32, #tpu.memory_space<hbm>>
    tpu.enqueue_indirect_dma source(%dma_start3A_27 : memref<10240x256xf32, #tpu.memory_space<hbm>>) target(%dma_start3A_22 : memref<64x256xf32, #tpu.memory_space<vmem>>) offsets(%dma_start3A_24 : memref<64xi32, #tpu.memory_space<vmem>>) semaphore(%arg7 : memref<!tpu.dma_semaphore, #tpu.memory_space<semaphore_mem>>)
    %div3A_28 = arith.constant 1 : i32
    %div3A_29 = arith.constant 2 : i32
    %div3A_30 = arith.divsi %div3A_28, %div3A_29 : i32
    %rem3A_31 = arith.constant 1 : i32
    %rem3A_32 = arith.constant 2 : i32
    %rem3A_33 = arith.remsi %rem3A_31, %rem3A_32 : i32
    %mul3A_34 = arith.constant 64 : i32
    %mul3A_35 = arith.muli %rem3A_33, %mul3A_34 : i32
    %rem3A_36 = arith.constant 1 : i32
    %rem3A_37 = arith.constant 7 : i32
    %rem3A_38 = arith.remsi %rem3A_36, %rem3A_37 : i32
    %mul3A_39 = arith.constant 64 : i32
    %mul3A_40 = arith.muli %rem3A_38, %mul3A_39 : i32
    %dma_start3A_41 = arith.constant 0 : i32
    %dma_start3A_42 = tpu.memref_slice %arg6[%mul3A_40, %dma_start3A_41] : memref<448x256xf32, #tpu.memory_space<vmem>> -> memref<64x256xf32, #tpu.memory_space<vmem>>
    %dma_start3A_43 = tpu.memref_slice %arg5[%div3A_30, %mul3A_35] : memref<120x128xi32, #tpu.memory_space<vmem>> -> memref<1x64xi32, #tpu.memory_space<vmem>>
    %dma_start3A_44 = tpu.memref_squeeze %dma_start3A_43 : memref<1x64xi32, #tpu.memory_space<vmem>> -> memref<64xi32, #tpu.memory_space<vmem>>
    %dma_start3A_45 = arith.constant 0 : i32
    %dma_start3A_46 = arith.constant 0 : i32
    %dma_start3A_47 = tpu.memref_slice %arg2[%dma_start3A_45, %dma_start3A_46] : memref<10240x256xf32, #tpu.memory_space<hbm>> -> memref<10240x256xf32, #tpu.memory_space<hbm>>
    tpu.enqueue_indirect_dma source(%dma_start3A_47 : memref<10240x256xf32, #tpu.memory_space<hbm>>) target(%dma_start3A_42 : memref<64x256xf32, #tpu.memory_space<vmem>>) offsets(%dma_start3A_44 : memref<64xi32, #tpu.memory_space<vmem>>) semaphore(%arg7 : memref<!tpu.dma_semaphore, #tpu.memory_space<semaphore_mem>>)
    %div3A_48 = arith.constant 2 : i32
    %div3A_49 = arith.constant 2 : i32
    %div3A_50 = arith.divsi %div3A_48, %div3A_49 : i32
    %rem3A_51 = arith.constant 2 : i32
    %rem3A_52 = arith.constant 2 : i32
    %rem3A_53 = arith.remsi %rem3A_51, %rem3A_52 : i32
    %mul3A_54 = arith.constant 64 : i32
    %mul3A_55 = arith.muli %rem3A_53, %mul3A_54 : i32
    %rem3A_56 = arith.constant 2 : i32
    %rem3A_57 = arith.constant 7 : i32
    %rem3A_58 = arith.remsi %rem3A_56, %rem3A_57 : i32
    %mul3A_59 = arith.constant 64 : i32
    %mul3A_60 = arith.muli %rem3A_58, %mul3A_59 : i32
    %dma_start3A_61 = arith.constant 0 : i32
    %dma_start3A_62 = tpu.memref_slice %arg6[%mul3A_60, %dma_start3A_61] : memref<448x256xf32, #tpu.memory_space<vmem>> -> memref<64x256xf32, #tpu.memory_space<vmem>>
    %dma_start3A_63 = tpu.memref_slice %arg5[%div3A_50, %mul3A_55] : memref<120x128xi32, #tpu.memory_space<vmem>> -> memref<1x64xi32, #tpu.memory_space<vmem>>
    %dma_start3A_64 = tpu.memref_squeeze %dma_start3A_63 : memref<1x64xi32, #tpu.memory_space<vmem>> -> memref<64xi32, #tpu.memory_space<vmem>>
    %dma_start3A_65 = arith.constant 0 : i32
    %dma_start3A_66 = arith.constant 0 : i32
    %dma_start3A_67 = tpu.memref_slice %arg2[%dma_start3A_65, %dma_start3A_66] : memref<10240x256xf32, #tpu.memory_space<hbm>> -> memref<10240x256xf32, #tpu.memory_space<hbm>>
    tpu.enqueue_indirect_dma source(%dma_start3A_67 : memref<10240x256xf32, #tpu.memory_space<hbm>>) target(%dma_start3A_62 : memref<64x256xf32, #tpu.memory_space<vmem>>) offsets(%dma_start3A_64 : memref<64xi32, #tpu.memory_space<vmem>>) semaphore(%arg7 : memref<!tpu.dma_semaphore, #tpu.memory_space<semaphore_mem>>)
    %div3A_68 = arith.constant 3 : i32
    %div3A_69 = arith.constant 2 : i32
    %div3A_70 = arith.divsi %div3A_68, %div3A_69 : i32
    %rem3A_71 = arith.constant 3 : i32
    %rem3A_72 = arith.constant 2 : i32
    %rem3A_73 = arith.remsi %rem3A_71, %rem3A_72 : i32
    %mul3A_74 = arith.constant 64 : i32
    %mul3A_75 = arith.muli %rem3A_73, %mul3A_74 : i32
    %rem3A_76 = arith.constant 3 : i32
    %rem3A_77 = arith.constant 7 : i32
    %rem3A_78 = arith.remsi %rem3A_76, %rem3A_77 : i32
    %mul3A_79 = arith.constant 64 : i32
    %mul3A_80 = arith.muli %rem3A_78, %mul3A_79 : i32
    %dma_start3A_81 = arith.constant 0 : i32
    %dma_start3A_82 = tpu.memref_slice %arg6[%mul3A_80, %dma_start3A_81] : memref<448x256xf32, #tpu.memory_space<vmem>> -> memref<64x256xf32, #tpu.memory_space<vmem>>
    %dma_start3A_83 = tpu.memref_slice %arg5[%div3A_70, %mul3A_75] : memref<120x128xi32, #tpu.memory_space<vmem>> -> memref<1x64xi32, #tpu.memory_space<vmem>>
    %dma_start3A_84 = tpu.memref_squeeze %dma_start3A_83 : memref<1x64xi32, #tpu.memory_space<vmem>> -> memref<64xi32, #tpu.memory_space<vmem>>
    %dma_start3A_85 = arith.constant 0 : i32
    %dma_start3A_86 = arith.constant 0 : i32
    %dma_start3A_87 = tpu.memref_slice %arg2[%dma_start3A_85, %dma_start3A_86] : memref<10240x256xf32, #tpu.memory_space<hbm>> -> memref<10240x256xf32, #tpu.memory_space<hbm>>
    tpu.enqueue_indirect_dma source(%dma_start3A_87 : memref<10240x256xf32, #tpu.memory_space<hbm>>) target(%dma_start3A_82 : memref<64x256xf32, #tpu.memory_space<vmem>>) offsets(%dma_start3A_84 : memref<64xi32, #tpu.memory_space<vmem>>) semaphore(%arg7 : memref<!tpu.dma_semaphore, #tpu.memory_space<semaphore_mem>>)
    %div3A_88 = arith.constant 4 : i32
    %div3A_89 = arith.constant 2 : i32
    %div3A_90 = arith.divsi %div3A_88, %div3A_89 : i32
    %rem3A_91 = arith.constant 4 : i32
    %rem3A_92 = arith.constant 2 : i32
    %rem3A_93 = arith.remsi %rem3A_91, %rem3A_92 : i32
    %mul3A_94 = arith.constant 64 : i32
    %mul3A_95 = arith.muli %rem3A_93, %mul3A_94 : i32
    %rem3A_96 = arith.constant 4 : i32
    %rem3A_97 = arith.constant 7 : i32
    %rem3A_98 = arith.remsi %rem3A_96, %rem3A_97 : i32
    %mul3A_99 = arith.constant 64 : i32
    %mul3A_100 = arith.muli %rem3A_98, %mul3A_99 : i32
    %dma_start3A_101 = arith.constant 0 : i32
    %dma_start3A_102 = tpu.memref_slice %arg6[%mul3A_100, %dma_start3A_101] : memref<448x256xf32, #tpu.memory_space<vmem>> -> memref<64x256xf32, #tpu.memory_space<vmem>>
    %dma_start3A_103 = tpu.memref_slice %arg5[%div3A_90, %mul3A_95] : memref<120x128xi32, #tpu.memory_space<vmem>> -> memref<1x64xi32, #tpu.memory_space<vmem>>
    %dma_start3A_104 = tpu.memref_squeeze %dma_start3A_103 : memref<1x64xi32, #tpu.memory_space<vmem>> -> memref<64xi32, #tpu.memory_space<vmem>>
    %dma_start3A_105 = arith.constant 0 : i32
    %dma_start3A_106 = arith.constant 0 : i32
    %dma_start3A_107 = tpu.memref_slice %arg2[%dma_start3A_105, %dma_start3A_106] : memref<10240x256xf32, #tpu.memory_space<hbm>> -> memref<10240x256xf32, #tpu.memory_space<hbm>>
    tpu.enqueue_indirect_dma source(%dma_start3A_107 : memref<10240x256xf32, #tpu.memory_space<hbm>>) target(%dma_start3A_102 : memref<64x256xf32, #tpu.memory_space<vmem>>) offsets(%dma_start3A_104 : memref<64xi32, #tpu.memory_space<vmem>>) semaphore(%arg7 : memref<!tpu.dma_semaphore, #tpu.memory_space<semaphore_mem>>)
    %sub3A = arith.constant 0 : i32
    %sub3A_108 = arith.subi %select_n3A, %sub3A : i32
    %sub3A_109 = arith.constant 1 : i32
    %sub3A_110 = arith.constant 1 : i32
    %sub3A_111 = arith.subi %sub3A_109, %sub3A_110 : i32
    %add3A_112 = arith.addi %sub3A_108, %sub3A_111 : i32
    %div3A_113 = arith.constant 1 : i32
    %div3A_114 = arith.divsi %add3A_112, %div3A_113 : i32
    %while3A = arith.constant 1 : i32
    %while3A_115 = arith.constant 0 : i32
    %while3A_116 = arith.constant 0 : i32
    %while3A_117 = arith.subi %div3A_114, %while3A_116 : i32
    %while3A_118 = arith.addi %while3A_116, %while3A_117 : i32
    %while3A_119 = arith.constant 1 : i32
    %while3A_120 = arith.divsi %while3A_117, %while3A_119 : i32
    %while3A_121 = arith.muli %while3A_120, %while3A_119 : i32
    %while3A_122 = arith.addi %while3A_116, %while3A_121 : i32
    %while3A_123 = arith.constant 1 : i32
    scf.for %while3A_148 = %while3A_116 to %while3A_122 step %while3A_123  : i32 {
      %mul3A_149 = arith.muli %while3A_148, %while3A : i32
      %add3A_150 = arith.addi %while3A_115, %mul3A_149 : i32
      %dma_wait3A_151 = arith.constant 0 : i32
      %dma_wait3A_152 = arith.constant 0 : i32
      %dma_wait3A_153 = tpu.memref_slice %arg6[%dma_wait3A_151, %dma_wait3A_152] : memref<448x256xf32, #tpu.memory_space<vmem>> -> memref<64x256xf32, #tpu.memory_space<vmem>>
      %dma_wait3A_154 = arith.constant 0 : i32
      %dma_wait3A_155 = arith.constant 0 : i32
      %dma_wait3A_156 = tpu.memref_slice %arg2[%dma_wait3A_154, %dma_wait3A_155] : memref<10240x256xf32, #tpu.memory_space<hbm>> -> memref<64x256xf32, #tpu.memory_space<hbm>>
      %dma_wait3A_157 = arith.constant 0 : i32
      %dma_wait3A_158 = arith.constant 0 : i32
      %dma_wait3A_159 = tpu.memref_slice %arg6[%dma_wait3A_157, %dma_wait3A_158] : memref<448x256xf32, #tpu.memory_space<vmem>> -> memref<64x256xf32, #tpu.memory_space<vmem>>
      %dma_wait3A_160 = arith.constant 0 : i32
      %dma_wait3A_161 = arith.constant 0 : i32
      %dma_wait3A_162 = tpu.memref_slice %arg2[%dma_wait3A_160, %dma_wait3A_161] : memref<10240x256xf32, #tpu.memory_space<hbm>> -> memref<64x256xf32, #tpu.memory_space<hbm>>
      tpu.wait_dma2 semaphore(%arg7 : memref<!tpu.dma_semaphore, #tpu.memory_space<semaphore_mem>>) src(%dma_wait3A_162 : memref<64x256xf32, #tpu.memory_space<hbm>>) dst(%dma_wait3A_159 : memref<64x256xf32, #tpu.memory_space<vmem>>)
      %rem3A_163 = arith.constant 7 : i32
      %rem3A_164 = arith.remsi %add3A_150, %rem3A_163 : i32
      %mul3A_165 = arith.constant 64 : i32
      %mul3A_166 = arith.muli %rem3A_164, %mul3A_165 : i32
      %add3A_167 = arith.addi %select_n3A_8, %add3A_150 : i32
      %mul3A_168 = arith.constant 64 : i32
      %mul3A_169 = arith.muli %add3A_167, %mul3A_168 : i32
      %dma_start3A_170 = arith.constant 0 : i32
      %dma_start3A_171 = tpu.memref_slice %arg6[%mul3A_166, %dma_start3A_170] : memref<448x256xf32, #tpu.memory_space<vmem>> -> memref<64x256xf32, #tpu.memory_space<vmem>>
      %dma_start3A_172 = arith.constant 0 : i32
      %dma_start3A_173 = tpu.memref_slice %arg4[%mul3A_169, %dma_start3A_172] : memref<327680x256xf32, #tpu.memory_space<hbm>> -> memref<64x256xf32, #tpu.memory_space<hbm>>
      %dma_start3A_174 = arith.constant 0 : i32
      %dma_start3A_175 = tpu.memref_slice %arg4[%mul3A_169, %dma_start3A_174] : memref<327680x256xf32, #tpu.memory_space<hbm>> -> memref<64x256xf32, #tpu.memory_space<hbm>>
      %dma_start3A_176 = arith.constant 0 : i32
      %dma_start3A_177 = tpu.memref_slice %arg6[%mul3A_166, %dma_start3A_176] : memref<448x256xf32, #tpu.memory_space<vmem>> -> memref<64x256xf32, #tpu.memory_space<vmem>>
      tpu.enqueue_dma source(%dma_start3A_177 : memref<64x256xf32, #tpu.memory_space<vmem>>) target(%dma_start3A_175 : memref<64x256xf32, #tpu.memory_space<hbm>>) target_semaphore(%arg8 : memref<!tpu.dma_semaphore, #tpu.memory_space<semaphore_mem>>)
      %ge3A = arith.constant 2 : i32
      %ge3A_178 = arith.cmpi sge, %add3A_150, %ge3A : i32
      %convert_element_type3A = arith.extui %ge3A_178 : i1 to i32
      %cond3A = arith.constant 0 : i32
      %cond3A_179 = arith.cmpi ne, %convert_element_type3A, %cond3A : i32
      scf.if %cond3A_179 {
        %dma_wait3A_185 = arith.constant 0 : i32
        %dma_wait3A_186 = arith.constant 0 : i32
        %dma_wait3A_187 = tpu.memref_slice %arg6[%dma_wait3A_185, %dma_wait3A_186] : memref<448x256xf32, #tpu.memory_space<vmem>> -> memref<64x256xf32, #tpu.memory_space<vmem>>
        %dma_wait3A_188 = arith.constant 0 : i32
        %dma_wait3A_189 = arith.constant 0 : i32
        %dma_wait3A_190 = tpu.memref_slice %arg4[%dma_wait3A_188, %dma_wait3A_189] : memref<327680x256xf32, #tpu.memory_space<hbm>> -> memref<64x256xf32, #tpu.memory_space<hbm>>
        %dma_wait3A_191 = arith.constant 0 : i32
        %dma_wait3A_192 = arith.constant 0 : i32
        %dma_wait3A_193 = tpu.memref_slice %arg4[%dma_wait3A_191, %dma_wait3A_192] : memref<327680x256xf32, #tpu.memory_space<hbm>> -> memref<64x256xf32, #tpu.memory_space<hbm>>
        %dma_wait3A_194 = arith.constant 0 : i32
        %dma_wait3A_195 = arith.constant 0 : i32
        %dma_wait3A_196 = tpu.memref_slice %arg6[%dma_wait3A_194, %dma_wait3A_195] : memref<448x256xf32, #tpu.memory_space<vmem>> -> memref<64x256xf32, #tpu.memory_space<vmem>>
        tpu.wait_dma2 semaphore(%arg8 : memref<!tpu.dma_semaphore, #tpu.memory_space<semaphore_mem>>) src(%dma_wait3A_196 : memref<64x256xf32, #tpu.memory_space<vmem>>) dst(%dma_wait3A_193 : memref<64x256xf32, #tpu.memory_space<hbm>>)
      } else {
      }
      %add3A_180 = arith.constant 5 : i32
      %add3A_181 = arith.addi %add3A_150, %add3A_180 : i32
      %lt3A = arith.cmpi slt, %add3A_181, %select_n3A : i32
      %convert_element_type3A_182 = arith.extui %lt3A : i1 to i32
      %cond3A_183 = arith.constant 0 : i32
      %cond3A_184 = arith.cmpi ne, %convert_element_type3A_182, %cond3A_183 : i32
      scf.if %cond3A_184 {
        %add3A_185 = arith.constant 5 : i32
        %add3A_186 = arith.addi %add3A_150, %add3A_185 : i32
        %div3A_187 = arith.constant 2 : i32
        %div3A_188 = arith.divsi %add3A_186, %div3A_187 : i32
        %rem3A_189 = arith.constant 2 : i32
        %rem3A_190 = arith.remsi %add3A_186, %rem3A_189 : i32
        %mul3A_191 = arith.constant 64 : i32
        %mul3A_192 = arith.muli %rem3A_190, %mul3A_191 : i32
        %rem3A_193 = arith.constant 7 : i32
        %rem3A_194 = arith.remsi %add3A_186, %rem3A_193 : i32
        %mul3A_195 = arith.constant 64 : i32
        %mul3A_196 = arith.muli %rem3A_194, %mul3A_195 : i32
        %dma_start3A_197 = arith.constant 0 : i32
        %dma_start3A_198 = tpu.memref_slice %arg6[%mul3A_196, %dma_start3A_197] : memref<448x256xf32, #tpu.memory_space<vmem>> -> memref<64x256xf32, #tpu.memory_space<vmem>>
        %dma_start3A_199 = tpu.memref_slice %arg5[%div3A_188, %mul3A_192] : memref<120x128xi32, #tpu.memory_space<vmem>> -> memref<1x64xi32, #tpu.memory_space<vmem>>
        %dma_start3A_200 = tpu.memref_squeeze %dma_start3A_199 : memref<1x64xi32, #tpu.memory_space<vmem>> -> memref<64xi32, #tpu.memory_space<vmem>>
        %dma_start3A_201 = arith.constant 0 : i32
        %dma_start3A_202 = arith.constant 0 : i32
        %dma_start3A_203 = tpu.memref_slice %arg2[%dma_start3A_201, %dma_start3A_202] : memref<10240x256xf32, #tpu.memory_space<hbm>> -> memref<10240x256xf32, #tpu.memory_space<hbm>>
        tpu.enqueue_indirect_dma source(%dma_start3A_203 : memref<10240x256xf32, #tpu.memory_space<hbm>>) target(%dma_start3A_198 : memref<64x256xf32, #tpu.memory_space<vmem>>) offsets(%dma_start3A_200 : memref<64xi32, #tpu.memory_space<vmem>>) semaphore(%arg7 : memref<!tpu.dma_semaphore, #tpu.memory_space<semaphore_mem>>)
      } else {
      }
    }
    %while3A_124 = arith.constant 1 : i32
    scf.for %while3A_148 = %while3A_122 to %while3A_118 step %while3A_124  : i32 {
      %mul3A_149 = arith.muli %while3A_148, %while3A : i32
      %add3A_150 = arith.addi %while3A_115, %mul3A_149 : i32
      %dma_wait3A_151 = arith.constant 0 : i32
      %dma_wait3A_152 = arith.constant 0 : i32
      %dma_wait3A_153 = tpu.memref_slice %arg6[%dma_wait3A_151, %dma_wait3A_152] : memref<448x256xf32, #tpu.memory_space<vmem>> -> memref<64x256xf32, #tpu.memory_space<vmem>>
      %dma_wait3A_154 = arith.constant 0 : i32
      %dma_wait3A_155 = arith.constant 0 : i32
      %dma_wait3A_156 = tpu.memref_slice %arg2[%dma_wait3A_154, %dma_wait3A_155] : memref<10240x256xf32, #tpu.memory_space<hbm>> -> memref<64x256xf32, #tpu.memory_space<hbm>>
      %dma_wait3A_157 = arith.constant 0 : i32
      %dma_wait3A_158 = arith.constant 0 : i32
      %dma_wait3A_159 = tpu.memref_slice %arg6[%dma_wait3A_157, %dma_wait3A_158] : memref<448x256xf32, #tpu.memory_space<vmem>> -> memref<64x256xf32, #tpu.memory_space<vmem>>
      %dma_wait3A_160 = arith.constant 0 : i32
      %dma_wait3A_161 = arith.constant 0 : i32
      %dma_wait3A_162 = tpu.memref_slice %arg2[%dma_wait3A_160, %dma_wait3A_161] : memref<10240x256xf32, #tpu.memory_space<hbm>> -> memref<64x256xf32, #tpu.memory_space<hbm>>
      tpu.wait_dma2 semaphore(%arg7 : memref<!tpu.dma_semaphore, #tpu.memory_space<semaphore_mem>>) src(%dma_wait3A_162 : memref<64x256xf32, #tpu.memory_space<hbm>>) dst(%dma_wait3A_159 : memref<64x256xf32, #tpu.memory_space<vmem>>)
      %rem3A_163 = arith.constant 7 : i32
      %rem3A_164 = arith.remsi %add3A_150, %rem3A_163 : i32
      %mul3A_165 = arith.constant 64 : i32
      %mul3A_166 = arith.muli %rem3A_164, %mul3A_165 : i32
      %add3A_167 = arith.addi %select_n3A_8, %add3A_150 : i32
      %mul3A_168 = arith.constant 64 : i32
      %mul3A_169 = arith.muli %add3A_167, %mul3A_168 : i32
      %dma_start3A_170 = arith.constant 0 : i32
      %dma_start3A_171 = tpu.memref_slice %arg6[%mul3A_166, %dma_start3A_170] : memref<448x256xf32, #tpu.memory_space<vmem>> -> memref<64x256xf32, #tpu.memory_space<vmem>>
      %dma_start3A_172 = arith.constant 0 : i32
      %dma_start3A_173 = tpu.memref_slice %arg4[%mul3A_169, %dma_start3A_172] : memref<327680x256xf32, #tpu.memory_space<hbm>> -> memref<64x256xf32, #tpu.memory_space<hbm>>
      %dma_start3A_174 = arith.constant 0 : i32
      %dma_start3A_175 = tpu.memref_slice %arg4[%mul3A_169, %dma_start3A_174] : memref<327680x256xf32, #tpu.memory_space<hbm>> -> memref<64x256xf32, #tpu.memory_space<hbm>>
      %dma_start3A_176 = arith.constant 0 : i32
      %dma_start3A_177 = tpu.memref_slice %arg6[%mul3A_166, %dma_start3A_176] : memref<448x256xf32, #tpu.memory_space<vmem>> -> memref<64x256xf32, #tpu.memory_space<vmem>>
      tpu.enqueue_dma source(%dma_start3A_177 : memref<64x256xf32, #tpu.memory_space<vmem>>) target(%dma_start3A_175 : memref<64x256xf32, #tpu.memory_space<hbm>>) target_semaphore(%arg8 : memref<!tpu.dma_semaphore, #tpu.memory_space<semaphore_mem>>)
      %ge3A = arith.constant 2 : i32
      %ge3A_178 = arith.cmpi sge, %add3A_150, %ge3A : i32
      %convert_element_type3A = arith.extui %ge3A_178 : i1 to i32
      %cond3A = arith.constant 0 : i32
      %cond3A_179 = arith.cmpi ne, %convert_element_type3A, %cond3A : i32
      scf.if %cond3A_179 {
        %dma_wait3A_185 = arith.constant 0 : i32
        %dma_wait3A_186 = arith.constant 0 : i32
        %dma_wait3A_187 = tpu.memref_slice %arg6[%dma_wait3A_185, %dma_wait3A_186] : memref<448x256xf32, #tpu.memory_space<vmem>> -> memref<64x256xf32, #tpu.memory_space<vmem>>
        %dma_wait3A_188 = arith.constant 0 : i32
        %dma_wait3A_189 = arith.constant 0 : i32
        %dma_wait3A_190 = tpu.memref_slice %arg4[%dma_wait3A_188, %dma_wait3A_189] : memref<327680x256xf32, #tpu.memory_space<hbm>> -> memref<64x256xf32, #tpu.memory_space<hbm>>
        %dma_wait3A_191 = arith.constant 0 : i32
        %dma_wait3A_192 = arith.constant 0 : i32
        %dma_wait3A_193 = tpu.memref_slice %arg4[%dma_wait3A_191, %dma_wait3A_192] : memref<327680x256xf32, #tpu.memory_space<hbm>> -> memref<64x256xf32, #tpu.memory_space<hbm>>
        %dma_wait3A_194 = arith.constant 0 : i32
        %dma_wait3A_195 = arith.constant 0 : i32
        %dma_wait3A_196 = tpu.memref_slice %arg6[%dma_wait3A_194, %dma_wait3A_195] : memref<448x256xf32, #tpu.memory_space<vmem>> -> memref<64x256xf32, #tpu.memory_space<vmem>>
        tpu.wait_dma2 semaphore(%arg8 : memref<!tpu.dma_semaphore, #tpu.memory_space<semaphore_mem>>) src(%dma_wait3A_196 : memref<64x256xf32, #tpu.memory_space<vmem>>) dst(%dma_wait3A_193 : memref<64x256xf32, #tpu.memory_space<hbm>>)
      } else {
      }
      %add3A_180 = arith.constant 5 : i32
      %add3A_181 = arith.addi %add3A_150, %add3A_180 : i32
      %lt3A = arith.cmpi slt, %add3A_181, %select_n3A : i32
      %convert_element_type3A_182 = arith.extui %lt3A : i1 to i32
      %cond3A_183 = arith.constant 0 : i32
      %cond3A_184 = arith.cmpi ne, %convert_element_type3A_182, %cond3A_183 : i32
      scf.if %cond3A_184 {
        %add3A_185 = arith.constant 5 : i32
        %add3A_186 = arith.addi %add3A_150, %add3A_185 : i32
        %div3A_187 = arith.constant 2 : i32
        %div3A_188 = arith.divsi %add3A_186, %div3A_187 : i32
        %rem3A_189 = arith.constant 2 : i32
        %rem3A_190 = arith.remsi %add3A_186, %rem3A_189 : i32
        %mul3A_191 = arith.constant 64 : i32
        %mul3A_192 = arith.muli %rem3A_190, %mul3A_191 : i32
        %rem3A_193 = arith.constant 7 : i32
        %rem3A_194 = arith.remsi %add3A_186, %rem3A_193 : i32
        %mul3A_195 = arith.constant 64 : i32
        %mul3A_196 = arith.muli %rem3A_194, %mul3A_195 : i32
        %dma_start3A_197 = arith.constant 0 : i32
        %dma_start3A_198 = tpu.memref_slice %arg6[%mul3A_196, %dma_start3A_197] : memref<448x256xf32, #tpu.memory_space<vmem>> -> memref<64x256xf32, #tpu.memory_space<vmem>>
        %dma_start3A_199 = tpu.memref_slice %arg5[%div3A_188, %mul3A_192] : memref<120x128xi32, #tpu.memory_space<vmem>> -> memref<1x64xi32, #tpu.memory_space<vmem>>
        %dma_start3A_200 = tpu.memref_squeeze %dma_start3A_199 : memref<1x64xi32, #tpu.memory_space<vmem>> -> memref<64xi32, #tpu.memory_space<vmem>>
        %dma_start3A_201 = arith.constant 0 : i32
        %dma_start3A_202 = arith.constant 0 : i32
        %dma_start3A_203 = tpu.memref_slice %arg2[%dma_start3A_201, %dma_start3A_202] : memref<10240x256xf32, #tpu.memory_space<hbm>> -> memref<10240x256xf32, #tpu.memory_space<hbm>>
        tpu.enqueue_indirect_dma source(%dma_start3A_203 : memref<10240x256xf32, #tpu.memory_space<hbm>>) target(%dma_start3A_198 : memref<64x256xf32, #tpu.memory_space<vmem>>) offsets(%dma_start3A_200 : memref<64xi32, #tpu.memory_space<vmem>>) semaphore(%arg7 : memref<!tpu.dma_semaphore, #tpu.memory_space<semaphore_mem>>)
      } else {
      }
    }
    %dma_wait3A = arith.constant 0 : i32
    %dma_wait3A_125 = arith.constant 0 : i32
    %dma_wait3A_126 = tpu.memref_slice %arg6[%dma_wait3A, %dma_wait3A_125] : memref<448x256xf32, #tpu.memory_space<vmem>> -> memref<64x256xf32, #tpu.memory_space<vmem>>
    %dma_wait3A_127 = arith.constant 0 : i32
    %dma_wait3A_128 = arith.constant 0 : i32
    %dma_wait3A_129 = tpu.memref_slice %arg4[%dma_wait3A_127, %dma_wait3A_128] : memref<327680x256xf32, #tpu.memory_space<hbm>> -> memref<64x256xf32, #tpu.memory_space<hbm>>
    %dma_wait3A_130 = arith.constant 0 : i32
    %dma_wait3A_131 = arith.constant 0 : i32
    %dma_wait3A_132 = tpu.memref_slice %arg4[%dma_wait3A_130, %dma_wait3A_131] : memref<327680x256xf32, #tpu.memory_space<hbm>> -> memref<64x256xf32, #tpu.memory_space<hbm>>
    %dma_wait3A_133 = arith.constant 0 : i32
    %dma_wait3A_134 = arith.constant 0 : i32
    %dma_wait3A_135 = tpu.memref_slice %arg6[%dma_wait3A_133, %dma_wait3A_134] : memref<448x256xf32, #tpu.memory_space<vmem>> -> memref<64x256xf32, #tpu.memory_space<vmem>>
    tpu.wait_dma2 semaphore(%arg8 : memref<!tpu.dma_semaphore, #tpu.memory_space<semaphore_mem>>) src(%dma_wait3A_135 : memref<64x256xf32, #tpu.memory_space<vmem>>) dst(%dma_wait3A_132 : memref<64x256xf32, #tpu.memory_space<hbm>>)
    %dma_wait3A_136 = arith.constant 0 : i32
    %dma_wait3A_137 = arith.constant 0 : i32
    %dma_wait3A_138 = tpu.memref_slice %arg6[%dma_wait3A_136, %dma_wait3A_137] : memref<448x256xf32, #tpu.memory_space<vmem>> -> memref<64x256xf32, #tpu.memory_space<vmem>>
    %dma_wait3A_139 = arith.constant 0 : i32
    %dma_wait3A_140 = arith.constant 0 : i32
    %dma_wait3A_141 = tpu.memref_slice %arg4[%dma_wait3A_139, %dma_wait3A_140] : memref<327680x256xf32, #tpu.memory_space<hbm>> -> memref<64x256xf32, #tpu.memory_space<hbm>>
    %dma_wait3A_142 = arith.constant 0 : i32
    %dma_wait3A_143 = arith.constant 0 : i32
    %dma_wait3A_144 = tpu.memref_slice %arg4[%dma_wait3A_142, %dma_wait3A_143] : memref<327680x256xf32, #tpu.memory_space<hbm>> -> memref<64x256xf32, #tpu.memory_space<hbm>>
    %dma_wait3A_145 = arith.constant 0 : i32
    %dma_wait3A_146 = arith.constant 0 : i32
    %dma_wait3A_147 = tpu.memref_slice %arg6[%dma_wait3A_145, %dma_wait3A_146] : memref<448x256xf32, #tpu.memory_space<vmem>> -> memref<64x256xf32, #tpu.memory_space<vmem>>
    tpu.wait_dma2 semaphore(%arg8 : memref<!tpu.dma_semaphore, #tpu.memory_space<semaphore_mem>>) src(%dma_wait3A_147 : memref<64x256xf32, #tpu.memory_space<vmem>>) dst(%dma_wait3A_144 : memref<64x256xf32, #tpu.memory_space<hbm>>)
    return
  }
}

#map = affine_map<(d0, d1) -> (0, 0, 0)>
#map1 = affine_map<(d0, d1) -> (0, 0)>
module attributes {stable_mosaic.version = 14 : i64} {
  func.func @k(%arg0: i32, %arg1: i32, %arg2: memref<2x327680x128xf32, #tpu.memory_space<hbm>>, %arg3: memref<2560x128xi32, #tpu.memory_space<hbm>>, %arg4: memref<2x10240x128xf32, #tpu.memory_space<hbm>>, %arg5: memref<3x128xi32, #tpu.memory_space<vmem>>, %arg6: memref<384x128xf32, #tpu.memory_space<vmem>>, %arg7: memref<10112x128xf32, #tpu.memory_space<vmem_shared>>, %arg8: memref<!tpu.dma_semaphore, #tpu.memory_space<semaphore_mem>>, %arg9: memref<!tpu.dma_semaphore, #tpu.memory_space<semaphore_mem>>) attributes {dimension_semantics = [#tpu.dimension_semantics<core_parallel>, #tpu.dimension_semantics<subcore_parallel>], iteration_bounds = array<i64: 2, 16>, scalar_prefetch = 0 : i64, scratch_operands = 5 : i64, tpu.core_type = #tpu.core_type<sc_vector_subcore>, window_params = [{transform_indices = #map}, {transform_indices = #map1}, {transform_indices = #map}]} {
    %broadcast_in_dim3A = arith.constant 0.000000e+00 : f32
    %broadcast_in_dim3A_0 = vector.broadcast %broadcast_in_dim3A : f32 to vector<16xf32>
    %scan3A = arith.constant 0 : i32
    %scan3A_1 = arith.constant 128 : i32
    %scan3A_2 = arith.addi %scan3A, %scan3A_1 : i32
    %scan3A_3 = arith.constant 1 : i32
    scf.for %scan3A_96 = %scan3A to %scan3A_2 step %scan3A_3  : i32 {
      %mul3A_97 = arith.constant 1 : i32
      %mul3A_98 = arith.muli %scan3A_96, %mul3A_97 : i32
      %add3A_99 = arith.constant 0 : i32
      %add3A_100 = arith.addi %add3A_99, %mul3A_98 : i32
      %swap3A = arith.index_cast %add3A_100 : i32 to index
      %swap3A_101 = arith.constant 0 : index
      %swap3A_102 = tpu.vector_load %arg6[%swap3A, %swap3A_101] {strides = array<i32>} : memref<384x128xf32, #tpu.memory_space<vmem>>, vector<1x16xf32>,
      %swap3A_103 = vector.shape_cast %swap3A_102 : vector<1x16xf32> to vector<16xf32>
      %swap3A_104 = vector.shape_cast %broadcast_in_dim3A_0 : vector<16xf32> to vector<1x16xf32>
      tpu.vector_store %arg6[%swap3A, %swap3A_101], %swap3A_104 {strides = array<i32>} : memref<384x128xf32, #tpu.memory_space<vmem>>, vector<1x16xf32>,
      %swap3A_105 = arith.index_cast %add3A_100 : i32 to index
      %swap3A_106 = arith.constant 16 : index
      %swap3A_107 = tpu.vector_load %arg6[%swap3A_105, %swap3A_106] {strides = array<i32>} : memref<384x128xf32, #tpu.memory_space<vmem>>, vector<1x16xf32>,
      %swap3A_108 = vector.shape_cast %swap3A_107 : vector<1x16xf32> to vector<16xf32>
      %swap3A_109 = vector.shape_cast %broadcast_in_dim3A_0 : vector<16xf32> to vector<1x16xf32>
      tpu.vector_store %arg6[%swap3A_105, %swap3A_106], %swap3A_109 {strides = array<i32>} : memref<384x128xf32, #tpu.memory_space<vmem>>, vector<1x16xf32>,
      %swap3A_110 = arith.index_cast %add3A_100 : i32 to index
      %swap3A_111 = arith.constant 32 : index
      %swap3A_112 = tpu.vector_load %arg6[%swap3A_110, %swap3A_111] {strides = array<i32>} : memref<384x128xf32, #tpu.memory_space<vmem>>, vector<1x16xf32>,
      %swap3A_113 = vector.shape_cast %swap3A_112 : vector<1x16xf32> to vector<16xf32>
      %swap3A_114 = vector.shape_cast %broadcast_in_dim3A_0 : vector<16xf32> to vector<1x16xf32>
      tpu.vector_store %arg6[%swap3A_110, %swap3A_111], %swap3A_114 {strides = array<i32>} : memref<384x128xf32, #tpu.memory_space<vmem>>, vector<1x16xf32>,
      %swap3A_115 = arith.index_cast %add3A_100 : i32 to index
      %swap3A_116 = arith.constant 48 : index
      %swap3A_117 = tpu.vector_load %arg6[%swap3A_115, %swap3A_116] {strides = array<i32>} : memref<384x128xf32, #tpu.memory_space<vmem>>, vector<1x16xf32>,
      %swap3A_118 = vector.shape_cast %swap3A_117 : vector<1x16xf32> to vector<16xf32>
      %swap3A_119 = vector.shape_cast %broadcast_in_dim3A_0 : vector<16xf32> to vector<1x16xf32>
      tpu.vector_store %arg6[%swap3A_115, %swap3A_116], %swap3A_119 {strides = array<i32>} : memref<384x128xf32, #tpu.memory_space<vmem>>, vector<1x16xf32>,
      %swap3A_120 = arith.index_cast %add3A_100 : i32 to index
      %swap3A_121 = arith.constant 64 : index
      %swap3A_122 = tpu.vector_load %arg6[%swap3A_120, %swap3A_121] {strides = array<i32>} : memref<384x128xf32, #tpu.memory_space<vmem>>, vector<1x16xf32>,
      %swap3A_123 = vector.shape_cast %swap3A_122 : vector<1x16xf32> to vector<16xf32>
      %swap3A_124 = vector.shape_cast %broadcast_in_dim3A_0 : vector<16xf32> to vector<1x16xf32>
      tpu.vector_store %arg6[%swap3A_120, %swap3A_121], %swap3A_124 {strides = array<i32>} : memref<384x128xf32, #tpu.memory_space<vmem>>, vector<1x16xf32>,
      %swap3A_125 = arith.index_cast %add3A_100 : i32 to index
      %swap3A_126 = arith.constant 80 : index
      %swap3A_127 = tpu.vector_load %arg6[%swap3A_125, %swap3A_126] {strides = array<i32>} : memref<384x128xf32, #tpu.memory_space<vmem>>, vector<1x16xf32>,
      %swap3A_128 = vector.shape_cast %swap3A_127 : vector<1x16xf32> to vector<16xf32>
      %swap3A_129 = vector.shape_cast %broadcast_in_dim3A_0 : vector<16xf32> to vector<1x16xf32>
      tpu.vector_store %arg6[%swap3A_125, %swap3A_126], %swap3A_129 {strides = array<i32>} : memref<384x128xf32, #tpu.memory_space<vmem>>, vector<1x16xf32>,
      %swap3A_130 = arith.index_cast %add3A_100 : i32 to index
      %swap3A_131 = arith.constant 96 : index
      %swap3A_132 = tpu.vector_load %arg6[%swap3A_130, %swap3A_131] {strides = array<i32>} : memref<384x128xf32, #tpu.memory_space<vmem>>, vector<1x16xf32>,
      %swap3A_133 = vector.shape_cast %swap3A_132 : vector<1x16xf32> to vector<16xf32>
      %swap3A_134 = vector.shape_cast %broadcast_in_dim3A_0 : vector<16xf32> to vector<1x16xf32>
      tpu.vector_store %arg6[%swap3A_130, %swap3A_131], %swap3A_134 {strides = array<i32>} : memref<384x128xf32, #tpu.memory_space<vmem>>, vector<1x16xf32>,
      %swap3A_135 = arith.index_cast %add3A_100 : i32 to index
      %swap3A_136 = arith.constant 112 : index
      %swap3A_137 = tpu.vector_load %arg6[%swap3A_135, %swap3A_136] {strides = array<i32>} : memref<384x128xf32, #tpu.memory_space<vmem>>, vector<1x16xf32>,
      %swap3A_138 = vector.shape_cast %swap3A_137 : vector<1x16xf32> to vector<16xf32>
      %swap3A_139 = vector.shape_cast %broadcast_in_dim3A_0 : vector<16xf32> to vector<1x16xf32>
      tpu.vector_store %arg6[%swap3A_135, %swap3A_136], %swap3A_139 {strides = array<i32>} : memref<384x128xf32, #tpu.memory_space<vmem>>, vector<1x16xf32>,
    }
    %scan3A_4 = arith.constant 128 : i32
    %mul3A = arith.constant 632 : i32
    %mul3A_5 = arith.muli %arg1, %mul3A : i32
    %add3A = arith.constant 0 : i32
    %add3A_6 = arith.addi %mul3A_5, %add3A : i32
    "tpu.region"() ({
      %run_scoped3A = tpu.sem_alloc : memref<!tpu.dma_semaphore, #tpu.memory_space<semaphore_mem>>
      %dma_start3A_96 = arith.constant 0 : i32
      %dma_start3A_97 = arith.constant 0 : i32
      %dma_start3A_98 = tpu.memref_slice %arg6[%dma_start3A_96, %dma_start3A_97] : memref<384x128xf32, #tpu.memory_space<vmem>> -> memref<128x128xf32, #tpu.memory_space<vmem>>
      %dma_start3A_99 = arith.constant 0 : i32
      %dma_start3A_100 = tpu.memref_slice %arg7[%add3A_6, %dma_start3A_99] : memref<10112x128xf32, #tpu.memory_space<vmem_shared>> -> memref<128x128xf32, #tpu.memory_space<vmem_shared>>
      %dma_start3A_101 = arith.constant 0 : i32
      %dma_start3A_102 = tpu.memref_slice %arg7[%add3A_6, %dma_start3A_101] : memref<10112x128xf32, #tpu.memory_space<vmem_shared>> -> memref<128x128xf32, #tpu.memory_space<vmem_shared>>
      %dma_start3A_103 = arith.constant 0 : i32
      %dma_start3A_104 = arith.constant 0 : i32
      %dma_start3A_105 = tpu.memref_slice %arg6[%dma_start3A_103, %dma_start3A_104] : memref<384x128xf32, #tpu.memory_space<vmem>> -> memref<128x128xf32, #tpu.memory_space<vmem>>
      tpu.enqueue_dma source(%dma_start3A_105 : memref<128x128xf32, #tpu.memory_space<vmem>>) target(%dma_start3A_102 : memref<128x128xf32, #tpu.memory_space<vmem_shared>>) target_semaphore(%run_scoped3A : memref<!tpu.dma_semaphore, #tpu.memory_space<semaphore_mem>>)
      %dma_wait3A_106 = arith.constant 0 : i32
      %dma_wait3A_107 = arith.constant 0 : i32
      %dma_wait3A_108 = tpu.memref_slice %arg6[%dma_wait3A_106, %dma_wait3A_107] : memref<384x128xf32, #tpu.memory_space<vmem>> -> memref<128x128xf32, #tpu.memory_space<vmem>>
      %dma_wait3A_109 = arith.constant 0 : i32
      %dma_wait3A_110 = tpu.memref_slice %arg7[%add3A_6, %dma_wait3A_109] : memref<10112x128xf32, #tpu.memory_space<vmem_shared>> -> memref<128x128xf32, #tpu.memory_space<vmem_shared>>
      %dma_wait3A_111 = arith.constant 0 : i32
      %dma_wait3A_112 = tpu.memref_slice %arg7[%add3A_6, %dma_wait3A_111] : memref<10112x128xf32, #tpu.memory_space<vmem_shared>> -> memref<128x128xf32, #tpu.memory_space<vmem_shared>>
      %dma_wait3A_113 = arith.constant 0 : i32
      %dma_wait3A_114 = arith.constant 0 : i32
      %dma_wait3A_115 = tpu.memref_slice %arg6[%dma_wait3A_113, %dma_wait3A_114] : memref<384x128xf32, #tpu.memory_space<vmem>> -> memref<128x128xf32, #tpu.memory_space<vmem>>
      tpu.wait_dma2 semaphore(%run_scoped3A : memref<!tpu.dma_semaphore, #tpu.memory_space<semaphore_mem>>) src(%dma_wait3A_115 : memref<128x128xf32, #tpu.memory_space<vmem>>) dst(%dma_wait3A_112 : memref<128x128xf32, #tpu.memory_space<vmem_shared>>)
      tpu.yield
    }) : () -> ()
    %mul3A_7 = arith.constant 632 : i32
    %mul3A_8 = arith.muli %arg1, %mul3A_7 : i32
    %add3A_9 = arith.constant 128 : i32
    %add3A_10 = arith.addi %mul3A_8, %add3A_9 : i32
    "tpu.region"() ({
      %run_scoped3A = tpu.sem_alloc : memref<!tpu.dma_semaphore, #tpu.memory_space<semaphore_mem>>
      %dma_start3A_96 = arith.constant 0 : i32
      %dma_start3A_97 = arith.constant 0 : i32
      %dma_start3A_98 = tpu.memref_slice %arg6[%dma_start3A_96, %dma_start3A_97] : memref<384x128xf32, #tpu.memory_space<vmem>> -> memref<128x128xf32, #tpu.memory_space<vmem>>
      %dma_start3A_99 = arith.constant 0 : i32
      %dma_start3A_100 = tpu.memref_slice %arg7[%add3A_10, %dma_start3A_99] : memref<10112x128xf32, #tpu.memory_space<vmem_shared>> -> memref<128x128xf32, #tpu.memory_space<vmem_shared>>
      %dma_start3A_101 = arith.constant 0 : i32
      %dma_start3A_102 = tpu.memref_slice %arg7[%add3A_10, %dma_start3A_101] : memref<10112x128xf32, #tpu.memory_space<vmem_shared>> -> memref<128x128xf32, #tpu.memory_space<vmem_shared>>
      %dma_start3A_103 = arith.constant 0 : i32
      %dma_start3A_104 = arith.constant 0 : i32
      %dma_start3A_105 = tpu.memref_slice %arg6[%dma_start3A_103, %dma_start3A_104] : memref<384x128xf32, #tpu.memory_space<vmem>> -> memref<128x128xf32, #tpu.memory_space<vmem>>
      tpu.enqueue_dma source(%dma_start3A_105 : memref<128x128xf32, #tpu.memory_space<vmem>>) target(%dma_start3A_102 : memref<128x128xf32, #tpu.memory_space<vmem_shared>>) target_semaphore(%run_scoped3A : memref<!tpu.dma_semaphore, #tpu.memory_space<semaphore_mem>>)
      %dma_wait3A_106 = arith.constant 0 : i32
      %dma_wait3A_107 = arith.constant 0 : i32
      %dma_wait3A_108 = tpu.memref_slice %arg6[%dma_wait3A_106, %dma_wait3A_107] : memref<384x128xf32, #tpu.memory_space<vmem>> -> memref<128x128xf32, #tpu.memory_space<vmem>>
      %dma_wait3A_109 = arith.constant 0 : i32
      %dma_wait3A_110 = tpu.memref_slice %arg7[%add3A_10, %dma_wait3A_109] : memref<10112x128xf32, #tpu.memory_space<vmem_shared>> -> memref<128x128xf32, #tpu.memory_space<vmem_shared>>
      %dma_wait3A_111 = arith.constant 0 : i32
      %dma_wait3A_112 = tpu.memref_slice %arg7[%add3A_10, %dma_wait3A_111] : memref<10112x128xf32, #tpu.memory_space<vmem_shared>> -> memref<128x128xf32, #tpu.memory_space<vmem_shared>>
      %dma_wait3A_113 = arith.constant 0 : i32
      %dma_wait3A_114 = arith.constant 0 : i32
      %dma_wait3A_115 = tpu.memref_slice %arg6[%dma_wait3A_113, %dma_wait3A_114] : memref<384x128xf32, #tpu.memory_space<vmem>> -> memref<128x128xf32, #tpu.memory_space<vmem>>
      tpu.wait_dma2 semaphore(%run_scoped3A : memref<!tpu.dma_semaphore, #tpu.memory_space<semaphore_mem>>) src(%dma_wait3A_115 : memref<128x128xf32, #tpu.memory_space<vmem>>) dst(%dma_wait3A_112 : memref<128x128xf32, #tpu.memory_space<vmem_shared>>)
      tpu.yield
    }) : () -> ()
    %mul3A_11 = arith.constant 632 : i32
    %mul3A_12 = arith.muli %arg1, %mul3A_11 : i32
    %add3A_13 = arith.constant 256 : i32
    %add3A_14 = arith.addi %mul3A_12, %add3A_13 : i32
    "tpu.region"() ({
      %run_scoped3A = tpu.sem_alloc : memref<!tpu.dma_semaphore, #tpu.memory_space<semaphore_mem>>
      %dma_start3A_96 = arith.constant 0 : i32
      %dma_start3A_97 = arith.constant 0 : i32
      %dma_start3A_98 = tpu.memref_slice %arg6[%dma_start3A_96, %dma_start3A_97] : memref<384x128xf32, #tpu.memory_space<vmem>> -> memref<128x128xf32, #tpu.memory_space<vmem>>
      %dma_start3A_99 = arith.constant 0 : i32
      %dma_start3A_100 = tpu.memref_slice %arg7[%add3A_14, %dma_start3A_99] : memref<10112x128xf32, #tpu.memory_space<vmem_shared>> -> memref<128x128xf32, #tpu.memory_space<vmem_shared>>
      %dma_start3A_101 = arith.constant 0 : i32
      %dma_start3A_102 = tpu.memref_slice %arg7[%add3A_14, %dma_start3A_101] : memref<10112x128xf32, #tpu.memory_space<vmem_shared>> -> memref<128x128xf32, #tpu.memory_space<vmem_shared>>
      %dma_start3A_103 = arith.constant 0 : i32
      %dma_start3A_104 = arith.constant 0 : i32
      %dma_start3A_105 = tpu.memref_slice %arg6[%dma_start3A_103, %dma_start3A_104] : memref<384x128xf32, #tpu.memory_space<vmem>> -> memref<128x128xf32, #tpu.memory_space<vmem>>
      tpu.enqueue_dma source(%dma_start3A_105 : memref<128x128xf32, #tpu.memory_space<vmem>>) target(%dma_start3A_102 : memref<128x128xf32, #tpu.memory_space<vmem_shared>>) target_semaphore(%run_scoped3A : memref<!tpu.dma_semaphore, #tpu.memory_space<semaphore_mem>>)
      %dma_wait3A_106 = arith.constant 0 : i32
      %dma_wait3A_107 = arith.constant 0 : i32
      %dma_wait3A_108 = tpu.memref_slice %arg6[%dma_wait3A_106, %dma_wait3A_107] : memref<384x128xf32, #tpu.memory_space<vmem>> -> memref<128x128xf32, #tpu.memory_space<vmem>>
      %dma_wait3A_109 = arith.constant 0 : i32
      %dma_wait3A_110 = tpu.memref_slice %arg7[%add3A_14, %dma_wait3A_109] : memref<10112x128xf32, #tpu.memory_space<vmem_shared>> -> memref<128x128xf32, #tpu.memory_space<vmem_shared>>
      %dma_wait3A_111 = arith.constant 0 : i32
      %dma_wait3A_112 = tpu.memref_slice %arg7[%add3A_14, %dma_wait3A_111] : memref<10112x128xf32, #tpu.memory_space<vmem_shared>> -> memref<128x128xf32, #tpu.memory_space<vmem_shared>>
      %dma_wait3A_113 = arith.constant 0 : i32
      %dma_wait3A_114 = arith.constant 0 : i32
      %dma_wait3A_115 = tpu.memref_slice %arg6[%dma_wait3A_113, %dma_wait3A_114] : memref<384x128xf32, #tpu.memory_space<vmem>> -> memref<128x128xf32, #tpu.memory_space<vmem>>
      tpu.wait_dma2 semaphore(%run_scoped3A : memref<!tpu.dma_semaphore, #tpu.memory_space<semaphore_mem>>) src(%dma_wait3A_115 : memref<128x128xf32, #tpu.memory_space<vmem>>) dst(%dma_wait3A_112 : memref<128x128xf32, #tpu.memory_space<vmem_shared>>)
      tpu.yield
    }) : () -> ()
    %mul3A_15 = arith.constant 632 : i32
    %mul3A_16 = arith.muli %arg1, %mul3A_15 : i32
    %add3A_17 = arith.constant 384 : i32
    %add3A_18 = arith.addi %mul3A_16, %add3A_17 : i32
    "tpu.region"() ({
      %run_scoped3A = tpu.sem_alloc : memref<!tpu.dma_semaphore, #tpu.memory_space<semaphore_mem>>
      %dma_start3A_96 = arith.constant 0 : i32
      %dma_start3A_97 = arith.constant 0 : i32
      %dma_start3A_98 = tpu.memref_slice %arg6[%dma_start3A_96, %dma_start3A_97] : memref<384x128xf32, #tpu.memory_space<vmem>> -> memref<128x128xf32, #tpu.memory_space<vmem>>
      %dma_start3A_99 = arith.constant 0 : i32
      %dma_start3A_100 = tpu.memref_slice %arg7[%add3A_18, %dma_start3A_99] : memref<10112x128xf32, #tpu.memory_space<vmem_shared>> -> memref<128x128xf32, #tpu.memory_space<vmem_shared>>
      %dma_start3A_101 = arith.constant 0 : i32
      %dma_start3A_102 = tpu.memref_slice %arg7[%add3A_18, %dma_start3A_101] : memref<10112x128xf32, #tpu.memory_space<vmem_shared>> -> memref<128x128xf32, #tpu.memory_space<vmem_shared>>
      %dma_start3A_103 = arith.constant 0 : i32
      %dma_start3A_104 = arith.constant 0 : i32
      %dma_start3A_105 = tpu.memref_slice %arg6[%dma_start3A_103, %dma_start3A_104] : memref<384x128xf32, #tpu.memory_space<vmem>> -> memref<128x128xf32, #tpu.memory_space<vmem>>
      tpu.enqueue_dma source(%dma_start3A_105 : memref<128x128xf32, #tpu.memory_space<vmem>>) target(%dma_start3A_102 : memref<128x128xf32, #tpu.memory_space<vmem_shared>>) target_semaphore(%run_scoped3A : memref<!tpu.dma_semaphore, #tpu.memory_space<semaphore_mem>>)
      %dma_wait3A_106 = arith.constant 0 : i32
      %dma_wait3A_107 = arith.constant 0 : i32
      %dma_wait3A_108 = tpu.memref_slice %arg6[%dma_wait3A_106, %dma_wait3A_107] : memref<384x128xf32, #tpu.memory_space<vmem>> -> memref<128x128xf32, #tpu.memory_space<vmem>>
      %dma_wait3A_109 = arith.constant 0 : i32
      %dma_wait3A_110 = tpu.memref_slice %arg7[%add3A_18, %dma_wait3A_109] : memref<10112x128xf32, #tpu.memory_space<vmem_shared>> -> memref<128x128xf32, #tpu.memory_space<vmem_shared>>
      %dma_wait3A_111 = arith.constant 0 : i32
      %dma_wait3A_112 = tpu.memref_slice %arg7[%add3A_18, %dma_wait3A_111] : memref<10112x128xf32, #tpu.memory_space<vmem_shared>> -> memref<128x128xf32, #tpu.memory_space<vmem_shared>>
      %dma_wait3A_113 = arith.constant 0 : i32
      %dma_wait3A_114 = arith.constant 0 : i32
      %dma_wait3A_115 = tpu.memref_slice %arg6[%dma_wait3A_113, %dma_wait3A_114] : memref<384x128xf32, #tpu.memory_space<vmem>> -> memref<128x128xf32, #tpu.memory_space<vmem>>
      tpu.wait_dma2 semaphore(%run_scoped3A : memref<!tpu.dma_semaphore, #tpu.memory_space<semaphore_mem>>) src(%dma_wait3A_115 : memref<128x128xf32, #tpu.memory_space<vmem>>) dst(%dma_wait3A_112 : memref<128x128xf32, #tpu.memory_space<vmem_shared>>)
      tpu.yield
    }) : () -> ()
    %mul3A_19 = arith.constant 632 : i32
    %mul3A_20 = arith.muli %arg1, %mul3A_19 : i32
    %add3A_21 = arith.constant 512 : i32
    %add3A_22 = arith.addi %mul3A_20, %add3A_21 : i32
    "tpu.region"() ({
      %run_scoped3A = tpu.sem_alloc : memref<!tpu.dma_semaphore, #tpu.memory_space<semaphore_mem>>
      %dma_start3A_96 = arith.constant 0 : i32
      %dma_start3A_97 = arith.constant 0 : i32
      %dma_start3A_98 = tpu.memref_slice %arg6[%dma_start3A_96, %dma_start3A_97] : memref<384x128xf32, #tpu.memory_space<vmem>> -> memref<120x128xf32, #tpu.memory_space<vmem>>
      %dma_start3A_99 = arith.constant 0 : i32
      %dma_start3A_100 = tpu.memref_slice %arg7[%add3A_22, %dma_start3A_99] : memref<10112x128xf32, #tpu.memory_space<vmem_shared>> -> memref<120x128xf32, #tpu.memory_space<vmem_shared>>
      %dma_start3A_101 = arith.constant 0 : i32
      %dma_start3A_102 = tpu.memref_slice %arg7[%add3A_22, %dma_start3A_101] : memref<10112x128xf32, #tpu.memory_space<vmem_shared>> -> memref<120x128xf32, #tpu.memory_space<vmem_shared>>
      %dma_start3A_103 = arith.constant 0 : i32
      %dma_start3A_104 = arith.constant 0 : i32
      %dma_start3A_105 = tpu.memref_slice %arg6[%dma_start3A_103, %dma_start3A_104] : memref<384x128xf32, #tpu.memory_space<vmem>> -> memref<120x128xf32, #tpu.memory_space<vmem>>
      tpu.enqueue_dma source(%dma_start3A_105 : memref<120x128xf32, #tpu.memory_space<vmem>>) target(%dma_start3A_102 : memref<120x128xf32, #tpu.memory_space<vmem_shared>>) target_semaphore(%run_scoped3A : memref<!tpu.dma_semaphore, #tpu.memory_space<semaphore_mem>>)
      %dma_wait3A_106 = arith.constant 0 : i32
      %dma_wait3A_107 = arith.constant 0 : i32
      %dma_wait3A_108 = tpu.memref_slice %arg6[%dma_wait3A_106, %dma_wait3A_107] : memref<384x128xf32, #tpu.memory_space<vmem>> -> memref<120x128xf32, #tpu.memory_space<vmem>>
      %dma_wait3A_109 = arith.constant 0 : i32
      %dma_wait3A_110 = tpu.memref_slice %arg7[%add3A_22, %dma_wait3A_109] : memref<10112x128xf32, #tpu.memory_space<vmem_shared>> -> memref<120x128xf32, #tpu.memory_space<vmem_shared>>
      %dma_wait3A_111 = arith.constant 0 : i32
      %dma_wait3A_112 = tpu.memref_slice %arg7[%add3A_22, %dma_wait3A_111] : memref<10112x128xf32, #tpu.memory_space<vmem_shared>> -> memref<120x128xf32, #tpu.memory_space<vmem_shared>>
      %dma_wait3A_113 = arith.constant 0 : i32
      %dma_wait3A_114 = arith.constant 0 : i32
      %dma_wait3A_115 = tpu.memref_slice %arg6[%dma_wait3A_113, %dma_wait3A_114] : memref<384x128xf32, #tpu.memory_space<vmem>> -> memref<120x128xf32, #tpu.memory_space<vmem>>
      tpu.wait_dma2 semaphore(%run_scoped3A : memref<!tpu.dma_semaphore, #tpu.memory_space<semaphore_mem>>) src(%dma_wait3A_115 : memref<120x128xf32, #tpu.memory_space<vmem>>) dst(%dma_wait3A_112 : memref<120x128xf32, #tpu.memory_space<vmem_shared>>)
      tpu.yield
    }) : () -> ()
    %eq3A = arith.constant 0 : i32
    %eq3A_23 = arith.cmpi eq, %arg1, %eq3A : i32
    %convert_element_type3A = arith.extui %eq3A_23 : i1 to i32
    %cond3A = arith.constant 0 : i32
    %cond3A_24 = arith.cmpi ne, %convert_element_type3A, %cond3A : i32
    scf.if %cond3A_24 {
      "tpu.region"() ({
        %run_scoped3A = tpu.sem_alloc : memref<!tpu.dma_semaphore, #tpu.memory_space<semaphore_mem>>
        %dma_start3A_96 = arith.constant 0 : i32
        %dma_start3A_97 = arith.constant 0 : i32
        %dma_start3A_98 = tpu.memref_slice %arg6[%dma_start3A_96, %dma_start3A_97] : memref<384x128xf32, #tpu.memory_space<vmem>> -> memref<128x128xf32, #tpu.memory_space<vmem>>
        %dma_start3A_99 = arith.constant 10112 : i32
        %dma_start3A_100 = arith.constant 0 : i32
        %dma_start3A_101 = tpu.memref_slice %arg4[%arg0, %dma_start3A_99, %dma_start3A_100] : memref<2x10240x128xf32, #tpu.memory_space<hbm>> -> memref<1x128x128xf32, #tpu.memory_space<hbm>>
        %dma_start3A_102 = tpu.memref_squeeze %dma_start3A_101 : memref<1x128x128xf32, #tpu.memory_space<hbm>> -> memref<128x128xf32, #tpu.memory_space<hbm>>
        %dma_start3A_103 = arith.constant 10112 : i32
        %dma_start3A_104 = arith.constant 0 : i32
        %dma_start3A_105 = tpu.memref_slice %arg4[%arg0, %dma_start3A_103, %dma_start3A_104] : memref<2x10240x128xf32, #tpu.memory_space<hbm>> -> memref<1x128x128xf32, #tpu.memory_space<hbm>>
        %dma_start3A_106 = tpu.memref_squeeze %dma_start3A_105 : memref<1x128x128xf32, #tpu.memory_space<hbm>> -> memref<128x128xf32, #tpu.memory_space<hbm>>
        %dma_start3A_107 = arith.constant 0 : i32
        %dma_start3A_108 = arith.constant 0 : i32
        %dma_start3A_109 = tpu.memref_slice %arg6[%dma_start3A_107, %dma_start3A_108] : memref<384x128xf32, #tpu.memory_space<vmem>> -> memref<128x128xf32, #tpu.memory_space<vmem>>
        tpu.enqueue_dma source(%dma_start3A_109 : memref<128x128xf32, #tpu.memory_space<vmem>>) target(%dma_start3A_106 : memref<128x128xf32, #tpu.memory_space<hbm>>) target_semaphore(%run_scoped3A : memref<!tpu.dma_semaphore, #tpu.memory_space<semaphore_mem>>)
        %dma_wait3A_110 = arith.constant 0 : i32
        %dma_wait3A_111 = arith.constant 0 : i32
        %dma_wait3A_112 = tpu.memref_slice %arg6[%dma_wait3A_110, %dma_wait3A_111] : memref<384x128xf32, #tpu.memory_space<vmem>> -> memref<128x128xf32, #tpu.memory_space<vmem>>
        %dma_wait3A_113 = arith.constant 10112 : i32
        %dma_wait3A_114 = arith.constant 0 : i32
        %dma_wait3A_115 = tpu.memref_slice %arg4[%arg0, %dma_wait3A_113, %dma_wait3A_114] : memref<2x10240x128xf32, #tpu.memory_space<hbm>> -> memref<1x128x128xf32, #tpu.memory_space<hbm>>
        %dma_wait3A_116 = tpu.memref_squeeze %dma_wait3A_115 : memref<1x128x128xf32, #tpu.memory_space<hbm>> -> memref<128x128xf32, #tpu.memory_space<hbm>>
        %dma_wait3A_117 = arith.constant 10112 : i32
        %dma_wait3A_118 = arith.constant 0 : i32
        %dma_wait3A_119 = tpu.memref_slice %arg4[%arg0, %dma_wait3A_117, %dma_wait3A_118] : memref<2x10240x128xf32, #tpu.memory_space<hbm>> -> memref<1x128x128xf32, #tpu.memory_space<hbm>>
        %dma_wait3A_120 = tpu.memref_squeeze %dma_wait3A_119 : memref<1x128x128xf32, #tpu.memory_space<hbm>> -> memref<128x128xf32, #tpu.memory_space<hbm>>
        %dma_wait3A_121 = arith.constant 0 : i32
        %dma_wait3A_122 = arith.constant 0 : i32
        %dma_wait3A_123 = tpu.memref_slice %arg6[%dma_wait3A_121, %dma_wait3A_122] : memref<384x128xf32, #tpu.memory_space<vmem>> -> memref<128x128xf32, #tpu.memory_space<vmem>>
        tpu.wait_dma2 semaphore(%run_scoped3A : memref<!tpu.dma_semaphore, #tpu.memory_space<semaphore_mem>>) src(%dma_wait3A_123 : memref<128x128xf32, #tpu.memory_space<vmem>>) dst(%dma_wait3A_120 : memref<128x128xf32, #tpu.memory_space<hbm>>)
        tpu.yield
      }) : () -> ()
    } else {
    }
    %barrier3A = arith.constant 0 : index
    tpu.barrier barrier_id(%barrier3A)
    %mul3A_25 = arith.constant 160 : i32
    %mul3A_26 = arith.muli %arg1, %mul3A_25 : i32
    %add3A_27 = arith.constant 0 : i32
    %add3A_28 = arith.addi %mul3A_26, %add3A_27 : i32
    %mul3A_29 = arith.constant 128 : i32
    %mul3A_30 = arith.muli %add3A_28, %mul3A_29 : i32
    %rem3A = arith.constant 0 : i32
    %rem3A_31 = arith.constant 3 : i32
    %rem3A_32 = arith.remsi %rem3A, %rem3A_31 : i32
    %mul3A_33 = arith.constant 128 : i32
    %mul3A_34 = arith.muli %rem3A_32, %mul3A_33 : i32
    %dma_start3A = arith.constant 0 : i32
    %dma_start3A_35 = tpu.memref_slice %arg6[%mul3A_34, %dma_start3A] : memref<384x128xf32, #tpu.memory_space<vmem>> -> memref<128x128xf32, #tpu.memory_space<vmem>>
    %dma_start3A_36 = arith.constant 0 : i32
    %dma_start3A_37 = tpu.memref_slice %arg2[%arg0, %mul3A_30, %dma_start3A_36] : memref<2x327680x128xf32, #tpu.memory_space<hbm>> -> memref<1x128x128xf32, #tpu.memory_space<hbm>>
    %dma_start3A_38 = tpu.memref_squeeze %dma_start3A_37 : memref<1x128x128xf32, #tpu.memory_space<hbm>> -> memref<128x128xf32, #tpu.memory_space<hbm>>
    %dma_start3A_39 = arith.constant 0 : i32
    %dma_start3A_40 = tpu.memref_slice %arg6[%mul3A_34, %dma_start3A_39] : memref<384x128xf32, #tpu.memory_space<vmem>> -> memref<128x128xf32, #tpu.memory_space<vmem>>
    %dma_start3A_41 = arith.constant 0 : i32
    %dma_start3A_42 = tpu.memref_slice %arg2[%arg0, %mul3A_30, %dma_start3A_41] : memref<2x327680x128xf32, #tpu.memory_space<hbm>> -> memref<1x128x128xf32, #tpu.memory_space<hbm>>
    %dma_start3A_43 = tpu.memref_squeeze %dma_start3A_42 : memref<1x128x128xf32, #tpu.memory_space<hbm>> -> memref<128x128xf32, #tpu.memory_space<hbm>>
    tpu.enqueue_dma source(%dma_start3A_43 : memref<128x128xf32, #tpu.memory_space<hbm>>) target(%dma_start3A_40 : memref<128x128xf32, #tpu.memory_space<vmem>>) target_semaphore(%arg8 : memref<!tpu.dma_semaphore, #tpu.memory_space<semaphore_mem>>)
    %mul3A_44 = arith.constant 160 : i32
    %mul3A_45 = arith.muli %arg1, %mul3A_44 : i32
    %add3A_46 = arith.constant 0 : i32
    %add3A_47 = arith.addi %mul3A_45, %add3A_46 : i32
    %rem3A_48 = arith.constant 0 : i32
    %rem3A_49 = arith.constant 3 : i32
    %rem3A_50 = arith.remsi %rem3A_48, %rem3A_49 : i32
    %dma_start3A_51 = arith.constant 0 : i32
    %dma_start3A_52 = tpu.memref_slice %arg5[%rem3A_50, %dma_start3A_51] : memref<3x128xi32, #tpu.memory_space<vmem>> -> memref<1x128xi32, #tpu.memory_space<vmem>>
    %dma_start3A_53 = tpu.memref_squeeze %dma_start3A_52 : memref<1x128xi32, #tpu.memory_space<vmem>> -> memref<128xi32, #tpu.memory_space<vmem>>
    %dma_start3A_54 = arith.constant 0 : i32
    %dma_start3A_55 = tpu.memref_slice %arg3[%add3A_47, %dma_start3A_54] : memref<2560x128xi32, #tpu.memory_space<hbm>> -> memref<1x128xi32, #tpu.memory_space<hbm>>
    %dma_start3A_56 = tpu.memref_squeeze %dma_start3A_55 : memref<1x128xi32, #tpu.memory_space<hbm>> -> memref<128xi32, #tpu.memory_space<hbm>>
    %dma_start3A_57 = arith.constant 0 : i32
    %dma_start3A_58 = tpu.memref_slice %arg5[%rem3A_50, %dma_start3A_57] : memref<3x128xi32, #tpu.memory_space<vmem>> -> memref<1x128xi32, #tpu.memory_space<vmem>>
    %dma_start3A_59 = tpu.memref_squeeze %dma_start3A_58 : memref<1x128xi32, #tpu.memory_space<vmem>> -> memref<128xi32, #tpu.memory_space<vmem>>
    %dma_start3A_60 = arith.constant 0 : i32
    %dma_start3A_61 = tpu.memref_slice %arg3[%add3A_47, %dma_start3A_60] : memref<2560x128xi32, #tpu.memory_space<hbm>> -> memref<1x128xi32, #tpu.memory_space<hbm>>
    %dma_start3A_62 = tpu.memref_squeeze %dma_start3A_61 : memref<1x128xi32, #tpu.memory_space<hbm>> -> memref<128xi32, #tpu.memory_space<hbm>>
    tpu.enqueue_dma source(%dma_start3A_62 : memref<128xi32, #tpu.memory_space<hbm>>) target(%dma_start3A_59 : memref<128xi32, #tpu.memory_space<vmem>>) target_semaphore(%arg8 : memref<!tpu.dma_semaphore, #tpu.memory_space<semaphore_mem>>)
    %scan3A_63 = arith.constant 0 : i32
    %scan3A_64 = arith.constant 160 : i32
    %scan3A_65 = arith.addi %scan3A_63, %scan3A_64 : i32
    %scan3A_66 = arith.constant 1 : i32
    scf.for %scan3A_96 = %scan3A_63 to %scan3A_65 step %scan3A_66  : i32 {
      %mul3A_97 = arith.constant 1 : i32
      %mul3A_98 = arith.muli %scan3A_96, %mul3A_97 : i32
      %add3A_99 = arith.constant 0 : i32
      %add3A_100 = arith.addi %add3A_99, %mul3A_98 : i32
      %dma_wait3A_101 = arith.constant 0 : i32
      %dma_wait3A_102 = arith.constant 0 : i32
      %dma_wait3A_103 = arith.constant 0 : i32
      %dma_wait3A_104 = tpu.memref_slice %arg6[%dma_wait3A_102, %dma_wait3A_103] : memref<384x128xf32, #tpu.memory_space<vmem>> -> memref<128x128xf32, #tpu.memory_space<vmem>>
      %dma_wait3A_105 = arith.constant 0 : i32
      %dma_wait3A_106 = arith.constant 0 : i32
      %dma_wait3A_107 = tpu.memref_slice %arg2[%dma_wait3A_101, %dma_wait3A_105, %dma_wait3A_106] : memref<2x327680x128xf32, #tpu.memory_space<hbm>> -> memref<1x128x128xf32, #tpu.memory_space<hbm>>
      %dma_wait3A_108 = tpu.memref_squeeze %dma_wait3A_107 : memref<1x128x128xf32, #tpu.memory_space<hbm>> -> memref<128x128xf32, #tpu.memory_space<hbm>>
      %dma_wait3A_109 = arith.constant 0 : i32
      %dma_wait3A_110 = arith.constant 0 : i32
      %dma_wait3A_111 = tpu.memref_slice %arg6[%dma_wait3A_109, %dma_wait3A_110] : memref<384x128xf32, #tpu.memory_space<vmem>> -> memref<128x128xf32, #tpu.memory_space<vmem>>
      %dma_wait3A_112 = arith.constant 0 : i32
      %dma_wait3A_113 = arith.constant 0 : i32
      %dma_wait3A_114 = tpu.memref_slice %arg2[%dma_wait3A_101, %dma_wait3A_112, %dma_wait3A_113] : memref<2x327680x128xf32, #tpu.memory_space<hbm>> -> memref<1x128x128xf32, #tpu.memory_space<hbm>>
      %dma_wait3A_115 = tpu.memref_squeeze %dma_wait3A_114 : memref<1x128x128xf32, #tpu.memory_space<hbm>> -> memref<128x128xf32, #tpu.memory_space<hbm>>
      tpu.wait_dma2 semaphore(%arg8 : memref<!tpu.dma_semaphore, #tpu.memory_space<semaphore_mem>>) src(%dma_wait3A_115 : memref<128x128xf32, #tpu.memory_space<hbm>>) dst(%dma_wait3A_111 : memref<128x128xf32, #tpu.memory_space<vmem>>)
      %dma_wait3A_116 = arith.constant 0 : i32
      %dma_wait3A_117 = arith.constant 0 : i32
      %dma_wait3A_118 = arith.constant 0 : i32
      %dma_wait3A_119 = tpu.memref_slice %arg5[%dma_wait3A_117, %dma_wait3A_118] : memref<3x128xi32, #tpu.memory_space<vmem>> -> memref<1x128xi32, #tpu.memory_space<vmem>>
      %dma_wait3A_120 = tpu.memref_squeeze %dma_wait3A_119 : memref<1x128xi32, #tpu.memory_space<vmem>> -> memref<128xi32, #tpu.memory_space<vmem>>
      %dma_wait3A_121 = arith.constant 0 : i32
      %dma_wait3A_122 = tpu.memref_slice %arg3[%dma_wait3A_116, %dma_wait3A_121] : memref<2560x128xi32, #tpu.memory_space<hbm>> -> memref<1x128xi32, #tpu.memory_space<hbm>>
      %dma_wait3A_123 = tpu.memref_squeeze %dma_wait3A_122 : memref<1x128xi32, #tpu.memory_space<hbm>> -> memref<128xi32, #tpu.memory_space<hbm>>
      %dma_wait3A_124 = arith.constant 0 : i32
      %dma_wait3A_125 = tpu.memref_slice %arg5[%dma_wait3A_117, %dma_wait3A_124] : memref<3x128xi32, #tpu.memory_space<vmem>> -> memref<1x128xi32, #tpu.memory_space<vmem>>
      %dma_wait3A_126 = tpu.memref_squeeze %dma_wait3A_125 : memref<1x128xi32, #tpu.memory_space<vmem>> -> memref<128xi32, #tpu.memory_space<vmem>>
      %dma_wait3A_127 = arith.constant 0 : i32
      %dma_wait3A_128 = tpu.memref_slice %arg3[%dma_wait3A_116, %dma_wait3A_127] : memref<2560x128xi32, #tpu.memory_space<hbm>> -> memref<1x128xi32, #tpu.memory_space<hbm>>
      %dma_wait3A_129 = tpu.memref_squeeze %dma_wait3A_128 : memref<1x128xi32, #tpu.memory_space<hbm>> -> memref<128xi32, #tpu.memory_space<hbm>>
      tpu.wait_dma2 semaphore(%arg8 : memref<!tpu.dma_semaphore, #tpu.memory_space<semaphore_mem>>) src(%dma_wait3A_129 : memref<128xi32, #tpu.memory_space<hbm>>) dst(%dma_wait3A_126 : memref<128xi32, #tpu.memory_space<vmem>>)
      %rem3A_130 = arith.constant 3 : i32
      %rem3A_131 = arith.remsi %add3A_100, %rem3A_130 : i32
      %mul3A_132 = arith.constant 128 : i32
      %mul3A_133 = arith.muli %rem3A_131, %mul3A_132 : i32
      %rem3A_134 = arith.constant 3 : i32
      %rem3A_135 = arith.remsi %add3A_100, %rem3A_134 : i32
      %dma_start3A_136 = arith.constant 0 : i32
      %dma_start3A_137 = tpu.memref_slice %arg6[%mul3A_133, %dma_start3A_136] : memref<384x128xf32, #tpu.memory_space<vmem>> -> memref<128x128xf32, #tpu.memory_space<vmem>>
      %dma_start3A_138 = arith.constant 0 : i32
      %dma_start3A_139 = tpu.memref_slice %arg5[%rem3A_135, %dma_start3A_138] : memref<3x128xi32, #tpu.memory_space<vmem>> -> memref<1x128xi32, #tpu.memory_space<vmem>>
      %dma_start3A_140 = tpu.memref_squeeze %dma_start3A_139 : memref<1x128xi32, #tpu.memory_space<vmem>> -> memref<128xi32, #tpu.memory_space<vmem>>
      %dma_start3A_141 = arith.constant 0 : i32
      %dma_start3A_142 = arith.constant 0 : i32
      %dma_start3A_143 = tpu.memref_slice %arg7[%dma_start3A_141, %dma_start3A_142] : memref<10112x128xf32, #tpu.memory_space<vmem_shared>> -> memref<10112x128xf32, #tpu.memory_space<vmem_shared>>
      tpu.enqueue_indirect_dma source(%dma_start3A_137 : memref<128x128xf32, #tpu.memory_space<vmem>>) target(%dma_start3A_143 : memref<10112x128xf32, #tpu.memory_space<vmem_shared>>) offsets(%dma_start3A_140 : memref<128xi32, #tpu.memory_space<vmem>>) semaphore(%arg9 : memref<!tpu.dma_semaphore, #tpu.memory_space<semaphore_mem>>) {add = true}
      %ge3A = arith.constant 2 : i32
      %ge3A_144 = arith.cmpi sge, %add3A_100, %ge3A : i32
      %convert_element_type3A_145 = arith.extui %ge3A_144 : i1 to i32
      %cond3A_146 = arith.constant 0 : i32
      %cond3A_147 = arith.cmpi ne, %convert_element_type3A_145, %cond3A_146 : i32
      scf.if %cond3A_147 {
        %dma_wait3A_154 = arith.constant 0 : i32
        %dma_wait3A_155 = arith.constant 0 : i32
        %dma_wait3A_156 = tpu.memref_slice %arg6[%dma_wait3A_154, %dma_wait3A_155] : memref<384x128xf32, #tpu.memory_space<vmem>> -> memref<128x128xf32, #tpu.memory_space<vmem>>
        %dma_wait3A_157 = arith.constant 0 : i32
        %dma_wait3A_158 = arith.constant 0 : i32
        %dma_wait3A_159 = tpu.memref_slice %arg7[%dma_wait3A_157, %dma_wait3A_158] : memref<10112x128xf32, #tpu.memory_space<vmem_shared>> -> memref<128x128xf32, #tpu.memory_space<vmem_shared>>
        %dma_wait3A_160 = arith.constant 0 : i32
        %dma_wait3A_161 = arith.constant 0 : i32
        %dma_wait3A_162 = tpu.memref_slice %arg7[%dma_wait3A_160, %dma_wait3A_161] : memref<10112x128xf32, #tpu.memory_space<vmem_shared>> -> memref<128x128xf32, #tpu.memory_space<vmem_shared>>
        %dma_wait3A_163 = arith.constant 0 : i32
        %dma_wait3A_164 = arith.constant 0 : i32
        %dma_wait3A_165 = tpu.memref_slice %arg6[%dma_wait3A_163, %dma_wait3A_164] : memref<384x128xf32, #tpu.memory_space<vmem>> -> memref<128x128xf32, #tpu.memory_space<vmem>>
        tpu.wait_dma2 semaphore(%arg9 : memref<!tpu.dma_semaphore, #tpu.memory_space<semaphore_mem>>) src(%dma_wait3A_165 : memref<128x128xf32, #tpu.memory_space<vmem>>) dst(%dma_wait3A_162 : memref<128x128xf32, #tpu.memory_space<vmem_shared>>)
      } else {
      }
      %add3A_148 = arith.constant 1 : i32
      %add3A_149 = arith.addi %add3A_100, %add3A_148 : i32
      %lt3A = arith.constant 160 : i32
      %lt3A_150 = arith.cmpi slt, %add3A_149, %lt3A : i32
      %convert_element_type3A_151 = arith.extui %lt3A_150 : i1 to i32
      %cond3A_152 = arith.constant 0 : i32
      %cond3A_153 = arith.cmpi ne, %convert_element_type3A_151, %cond3A_152 : i32
      scf.if %cond3A_153 {
        %add3A_154 = arith.constant 1 : i32
        %add3A_155 = arith.addi %add3A_100, %add3A_154 : i32
        %mul3A_156 = arith.constant 160 : i32
        %mul3A_157 = arith.muli %arg1, %mul3A_156 : i32
        %add3A_158 = arith.addi %mul3A_157, %add3A_155 : i32
        %mul3A_159 = arith.constant 128 : i32
        %mul3A_160 = arith.muli %add3A_158, %mul3A_159 : i32
        %rem3A_161 = arith.constant 3 : i32
        %rem3A_162 = arith.remsi %add3A_155, %rem3A_161 : i32
        %mul3A_163 = arith.constant 128 : i32
        %mul3A_164 = arith.muli %rem3A_162, %mul3A_163 : i32
        %dma_start3A_165 = arith.constant 0 : i32
        %dma_start3A_166 = tpu.memref_slice %arg6[%mul3A_164, %dma_start3A_165] : memref<384x128xf32, #tpu.memory_space<vmem>> -> memref<128x128xf32, #tpu.memory_space<vmem>>
        %dma_start3A_167 = arith.constant 0 : i32
        %dma_start3A_168 = tpu.memref_slice %arg2[%arg0, %mul3A_160, %dma_start3A_167] : memref<2x327680x128xf32, #tpu.memory_space<hbm>> -> memref<1x128x128xf32, #tpu.memory_space<hbm>>
        %dma_start3A_169 = tpu.memref_squeeze %dma_start3A_168 : memref<1x128x128xf32, #tpu.memory_space<hbm>> -> memref<128x128xf32, #tpu.memory_space<hbm>>
        %dma_start3A_170 = arith.constant 0 : i32
        %dma_start3A_171 = tpu.memref_slice %arg6[%mul3A_164, %dma_start3A_170] : memref<384x128xf32, #tpu.memory_space<vmem>> -> memref<128x128xf32, #tpu.memory_space<vmem>>
        %dma_start3A_172 = arith.constant 0 : i32
        %dma_start3A_173 = tpu.memref_slice %arg2[%arg0, %mul3A_160, %dma_start3A_172] : memref<2x327680x128xf32, #tpu.memory_space<hbm>> -> memref<1x128x128xf32, #tpu.memory_space<hbm>>
        %dma_start3A_174 = tpu.memref_squeeze %dma_start3A_173 : memref<1x128x128xf32, #tpu.memory_space<hbm>> -> memref<128x128xf32, #tpu.memory_space<hbm>>
        tpu.enqueue_dma source(%dma_start3A_174 : memref<128x128xf32, #tpu.memory_space<hbm>>) target(%dma_start3A_171 : memref<128x128xf32, #tpu.memory_space<vmem>>) target_semaphore(%arg8 : memref<!tpu.dma_semaphore, #tpu.memory_space<semaphore_mem>>)
        %mul3A_175 = arith.constant 160 : i32
        %mul3A_176 = arith.muli %arg1, %mul3A_175 : i32
        %add3A_177 = arith.addi %mul3A_176, %add3A_155 : i32
        %rem3A_178 = arith.constant 3 : i32
        %rem3A_179 = arith.remsi %add3A_155, %rem3A_178 : i32
        %dma_start3A_180 = arith.constant 0 : i32
        %dma_start3A_181 = tpu.memref_slice %arg5[%rem3A_179, %dma_start3A_180] : memref<3x128xi32, #tpu.memory_space<vmem>> -> memref<1x128xi32, #tpu.memory_space<vmem>>
        %dma_start3A_182 = tpu.memref_squeeze %dma_start3A_181 : memref<1x128xi32, #tpu.memory_space<vmem>> -> memref<128xi32, #tpu.memory_space<vmem>>
        %dma_start3A_183 = arith.constant 0 : i32
        %dma_start3A_184 = tpu.memref_slice %arg3[%add3A_177, %dma_start3A_183] : memref<2560x128xi32, #tpu.memory_space<hbm>> -> memref<1x128xi32, #tpu.memory_space<hbm>>
        %dma_start3A_185 = tpu.memref_squeeze %dma_start3A_184 : memref<1x128xi32, #tpu.memory_space<hbm>> -> memref<128xi32, #tpu.memory_space<hbm>>
        %dma_start3A_186 = arith.constant 0 : i32
        %dma_start3A_187 = tpu.memref_slice %arg5[%rem3A_179, %dma_start3A_186] : memref<3x128xi32, #tpu.memory_space<vmem>> -> memref<1x128xi32, #tpu.memory_space<vmem>>
        %dma_start3A_188 = tpu.memref_squeeze %dma_start3A_187 : memref<1x128xi32, #tpu.memory_space<vmem>> -> memref<128xi32, #tpu.memory_space<vmem>>
        %dma_start3A_189 = arith.constant 0 : i32
        %dma_start3A_190 = tpu.memref_slice %arg3[%add3A_177, %dma_start3A_189] : memref<2560x128xi32, #tpu.memory_space<hbm>> -> memref<1x128xi32, #tpu.memory_space<hbm>>
        %dma_start3A_191 = tpu.memref_squeeze %dma_start3A_190 : memref<1x128xi32, #tpu.memory_space<hbm>> -> memref<128xi32, #tpu.memory_space<hbm>>
        tpu.enqueue_dma source(%dma_start3A_191 : memref<128xi32, #tpu.memory_space<hbm>>) target(%dma_start3A_188 : memref<128xi32, #tpu.memory_space<vmem>>) target_semaphore(%arg8 : memref<!tpu.dma_semaphore, #tpu.memory_space<semaphore_mem>>)
      } else {
      }
    }
    %scan3A_67 = arith.constant 160 : i32
    %dma_wait3A = arith.constant 0 : i32
    %dma_wait3A_68 = arith.constant 0 : i32
    %dma_wait3A_69 = tpu.memref_slice %arg6[%dma_wait3A, %dma_wait3A_68] : memref<384x128xf32, #tpu.memory_space<vmem>> -> memref<128x128xf32, #tpu.memory_space<vmem>>
    %dma_wait3A_70 = arith.constant 0 : i32
    %dma_wait3A_71 = arith.constant 0 : i32
    %dma_wait3A_72 = tpu.memref_slice %arg7[%dma_wait3A_70, %dma_wait3A_71] : memref<10112x128xf32, #tpu.memory_space<vmem_shared>> -> memref<128x128xf32, #tpu.memory_space<vmem_shared>>
    %dma_wait3A_73 = arith.constant 0 : i32
    %dma_wait3A_74 = arith.constant 0 : i32
    %dma_wait3A_75 = tpu.memref_slice %arg7[%dma_wait3A_73, %dma_wait3A_74] : memref<10112x128xf32, #tpu.memory_space<vmem_shared>> -> memref<128x128xf32, #tpu.memory_space<vmem_shared>>
    %dma_wait3A_76 = arith.constant 0 : i32
    %dma_wait3A_77 = arith.constant 0 : i32
    %dma_wait3A_78 = tpu.memref_slice %arg6[%dma_wait3A_76, %dma_wait3A_77] : memref<384x128xf32, #tpu.memory_space<vmem>> -> memref<128x128xf32, #tpu.memory_space<vmem>>
    tpu.wait_dma2 semaphore(%arg9 : memref<!tpu.dma_semaphore, #tpu.memory_space<semaphore_mem>>) src(%dma_wait3A_78 : memref<128x128xf32, #tpu.memory_space<vmem>>) dst(%dma_wait3A_75 : memref<128x128xf32, #tpu.memory_space<vmem_shared>>)
    %dma_wait3A_79 = arith.constant 0 : i32
    %dma_wait3A_80 = arith.constant 0 : i32
    %dma_wait3A_81 = tpu.memref_slice %arg6[%dma_wait3A_79, %dma_wait3A_80] : memref<384x128xf32, #tpu.memory_space<vmem>> -> memref<128x128xf32, #tpu.memory_space<vmem>>
    %dma_wait3A_82 = arith.constant 0 : i32
    %dma_wait3A_83 = arith.constant 0 : i32
    %dma_wait3A_84 = tpu.memref_slice %arg7[%dma_wait3A_82, %dma_wait3A_83] : memref<10112x128xf32, #tpu.memory_space<vmem_shared>> -> memref<128x128xf32, #tpu.memory_space<vmem_shared>>
    %dma_wait3A_85 = arith.constant 0 : i32
    %dma_wait3A_86 = arith.constant 0 : i32
    %dma_wait3A_87 = tpu.memref_slice %arg7[%dma_wait3A_85, %dma_wait3A_86] : memref<10112x128xf32, #tpu.memory_space<vmem_shared>> -> memref<128x128xf32, #tpu.memory_space<vmem_shared>>
    %dma_wait3A_88 = arith.constant 0 : i32
    %dma_wait3A_89 = arith.constant 0 : i32
    %dma_wait3A_90 = tpu.memref_slice %arg6[%dma_wait3A_88, %dma_wait3A_89] : memref<384x128xf32, #tpu.memory_space<vmem>> -> memref<128x128xf32, #tpu.memory_space<vmem>>
    tpu.wait_dma2 semaphore(%arg9 : memref<!tpu.dma_semaphore, #tpu.memory_space<semaphore_mem>>) src(%dma_wait3A_90 : memref<128x128xf32, #tpu.memory_space<vmem>>) dst(%dma_wait3A_87 : memref<128x128xf32, #tpu.memory_space<vmem_shared>>)
    %barrier3A_91 = arith.constant 0 : index
    tpu.barrier barrier_id(%barrier3A_91)
    %mul3A_92 = arith.constant 632 : i32
    %mul3A_93 = arith.muli %arg1, %mul3A_92 : i32
    %mul3A_94 = arith.constant 632 : i32
    %mul3A_95 = arith.muli %arg1, %mul3A_94 : i32
    "tpu.region"() ({
      %run_scoped3A = tpu.sem_alloc : memref<!tpu.dma_semaphore, #tpu.memory_space<semaphore_mem>>
      %dma_start3A_96 = arith.constant 0 : i32
      %dma_start3A_97 = tpu.memref_slice %arg4[%arg0, %mul3A_95, %dma_start3A_96] : memref<2x10240x128xf32, #tpu.memory_space<hbm>> -> memref<1x632x128xf32, #tpu.memory_space<hbm>>
      %dma_start3A_98 = tpu.memref_squeeze %dma_start3A_97 : memref<1x632x128xf32, #tpu.memory_space<hbm>> -> memref<632x128xf32, #tpu.memory_space<hbm>>
      %dma_start3A_99 = arith.constant 0 : i32
      %dma_start3A_100 = tpu.memref_slice %arg7[%mul3A_93, %dma_start3A_99] : memref<10112x128xf32, #tpu.memory_space<vmem_shared>> -> memref<632x128xf32, #tpu.memory_space<vmem_shared>>
      tpu.enqueue_dma source(%dma_start3A_100 : memref<632x128xf32, #tpu.memory_space<vmem_shared>>) target(%dma_start3A_98 : memref<632x128xf32, #tpu.memory_space<hbm>>) target_semaphore(%run_scoped3A : memref<!tpu.dma_semaphore, #tpu.memory_space<semaphore_mem>>)
      %dma_wait3A_101 = arith.constant 0 : i32
      %dma_wait3A_102 = tpu.memref_slice %arg4[%arg0, %mul3A_95, %dma_wait3A_101] : memref<2x10240x128xf32, #tpu.memory_space<hbm>> -> memref<1x632x128xf32, #tpu.memory_space<hbm>>
      %dma_wait3A_103 = tpu.memref_squeeze %dma_wait3A_102 : memref<1x632x128xf32, #tpu.memory_space<hbm>> -> memref<632x128xf32, #tpu.memory_space<hbm>>
      %dma_wait3A_104 = arith.constant 0 : i32
      %dma_wait3A_105 = tpu.memref_slice %arg7[%mul3A_93, %dma_wait3A_104] : memref<10112x128xf32, #tpu.memory_space<vmem_shared>> -> memref<632x128xf32, #tpu.memory_space<vmem_shared>>
      tpu.wait_dma2 semaphore(%run_scoped3A : memref<!tpu.dma_semaphore, #tpu.memory_space<semaphore_mem>>) src(%dma_wait3A_105 : memref<632x128xf32, #tpu.memory_space<vmem_shared>>) dst(%dma_wait3A_103 : memref<632x128xf32, #tpu.memory_space<hbm>>)
      tpu.yield
    }) : () -> ()
    return
  }
}

module attributes {stable_mosaic.version = 14 : i64} {
  func.func @body(%arg0: i32, %arg1: memref<1024x128xf32, #tpu.memory_space<vmem>>, %arg2: memref<128x240xf32, #tpu.memory_space<vmem>>, %arg3: memref<240x256xf32, #tpu.memory_space<vmem>>, %arg4: memref<1024x240xf32, #tpu.memory_space<vmem>>, %arg5: memref<1024x256xf32, #tpu.memory_space<vmem>>) attributes {dimension_semantics = [#tpu.dimension_semantics<arbitrary>], iteration_bounds = array<i64: 10>, scalar_prefetch = 0 : i64, scratch_operands = 0 : i64, tpu.core_type = #tpu.core_type<tc>, window_params = [{transform_indices = @transform_0, window_bounds = array<i64: 1024, 128>}, {pipeline_mode = #tpu.pipeline_mode<synchronous>, transform_indices = @transform_1, window_bounds = array<i64: 128, 240>}, {pipeline_mode = #tpu.pipeline_mode<synchronous>, transform_indices = @transform_2, window_bounds = array<i64: 240, 256>}, {transform_indices = @transform_3, window_bounds = array<i64: 1024, 240>}, {transform_indices = @transform_4, window_bounds = array<i64: 1024, 256>}]} {
    %get3A = arith.constant 0 : index
    %get3A_0 = arith.constant 0 : index
    %get3A_1 = vector.load %arg1[%get3A, %get3A_0] : memref<1024x128xf32, #tpu.memory_space<vmem>>, vector<1024x128xf32>
    %get3A_2 = arith.constant 0 : index
    %get3A_3 = arith.constant 0 : index
    %get3A_4 = vector.load %arg2[%get3A_2, %get3A_3] : memref<128x240xf32, #tpu.memory_space<vmem>>, vector<128x240xf32>
    %dot_general3A = arith.constant dense<0.000000e+00> : vector<1024x240xf32>
    %dot_general3A_5 = tpu.matmul %get3A_1, %get3A_4, %dot_general3A {dimension_numbers = #tpu.dot_dimension_numbers<[1], [0], [0], [1], [0, 0, 1, 1], [], []>, transpose_lhs_hint = false} : vector<1024x128xf32>, vector<128x240xf32>, vector<1024x240xf32> -> vector<1024x240xf32>
    %swap3A = arith.constant 0 : index
    %swap3A_6 = arith.constant 0 : index
    %swap3A_7 = vector.load %arg4[%swap3A, %swap3A_6] : memref<1024x240xf32, #tpu.memory_space<vmem>>, vector<1024x240xf32>
    tpu.vector_store %arg4[%swap3A, %swap3A_6], %dot_general3A_5 {strides = array<i32>} : memref<1024x240xf32, #tpu.memory_space<vmem>>, vector<1024x240xf32>,
    %get3A_8 = arith.constant 0 : index
    %get3A_9 = arith.constant 0 : index
    %get3A_10 = vector.load %arg3[%get3A_8, %get3A_9] : memref<240x256xf32, #tpu.memory_space<vmem>>, vector<240x256xf32>
    %dot_general3A_11 = arith.constant dense<0.000000e+00> : vector<1024x256xf32>
    %dot_general3A_12 = tpu.matmul %dot_general3A_5, %get3A_10, %dot_general3A_11 {dimension_numbers = #tpu.dot_dimension_numbers<[1], [0], [0], [1], [0, 0, 1, 1], [], []>, transpose_lhs_hint = false} : vector<1024x240xf32>, vector<240x256xf32>, vector<1024x256xf32> -> vector<1024x256xf32>
    %swap3A_13 = arith.constant 0 : index
    %swap3A_14 = arith.constant 0 : index
    %swap3A_15 = vector.load %arg5[%swap3A_13, %swap3A_14] : memref<1024x256xf32, #tpu.memory_space<vmem>>, vector<1024x256xf32>
    tpu.vector_store %arg5[%swap3A_13, %swap3A_14], %dot_general3A_12 {strides = array<i32>} : memref<1024x256xf32, #tpu.memory_space<vmem>>, vector<1024x256xf32>,
    return
  }
  func.func @transform_0(%arg0: i32) -> (i32, i32) {
    %c0_i32 = arith.constant 0 : i32
    %c0_i32_0 = arith.constant 0 : i32
    return %arg0, %c0_i32 : i32, i32
  }
  func.func @transform_1(%arg0: i32) -> (i32, i32) {
    %c0_i32 = arith.constant 0 : i32
    %c0_i32_0 = arith.constant 0 : i32
    %c0_i32_1 = arith.constant 0 : i32
    return %c0_i32, %c0_i32_0 : i32, i32
  }
  func.func @transform_2(%arg0: i32) -> (i32, i32) {
    %c0_i32 = arith.constant 0 : i32
    %c0_i32_0 = arith.constant 0 : i32
    %c0_i32_1 = arith.constant 0 : i32
    return %c0_i32, %c0_i32_0 : i32, i32
  }
  func.func @transform_3(%arg0: i32) -> (i32, i32) {
    %c0_i32 = arith.constant 0 : i32
    %c0_i32_0 = arith.constant 0 : i32
    return %arg0, %c0_i32 : i32, i32
  }
  func.func @transform_4(%arg0: i32) -> (i32, i32) {
    %c0_i32 = arith.constant 0 : i32
    %c0_i32_0 = arith.constant 0 : i32
    return %arg0, %c0_i32 : i32, i32
  }
}

module attributes {stable_mosaic.version = 14 : i64} {
  func.func @body(%arg0: i32, %arg1: memref<1024x128xf32, #tpu.memory_space<vmem>>, %arg2: memref<1024x128xf32, #tpu.memory_space<vmem>>, %arg3: memref<1024x16xf32, #tpu.memory_space<vmem>>) attributes {dimension_semantics = [#tpu.dimension_semantics<arbitrary>], iteration_bounds = array<i64: 320>, scalar_prefetch = 0 : i64, scratch_operands = 0 : i64, tpu.core_type = #tpu.core_type<tc>, window_params = [{transform_indices = @transform_0, window_bounds = array<i64: 1024, 128>}, {transform_indices = @transform_1, window_bounds = array<i64: 1024, 128>}, {transform_indices = @transform_2, window_bounds = array<i64: 1024, 16>}]} {
    %get3A = arith.constant 0 : index
    %get3A_0 = arith.constant 0 : index
    %get3A_1 = vector.load %arg1[%get3A, %get3A_0] : memref<1024x128xf32, #tpu.memory_space<vmem>>, vector<1024x128xf32>
    %get3A_2 = arith.constant 0 : index
    %get3A_3 = arith.constant 0 : index
    %get3A_4 = vector.load %arg2[%get3A_2, %get3A_3] : memref<1024x128xf32, #tpu.memory_space<vmem>>, vector<1024x128xf32>
    %sub3A = arith.subf %get3A_1, %get3A_4 : vector<1024x128xf32>
    %mul3A = arith.mulf %sub3A, %sub3A : vector<1024x128xf32>
    %reduce_sum3A = arith.constant dense<0.000000e+00> : vector<1024xf32>
    %reduce_sum3A_5 = vector.multi_reduction <add>, %mul3A, %reduce_sum3A [1] : vector<1024x128xf32> to vector<1024xf32>
    %broadcast_in_dim3A = vector.shape_cast %reduce_sum3A_5 : vector<1024xf32> to vector<1024x1xf32>
    %sqrt3A = math.sqrt %broadcast_in_dim3A : vector<1024x1xf32>
    %add3A = arith.constant 9.99999993E-9 : f32
    %add3A_6 = vector.broadcast %add3A : f32 to vector<1024x1xf32>
    %add3A_7 = arith.addf %sqrt3A, %add3A_6 : vector<1024x1xf32>
    %div3A = arith.constant 1.000000e+00 : f32
    %div3A_8 = vector.broadcast %div3A : f32 to vector<1024x1xf32>
    %div3A_9 = arith.divf %div3A_8, %add3A_7 : vector<1024x1xf32>
    %iota3A = tpu.iota {dimensions = array<i32: 1>} : vector<1024x16xi32>
    %slice3A = vector.extract_strided_slice %sub3A {offsets = [0, 0], sizes = [1024, 16], strides = [1, 1]} : vector<1024x128xf32> to vector<1024x16xf32>
    %mul3A_10 = vector.broadcast %div3A_9 : vector<1024x1xf32> to vector<1024x16xf32>
    %mul3A_11 = arith.mulf %slice3A, %mul3A_10 : vector<1024x16xf32>
    %eq3A = arith.constant 3 : i32
    %eq3A_12 = vector.broadcast %eq3A : i32 to vector<1024x16xi32>
    %eq3A_13 = arith.cmpi eq, %iota3A, %eq3A_12 : vector<1024x16xi32>
    %jit3A = arith.constant 0.000000e+00 : f32
    %broadcast_in_dim3A_14 = vector.shape_cast %sqrt3A : vector<1024x1xf32> to vector<1024x1xf32>
    %broadcast_in_dim3A_15 = vector.broadcast %broadcast_in_dim3A_14 : vector<1024x1xf32> to vector<1024x16xf32>
    %broadcast_in_dim3A_16 = vector.broadcast %jit3A : f32 to vector<1024x16xf32>
    %select_n3A = arith.select %eq3A_13, %broadcast_in_dim3A_15, %broadcast_in_dim3A_16 : vector<1024x16xi1>, vector<1024x16xf32>
    %add3A_17 = arith.addf %mul3A_11, %select_n3A : vector<1024x16xf32>
    %swap3A = arith.constant 0 : index
    %swap3A_18 = arith.constant 0 : index
    %swap3A_19 = vector.load %arg3[%swap3A, %swap3A_18] : memref<1024x16xf32, #tpu.memory_space<vmem>>, vector<1024x16xf32>
    tpu.vector_store %arg3[%swap3A, %swap3A_18], %add3A_17 {strides = array<i32>} : memref<1024x16xf32, #tpu.memory_space<vmem>>, vector<1024x16xf32>,
    return
  }
  func.func @transform_0(%arg0: i32) -> (i32, i32) {
    %c0_i32 = arith.constant 0 : i32
    %c0_i32_0 = arith.constant 0 : i32
    return %arg0, %c0_i32 : i32, i32
  }
  func.func @transform_1(%arg0: i32) -> (i32, i32) {
    %c0_i32 = arith.constant 0 : i32
    %c0_i32_0 = arith.constant 0 : i32
    return %arg0, %c0_i32 : i32, i32
  }
  func.func @transform_2(%arg0: i32) -> (i32, i32) {
    %c0_i32 = arith.constant 0 : i32
    %c0_i32_0 = arith.constant 0 : i32
    return %arg0, %c0_i32 : i32, i32
  }
}

module attributes {stable_mosaic.version = 14 : i64} {
  func.func @body(%arg0: i32, %arg1: memref<1024x256xf32, #tpu.memory_space<vmem>>, %arg2: memref<1024x16xf32, #tpu.memory_space<vmem>>, %arg3: memref<16x256xf32, #tpu.memory_space<vmem>>, %arg4: memref<64x256xf32, #tpu.memory_space<vmem>>, %arg5: memref<2x1024x128xf32, #tpu.memory_space<vmem>>) attributes {dimension_semantics = [#tpu.dimension_semantics<arbitrary>], iteration_bounds = array<i64: 320>, scalar_prefetch = 0 : i64, scratch_operands = 0 : i64, tpu.core_type = #tpu.core_type<tc>, window_params = [{transform_indices = @transform_0, window_bounds = array<i64: 1024, 256>}, {transform_indices = @transform_1, window_bounds = array<i64: 1024, 16>}, {pipeline_mode = #tpu.pipeline_mode<synchronous>, transform_indices = @transform_2, window_bounds = array<i64: 16, 256>}, {pipeline_mode = #tpu.pipeline_mode<synchronous>, transform_indices = @transform_3, window_bounds = array<i64: 64, 256>}, {transform_indices = @transform_4, window_bounds = array<i64: 2, 1024, 128>}]} {
    %get3A = arith.constant 0 : index
    %get3A_0 = arith.constant 0 : index
    %get3A_1 = vector.load %arg2[%get3A, %get3A_0] : memref<1024x16xf32, #tpu.memory_space<vmem>>, vector<1024x16xf32>
    %get3A_2 = arith.constant 0 : index
    %get3A_3 = arith.constant 0 : index
    %get3A_4 = vector.load %arg3[%get3A_2, %get3A_3] : memref<16x256xf32, #tpu.memory_space<vmem>>, vector<16x256xf32>
    %dot_general3A = arith.constant dense<0.000000e+00> : vector<1024x256xf32>
    %dot_general3A_5 = tpu.matmul %get3A_1, %get3A_4, %dot_general3A {dimension_numbers = #tpu.dot_dimension_numbers<[1], [0], [0], [1], [0, 0, 1, 1], [], []>, transpose_lhs_hint = false} : vector<1024x16xf32>, vector<16x256xf32>, vector<1024x256xf32> -> vector<1024x256xf32>
    %get3A_6 = arith.constant 0 : index
    %get3A_7 = arith.constant 0 : index
    %get3A_8 = vector.load %arg1[%get3A_6, %get3A_7] : memref<1024x256xf32, #tpu.memory_space<vmem>>, vector<1024x256xf32>
    %mul3A = arith.mulf %get3A_8, %dot_general3A_5 : vector<1024x256xf32>
    %slice3A = vector.extract_strided_slice %mul3A {offsets = [0, 0], sizes = [1024, 64], strides = [1, 1]} : vector<1024x256xf32> to vector<1024x64xf32>
    %get3A_9 = arith.constant 0 : index
    %get3A_10 = arith.constant 0 : index
    %get3A_11 = vector.load %arg4[%get3A_9, %get3A_10] : memref<64x256xf32, #tpu.memory_space<vmem>>, vector<64x256xf32>
    %dot_general3A_12 = arith.constant dense<0.000000e+00> : vector<1024x256xf32>
    %dot_general3A_13 = tpu.matmul %slice3A, %get3A_11, %dot_general3A_12 {dimension_numbers = #tpu.dot_dimension_numbers<[1], [0], [0], [1], [0, 0, 1, 1], [], []>, transpose_lhs_hint = false} : vector<1024x64xf32>, vector<64x256xf32>, vector<1024x256xf32> -> vector<1024x256xf32>
    %logistic3A = arith.negf %dot_general3A_13 : vector<1024x256xf32>
    %logistic3A_14 = math.exp %logistic3A : vector<1024x256xf32>
    %logistic3A_15 = arith.constant 1.000000e+00 : f32
    %logistic3A_16 = vector.broadcast %logistic3A_15 : f32 to vector<1024x256xf32>
    %logistic3A_17 = arith.addf %logistic3A_16, %logistic3A_14 : vector<1024x256xf32>
    %logistic3A_18 = arith.divf %logistic3A_16, %logistic3A_17 : vector<1024x256xf32>
    %mul3A_19 = arith.mulf %mul3A, %logistic3A_18 : vector<1024x256xf32>
    %slice3A_20 = vector.extract_strided_slice %mul3A_19 {offsets = [0, 0], sizes = [1024, 128], strides = [1, 1]} : vector<1024x256xf32> to vector<1024x128xf32>
    %swap3A = arith.constant 0 : index
    %swap3A_21 = arith.constant 0 : index
    %swap3A_22 = arith.constant 0 : index
    %swap3A_23 = vector.load %arg5[%swap3A, %swap3A_21, %swap3A_22] : memref<2x1024x128xf32, #tpu.memory_space<vmem>>, vector<1x1024x128xf32>
    %swap3A_24 = vector.shape_cast %swap3A_23 : vector<1x1024x128xf32> to vector<1024x128xf32>
    %swap3A_25 = vector.shape_cast %slice3A_20 : vector<1024x128xf32> to vector<1x1024x128xf32>
    tpu.vector_store %arg5[%swap3A, %swap3A_21, %swap3A_22], %swap3A_25 {strides = array<i32>} : memref<2x1024x128xf32, #tpu.memory_space<vmem>>, vector<1x1024x128xf32>,
    %slice3A_26 = vector.extract_strided_slice %mul3A_19 {offsets = [0, 128], sizes = [1024, 128], strides = [1, 1]} : vector<1024x256xf32> to vector<1024x128xf32>
    %swap3A_27 = arith.constant 1 : index
    %swap3A_28 = arith.constant 0 : index
    %swap3A_29 = arith.constant 0 : index
    %swap3A_30 = vector.load %arg5[%swap3A_27, %swap3A_28, %swap3A_29] : memref<2x1024x128xf32, #tpu.memory_space<vmem>>, vector<1x1024x128xf32>
    %swap3A_31 = vector.shape_cast %swap3A_30 : vector<1x1024x128xf32> to vector<1024x128xf32>
    %swap3A_32 = vector.shape_cast %slice3A_26 : vector<1024x128xf32> to vector<1x1024x128xf32>
    tpu.vector_store %arg5[%swap3A_27, %swap3A_28, %swap3A_29], %swap3A_32 {strides = array<i32>} : memref<2x1024x128xf32, #tpu.memory_space<vmem>>, vector<1x1024x128xf32>,
    return
  }
  func.func @transform_0(%arg0: i32) -> (i32, i32) {
    %c0_i32 = arith.constant 0 : i32
    %c0_i32_0 = arith.constant 0 : i32
    return %arg0, %c0_i32 : i32, i32
  }
  func.func @transform_1(%arg0: i32) -> (i32, i32) {
    %c0_i32 = arith.constant 0 : i32
    %c0_i32_0 = arith.constant 0 : i32
    return %arg0, %c0_i32 : i32, i32
  }
  func.func @transform_2(%arg0: i32) -> (i32, i32) {
    %c0_i32 = arith.constant 0 : i32
    %c0_i32_0 = arith.constant 0 : i32
    %c0_i32_1 = arith.constant 0 : i32
    return %c0_i32, %c0_i32_0 : i32, i32
  }
  func.func @transform_3(%arg0: i32) -> (i32, i32) {
    %c0_i32 = arith.constant 0 : i32
    %c0_i32_0 = arith.constant 0 : i32
    %c0_i32_1 = arith.constant 0 : i32
    return %c0_i32, %c0_i32_0 : i32, i32
  }
  func.func @transform_4(%arg0: i32) -> (i32, i32, i32) {
    %c0_i32 = arith.constant 0 : i32
    %c0_i32_0 = arith.constant 0 : i32
    %c0_i32_1 = arith.constant 0 : i32
    return %c0_i32, %arg0, %c0_i32_0 : i32, i32, i32
  }
}

module attributes {stable_mosaic.version = 14 : i64} {
  func.func @body(%arg0: i32, %arg1: memref<1024x240xf32, #tpu.memory_space<vmem>>, %arg2: memref<2x1024x128xf32, #tpu.memory_space<vmem>>, %arg3: memref<240x240xf32, #tpu.memory_space<vmem>>, %arg4: memref<240x240xf32, #tpu.memory_space<vmem>>, %arg5: memref<240x240xf32, #tpu.memory_space<vmem>>, %arg6: memref<64x240xf32, #tpu.memory_space<vmem>>, %arg7: memref<240x240xf32, #tpu.memory_space<vmem>>, %arg8: memref<240x256xf32, #tpu.memory_space<vmem>>, %arg9: memref<1024x240xf32, #tpu.memory_space<vmem>>, %arg10: memref<1024x256xf32, #tpu.memory_space<vmem>>) attributes {dimension_semantics = [#tpu.dimension_semantics<arbitrary>], iteration_bounds = array<i64: 10>, scalar_prefetch = 0 : i64, scratch_operands = 0 : i64, tpu.core_type = #tpu.core_type<tc>, window_params = [{transform_indices = @transform_0, window_bounds = array<i64: 1024, 240>}, {transform_indices = @transform_1, window_bounds = array<i64: 2, 1024, 128>}, {pipeline_mode = #tpu.pipeline_mode<synchronous>, transform_indices = @transform_2, window_bounds = array<i64: 240, 240>}, {pipeline_mode = #tpu.pipeline_mode<synchronous>, transform_indices = @transform_3, window_bounds = array<i64: 240, 240>}, {pipeline_mode = #tpu.pipeline_mode<synchronous>, transform_indices = @transform_4, window_bounds = array<i64: 240, 240>}, {pipeline_mode = #tpu.pipeline_mode<synchronous>, transform_indices = @transform_5, window_bounds = array<i64: 64, 240>}, {pipeline_mode = #tpu.pipeline_mode<synchronous>, transform_indices = @transform_6, window_bounds = array<i64: 240, 240>}, {pipeline_mode = #tpu.pipeline_mode<synchronous>, transform_indices = @transform_7, window_bounds = array<i64: 240, 256>}, {transform_indices = @transform_8, window_bounds = array<i64: 1024, 240>}, {transform_indices = @transform_9, window_bounds = array<i64: 1024, 256>}]} {
    %get3A = arith.constant 0 : index
    %get3A_0 = arith.constant 0 : index
    %get3A_1 = vector.load %arg1[%get3A, %get3A_0] : memref<1024x240xf32, #tpu.memory_space<vmem>>, vector<1024x240xf32>
    %get3A_2 = arith.constant 0 : index
    %get3A_3 = arith.constant 0 : index
    %get3A_4 = arith.constant 0 : index
    %get3A_5 = vector.load %arg2[%get3A_2, %get3A_3, %get3A_4] : memref<2x1024x128xf32, #tpu.memory_space<vmem>>, vector<1x1024x128xf32>
    %get3A_6 = vector.shape_cast %get3A_5 : vector<1x1024x128xf32> to vector<1024x128xf32>
    %get3A_7 = arith.constant 1 : index
    %get3A_8 = arith.constant 0 : index
    %get3A_9 = arith.constant 0 : index
    %get3A_10 = vector.load %arg2[%get3A_7, %get3A_8, %get3A_9] : memref<2x1024x128xf32, #tpu.memory_space<vmem>>, vector<1x1024x128xf32>
    %get3A_11 = vector.shape_cast %get3A_10 : vector<1x1024x128xf32> to vector<1024x128xf32>
    %slice3A = vector.extract_strided_slice %get3A_11 {offsets = [0, 0], sizes = [1024, 112], strides = [1, 1]} : vector<1024x128xf32> to vector<1024x112xf32>
    %concatenate3A = tpu.concatenate %get3A_6, %slice3A in 1 : vector<1024x128xf32>, vector<1024x112xf32> -> vector<1024x240xf32>
    %get3A_12 = arith.constant 0 : index
    %get3A_13 = arith.constant 0 : index
    %get3A_14 = vector.load %arg3[%get3A_12, %get3A_13] : memref<240x240xf32, #tpu.memory_space<vmem>>, vector<240x240xf32>
    %dot_general3A = arith.constant dense<0.000000e+00> : vector<1024x240xf32>
    %dot_general3A_15 = tpu.matmul %concatenate3A, %get3A_14, %dot_general3A {dimension_numbers = #tpu.dot_dimension_numbers<[1], [0], [0], [1], [0, 0, 1, 1], [], []>, transpose_lhs_hint = false} : vector<1024x240xf32>, vector<240x240xf32>, vector<1024x240xf32> -> vector<1024x240xf32>
    %get3A_16 = arith.constant 0 : index
    %get3A_17 = arith.constant 0 : index
    %get3A_18 = vector.load %arg4[%get3A_16, %get3A_17] : memref<240x240xf32, #tpu.memory_space<vmem>>, vector<240x240xf32>
    %dot_general3A_19 = arith.constant dense<0.000000e+00> : vector<1024x240xf32>
    %dot_general3A_20 = tpu.matmul %get3A_1, %get3A_18, %dot_general3A_19 {dimension_numbers = #tpu.dot_dimension_numbers<[1], [0], [0], [1], [0, 0, 1, 1], [], []>, transpose_lhs_hint = false} : vector<1024x240xf32>, vector<240x240xf32>, vector<1024x240xf32> -> vector<1024x240xf32>
    %get3A_21 = arith.constant 0 : index
    %get3A_22 = arith.constant 0 : index
    %get3A_23 = vector.load %arg5[%get3A_21, %get3A_22] : memref<240x240xf32, #tpu.memory_space<vmem>>, vector<240x240xf32>
    %dot_general3A_24 = arith.constant dense<0.000000e+00> : vector<1024x240xf32>
    %dot_general3A_25 = tpu.matmul %dot_general3A_15, %get3A_23, %dot_general3A_24 {dimension_numbers = #tpu.dot_dimension_numbers<[1], [0], [0], [1], [0, 0, 1, 1], [], []>, transpose_lhs_hint = false} : vector<1024x240xf32>, vector<240x240xf32>, vector<1024x240xf32> -> vector<1024x240xf32>
    %mul3A = arith.mulf %dot_general3A_20, %dot_general3A_25 : vector<1024x240xf32>
    %slice3A_26 = vector.extract_strided_slice %mul3A {offsets = [0, 0], sizes = [1024, 64], strides = [1, 1]} : vector<1024x240xf32> to vector<1024x64xf32>
    %get3A_27 = arith.constant 0 : index
    %get3A_28 = arith.constant 0 : index
    %get3A_29 = vector.load %arg6[%get3A_27, %get3A_28] : memref<64x240xf32, #tpu.memory_space<vmem>>, vector<64x240xf32>
    %dot_general3A_30 = arith.constant dense<0.000000e+00> : vector<1024x240xf32>
    %dot_general3A_31 = tpu.matmul %slice3A_26, %get3A_29, %dot_general3A_30 {dimension_numbers = #tpu.dot_dimension_numbers<[1], [0], [0], [1], [0, 0, 1, 1], [], []>, transpose_lhs_hint = false} : vector<1024x64xf32>, vector<64x240xf32>, vector<1024x240xf32> -> vector<1024x240xf32>
    %logistic3A = arith.negf %dot_general3A_31 : vector<1024x240xf32>
    %logistic3A_32 = math.exp %logistic3A : vector<1024x240xf32>
    %logistic3A_33 = arith.constant 1.000000e+00 : f32
    %logistic3A_34 = vector.broadcast %logistic3A_33 : f32 to vector<1024x240xf32>
    %logistic3A_35 = arith.addf %logistic3A_34, %logistic3A_32 : vector<1024x240xf32>
    %logistic3A_36 = arith.divf %logistic3A_34, %logistic3A_35 : vector<1024x240xf32>
    %mul3A_37 = arith.mulf %mul3A, %logistic3A_36 : vector<1024x240xf32>
    %get3A_38 = arith.constant 0 : index
    %get3A_39 = arith.constant 0 : index
    %get3A_40 = vector.load %arg7[%get3A_38, %get3A_39] : memref<240x240xf32, #tpu.memory_space<vmem>>, vector<240x240xf32>
    %dot_general3A_41 = arith.constant dense<0.000000e+00> : vector<1024x240xf32>
    %dot_general3A_42 = tpu.matmul %mul3A_37, %get3A_40, %dot_general3A_41 {dimension_numbers = #tpu.dot_dimension_numbers<[1], [0], [0], [1], [0, 0, 1, 1], [], []>, transpose_lhs_hint = false} : vector<1024x240xf32>, vector<240x240xf32>, vector<1024x240xf32> -> vector<1024x240xf32>
    %add3A = arith.addf %get3A_1, %dot_general3A_42 : vector<1024x240xf32>
    %swap3A = arith.constant 0 : index
    %swap3A_43 = arith.constant 0 : index
    %swap3A_44 = vector.load %arg9[%swap3A, %swap3A_43] : memref<1024x240xf32, #tpu.memory_space<vmem>>, vector<1024x240xf32>
    tpu.vector_store %arg9[%swap3A, %swap3A_43], %add3A {strides = array<i32>} : memref<1024x240xf32, #tpu.memory_space<vmem>>, vector<1024x240xf32>,
    %get3A_45 = arith.constant 0 : index
    %get3A_46 = arith.constant 0 : index
    %get3A_47 = vector.load %arg8[%get3A_45, %get3A_46] : memref<240x256xf32, #tpu.memory_space<vmem>>, vector<240x256xf32>
    %dot_general3A_48 = arith.constant dense<0.000000e+00> : vector<1024x256xf32>
    %dot_general3A_49 = tpu.matmul %add3A, %get3A_47, %dot_general3A_48 {dimension_numbers = #tpu.dot_dimension_numbers<[1], [0], [0], [1], [0, 0, 1, 1], [], []>, transpose_lhs_hint = false} : vector<1024x240xf32>, vector<240x256xf32>, vector<1024x256xf32> -> vector<1024x256xf32>
    %swap3A_50 = arith.constant 0 : index
    %swap3A_51 = arith.constant 0 : index
    %swap3A_52 = vector.load %arg10[%swap3A_50, %swap3A_51] : memref<1024x256xf32, #tpu.memory_space<vmem>>, vector<1024x256xf32>
    tpu.vector_store %arg10[%swap3A_50, %swap3A_51], %dot_general3A_49 {strides = array<i32>} : memref<1024x256xf32, #tpu.memory_space<vmem>>, vector<1024x256xf32>,
    return
  }
  func.func @transform_0(%arg0: i32) -> (i32, i32) {
    %c0_i32 = arith.constant 0 : i32
    %c0_i32_0 = arith.constant 0 : i32
    return %arg0, %c0_i32 : i32, i32
  }
  func.func @transform_1(%arg0: i32) -> (i32, i32, i32) {
    %c0_i32 = arith.constant 0 : i32
    %c0_i32_0 = arith.constant 0 : i32
    %c0_i32_1 = arith.constant 0 : i32
    return %c0_i32, %arg0, %c0_i32_0 : i32, i32, i32
  }
  func.func @transform_2(%arg0: i32) -> (i32, i32) {
    %c0_i32 = arith.constant 0 : i32
    %c0_i32_0 = arith.constant 0 : i32
    %c0_i32_1 = arith.constant 0 : i32
    return %c0_i32, %c0_i32_0 : i32, i32
  }
  func.func @transform_3(%arg0: i32) -> (i32, i32) {
    %c0_i32 = arith.constant 0 : i32
    %c0_i32_0 = arith.constant 0 : i32
    %c0_i32_1 = arith.constant 0 : i32
    return %c0_i32, %c0_i32_0 : i32, i32
  }
  func.func @transform_4(%arg0: i32) -> (i32, i32) {
    %c0_i32 = arith.constant 0 : i32
    %c0_i32_0 = arith.constant 0 : i32
    %c0_i32_1 = arith.constant 0 : i32
    return %c0_i32, %c0_i32_0 : i32, i32
  }
  func.func @transform_5(%arg0: i32) -> (i32, i32) {
    %c0_i32 = arith.constant 0 : i32
    %c0_i32_0 = arith.constant 0 : i32
    %c0_i32_1 = arith.constant 0 : i32
    return %c0_i32, %c0_i32_0 : i32, i32
  }
  func.func @transform_6(%arg0: i32) -> (i32, i32) {
    %c0_i32 = arith.constant 0 : i32
    %c0_i32_0 = arith.constant 0 : i32
    %c0_i32_1 = arith.constant 0 : i32
    return %c0_i32, %c0_i32_0 : i32, i32
  }
  func.func @transform_7(%arg0: i32) -> (i32, i32) {
    %c0_i32 = arith.constant 0 : i32
    %c0_i32_0 = arith.constant 0 : i32
    %c0_i32_1 = arith.constant 0 : i32
    return %c0_i32, %c0_i32_0 : i32, i32
  }
  func.func @transform_8(%arg0: i32) -> (i32, i32) {
    %c0_i32 = arith.constant 0 : i32
    %c0_i32_0 = arith.constant 0 : i32
    return %arg0, %c0_i32 : i32, i32
  }
  func.func @transform_9(%arg0: i32) -> (i32, i32) {
    %c0_i32 = arith.constant 0 : i32
    %c0_i32_0 = arith.constant 0 : i32
    return %arg0, %c0_i32 : i32, i32
  }
}

module attributes {stable_mosaic.version = 14 : i64} {
  func.func @body(%arg0: i32, %arg1: memref<1024x240xf32, #tpu.memory_space<vmem>>, %arg2: memref<2x1024x128xf32, #tpu.memory_space<vmem>>, %arg3: memref<240x240xf32, #tpu.memory_space<vmem>>, %arg4: memref<240x240xf32, #tpu.memory_space<vmem>>, %arg5: memref<240x240xf32, #tpu.memory_space<vmem>>, %arg6: memref<64x240xf32, #tpu.memory_space<vmem>>, %arg7: memref<240x240xf32, #tpu.memory_space<vmem>>, %arg8: memref<1024x240xf32, #tpu.memory_space<vmem>>) attributes {dimension_semantics = [#tpu.dimension_semantics<arbitrary>], iteration_bounds = array<i64: 10>, scalar_prefetch = 0 : i64, scratch_operands = 0 : i64, tpu.core_type = #tpu.core_type<tc>, window_params = [{transform_indices = @transform_0, window_bounds = array<i64: 1024, 240>}, {transform_indices = @transform_1, window_bounds = array<i64: 2, 1024, 128>}, {pipeline_mode = #tpu.pipeline_mode<synchronous>, transform_indices = @transform_2, window_bounds = array<i64: 240, 240>}, {pipeline_mode = #tpu.pipeline_mode<synchronous>, transform_indices = @transform_3, window_bounds = array<i64: 240, 240>}, {pipeline_mode = #tpu.pipeline_mode<synchronous>, transform_indices = @transform_4, window_bounds = array<i64: 240, 240>}, {pipeline_mode = #tpu.pipeline_mode<synchronous>, transform_indices = @transform_5, window_bounds = array<i64: 64, 240>}, {pipeline_mode = #tpu.pipeline_mode<synchronous>, transform_indices = @transform_6, window_bounds = array<i64: 240, 240>}, {transform_indices = @transform_7, window_bounds = array<i64: 1024, 240>}]} {
    %get3A = arith.constant 0 : index
    %get3A_0 = arith.constant 0 : index
    %get3A_1 = vector.load %arg1[%get3A, %get3A_0] : memref<1024x240xf32, #tpu.memory_space<vmem>>, vector<1024x240xf32>
    %get3A_2 = arith.constant 0 : index
    %get3A_3 = arith.constant 0 : index
    %get3A_4 = arith.constant 0 : index
    %get3A_5 = vector.load %arg2[%get3A_2, %get3A_3, %get3A_4] : memref<2x1024x128xf32, #tpu.memory_space<vmem>>, vector<1x1024x128xf32>
    %get3A_6 = vector.shape_cast %get3A_5 : vector<1x1024x128xf32> to vector<1024x128xf32>
    %get3A_7 = arith.constant 1 : index
    %get3A_8 = arith.constant 0 : index
    %get3A_9 = arith.constant 0 : index
    %get3A_10 = vector.load %arg2[%get3A_7, %get3A_8, %get3A_9] : memref<2x1024x128xf32, #tpu.memory_space<vmem>>, vector<1x1024x128xf32>
    %get3A_11 = vector.shape_cast %get3A_10 : vector<1x1024x128xf32> to vector<1024x128xf32>
    %slice3A = vector.extract_strided_slice %get3A_11 {offsets = [0, 0], sizes = [1024, 112], strides = [1, 1]} : vector<1024x128xf32> to vector<1024x112xf32>
    %concatenate3A = tpu.concatenate %get3A_6, %slice3A in 1 : vector<1024x128xf32>, vector<1024x112xf32> -> vector<1024x240xf32>
    %get3A_12 = arith.constant 0 : index
    %get3A_13 = arith.constant 0 : index
    %get3A_14 = vector.load %arg3[%get3A_12, %get3A_13] : memref<240x240xf32, #tpu.memory_space<vmem>>, vector<240x240xf32>
    %dot_general3A = arith.constant dense<0.000000e+00> : vector<1024x240xf32>
    %dot_general3A_15 = tpu.matmul %concatenate3A, %get3A_14, %dot_general3A {dimension_numbers = #tpu.dot_dimension_numbers<[1], [0], [0], [1], [0, 0, 1, 1], [], []>, transpose_lhs_hint = false} : vector<1024x240xf32>, vector<240x240xf32>, vector<1024x240xf32> -> vector<1024x240xf32>
    %get3A_16 = arith.constant 0 : index
    %get3A_17 = arith.constant 0 : index
    %get3A_18 = vector.load %arg4[%get3A_16, %get3A_17] : memref<240x240xf32, #tpu.memory_space<vmem>>, vector<240x240xf32>
    %dot_general3A_19 = arith.constant dense<0.000000e+00> : vector<1024x240xf32>
    %dot_general3A_20 = tpu.matmul %get3A_1, %get3A_18, %dot_general3A_19 {dimension_numbers = #tpu.dot_dimension_numbers<[1], [0], [0], [1], [0, 0, 1, 1], [], []>, transpose_lhs_hint = false} : vector<1024x240xf32>, vector<240x240xf32>, vector<1024x240xf32> -> vector<1024x240xf32>
    %get3A_21 = arith.constant 0 : index
    %get3A_22 = arith.constant 0 : index
    %get3A_23 = vector.load %arg5[%get3A_21, %get3A_22] : memref<240x240xf32, #tpu.memory_space<vmem>>, vector<240x240xf32>
    %dot_general3A_24 = arith.constant dense<0.000000e+00> : vector<1024x240xf32>
    %dot_general3A_25 = tpu.matmul %dot_general3A_15, %get3A_23, %dot_general3A_24 {dimension_numbers = #tpu.dot_dimension_numbers<[1], [0], [0], [1], [0, 0, 1, 1], [], []>, transpose_lhs_hint = false} : vector<1024x240xf32>, vector<240x240xf32>, vector<1024x240xf32> -> vector<1024x240xf32>
    %mul3A = arith.mulf %dot_general3A_20, %dot_general3A_25 : vector<1024x240xf32>
    %slice3A_26 = vector.extract_strided_slice %mul3A {offsets = [0, 0], sizes = [1024, 64], strides = [1, 1]} : vector<1024x240xf32> to vector<1024x64xf32>
    %get3A_27 = arith.constant 0 : index
    %get3A_28 = arith.constant 0 : index
    %get3A_29 = vector.load %arg6[%get3A_27, %get3A_28] : memref<64x240xf32, #tpu.memory_space<vmem>>, vector<64x240xf32>
    %dot_general3A_30 = arith.constant dense<0.000000e+00> : vector<1024x240xf32>
    %dot_general3A_31 = tpu.matmul %slice3A_26, %get3A_29, %dot_general3A_30 {dimension_numbers = #tpu.dot_dimension_numbers<[1], [0], [0], [1], [0, 0, 1, 1], [], []>, transpose_lhs_hint = false} : vector<1024x64xf32>, vector<64x240xf32>, vector<1024x240xf32> -> vector<1024x240xf32>
    %logistic3A = arith.negf %dot_general3A_31 : vector<1024x240xf32>
    %logistic3A_32 = math.exp %logistic3A : vector<1024x240xf32>
    %logistic3A_33 = arith.constant 1.000000e+00 : f32
    %logistic3A_34 = vector.broadcast %logistic3A_33 : f32 to vector<1024x240xf32>
    %logistic3A_35 = arith.addf %logistic3A_34, %logistic3A_32 : vector<1024x240xf32>
    %logistic3A_36 = arith.divf %logistic3A_34, %logistic3A_35 : vector<1024x240xf32>
    %mul3A_37 = arith.mulf %mul3A, %logistic3A_36 : vector<1024x240xf32>
    %get3A_38 = arith.constant 0 : index
    %get3A_39 = arith.constant 0 : index
    %get3A_40 = vector.load %arg7[%get3A_38, %get3A_39] : memref<240x240xf32, #tpu.memory_space<vmem>>, vector<240x240xf32>
    %dot_general3A_41 = arith.constant dense<0.000000e+00> : vector<1024x240xf32>
    %dot_general3A_42 = tpu.matmul %mul3A_37, %get3A_40, %dot_general3A_41 {dimension_numbers = #tpu.dot_dimension_numbers<[1], [0], [0], [1], [0, 0, 1, 1], [], []>, transpose_lhs_hint = false} : vector<1024x240xf32>, vector<240x240xf32>, vector<1024x240xf32> -> vector<1024x240xf32>
    %add3A = arith.addf %get3A_1, %dot_general3A_42 : vector<1024x240xf32>
    %swap3A = arith.constant 0 : index
    %swap3A_43 = arith.constant 0 : index
    %swap3A_44 = vector.load %arg8[%swap3A, %swap3A_43] : memref<1024x240xf32, #tpu.memory_space<vmem>>, vector<1024x240xf32>
    tpu.vector_store %arg8[%swap3A, %swap3A_43], %add3A {strides = array<i32>} : memref<1024x240xf32, #tpu.memory_space<vmem>>, vector<1024x240xf32>,
    return
  }
  func.func @transform_0(%arg0: i32) -> (i32, i32) {
    %c0_i32 = arith.constant 0 : i32
    %c0_i32_0 = arith.constant 0 : i32
    return %arg0, %c0_i32 : i32, i32
  }
  func.func @transform_1(%arg0: i32) -> (i32, i32, i32) {
    %c0_i32 = arith.constant 0 : i32
    %c0_i32_0 = arith.constant 0 : i32
    %c0_i32_1 = arith.constant 0 : i32
    return %c0_i32, %arg0, %c0_i32_0 : i32, i32, i32
  }
  func.func @transform_2(%arg0: i32) -> (i32, i32) {
    %c0_i32 = arith.constant 0 : i32
    %c0_i32_0 = arith.constant 0 : i32
    %c0_i32_1 = arith.constant 0 : i32
    return %c0_i32, %c0_i32_0 : i32, i32
  }
  func.func @transform_3(%arg0: i32) -> (i32, i32) {
    %c0_i32 = arith.constant 0 : i32
    %c0_i32_0 = arith.constant 0 : i32
    %c0_i32_1 = arith.constant 0 : i32
    return %c0_i32, %c0_i32_0 : i32, i32
  }
  func.func @transform_4(%arg0: i32) -> (i32, i32) {
    %c0_i32 = arith.constant 0 : i32
    %c0_i32_0 = arith.constant 0 : i32
    %c0_i32_1 = arith.constant 0 : i32
    return %c0_i32, %c0_i32_0 : i32, i32
  }
  func.func @transform_5(%arg0: i32) -> (i32, i32) {
    %c0_i32 = arith.constant 0 : i32
    %c0_i32_0 = arith.constant 0 : i32
    %c0_i32_1 = arith.constant 0 : i32
    return %c0_i32, %c0_i32_0 : i32, i32
  }
  func.func @transform_6(%arg0: i32) -> (i32, i32) {
    %c0_i32 = arith.constant 0 : i32
    %c0_i32_0 = arith.constant 0 : i32
    %c0_i32_1 = arith.constant 0 : i32
    return %c0_i32, %c0_i32_0 : i32, i32
  }
  func.func @transform_7(%arg0: i32) -> (i32, i32) {
    %c0_i32 = arith.constant 0 : i32
    %c0_i32_0 = arith.constant 0 : i32
    return %arg0, %c0_i32 : i32, i32
  }
}

module attributes {stable_mosaic.version = 14 : i64} {
  func.func @body(%arg0: i32, %arg1: memref<1024x240xf32, #tpu.memory_space<vmem>>, %arg2: memref<1024x1xi32, #tpu.memory_space<vmem>>, %arg3: memref<64x128xf32, #tpu.memory_space<vmem>>, %arg4: memref<64x128xf32, #tpu.memory_space<vmem>>, %arg5: memref<64x64xf32, #tpu.memory_space<vmem>>, %arg6: memref<64x8xf32, #tpu.memory_space<vmem>>) attributes {dimension_semantics = [#tpu.dimension_semantics<arbitrary>], iteration_bounds = array<i64: 10>, scalar_prefetch = 0 : i64, scratch_operands = 2 : i64, tpu.core_type = #tpu.core_type<tc>, window_params = [{transform_indices = @transform_0, window_bounds = array<i64: 1024, 240>}, {transform_indices = @transform_1, window_bounds = array<i64: 1024, 1>}, {pipeline_mode = #tpu.pipeline_mode<synchronous>, transform_indices = @transform_2, window_bounds = array<i64: 64, 128>}, {pipeline_mode = #tpu.pipeline_mode<synchronous>, transform_indices = @transform_3, window_bounds = array<i64: 64, 128>}]} {
    %eq3A = arith.constant 0 : i32
    %eq3A_0 = arith.cmpi eq, %arg0, %eq3A : i32
    %convert_element_type3A = arith.extui %eq3A_0 : i1 to i32
    %cond3A = arith.constant 0 : i32
    %cond3A_1 = arith.cmpi ne, %convert_element_type3A, %cond3A : i32
    scf.if %cond3A_1 {
      %broadcast_in_dim3A_32 = arith.constant 0.000000e+00 : f32
      %broadcast_in_dim3A_33 = vector.broadcast %broadcast_in_dim3A_32 : f32 to vector<64x64xf32>
      %swap3A_34 = arith.constant 0 : index
      %swap3A_35 = arith.constant 0 : index
      %swap3A_36 = vector.load %arg5[%swap3A_34, %swap3A_35] : memref<64x64xf32, #tpu.memory_space<vmem>>, vector<64x64xf32>
      tpu.vector_store %arg5[%swap3A_34, %swap3A_35], %broadcast_in_dim3A_33 {strides = array<i32>} : memref<64x64xf32, #tpu.memory_space<vmem>>, vector<64x64xf32>,
      %broadcast_in_dim3A_37 = arith.constant 0.000000e+00 : f32
      %broadcast_in_dim3A_38 = vector.broadcast %broadcast_in_dim3A_37 : f32 to vector<64x8xf32>
      %swap3A_39 = arith.constant 0 : index
      %swap3A_40 = arith.constant 0 : index
      %swap3A_41 = vector.load %arg6[%swap3A_39, %swap3A_40] : memref<64x8xf32, #tpu.memory_space<vmem>>, vector<64x8xf32>
      tpu.vector_store %arg6[%swap3A_39, %swap3A_40], %broadcast_in_dim3A_38 {strides = array<i32>} : memref<64x8xf32, #tpu.memory_space<vmem>>, vector<64x8xf32>,
    } else {
    }
    %get3A = arith.constant 0 : index
    %get3A_2 = arith.constant 0 : index
    %get3A_3 = vector.load %arg1[%get3A, %get3A_2] : memref<1024x240xf32, #tpu.memory_space<vmem>>, vector<1024x64xf32>
    %get3A_4 = arith.constant 0 : index
    %get3A_5 = arith.constant 0 : index
    %get3A_6 = vector.load %arg2[%get3A_4, %get3A_5] : memref<1024x1xi32, #tpu.memory_space<vmem>>, vector<1024x1xi32>
    %iota3A = tpu.iota {dimensions = array<i32: 1>} : vector<1024x64xi32>
    %eq3A_7 = vector.broadcast %get3A_6 : vector<1024x1xi32> to vector<1024x64xi32>
    %eq3A_8 = arith.cmpi eq, %eq3A_7, %iota3A : vector<1024x64xi32>
    %convert_element_type3A_9 = arith.extui %eq3A_8 : vector<1024x64xi1> to vector<1024x64xi32>
    %convert_element_type3A_10 = arith.sitofp %convert_element_type3A_9 : vector<1024x64xi32> to vector<1024x64xf32>
    %get3A_11 = arith.constant 0 : index
    %get3A_12 = arith.constant 0 : index
    %get3A_13 = vector.load %arg5[%get3A_11, %get3A_12] : memref<64x64xf32, #tpu.memory_space<vmem>>, vector<64x64xf32>
    %dot_general3A = arith.constant dense<0.000000e+00> : vector<64x64xf32>
    %dot_general3A_14 = tpu.matmul %convert_element_type3A_10, %get3A_3, %dot_general3A {dimension_numbers = #tpu.dot_dimension_numbers<[0], [0], [1], [1], [0, 1, 1, 1], [], []>, transpose_lhs_hint = false} : vector<1024x64xf32>, vector<1024x64xf32>, vector<64x64xf32> -> vector<64x64xf32>
    %add3A = arith.addf %get3A_13, %dot_general3A_14 : vector<64x64xf32>
    %swap3A = arith.constant 0 : index
    %swap3A_15 = arith.constant 0 : index
    %swap3A_16 = vector.load %arg5[%swap3A, %swap3A_15] : memref<64x64xf32, #tpu.memory_space<vmem>>, vector<64x64xf32>
    tpu.vector_store %arg5[%swap3A, %swap3A_15], %add3A {strides = array<i32>} : memref<64x64xf32, #tpu.memory_space<vmem>>, vector<64x64xf32>,
    %get3A_17 = arith.constant 0 : index
    %get3A_18 = arith.constant 0 : index
    %get3A_19 = vector.load %arg6[%get3A_17, %get3A_18] : memref<64x8xf32, #tpu.memory_space<vmem>>, vector<64x8xf32>
    %broadcast_in_dim3A = arith.constant 1.000000e+00 : f32
    %broadcast_in_dim3A_20 = vector.broadcast %broadcast_in_dim3A : f32 to vector<1024x8xf32>
    %dot_general3A_21 = arith.constant dense<0.000000e+00> : vector<64x8xf32>
    %dot_general3A_22 = tpu.matmul %convert_element_type3A_10, %broadcast_in_dim3A_20, %dot_general3A_21 {dimension_numbers = #tpu.dot_dimension_numbers<[0], [0], [1], [1], [0, 1, 1, 1], [], []>, transpose_lhs_hint = false} : vector<1024x64xf32>, vector<1024x8xf32>, vector<64x8xf32> -> vector<64x8xf32>
    %add3A_23 = arith.addf %get3A_19, %dot_general3A_22 : vector<64x8xf32>
    %swap3A_24 = arith.constant 0 : index
    %swap3A_25 = arith.constant 0 : index
    %swap3A_26 = vector.load %arg6[%swap3A_24, %swap3A_25] : memref<64x8xf32, #tpu.memory_space<vmem>>, vector<64x8xf32>
    tpu.vector_store %arg6[%swap3A_24, %swap3A_25], %add3A_23 {strides = array<i32>} : memref<64x8xf32, #tpu.memory_space<vmem>>, vector<64x8xf32>,
    %eq3A_27 = arith.constant 9 : i32
    %eq3A_28 = arith.cmpi eq, %arg0, %eq3A_27 : i32
    %convert_element_type3A_29 = arith.extui %eq3A_28 : i1 to i32
    %cond3A_30 = arith.constant 0 : i32
    %cond3A_31 = arith.cmpi ne, %convert_element_type3A_29, %cond3A_30 : i32
    scf.if %cond3A_31 {
      %get3A_32 = arith.constant 0 : index
      %get3A_33 = arith.constant 0 : index
      %get3A_34 = vector.load %arg5[%get3A_32, %get3A_33] : memref<64x64xf32, #tpu.memory_space<vmem>>, vector<64x64xf32>
      %get3A_35 = arith.constant 0 : index
      %get3A_36 = arith.constant 0 : index
      %get3A_37 = vector.load %arg6[%get3A_35, %get3A_36] : memref<64x8xf32, #tpu.memory_space<vmem>>, vector<64x1xf32>
      %max3A = arith.constant 1.000000e+00 : f32
      %max3A_38 = vector.broadcast %max3A : f32 to vector<64x1xf32>
      %max3A_39 = arith.maximumf %get3A_37, %max3A_38 : vector<64x1xf32>
      %div3A = vector.broadcast %max3A_39 : vector<64x1xf32> to vector<64x64xf32>
      %div3A_40 = arith.divf %get3A_34, %div3A : vector<64x64xf32>
      %get3A_41 = arith.constant 0 : index
      %get3A_42 = arith.constant 0 : index
      %get3A_43 = vector.load %arg3[%get3A_41, %get3A_42] : memref<64x128xf32, #tpu.memory_space<vmem>>, vector<64x128xf32>
      %dot_general3A_44 = arith.constant dense<0.000000e+00> : vector<64x128xf32>
      %dot_general3A_45 = tpu.matmul %div3A_40, %get3A_43, %dot_general3A_44 {dimension_numbers = #tpu.dot_dimension_numbers<[1], [0], [0], [1], [0, 0, 1, 1], [], []>, transpose_lhs_hint = false} : vector<64x64xf32>, vector<64x128xf32>, vector<64x128xf32> -> vector<64x128xf32>
      %swap3A_46 = arith.constant 0 : index
      %swap3A_47 = arith.constant 0 : index
      %swap3A_48 = vector.load %arg4[%swap3A_46, %swap3A_47] : memref<64x128xf32, #tpu.memory_space<vmem>>, vector<64x128xf32>
      tpu.vector_store %arg4[%swap3A_46, %swap3A_47], %dot_general3A_45 {strides = array<i32>} : memref<64x128xf32, #tpu.memory_space<vmem>>, vector<64x128xf32>,
    } else {
    }
    return
  }
  func.func @transform_0(%arg0: i32) -> (i32, i32) {
    %c0_i32 = arith.constant 0 : i32
    %c0_i32_0 = arith.constant 0 : i32
    return %arg0, %c0_i32 : i32, i32
  }
  func.func @transform_1(%arg0: i32) -> (i32, i32) {
    %c0_i32 = arith.constant 0 : i32
    %c0_i32_0 = arith.constant 0 : i32
    return %arg0, %c0_i32 : i32, i32
  }
  func.func @transform_2(%arg0: i32) -> (i32, i32) {
    %c0_i32 = arith.constant 0 : i32
    %c0_i32_0 = arith.constant 0 : i32
    %c0_i32_1 = arith.constant 0 : i32
    return %c0_i32, %c0_i32_0 : i32, i32
  }
  func.func @transform_3(%arg0: i32) -> (i32, i32) {
    %c0_i32 = arith.constant 0 : i32
    %c0_i32_0 = arith.constant 0 : i32
    %c0_i32_1 = arith.constant 0 : i32
    return %c0_i32, %c0_i32_0 : i32, i32
  }
}

</mosaic_0001>

<sc_bundles>
// kernel: kernel.18.cloned.1.call-start
scs
__scs_entry_jumppad:
0x0: {  	(pc) =	sbr.rel $0x88, $3  }
0x1: {  	(tag) =	ssettag $0x0;
	lr =	simm.s32 $0x1  }
0x2: {  	[smem:$0x3F93] =	sst lr;
	_ =	strace $0xD0000000  }
0x3: {  	_ = 	snop  }
0x4: {  	_ = 	snop  }
0x5: {  	_ = 	snop  }
0x6: {  	_ = 	snop  }
0x7: {  	_ = 	snop  }
__scs_overlays_trampoline_lowered:
0x8: {  	[smem:$0x3FA2] =	sst s0  }
0x9: {  	[smem:$0x3FA3] =	sst s1  }
0xa: {  	[smem:$0x3FA4] =	sst s2  }
0xb: {  	[smem:$0x3FA5] =	sst s3  }
0xc: {  	[smem:$0x3FA6] =	sst s4  }
0xd: {  	[smem:$0x3FA7] =	sst s5  }
0xe: {  	[smem:$0x3FA8] =	sst s6  }
0xf: {  	[smem:$0x3FA9] =	sst s7  }
0x10: {  	[smem:$0x3FAA] =	sst s8  }
0x11: {  	[smem:$0x3FAB] =	sst s9;
	s0 =	simm.s32 @!p0 $0x0  }
0x12: {  	s1 =	sld [smem:$0x3F91];
	s0 =	simm.s32 @p0 $0x1  }
0x13: {  	[smem:$0x3FAC] =	sst s0;
	s0 =	simm.s32 @!p1 $0x0  }
0x14: {  	s2 =	sld [smem:$0x3F90];
	s0 =	simm.s32 @p1 $0x1  }
0x15: {  	[smem:$0x3FAD] =	sst s0;
	s0 =	simm.s32 @!p2 $0x0  }
0x16: {  	s3 =	sld [smem:$0x3FDB];
	s0 =	simm.s32 @p2 $0x1  }
0x17: {  	s4 =	simm.s32 $0x1BF5;
	[smem:$0x3FAF] =	sst s0  }
0x18: {  	s0 =	sld [smem:$0x3F92];
	_ =	swait.ge [sflag:s4], $0x0  }
0x19: {  	s7 =	sld [smem:$0x3F93]  }
0x1a: {  	s8 =	sadd.s32 $0xFFFFE003, lr  }
0x1b: {  	s9 =	sadd.s32 $0xFFFFFEF7, lr;
	s5 =	simm.s32 $0xFFFFFFFF;
	p2 =	slt.u32 s8, $0xFFFFF086  }
0x1c: {  	p1 =	slt.u32 s9, $0xF7A;
	s5 =	simm.s32 @!p2 $0x0  }
0x1d: {  	s5 =	simm.s32 @p1 $0x1;
	p0 =	seq.s32 s7, s2  }
0x1e: {  	s7 =	smul.u32 @!p0 $0xF7A, s2;
	p2 =	seq.s32 @!p0 s5, $0x0  }
0x1f: {  	s9 =	smul.u32 $0xF7A, s1;
	s8 =	simm.s32 @!p0 $0x1BF5;
	p2 =	por !p2, p0  }
0x20: {  	[sflag:s8] =	ssyncset.s32 @!p0 $0xFFFFF086;
	s6 =	sadd.s32 @!p0 s3, s7;
	s7 =	simm.s32 @!p0 $0x108  }
0x21: {  	s3 =	sadd.s32 s3, s9;
	s6 =	sadd.s32 @!p0 $0x88, s6;
	s7 =	simm.s32 @p2 $0x1082  }
0x22: {  	[simem:s7], [sflag:s8] =	dma.local @!p0 [hbm:s6], $0xF7A  }
0x23: {  	s9 =	sor.u32 $0xD0000000, s2;
	s6 =	simm.s32 $0x108;
	_ =	swait.ge @!p0 [sflag:s8], $0x0  }
0x24: {  	s3 =	sadd.s32 $0x88, s3;
	s6 =	simm.s32 @!p1 $0x1082;
	[sflag:s4] =	ssyncset.s32 $0xFFFFF086  }
0x25: {  	[simem:s6], [sflag:s4] =	dma.local [hbm:s3], $0xF7A  }
0x26: {  	[smem:$0x3F93] =	sst s1;
	(tag) =	ssettag s2;
	_ =	strace s9  }
0x27: {  	s1 =	sld [smem:$0x3FA3]  }
0x28: {  	s2 =	sld [smem:$0x3FA4]  }
0x29: {  	s4 =	sld [smem:$0x3FA6]  }
0x2a: {  	p0 =	seq.s32 s5, $0x0;
	s5 =	sld [smem:$0x3FA7]  }
0x2b: {  	s6 =	sld [smem:$0x3FA8]  }
0x2c: {  	s7 =	sld [smem:$0x3FA9]  }
0x2d: {  	s3 =	simm.s32 $0x108;
	s8 =	sld [smem:$0x3FAA]  }
0x2e: {  	s3 =	simm.s32 @!p0 $0x1082;
	s9 =	sld [smem:$0x3FAB]  }
0x2f: {  	lr =	sadd.s32 s0, s3;
	s0 =	sld [smem:$0x3FA2]  }
0x30: {  	s3 =	sld [smem:$0x3FA5]  }
0x31: {  	[smem:$0x3FAE] =	sst s10  }
0x32: {  	s10 =	sld [smem:$0x3FAC];
	_ =	sdelay $0x3  }
0x33: {  	p0 =	seq.s32 s10, $0x1;
	s10 =	sld [smem:$0x3FAE];
	_ =	sdelay $0x3  }
0x34: {  	[smem:$0x3FAE] =	sst s10  }
0x35: {  	s10 =	sld [smem:$0x3FAD];
	_ =	sdelay $0x3  }
0x36: {  	p1 =	seq.s32 s10, $0x1;
	s10 =	sld [smem:$0x3FAE];
	_ =	sdelay $0x3  }
0x37: {  	[smem:$0x3FAE] =	sst s10  }
0x38: {  	s10 =	sld [smem:$0x3FAF]  }
0x39: {  	_ = 	snop;
	(pc) =	sbr.ind lr, $3  }
0x3a: {  	_ = 	snop  }
0x3b: {  	_ = 	snop  }
0x3c: {  	p2 =	seq.s32 s10, $0x1;
	s10 =	sld [smem:$0x3FAE]  }
0x3d: {  	_ =	shalt  }
0x3e: {  	_ =	shalt  }
0x3f: {  	_ =	shalt  }
0x40: {  	_ =	shalt  }
0x41: {  	_ =	shalt  }
0x42: {  	_ =	shalt  }
0x43: {  	_ =	shalt  }
0x44: {  	_ =	shalt  }
0x45: {  	_ =	shalt  }
0x46: {  	_ =	shalt  }
0x47: {  	_ =	shalt  }
0x48: {  	_ =	shalt  }
0x49: {  	_ =	shalt  }
0x4a: {  	_ =	shalt  }
0x4b: {  	_ =	shalt  }
0x4c: {  	_ =	shalt  }
0x4d: {  	_ =	shalt  }
0x4e: {  	_ =	shalt  }
0x4f: {  	_ =	shalt  }
0x50: {  	_ =	shalt  }
0x51: {  	_ =	shalt  }
0x52: {  	_ =	shalt  }
0x53: {  	_ =	shalt  }
0x54: {  	_ =	shalt  }
0x55: {  	_ =	shalt  }
0x56: {  	_ =	shalt  }
0x57: {  	_ =	shalt  }
0x58: {  	_ =	shalt  }
0x59: {  	_ =	shalt  }
0x5a: {  	_ =	shalt  }
0x5b: {  	_ =	shalt  }
0x5c: {  	_ =	shalt  }
0x5d: {  	_ =	shalt  }
0x5e: {  	_ =	shalt  }
0x5f: {  	_ =	shalt  }
0x60: {  	_ =	shalt  }
0x61: {  	_ =	shalt  }
0x62: {  	_ =	shalt  }
0x63: {  	_ =	shalt  }
0x64: {  	_ =	shalt  }
0x65: {  	_ =	shalt  }
0x66: {  	_ =	shalt  }
0x67: {  	_ =	shalt  }
0x68: {  	_ =	shalt  }
0x69: {  	_ =	shalt  }
0x6a: {  	_ =	shalt  }
0x6b: {  	_ =	shalt  }
0x6c: {  	_ =	shalt  }
0x6d: {  	_ =	shalt  }
0x6e: {  	_ =	shalt  }
0x6f: {  	_ =	shalt  }
0x70: {  	_ =	shalt  }
0x71: {  	_ =	shalt  }
0x72: {  	_ =	shalt  }
0x73: {  	_ =	shalt  }
0x74: {  	_ =	shalt  }
0x75: {  	_ =	shalt  }
0x76: {  	_ =	shalt  }
0x77: {  	_ =	shalt  }
0x78: {  	_ =	shalt  }
0x79: {  	_ =	shalt  }
0x7a: {  	_ =	shalt  }
0x7b: {  	_ =	shalt  }
0x7c: {  	_ =	shalt  }
0x7d: {  	_ =	shalt  }
0x7e: {  	_ =	shalt  }
0x7f: {  	_ =	shalt  }
0x80: {  	_ =	shalt  }
0x81: {  	_ =	shalt  }
0x82: {  	_ =	shalt  }
0x83: {  	_ =	shalt  }
0x84: {  	_ =	shalt  }
0x85: {  	_ =	shalt  }
0x86: {  	_ =	shalt  }
0x87: {  	_ =	shalt  }
.Lfunc_end0:
.L_simem_size_0:
called_computation_lowered:
.L_overlay_start_0:
0x88: {  	s2 =	sld [smem:$0x3FD9]  }
0x89: {  	s3 =	sld [smem:$0x3FFE];
	_ =	sdelay $0x1  }
0x8a: {  	s1 =	srdreg.scid  }
0x8b: {  	s0 =	sand.u32 $0x1, s1  }
0x8c: {  	s16 =	sshll.u32 s0, $0xA;
	s2 =	sadd.s32 s3, s2  }
0x8d: {  	s2 =	sadd.s32 s2, s16  }
0x8e: {  	[smem:$0x3FBA] =	sst s2  }
0x8f: {  	_ = 	snop  }
0x90: {  	(tm) =	ssettm $0x1  }
0x91: {  	s17 =	sld [smem:$0x3FFB];
	_ =	sdelay $0x3  }
0x92: {  	_ =	strace s17  }
0x93: {  	s2 =	sld [smem:$0x3FFC];
	_ =	sdelay $0x3  }
0x94: {  	_ =	strace s2  }
0x95: {  	s2 =	sld [smem:$0x3FFD];
	_ =	sdelay $0x3  }
0x96: {  	_ =	strace s2  }
0x97: {  	_ =	strace $0x8FFFFFFF  }
0x98: {  	s18 =	sld [smem:$0x3FDB];
	_ =	sdelay $0x1  }
0x99: {  	s19 =	simm.s32 $_scs_section_size  }
0x9a: {  	s4 =	simm.s32 $_size__tile_overlayer_lowered;
	s5 =	simm.s32 $_tile_overlayer_lowered  }
0x9b: {  	s22 =	simm.s32 $0x1BFF;
	s21 =	sshll.u32 s5, $0x1;
	s2 =	sadd.s32 s19, s18  }
0x9c: {  	s6 =	simm.s32 $0x0;
	s20 =	sshll.u32 s4, $0x1;
	s4 =	sadd.s32 s21, s2  }
0x9d: {  	[timem:s6], [sflag:s22] =	dma.local [hbm:s4], s20  }
0x9e: {  	_ =	swait.ge [sflag:s22], s20  }
0x9f: {  	s3 =	ssub.s32 $0x0, s20;
	[sflag:s22] =	ssyncset.done $0x0  }
0xa0: {  	[sflag:s22] =	ssyncadd.s32 s3;
	_ =	sdelay $0x1  }
0xa1: {  	s23 =	simm.s32 $0x1B8B  }
0xa2: {  	_ =	swait.ge [sflag:s23], $0x1  }
0xa3: {  	[sflag:s23] =	ssyncset.done $0x0  }
0xa4: {  	s25 =	simm.s32 $0x1B8E;
	s24 =	sld [smem:$0x3FFE];
	[sflag:s23] =	ssyncadd.s32 $0xFFFFFFFF  }
0xa5: {  	s26 =	simm.s32 $execute0_lowered;
	[smem:$0x3FD2] =	sst s25  }
0xa6: {  	s4 =	sshll.u32 s26, $0x1;
	_ =	strace $0x80000046;
	[dreg:$0x1] =	wrdreg $0xFFFFFFFF  }
0xa7: {  	s28 =	simm.s32 $_size_execute0_lowered;
	s2 =	sadd.s32 s2, s4;
	[dreg:$0x0] =	wrdreg $0x0  }
0xa8: {  	s4 =	sshll.u32 s28, $0x1;
	[dreg:$0x2] =	wrdreg s2  }
0xa9: {  	[dreg:$0x3] =	wrdreg s4  }
0xaa: {  	[dreg:$0x4] =	wrdreg $0xC0  }
0xab: {  	_ =	task [dreg:s6], $0x5FFFF  }
0xac: {  	[dreg:$0x1] =	wrdreg $0xFFFFFFFF  }
0xad: {  	[dreg:$0x0] =	wrdreg $0x60  }
0xae: {  	[dreg:$0x2] =	wrdreg s24  }
0xaf: {  	[dreg:$0x3] =	wrdreg $0x9  }
0xb0: {  	_ =	task.clear_ibuf [dreg:s6], $0x4FFFF;
	_ =	strace $0x90000046  }
0xb1: {  	s29 =	simm.s32 $0x9;
	_ =	strace $0x80000048  }
0xb2: {  	_ =	swait.ge [sflag:s29], $0x1  }
0xb3: {  	[sflag:s29] =	ssyncadd.s32 $0xFFFFFFFF  }
0xb4: {  	_ =	strace $0x90000048  }
0xb5: {  	_ =	sfence  }
0xb6: {  	s30 =	sld [smem:$0x0];
	_ =	sdelay $0x2  }
0xb7: {  	s31 =	sshll.u32 s1, $0xD;
	s1 =	sshrl.u32 s1, $0x2  }
0xb8: {  	s3 =	sand.u32 $0x4000, s31;
	s1 =	sadd.s32 s1, s30  }
0xb9: {  	s0 =	sor.u32 s3, s0;
	s1 =	sshll.u32 s1, $0x11  }
0xba: {  	s0 =	sor.u32 s1, s0  }
0xbb: {  	s0 =	sadd.s32 $0x8F2B, s0  }
0xbc: {  	[sflag:s0] =	ssyncadd.remote.s32 $0x1  }
0xbd: {  	_ =	sfence.sel $0xFFFF  }
0xbe: {  	[dreg:$0x0] =	wrdreg $0xFFFFFFFF;
	(pc) =	sbr.abs _section_cstart, $3  }
0xbf: {  	[dreg:$0x1] =	wrdreg $0xFFFFFFFF  }
0xc0: {  	_ =	task.clear_ibuf [dreg:s6], $0x2FFFF;
	_ =	strace $0x9FFFFFFF  }
0xc1: {  	(tm) =	ssettm $0x7FFFFFFF  }
tec
execute0_lowered:
.L_overlay_start_1:
0x0: {  	(tag) =	ssettag $0x1  }
0x1: {  	s5 =	rddreg [dreg:$0x0];
	s0 =	stileid.u32  }
0x2: {  	s2 =	srdreg.scid;
	s1 =	rddreg [dreg:$0x1];
	s11 =	simm.s32 $0x80  }
0x3: {  	s12 =	simm.s32 $0x7C00;
	s13 =	simm.s32 $0x100;
	s14 =	simm.s32 $0xBC00  }
0x4: {  	s15 =	simm.s32 $0x180;
	s16 =	simm.s32 $0xFC00;
	s17 =	simm.s32 $0x1  }
0x5: {  	s18 =	simm.s32 $0x2;
	s19 =	simm.s32 $0x0;
	s3 =	smul.u32 $0x28, s0  }
0x6: {  	s4 =	sand.u32 $0x1, s2;
	s6 =	smul.u32 $0x78, s0;
	s2 =	simm.s32 $0x0  }
0x7: {  	p0 =	seq.s32 s4, $0x0;
	[smem:$0x7FF] =	sst s2;
	s8 =	ssub.s32 $0x2, s4  }
0x8: {  	s4 =	simm.s32 $0x78;
	s7 =	sadd.s32 $0x780, s3;
	_ =	strace $0x80000047  }
0x9: {  	s3 =	sadd.s32 $0x26800, s5;
	s9 =	sshrl.u32 s8, $0x1;
	s7 =	smov.u32 @p0 s6  }
0xa: {  	s4 =	simm.s32 @!p0 $0x28;
	s6 =	sshll.u32 s7, $0x4;
	s7 =	sshll.u32 s7, $0xB  }
0xb: {  	s31 =	ssub.s32 s8, s9;
	s6 =	sadd.s32 s6, s5;
	s10 =	sadd.s32 s7, s5  }
0xc: {  	s7 =	smax.u32 s31, $0x1;
	s5 =	sadd.s32 $0x1C200, s6;
	s6 =	sadd.s32 $0x11C00, s6  }
0xd: {  	s8 =	sadd.s32 $0x4E800, s10;
	s9 =	sadd.s32 $0x54E800, s10;
	s10 =	simm.s32 $0x3  }
.LBB2_1:
0xe: {  	[tilespmem:s2], [sflag:$0x3] =	stream.linear.gather [hbm4b:s5+s2], $0x3C00, $0x38;
	[tilespmem:$0x1BC00] =	vst v63  }
0xf: {  	_ =	swait.ge [sflag:s10], $0x3C00  }
0x10: {  	[sflag:s10] =	ssyncset.done $0x0  }
0x11: {  	s20 =	simm.s32 $0x3C00;
	[sflag:s10] =	ssyncadd.s32 $0xFFFFC400  }
0x12: {  	[tilespmem:s20], [sflag:$0x1] =	stream.indirect.gather [hbm4b:s3+s11], $0x80, s2, s11, $0xb8;
	[tilespmem:$0x1BC00] =	vst v63  }
0x13: {  	_ = 	snop  }
0x14: {  	[tilespmem:s12], [sflag:$0x1] =	stream.indirect.gather [hbm4b:s3+s11], $0x80, s11, s11, $0xb8;
	[tilespmem:$0x1BC00] =	vst v63  }
0x15: {  	s21 =	simm.s32 $0x13C00;
	s22 =	simm.s32 $0x4  }
0x16: {  	[tilespmem:s14], [sflag:$0x1] =	stream.indirect.gather [hbm4b:s3+s11], $0x80, s13, s11, $0xb8;
	[tilespmem:$0x1BC00] =	vst v63  }
0x17: {  	s23 =	simm.s32 $0x200;
	s24 =	smov.u32 s8;
	s25 =	simm.s32 $0x0  }
0x18: {  	[tilespmem:s16], [sflag:$0x1] =	stream.indirect.gather [hbm4b:s3+s11], $0x80, s15, s11, $0xb8;
	[tilespmem:$0x1BC00] =	vst v63  }
.LBB2_2:
0x19: {  	s26 =	smulhi.u32 $0xAAAAAAAB, s25;
	_ =	sdelay $0x1  }
0x1a: {  	s26 =	sshrl.u32 s26, $0x2  }
0x1b: {  	_ =	swait.ge [sflag:s17], $0x4000;
	s26 =	smul.u32 $0xFFFA0000, s26  }
0x1c: {  	s28 =	smulhi.u32 $0xAAAAAAAB, s22;
	[sflag:s17] =	ssyncset.done $0x0  }
0x1d: {  	p0 =	slt.u32 s25, $0x2;
	[sflag:s17] =	ssyncadd.s32 $0xFFFFC000;
	s26 =	sshra.s32 s26, $0x2  }
0x1e: {  	s30 =	sshrl.u32 s28, $0x2;
	s28 =	simm.s32 @!p0 $0x2;
	s26 =	sadd.s32 s26, s20  }
0x1f: {  	[hbm4b:s24+s2] =	stream.linear.scatter [tilespmem:s26], [sflag:$0x2], $0x4000, $0x38;
	[tilespmem:$0x1BC00] =	vst v63  }
0x20: {  	s31 =	sadd.s32 $0x4, s25;
	_ =	swait.ge @!p0 [sflag:s28], $0x4000  }
0x21: {  	s25 =	sadd.s32 $0xFFFFFFFD, s31;
	[sflag:s28] =	ssyncset.done @!p0 $0x0  }
0x22: {  	s26 =	smul.u32 $0xFFFA0000, s30;
	[sflag:s28] =	ssyncadd.s32 @!p0 $0xFFFFC000;
	p0 =	sne.s32 s25, s4  }
.Ltmp0:
0x23: {  	_ = 	snop;
	(pc) =	sbr.rel @p0 .LBB2_2-.Ltmp0, $4  }
0x24: {  	s22 =	sadd.s32 $0x1, s22;
	p1 =	sge.u32 s31, s4;
	s26 =	sshra.s32 s26, $0x2  }
0x25: {  	s20 =	sadd.s32 $0x4000, s20;
	s26 =	sadd.s32 s26, s21;
	s28 =	simm.s32 @!p1 $0x80  }
0x26: {  	[tilespmem:s26], [sflag:$0x1] =	stream.indirect.gather @!p1 [hbm4b:s3+s28], $0x80, s23, s28, $0xb8;
	[tilespmem:$0x1BC00] =	vst v63  }
0x27: {  	s24 =	sadd.s32 $0x800, s24;
	s21 =	sadd.s32 $0x4000, s21;
	s23 =	sadd.s32 $0x80, s23  }
0x28: {  	_ =	swait.ge [sflag:s18], $0x4000  }
0x29: {  	[sflag:s18] =	ssyncset.done $0x0  }
0x2a: {  	[sflag:s18] =	ssyncadd.s32 $0xFFFFC000  }
0x2b: {  	_ =	swait.ge [sflag:s18], $0x4000  }
0x2c: {  	[sflag:s18] =	ssyncset.done $0x0  }
0x2d: {  	s21 =	simm.s32 $0x0;
	[sflag:s18] =	ssyncadd.s32 $0xFFFFC000  }
0x2e: {  	[tilespmem:s21], [sflag:$0x3] =	stream.linear.gather [hbm4b:s6+s21], $0x3C00, $0x38;
	[tilespmem:$0x1BC00] =	vst v63  }
0x2f: {  	_ =	swait.ge [sflag:s10], $0x3C00  }
0x30: {  	[sflag:s10] =	ssyncset.done $0x0  }
0x31: {  	s20 =	simm.s32 $0x3C00;
	[sflag:s10] =	ssyncadd.s32 $0xFFFFC400  }
0x32: {  	[tilespmem:s20], [sflag:$0x1] =	stream.indirect.gather [hbm4b:s3+s11], $0x80, s21, s11, $0xb8;
	[tilespmem:$0x1BC00] =	vst v63  }
0x33: {  	_ = 	snop  }
0x34: {  	[tilespmem:s12], [sflag:$0x1] =	stream.indirect.gather [hbm4b:s3+s11], $0x80, s11, s11, $0xb8;
	[tilespmem:$0x1BC00] =	vst v63  }
0x35: {  	s22 =	simm.s32 $0x13C00  }
0x36: {  	[tilespmem:s14], [sflag:$0x1] =	stream.indirect.gather [hbm4b:s3+s11], $0x80, s13, s11, $0xb8;
	[tilespmem:$0x1BC00] =	vst v63  }
0x37: {  	s23 =	simm.s32 $0x4;
	s24 =	simm.s32 $0x200;
	s25 =	smov.u32 s9  }
0x38: {  	[tilespmem:s16], [sflag:$0x1] =	stream.indirect.gather [hbm4b:s3+s11], $0x80, s15, s11, $0xb8;
	[tilespmem:$0x1BC00] =	vst v63  }
.LBB2_4:
0x39: {  	s26 =	smulhi.u32 $0xAAAAAAAB, s21;
	_ =	sdelay $0x1  }
0x3a: {  	s26 =	sshrl.u32 s26, $0x2  }
0x3b: {  	_ =	swait.ge [sflag:s17], $0x4000;
	s26 =	smul.u32 $0xFFFA0000, s26  }
0x3c: {  	s28 =	smulhi.u32 $0xAAAAAAAB, s23;
	[sflag:s17] =	ssyncset.done $0x0  }
0x3d: {  	p0 =	slt.u32 s21, $0x2;
	[sflag:s17] =	ssyncadd.s32 $0xFFFFC000;
	s26 =	sshra.s32 s26, $0x2  }
0x3e: {  	s30 =	sshrl.u32 s28, $0x2;
	s28 =	simm.s32 @!p0 $0x2;
	s26 =	sadd.s32 s26, s20  }
0x3f: {  	[hbm4b:s25+s2] =	stream.linear.scatter [tilespmem:s26], [sflag:$0x2], $0x4000, $0x38;
	[tilespmem:$0x1BC00] =	vst v63  }
0x40: {  	s31 =	sadd.s32 $0x4, s21;
	_ =	swait.ge @!p0 [sflag:s28], $0x4000  }
0x41: {  	s21 =	sadd.s32 $0xFFFFFFFD, s31;
	[sflag:s28] =	ssyncset.done @!p0 $0x0  }
0x42: {  	s26 =	smul.u32 $0xFFFA0000, s30;
	[sflag:s28] =	ssyncadd.s32 @!p0 $0xFFFFC000;
	p0 =	sne.s32 s21, s4  }
.Ltmp1:
0x43: {  	_ = 	snop;
	(pc) =	sbr.rel @p0 .LBB2_4-.Ltmp1, $4  }
0x44: {  	s23 =	sadd.s32 $0x1, s23;
	p1 =	sge.u32 s31, s4;
	s26 =	sshra.s32 s26, $0x2  }
0x45: {  	s20 =	sadd.s32 $0x4000, s20;
	s26 =	sadd.s32 s26, s22;
	s28 =	simm.s32 @!p1 $0x80  }
0x46: {  	[tilespmem:s26], [sflag:$0x1] =	stream.indirect.gather @!p1 [hbm4b:s3+s28], $0x80, s24, s28, $0xb8;
	[tilespmem:$0x1BC00] =	vst v63  }
0x47: {  	s25 =	sadd.s32 $0x800, s25;
	s22 =	sadd.s32 $0x4000, s22;
	s24 =	sadd.s32 $0x80, s24  }
0x48: {  	s19 =	sadd.s32 $0x1, s19  }
0x49: {  	_ =	swait.ge [sflag:s18], $0x4000;
	p0 =	sne.s32 s19, s7  }
.Ltmp2:
0x4a: {  	[sflag:s18] =	ssyncset.done $0x0;
	(pc) =	sbr.rel @p0 .LBB2_1-.Ltmp2, $4  }
0x4b: {  	[sflag:s18] =	ssyncadd.s32 $0xFFFFC000  }
0x4c: {  	_ =	swait.ge [sflag:s18], $0x4000  }
0x4d: {  	[sflag:s18] =	ssyncset.done $0x0  }
0x4e: {  	[sflag:s18] =	ssyncadd.s32 $0xFFFFC000  }
0x4f: {  	_ =	sfence.sel $0x180000  }
0x50: {  	[bflag:$0x0] =	sbarrier.arrive $0xFFFF  }
0x51: {  	p0 =	sne.s32 s0, $0x0;
	_ =	strace $0x90000047  }
0x52: {  	s0 =	sadd.s32 @!p0 $0x100000, s1;
	[bflag:$0x2] =	sbarrier.arrive $0xFFFF  }
0x53: {  	[sflag:s0] =	ssyncadd.tile.s32 @!p0 $0x1;
	_ =	shalt  }
.Lfunc_end2:
_tile_overlayer_lowered:
.L_overlay_start_2:
0x54: {  	(tag) =	ssettag $0x2  }
0x55: {  	s0 =	rddreg [dreg:$0x0];
	s2 =	stileid.u32  }
0x56: {  	s1 =	rddreg [dreg:$0x1];
	p0 =	sne.s32 s2, $0x0  }
0x57: {  	s3 =	rddreg [dreg:$0x2];
	[bflag:$0x3] =	sbarrier.arrive $0xFFFF;
	s2 =	simm.s32 @!p0 $0x1C03  }
0x58: {  	[timem:s3], [sflag:s2] =	dma.local @!p0 [hbm:s0], s1  }
0x59: {  	s0 =	simm.s32 @!p0 $0x3  }
0x5a: {  	_ =	swait.ge @!p0 [sflag:s0], s1  }
0x5b: {  	s1 =	ssub.s32 @!p0 $0x0, s1;
	[sflag:s0] =	ssyncset.done @!p0 $0x0  }
0x5c: {  	[sflag:s0] =	ssyncadd.s32 @!p0 s1  }
0x5d: {  	[bflag:$0x3] =	sbarrier.arrive $0xFFFF  }
0x5e: {  	_ =	shalt  }

// kernel: kernel.21.cloned.1.call-start
scs
__scs_entry_jumppad:
0x0: {  	(pc) =	sbr.rel $0x88, $3  }
0x1: {  	(tag) =	ssettag $0x0;
	lr =	simm.s32 $0x1  }
0x2: {  	[smem:$0x3F93] =	sst lr;
	_ =	strace $0xD0000000  }
0x3: {  	_ = 	snop  }
0x4: {  	_ = 	snop  }
0x5: {  	_ = 	snop  }
0x6: {  	_ = 	snop  }
0x7: {  	_ = 	snop  }
__scs_overlays_trampoline_lowered:
0x8: {  	[smem:$0x3FA2] =	sst s0  }
0x9: {  	[smem:$0x3FA3] =	sst s1  }
0xa: {  	[smem:$0x3FA4] =	sst s2  }
0xb: {  	[smem:$0x3FA5] =	sst s3  }
0xc: {  	[smem:$0x3FA6] =	sst s4  }
0xd: {  	[smem:$0x3FA7] =	sst s5  }
0xe: {  	[smem:$0x3FA8] =	sst s6  }
0xf: {  	[smem:$0x3FA9] =	sst s7  }
0x10: {  	[smem:$0x3FAA] =	sst s8  }
0x11: {  	[smem:$0x3FAB] =	sst s9;
	s0 =	simm.s32 @!p0 $0x0  }
0x12: {  	s1 =	sld [smem:$0x3F91];
	s0 =	simm.s32 @p0 $0x1  }
0x13: {  	[smem:$0x3FAC] =	sst s0;
	s0 =	simm.s32 @!p1 $0x0  }
0x14: {  	s2 =	sld [smem:$0x3F90];
	s0 =	simm.s32 @p1 $0x1  }
0x15: {  	[smem:$0x3FAD] =	sst s0;
	s0 =	simm.s32 @!p2 $0x0  }
0x16: {  	s3 =	sld [smem:$0x3FDB];
	s0 =	simm.s32 @p2 $0x1  }
0x17: {  	s4 =	simm.s32 $0x1BF5;
	[smem:$0x3FAF] =	sst s0  }
0x18: {  	s0 =	sld [smem:$0x3F92];
	_ =	swait.ge [sflag:s4], $0x0  }
0x19: {  	s7 =	sld [smem:$0x3F93]  }
0x1a: {  	s8 =	sadd.s32 $0xFFFFE003, lr  }
0x1b: {  	s9 =	sadd.s32 $0xFFFFFEF7, lr;
	s5 =	simm.s32 $0xFFFFFFFF;
	p2 =	slt.u32 s8, $0xFFFFF086  }
0x1c: {  	p1 =	slt.u32 s9, $0xF7A;
	s5 =	simm.s32 @!p2 $0x0  }
0x1d: {  	s5 =	simm.s32 @p1 $0x1;
	p0 =	seq.s32 s7, s2  }
0x1e: {  	s7 =	smul.u32 @!p0 $0xF7A, s2;
	p2 =	seq.s32 @!p0 s5, $0x0  }
0x1f: {  	s9 =	smul.u32 $0xF7A, s1;
	s8 =	simm.s32 @!p0 $0x1BF5;
	p2 =	por !p2, p0  }
0x20: {  	[sflag:s8] =	ssyncset.s32 @!p0 $0xFFFFF086;
	s6 =	sadd.s32 @!p0 s3, s7;
	s7 =	simm.s32 @!p0 $0x108  }
0x21: {  	s3 =	sadd.s32 s3, s9;
	s6 =	sadd.s32 @!p0 $0x88, s6;
	s7 =	simm.s32 @p2 $0x1082  }
0x22: {  	[simem:s7], [sflag:s8] =	dma.local @!p0 [hbm:s6], $0xF7A  }
0x23: {  	s9 =	sor.u32 $0xD0000000, s2;
	s6 =	simm.s32 $0x108;
	_ =	swait.ge @!p0 [sflag:s8], $0x0  }
0x24: {  	s3 =	sadd.s32 $0x88, s3;
	s6 =	simm.s32 @!p1 $0x1082;
	[sflag:s4] =	ssyncset.s32 $0xFFFFF086  }
0x25: {  	[simem:s6], [sflag:s4] =	dma.local [hbm:s3], $0xF7A  }
0x26: {  	[smem:$0x3F93] =	sst s1;
	(tag) =	ssettag s2;
	_ =	strace s9  }
0x27: {  	s1 =	sld [smem:$0x3FA3]  }
0x28: {  	s2 =	sld [smem:$0x3FA4]  }
0x29: {  	s4 =	sld [smem:$0x3FA6]  }
0x2a: {  	p0 =	seq.s32 s5, $0x0;
	s5 =	sld [smem:$0x3FA7]  }
0x2b: {  	s6 =	sld [smem:$0x3FA8]  }
0x2c: {  	s7 =	sld [smem:$0x3FA9]  }
0x2d: {  	s3 =	simm.s32 $0x108;
	s8 =	sld [smem:$0x3FAA]  }
0x2e: {  	s3 =	simm.s32 @!p0 $0x1082;
	s9 =	sld [smem:$0x3FAB]  }
0x2f: {  	lr =	sadd.s32 s0, s3;
	s0 =	sld [smem:$0x3FA2]  }
0x30: {  	s3 =	sld [smem:$0x3FA5]  }
0x31: {  	[smem:$0x3FAE] =	sst s10  }
0x32: {  	s10 =	sld [smem:$0x3FAC];
	_ =	sdelay $0x3  }
0x33: {  	p0 =	seq.s32 s10, $0x1;
	s10 =	sld [smem:$0x3FAE];
	_ =	sdelay $0x3  }
0x34: {  	[smem:$0x3FAE] =	sst s10  }
0x35: {  	s10 =	sld [smem:$0x3FAD];
	_ =	sdelay $0x3  }
0x36: {  	p1 =	seq.s32 s10, $0x1;
	s10 =	sld [smem:$0x3FAE];
	_ =	sdelay $0x3  }
0x37: {  	[smem:$0x3FAE] =	sst s10  }
0x38: {  	s10 =	sld [smem:$0x3FAF]  }
0x39: {  	_ = 	snop;
	(pc) =	sbr.ind lr, $3  }
0x3a: {  	_ = 	snop  }
0x3b: {  	_ = 	snop  }
0x3c: {  	p2 =	seq.s32 s10, $0x1;
	s10 =	sld [smem:$0x3FAE]  }
0x3d: {  	_ =	shalt  }
0x3e: {  	_ =	shalt  }
0x3f: {  	_ =	shalt  }
0x40: {  	_ =	shalt  }
0x41: {  	_ =	shalt  }
0x42: {  	_ =	shalt  }
0x43: {  	_ =	shalt  }
0x44: {  	_ =	shalt  }
0x45: {  	_ =	shalt  }
0x46: {  	_ =	shalt  }
0x47: {  	_ =	shalt  }
0x48: {  	_ =	shalt  }
0x49: {  	_ =	shalt  }
0x4a: {  	_ =	shalt  }
0x4b: {  	_ =	shalt  }
0x4c: {  	_ =	shalt  }
0x4d: {  	_ =	shalt  }
0x4e: {  	_ =	shalt  }
0x4f: {  	_ =	shalt  }
0x50: {  	_ =	shalt  }
0x51: {  	_ =	shalt  }
0x52: {  	_ =	shalt  }
0x53: {  	_ =	shalt  }
0x54: {  	_ =	shalt  }
0x55: {  	_ =	shalt  }
0x56: {  	_ =	shalt  }
0x57: {  	_ =	shalt  }
0x58: {  	_ =	shalt  }
0x59: {  	_ =	shalt  }
0x5a: {  	_ =	shalt  }
0x5b: {  	_ =	shalt  }
0x5c: {  	_ =	shalt  }
0x5d: {  	_ =	shalt  }
0x5e: {  	_ =	shalt  }
0x5f: {  	_ =	shalt  }
0x60: {  	_ =	shalt  }
0x61: {  	_ =	shalt  }
0x62: {  	_ =	shalt  }
0x63: {  	_ =	shalt  }
0x64: {  	_ =	shalt  }
0x65: {  	_ =	shalt  }
0x66: {  	_ =	shalt  }
0x67: {  	_ =	shalt  }
0x68: {  	_ =	shalt  }
0x69: {  	_ =	shalt  }
0x6a: {  	_ =	shalt  }
0x6b: {  	_ =	shalt  }
0x6c: {  	_ =	shalt  }
0x6d: {  	_ =	shalt  }
0x6e: {  	_ =	shalt  }
0x6f: {  	_ =	shalt  }
0x70: {  	_ =	shalt  }
0x71: {  	_ =	shalt  }
0x72: {  	_ =	shalt  }
0x73: {  	_ =	shalt  }
0x74: {  	_ =	shalt  }
0x75: {  	_ =	shalt  }
0x76: {  	_ =	shalt  }
0x77: {  	_ =	shalt  }
0x78: {  	_ =	shalt  }
0x79: {  	_ =	shalt  }
0x7a: {  	_ =	shalt  }
0x7b: {  	_ =	shalt  }
0x7c: {  	_ =	shalt  }
0x7d: {  	_ =	shalt  }
0x7e: {  	_ =	shalt  }
0x7f: {  	_ =	shalt  }
0x80: {  	_ =	shalt  }
0x81: {  	_ =	shalt  }
0x82: {  	_ =	shalt  }
0x83: {  	_ =	shalt  }
0x84: {  	_ =	shalt  }
0x85: {  	_ =	shalt  }
0x86: {  	_ =	shalt  }
0x87: {  	_ =	shalt  }
.Lfunc_end0:
.L_simem_size_0:
called_computation.1_lowered:
.L_overlay_start_0:
0x88: {  	s2 =	sld [smem:$0x3FD9]  }
0x89: {  	s3 =	sld [smem:$0x3FFE];
	_ =	sdelay $0x1  }
0x8a: {  	s1 =	srdreg.scid  }
0x8b: {  	s0 =	sand.u32 $0x1, s1  }
0x8c: {  	s17 =	sshll.u32 s0, $0xA;
	s2 =	sadd.s32 s3, s2  }
0x8d: {  	s2 =	sadd.s32 s2, s17  }
0x8e: {  	[smem:$0x3FBA] =	sst s2  }
0x8f: {  	_ = 	snop  }
0x90: {  	(tm) =	ssettm $0x1  }
0x91: {  	s18 =	sld [smem:$0x3FFB];
	_ =	sdelay $0x3  }
0x92: {  	_ =	strace s18  }
0x93: {  	s2 =	sld [smem:$0x3FFC];
	_ =	sdelay $0x3  }
0x94: {  	_ =	strace s2  }
0x95: {  	s2 =	sld [smem:$0x3FFD];
	_ =	sdelay $0x3  }
0x96: {  	_ =	strace s2  }
0x97: {  	_ =	strace $0x8FFFFFFF  }
0x98: {  	s19 =	sld [smem:$0x3FDB];
	_ =	sdelay $0x1  }
0x99: {  	s20 =	simm.s32 $_scs_section_size  }
0x9a: {  	s4 =	simm.s32 $_size__tile_overlayer_lowered;
	s5 =	simm.s32 $_tile_overlayer_lowered  }
0x9b: {  	s6 =	simm.s32 $0x1BFF;
	s21 =	sshll.u32 s5, $0x1;
	s3 =	sadd.s32 s20, s19  }
0x9c: {  	s22 =	simm.s32 $0x0;
	s4 =	sshll.u32 s4, $0x1;
	s5 =	sadd.s32 s21, s3  }
0x9d: {  	[timem:s22], [sflag:s6] =	dma.local [hbm:s5], s4  }
0x9e: {  	_ =	swait.ge [sflag:s6], s4  }
0x9f: {  	s4 =	ssub.s32 $0x0, s4;
	[sflag:s6] =	ssyncset.done $0x0  }
0xa0: {  	[sflag:s6] =	ssyncadd.s32 s4;
	_ =	sdelay $0x1  }
0xa1: {  	s23 =	simm.s32 $0x1B8B  }
0xa2: {  	_ =	swait.ge [sflag:s23], $0x1  }
0xa3: {  	[sflag:s23] =	ssyncset.done $0x0  }
0xa4: {  	[sflag:s23] =	ssyncadd.s32 $0xFFFFFFFF  }
0xa5: {  	s4 =	sld [smem:$0x0]  }
0xa6: {  	s5 =	sand.u32 $0xFFFFFFFE, s1  }
0xa7: {  	p0 =	sne.s32 s1, s5  }
0xa8: {  	s5 =	sshll.u32 @p0 s5, $0xE  }
0xa9: {  	s5 =	sadd.s32 @p0 $0x11B8D, s5;
	s6 =	sshll.u32 @p0 s4, $0x11  }
0xaa: {  	s5 =	sor.u32 @p0 s6, s5  }
0xab: {  	[sflag:s5] =	ssyncadd.remote.s32 @p0 $0x1;
	_ =	sdelay $0x1  }
0xac: {  	s5 =	simm.s32 @p0 $0x1B8D  }
0xad: {  	_ =	swait.eq @p0 [sflag:s5], $0x1  }
0xae: {  	[sflag:s5] =	ssyncadd.s32 @p0 $0xFFFFFFFF  }
0xaf: {  	s6 =	sshll.u32 @!p0 s1, $0xE  }
0xb0: {  	s6 =	sor.u32 @!p0 $0x4000, s6;
	s5 =	simm.s32 @!p0 $0x1B8D  }
0xb1: {  	s4 =	sshll.u32 @!p0 s4, $0x11;
	s6 =	sadd.s32 @!p0 $0x11B8D, s6;
	_ =	swait.eq @!p0 [sflag:s5], $0x1  }
0xb2: {  	s4 =	sor.u32 @!p0 s4, s6;
	[sflag:s5] =	ssyncadd.s32 @!p0 $0xFFFFFFFF  }
0xb3: {  	s25 =	simm.s32 $0x1B8E;
	s24 =	sld [smem:$0x3FFE];
	[sflag:s4] =	ssyncadd.remote.s32 @!p0 $0x1  }
0xb4: {  	s26 =	simm.s32 $execute0_lowered;
	[smem:$0x3FD2] =	sst s25  }
0xb5: {  	s5 =	sshll.u32 s26, $0x1;
	_ =	strace $0x80000049;
	[dreg:$0x1] =	wrdreg $0xFFFFFFFF  }
0xb6: {  	s28 =	simm.s32 $_size_execute0_lowered;
	s3 =	sadd.s32 s3, s5;
	[dreg:$0x0] =	wrdreg $0x0  }
0xb7: {  	s5 =	sshll.u32 s28, $0x1;
	[dreg:$0x2] =	wrdreg s3  }
0xb8: {  	[dreg:$0x3] =	wrdreg s5  }
0xb9: {  	[dreg:$0x4] =	wrdreg $0xC0  }
0xba: {  	_ =	task [dreg:s22], $0x5FFFF  }
0xbb: {  	[dreg:$0x1] =	wrdreg $0xFFFFFFFF  }
0xbc: {  	[dreg:$0x0] =	wrdreg $0x60  }
0xbd: {  	[dreg:$0x2] =	wrdreg s24  }
0xbe: {  	[dreg:$0x3] =	wrdreg $0xA  }
0xbf: {  	_ =	task.clear_ibuf [dreg:s22], $0x4FFFF;
	_ =	strace $0x90000049  }
0xc0: {  	s29 =	simm.s32 $0xA;
	_ =	strace $0x8000004B  }
0xc1: {  	_ =	swait.ge [sflag:s29], $0x1  }
0xc2: {  	[sflag:s29] =	ssyncadd.s32 $0xFFFFFFFF  }
0xc3: {  	_ =	strace $0x9000004B  }
0xc4: {  	_ =	sfence  }
0xc5: {  	s30 =	sld [smem:$0x0];
	_ =	sdelay $0x2  }
0xc6: {  	s31 =	sshll.u32 s1, $0xD;
	s1 =	sshrl.u32 s1, $0x2  }
0xc7: {  	s4 =	sand.u32 $0x4000, s31;
	s1 =	sadd.s32 s1, s30  }
0xc8: {  	s0 =	sor.u32 s4, s0;
	s1 =	sshll.u32 s1, $0x11  }
0xc9: {  	s0 =	sor.u32 s1, s0  }
0xca: {  	s0 =	sadd.s32 $0x8F2B, s0  }
0xcb: {  	[sflag:s0] =	ssyncadd.remote.s32 $0x1  }
0xcc: {  	_ =	sfence.sel $0xFFFF  }
0xcd: {  	[dreg:$0x0] =	wrdreg $0xFFFFFFFF;
	(pc) =	sbr.abs _section_cstart, $3  }
0xce: {  	[dreg:$0x1] =	wrdreg $0xFFFFFFFF  }
0xcf: {  	_ =	task.clear_ibuf [dreg:s22], $0x2FFFF;
	_ =	strace $0x9FFFFFFF  }
0xd0: {  	(tm) =	ssettm $0x7FFFFFFF  }
0xd1: {  	_ =	shalt  }
tec
execute0_lowered:
.L_overlay_start_1:
0x0: {  	(tag) =	ssettag $0x1  }
0x1: {  	s0 =	rddreg [dreg:$0x0]  }
0x2: {  	s2 =	stileid.u32;
	s1 =	srdreg.scid;
	s8 =	simm.s32 $0x3  }
0x3: {  	s13 =	simm.s32 $0x12400;
	s14 =	simm.s32 $0x12C00;
	s15 =	simm.s32 $0x13400  }
0x4: {  	s16 =	simm.s32 $0x13C00;
	s17 =	simm.s32 $0x14400;
	s18 =	simm.s32 $0x14C00  }
0x5: {  	s19 =	simm.s32 $0x15400;
	s20 =	simm.s32 $0x15C00;
	s21 =	simm.s32 $0x16400  }
0x6: {  	s22 =	simm.s32 $0x16C00;
	s23 =	simm.s32 $0x17400;
	s24 =	simm.s32 $0x1  }
0x7: {  	s25 =	simm.s32 $0x2;
	s26 =	simm.s32 $0x0;
	s3 =	smul.u32 $0x50, s2  }
0x8: {  	s1 =	sand.u32 $0x1, s1;
	s4 =	smul.u32 $0xF0, s2;
	s2 =	simm.s32 $0x0  }
0x9: {  	p0 =	seq.s32 s1, $0x0;
	[smem:$0x7FF] =	sst s2;
	s5 =	sadd.s32 $0xF00, s3  }
0xa: {  	s1 =	ssub.s32 $0x2, s1;
	_ =	strace $0x8000004A;
	s5 =	smov.u32 @p0 s4  }
0xb: {  	s3 =	sadd.s32 $0xA52400, s0;
	s31 =	sshrl.u32 s1, $0x1;
	s4 =	sshll.u32 s5, $0x3  }
0xc: {  	v2 =	vlaneseq.u32;
	s30 =	sshll.u32 s5, $0xB;
	s6 =	sadd.s32 s4, s0;
	s4 =	simm.s32 $0xF0  }
0xd: {  	vm0 =	vmmov $0xffff;
	v1 =	vshrl.u32 v2, $0x3;
	s1 =	ssub.s32 s1, s31;
	s0 =	sadd.s32 s30, s0;
	s4 =	simm.s32 @!p0 $0x50  }
0xe: {  	v0 =	vand.u32 $0x7, v2;
	v2 =	vor.u32 $0x8, v2;
	v1 =	vmul.u32 $0x8, v1;
	s5 =	sadd.s32 $0x11C00, s6;
	s6 =	smax.u32 s1, $0x1;
	s1 =	sadd.s32 $0xAF2400, s0  }
.LBB2_1:
0xf: {  	[tilespmem:s2], [sflag:$0x3] =	stream.linear.gather [hbm4b:s5+s2], $0x3C00, $0x38;
	[tilespmem:$0x1FC00] =	vst v63  }
0x10: {  	_ =	swait.ge [sflag:s8], $0x3C00  }
0x11: {  	[sflag:s8] =	ssyncset.done $0x0  }
0x12: {  	[sflag:s8] =	ssyncadd.s32 $0xFFFFC400  }
0x13: {  	v3 =	vld [tilespmem:$0x0];
	_ =	sdelay $0x4  }
0x14: {  	v4 =	vshll.u32 v3, $0x1  }
0x15: {  	v3 =	vand.u32 $0x7, v3;
	v4 =	vand.u32 $0xFFFFFFF0, v4  }
0x16: {  	v3 =	vor.u32 v3, v4  }
0x17: {  	v4 =	vperm.xlane v3, v0;
	_ =	sdelay $0x1  }
0x18: {  	v3 =	vperm.xlane v3, v2;
	v4 =	vadd.s32 v1, v4;
	_ =	sdelay $0x1  }
0x19: {  	v3 =	vadd.s32 v1, v3;
	_ =	sdelay $0x1  }
0x1a: {  	s28 =	simm.s32 $0x3C00  }
0x1b: {  	[tilespmem:s28], [sflag:$0x1] =	stream.indirect_vreg.gather [hbm4b:s3+s2], $0x80, v4, vm0, $0xb8;
	[tilespmem:$0x1FC00] =	vst v63  }
0x1c: {  	s0 =	simm.s32 $0x4400  }
0x1d: {  	[tilespmem:s0], [sflag:$0x1] =	stream.indirect_vreg.gather [hbm4b:s3+s2], $0x80, v3, vm0, $0xb8;
	[tilespmem:$0x1FC00] =	vst v63  }
0x1e: {  	v3 =	vld [tilespmem:$0x10];
	_ =	sdelay $0x4  }
0x1f: {  	v45 =	vshll.u32 v3, $0x1  }
0x20: {  	v3 =	vand.u32 $0x7, v3;
	v4 =	vand.u32 $0xFFFFFFF0, v45  }
0x21: {  	v3 =	vor.u32 v3, v4  }
0x22: {  	v4 =	vperm.xlane v3, v0;
	_ =	sdelay $0x1  }
0x23: {  	v3 =	vperm.xlane v3, v2;
	v4 =	vadd.s32 v1, v4;
	_ =	sdelay $0x1  }
0x24: {  	v3 =	vadd.s32 v1, v3;
	_ =	sdelay $0x1  }
0x25: {  	s11 =	simm.s32 $0x4C00  }
0x26: {  	[tilespmem:s11], [sflag:$0x1] =	stream.indirect_vreg.gather [hbm4b:s3+s2], $0x80, v4, vm0, $0xb8;
	[tilespmem:$0x1FC00] =	vst v63  }
0x27: {  	s12 =	simm.s32 $0x5400  }
0x28: {  	[tilespmem:s12], [sflag:$0x1] =	stream.indirect_vreg.gather [hbm4b:s3+s2], $0x80, v3, vm0, $0xb8;
	[tilespmem:$0x1FC00] =	vst v63  }
0x29: {  	v3 =	vld [tilespmem:$0x20];
	_ =	sdelay $0x4  }
0x2a: {  	v46 =	vshll.u32 v3, $0x1  }
0x2b: {  	v3 =	vand.u32 $0x7, v3;
	v4 =	vand.u32 $0xFFFFFFF0, v46  }
0x2c: {  	v3 =	vor.u32 v3, v4  }
0x2d: {  	v4 =	vperm.xlane v3, v0;
	_ =	sdelay $0x1  }
0x2e: {  	v3 =	vperm.xlane v3, v2;
	v4 =	vadd.s32 v1, v4;
	_ =	sdelay $0x1  }
0x2f: {  	v3 =	vadd.s32 v1, v3;
	_ =	sdelay $0x1  }
0x30: {  	s7 =	simm.s32 $0x5C00  }
0x31: {  	[tilespmem:s7], [sflag:$0x1] =	stream.indirect_vreg.gather [hbm4b:s3+s2], $0x80, v4, vm0, $0xb8;
	[tilespmem:$0x1FC00] =	vst v63  }
0x32: {  	s9 =	simm.s32 $0x6400  }
0x33: {  	[tilespmem:s9], [sflag:$0x1] =	stream.indirect_vreg.gather [hbm4b:s3+s2], $0x80, v3, vm0, $0xb8;
	[tilespmem:$0x1FC00] =	vst v63  }
0x34: {  	v3 =	vld [tilespmem:$0x30];
	_ =	sdelay $0x4  }
0x35: {  	v47 =	vshll.u32 v3, $0x1  }
0x36: {  	v3 =	vand.u32 $0x7, v3;
	v4 =	vand.u32 $0xFFFFFFF0, v47  }
0x37: {  	v3 =	vor.u32 v3, v4  }
0x38: {  	v4 =	vperm.xlane v3, v0;
	_ =	sdelay $0x1  }
0x39: {  	v3 =	vperm.xlane v3, v2;
	v4 =	vadd.s32 v1, v4;
	_ =	sdelay $0x1  }
0x3a: {  	v3 =	vadd.s32 v1, v3;
	_ =	sdelay $0x1  }
0x3b: {  	s10 =	simm.s32 $0x6C00  }
0x3c: {  	[tilespmem:s10], [sflag:$0x1] =	stream.indirect_vreg.gather [hbm4b:s3+s2], $0x80, v4, vm0, $0xb8;
	[tilespmem:$0x1FC00] =	vst v63  }
0x3d: {  	s11 =	simm.s32 $0x7400  }
0x3e: {  	[tilespmem:s11], [sflag:$0x1] =	stream.indirect_vreg.gather [hbm4b:s3+s2], $0x80, v3, vm0, $0xb8;
	[tilespmem:$0x1FC00] =	vst v63  }
0x3f: {  	v3 =	vld [tilespmem:$0x40];
	_ =	sdelay $0x4  }
0x40: {  	v48 =	vshll.u32 v3, $0x1  }
0x41: {  	v3 =	vand.u32 $0x7, v3;
	v4 =	vand.u32 $0xFFFFFFF0, v48  }
0x42: {  	v3 =	vor.u32 v3, v4  }
0x43: {  	v4 =	vperm.xlane v3, v0;
	_ =	sdelay $0x1  }
0x44: {  	v3 =	vperm.xlane v3, v2;
	v4 =	vadd.s32 v1, v4;
	_ =	sdelay $0x1  }
0x45: {  	v3 =	vadd.s32 v1, v3;
	_ =	sdelay $0x1  }
0x46: {  	s12 =	simm.s32 $0x7C00  }
0x47: {  	[tilespmem:s12], [sflag:$0x1] =	stream.indirect_vreg.gather [hbm4b:s3+s2], $0x80, v4, vm0, $0xb8;
	[tilespmem:$0x1FC00] =	vst v63  }
0x48: {  	s7 =	simm.s32 $0x8400  }
0x49: {  	[tilespmem:s7], [sflag:$0x1] =	stream.indirect_vreg.gather [hbm4b:s3+s2], $0x80, v3, vm0, $0xb8;
	[tilespmem:$0x1FC00] =	vst v63  }
0x4a: {  	v3 =	vld [tilespmem:$0x50];
	_ =	sdelay $0x4  }
0x4b: {  	v49 =	vshll.u32 v3, $0x1  }
0x4c: {  	v3 =	vand.u32 $0x7, v3;
	v4 =	vand.u32 $0xFFFFFFF0, v49  }
0x4d: {  	v3 =	vor.u32 v3, v4  }
0x4e: {  	v4 =	vperm.xlane v3, v0;
	_ =	sdelay $0x1  }
0x4f: {  	v3 =	vperm.xlane v3, v2;
	v4 =	vadd.s32 v1, v4;
	_ =	sdelay $0x1  }
0x50: {  	v3 =	vadd.s32 v1, v3;
	_ =	sdelay $0x1  }
0x51: {  	s9 =	simm.s32 $0x8C00  }
0x52: {  	[tilespmem:s9], [sflag:$0x1] =	stream.indirect_vreg.gather [hbm4b:s3+s2], $0x80, v4, vm0, $0xb8;
	[tilespmem:$0x1FC00] =	vst v63  }
0x53: {  	s10 =	simm.s32 $0x9400  }
0x54: {  	[tilespmem:s10], [sflag:$0x1] =	stream.indirect_vreg.gather [hbm4b:s3+s2], $0x80, v3, vm0, $0xb8;
	[tilespmem:$0x1FC00] =	vst v63  }
0x55: {  	v3 =	vld [tilespmem:$0x60];
	_ =	sdelay $0x4  }
0x56: {  	v50 =	vshll.u32 v3, $0x1  }
0x57: {  	v3 =	vand.u32 $0x7, v3;
	v4 =	vand.u32 $0xFFFFFFF0, v50  }
0x58: {  	v3 =	vor.u32 v3, v4  }
0x59: {  	v4 =	vperm.xlane v3, v0;
	_ =	sdelay $0x1  }
0x5a: {  	v3 =	vperm.xlane v3, v2;
	v4 =	vadd.s32 v1, v4;
	_ =	sdelay $0x1  }
0x5b: {  	v3 =	vadd.s32 v1, v3;
	_ =	sdelay $0x1  }
0x5c: {  	s11 =	simm.s32 $0x9C00  }
0x5d: {  	[tilespmem:s11], [sflag:$0x1] =	stream.indirect_vreg.gather [hbm4b:s3+s2], $0x80, v4, vm0, $0xb8;
	[tilespmem:$0x1FC00] =	vst v63  }
0x5e: {  	s12 =	simm.s32 $0xA400  }
0x5f: {  	[tilespmem:s12], [sflag:$0x1] =	stream.indirect_vreg.gather [hbm4b:s3+s2], $0x80, v3, vm0, $0xb8;
	[tilespmem:$0x1FC00] =	vst v63  }
0x60: {  	v3 =	vld [tilespmem:$0x70];
	_ =	sdelay $0x4  }
0x61: {  	v51 =	vshll.u32 v3, $0x1  }
0x62: {  	v3 =	vand.u32 $0x7, v3;
	v4 =	vand.u32 $0xFFFFFFF0, v51  }
0x63: {  	v3 =	vor.u32 v3, v4  }
0x64: {  	v4 =	vperm.xlane v3, v0;
	_ =	sdelay $0x1  }
0x65: {  	v3 =	vperm.xlane v3, v2;
	v4 =	vadd.s32 v1, v4;
	_ =	sdelay $0x1  }
0x66: {  	v3 =	vadd.s32 v1, v3;
	_ =	sdelay $0x1  }
0x67: {  	s7 =	simm.s32 $0xAC00  }
0x68: {  	[tilespmem:s7], [sflag:$0x1] =	stream.indirect_vreg.gather [hbm4b:s3+s2], $0x80, v4, vm0, $0xb8;
	[tilespmem:$0x1FC00] =	vst v63  }
0x69: {  	s9 =	simm.s32 $0xB400  }
0x6a: {  	[tilespmem:s9], [sflag:$0x1] =	stream.indirect_vreg.gather [hbm4b:s3+s2], $0x80, v3, vm0, $0xb8;
	[tilespmem:$0x1FC00] =	vst v63  }
0x6b: {  	v3 =	vld [tilespmem:$0x80];
	_ =	sdelay $0x4  }
0x6c: {  	v52 =	vshll.u32 v3, $0x1  }
0x6d: {  	v3 =	vand.u32 $0x7, v3;
	v4 =	vand.u32 $0xFFFFFFF0, v52  }
0x6e: {  	v3 =	vor.u32 v3, v4  }
0x6f: {  	v4 =	vperm.xlane v3, v0;
	_ =	sdelay $0x1  }
0x70: {  	v3 =	vperm.xlane v3, v2;
	v4 =	vadd.s32 v1, v4;
	_ =	sdelay $0x1  }
0x71: {  	v3 =	vadd.s32 v1, v3;
	_ =	sdelay $0x1  }
0x72: {  	s10 =	simm.s32 $0xBC00  }
0x73: {  	[tilespmem:s10], [sflag:$0x1] =	stream.indirect_vreg.gather [hbm4b:s3+s2], $0x80, v4, vm0, $0xb8;
	[tilespmem:$0x1FC00] =	vst v63  }
0x74: {  	s11 =	simm.s32 $0xC400  }
0x75: {  	[tilespmem:s11], [sflag:$0x1] =	stream.indirect_vreg.gather [hbm4b:s3+s2], $0x80, v3, vm0, $0xb8;
	[tilespmem:$0x1FC00] =	vst v63  }
0x76: {  	v3 =	vld [tilespmem:$0x90];
	_ =	sdelay $0x4  }
0x77: {  	v53 =	vshll.u32 v3, $0x1  }
0x78: {  	v3 =	vand.u32 $0x7, v3;
	v4 =	vand.u32 $0xFFFFFFF0, v53  }
0x79: {  	v3 =	vor.u32 v3, v4  }
0x7a: {  	v4 =	vperm.xlane v3, v0;
	_ =	sdelay $0x1  }
0x7b: {  	v3 =	vperm.xlane v3, v2;
	v4 =	vadd.s32 v1, v4;
	_ =	sdelay $0x1  }
0x7c: {  	v3 =	vadd.s32 v1, v3;
	_ =	sdelay $0x1  }
0x7d: {  	s12 =	simm.s32 $0xCC00  }
0x7e: {  	[tilespmem:s12], [sflag:$0x1] =	stream.indirect_vreg.gather [hbm4b:s3+s2], $0x80, v4, vm0, $0xb8;
	[tilespmem:$0x1FC00] =	vst v63  }
0x7f: {  	s7 =	simm.s32 $0xD400  }
0x80: {  	[tilespmem:s7], [sflag:$0x1] =	stream.indirect_vreg.gather [hbm4b:s3+s2], $0x80, v3, vm0, $0xb8;
	[tilespmem:$0x1FC00] =	vst v63  }
0x81: {  	v3 =	vld [tilespmem:$0xA0];
	_ =	sdelay $0x4  }
0x82: {  	v54 =	vshll.u32 v3, $0x1  }
0x83: {  	v3 =	vand.u32 $0x7, v3;
	v4 =	vand.u32 $0xFFFFFFF0, v54  }
0x84: {  	v3 =	vor.u32 v3, v4  }
0x85: {  	v4 =	vperm.xlane v3, v0;
	_ =	sdelay $0x1  }
0x86: {  	v3 =	vperm.xlane v3, v2;
	v4 =	vadd.s32 v1, v4;
	_ =	sdelay $0x1  }
0x87: {  	v3 =	vadd.s32 v1, v3;
	_ =	sdelay $0x1  }
0x88: {  	s9 =	simm.s32 $0xDC00  }
0x89: {  	[tilespmem:s9], [sflag:$0x1] =	stream.indirect_vreg.gather [hbm4b:s3+s2], $0x80, v4, vm0, $0xb8;
	[tilespmem:$0x1FC00] =	vst v63  }
0x8a: {  	s10 =	simm.s32 $0xE400  }
0x8b: {  	[tilespmem:s10], [sflag:$0x1] =	stream.indirect_vreg.gather [hbm4b:s3+s2], $0x80, v3, vm0, $0xb8;
	[tilespmem:$0x1FC00] =	vst v63  }
0x8c: {  	v3 =	vld [tilespmem:$0xB0];
	_ =	sdelay $0x4  }
0x8d: {  	v55 =	vshll.u32 v3, $0x1  }
0x8e: {  	v3 =	vand.u32 $0x7, v3;
	v4 =	vand.u32 $0xFFFFFFF0, v55  }
0x8f: {  	v3 =	vor.u32 v3, v4  }
0x90: {  	v4 =	vperm.xlane v3, v0;
	_ =	sdelay $0x1  }
0x91: {  	v3 =	vperm.xlane v3, v2;
	v4 =	vadd.s32 v1, v4;
	_ =	sdelay $0x1  }
0x92: {  	v3 =	vadd.s32 v1, v3;
	_ =	sdelay $0x1  }
0x93: {  	s11 =	simm.s32 $0xEC00  }
0x94: {  	[tilespmem:s11], [sflag:$0x1] =	stream.indirect_vreg.gather [hbm4b:s3+s2], $0x80, v4, vm0, $0xb8;
	[tilespmem:$0x1FC00] =	vst v63  }
0x95: {  	s12 =	simm.s32 $0xF400  }
0x96: {  	[tilespmem:s12], [sflag:$0x1] =	stream.indirect_vreg.gather [hbm4b:s3+s2], $0x80, v3, vm0, $0xb8;
	[tilespmem:$0x1FC00] =	vst v63  }
0x97: {  	v3 =	vld [tilespmem:$0xC0];
	_ =	sdelay $0x4  }
0x98: {  	v56 =	vshll.u32 v3, $0x1  }
0x99: {  	v3 =	vand.u32 $0x7, v3;
	v4 =	vand.u32 $0xFFFFFFF0, v56  }
0x9a: {  	v3 =	vor.u32 v3, v4  }
0x9b: {  	v4 =	vperm.xlane v3, v0;
	_ =	sdelay $0x1  }
0x9c: {  	v3 =	vperm.xlane v3, v2;
	v4 =	vadd.s32 v1, v4;
	_ =	sdelay $0x1  }
0x9d: {  	v3 =	vadd.s32 v1, v3;
	_ =	sdelay $0x1  }
0x9e: {  	s7 =	simm.s32 $0xFC00  }
0x9f: {  	[tilespmem:s7], [sflag:$0x1] =	stream.indirect_vreg.gather [hbm4b:s3+s2], $0x80, v4, vm0, $0xb8;
	[tilespmem:$0x1FC00] =	vst v63  }
0xa0: {  	s9 =	simm.s32 $0x10400  }
0xa1: {  	[tilespmem:s9], [sflag:$0x1] =	stream.indirect_vreg.gather [hbm4b:s3+s2], $0x80, v3, vm0, $0xb8;
	[tilespmem:$0x1FC00] =	vst v63  }
0xa2: {  	v3 =	vld [tilespmem:$0xD0];
	_ =	sdelay $0x4  }
0xa3: {  	v57 =	vshll.u32 v3, $0x1  }
0xa4: {  	v3 =	vand.u32 $0x7, v3;
	v4 =	vand.u32 $0xFFFFFFF0, v57  }
0xa5: {  	v3 =	vor.u32 v3, v4  }
0xa6: {  	v4 =	vperm.xlane v3, v0;
	_ =	sdelay $0x1  }
0xa7: {  	v3 =	vperm.xlane v3, v2;
	v4 =	vadd.s32 v1, v4;
	_ =	sdelay $0x1  }
0xa8: {  	v3 =	vadd.s32 v1, v3;
	_ =	sdelay $0x1  }
0xa9: {  	s10 =	simm.s32 $0x10C00  }
0xaa: {  	[tilespmem:s10], [sflag:$0x1] =	stream.indirect_vreg.gather [hbm4b:s3+s2], $0x80, v4, vm0, $0xb8;
	[tilespmem:$0x1FC00] =	vst v63  }
0xab: {  	s11 =	simm.s32 $0x11400  }
0xac: {  	[tilespmem:s11], [sflag:$0x1] =	stream.indirect_vreg.gather [hbm4b:s3+s2], $0x80, v3, vm0, $0xb8;
	[tilespmem:$0x1FC00] =	vst v63  }
0xad: {  	v3 =	vld [tilespmem:$0xE0];
	_ =	sdelay $0x4  }
0xae: {  	v58 =	vshll.u32 v3, $0x1  }
0xaf: {  	v3 =	vand.u32 $0x7, v3;
	v4 =	vand.u32 $0xFFFFFFF0, v58  }
0xb0: {  	v3 =	vor.u32 v3, v4  }
0xb1: {  	v4 =	vperm.xlane v3, v0;
	_ =	sdelay $0x1  }
0xb2: {  	v3 =	vperm.xlane v3, v2;
	v4 =	vadd.s32 v1, v4;
	_ =	sdelay $0x1  }
0xb3: {  	v3 =	vadd.s32 v1, v3;
	_ =	sdelay $0x1  }
0xb4: {  	s12 =	simm.s32 $0x11C00  }
0xb5: {  	[tilespmem:s12], [sflag:$0x1] =	stream.indirect_vreg.gather [hbm4b:s3+s2], $0x80, v4, vm0, $0xb8;
	[tilespmem:$0x1FC00] =	vst v63  }
0xb6: {  	_ = 	snop  }
0xb7: {  	[tilespmem:s13], [sflag:$0x1] =	stream.indirect_vreg.gather [hbm4b:s3+s2], $0x80, v3, vm0, $0xb8;
	[tilespmem:$0x1FC00] =	vst v63  }
0xb8: {  	v3 =	vld [tilespmem:$0xF0];
	_ =	sdelay $0x4  }
0xb9: {  	v59 =	vshll.u32 v3, $0x1  }
0xba: {  	v3 =	vand.u32 $0x7, v3;
	v4 =	vand.u32 $0xFFFFFFF0, v59  }
0xbb: {  	v3 =	vor.u32 v3, v4  }
0xbc: {  	v4 =	vperm.xlane v3, v0;
	_ =	sdelay $0x1  }
0xbd: {  	v3 =	vperm.xlane v3, v2;
	v4 =	vadd.s32 v1, v4;
	_ =	sdelay $0x1  }
0xbe: {  	v3 =	vadd.s32 v1, v3;
	_ =	sdelay $0x2  }
0xbf: {  	[tilespmem:s14], [sflag:$0x1] =	stream.indirect_vreg.gather [hbm4b:s3+s2], $0x80, v4, vm0, $0xb8;
	[tilespmem:$0x1FC00] =	vst v63  }
0xc0: {  	_ = 	snop  }
0xc1: {  	[tilespmem:s15], [sflag:$0x1] =	stream.indirect_vreg.gather [hbm4b:s3+s2], $0x80, v3, vm0, $0xb8;
	[tilespmem:$0x1FC00] =	vst v63  }
0xc2: {  	v3 =	vld [tilespmem:$0x100];
	_ =	sdelay $0x4  }
0xc3: {  	v60 =	vshll.u32 v3, $0x1  }
0xc4: {  	v3 =	vand.u32 $0x7, v3;
	v4 =	vand.u32 $0xFFFFFFF0, v60  }
0xc5: {  	v3 =	vor.u32 v3, v4  }
0xc6: {  	v4 =	vperm.xlane v3, v0;
	_ =	sdelay $0x1  }
0xc7: {  	v3 =	vperm.xlane v3, v2;
	v4 =	vadd.s32 v1, v4;
	_ =	sdelay $0x1  }
0xc8: {  	v3 =	vadd.s32 v1, v3;
	_ =	sdelay $0x2  }
0xc9: {  	[tilespmem:s16], [sflag:$0x1] =	stream.indirect_vreg.gather [hbm4b:s3+s2], $0x80, v4, vm0, $0xb8;
	[tilespmem:$0x1FC00] =	vst v63  }
0xca: {  	_ = 	snop  }
0xcb: {  	[tilespmem:s17], [sflag:$0x1] =	stream.indirect_vreg.gather [hbm4b:s3+s2], $0x80, v3, vm0, $0xb8;
	[tilespmem:$0x1FC00] =	vst v63  }
0xcc: {  	v3 =	vld [tilespmem:$0x110];
	_ =	sdelay $0x4  }
0xcd: {  	v61 =	vshll.u32 v3, $0x1  }
0xce: {  	v3 =	vand.u32 $0x7, v3;
	v4 =	vand.u32 $0xFFFFFFF0, v61  }
0xcf: {  	v3 =	vor.u32 v3, v4  }
0xd0: {  	v4 =	vperm.xlane v3, v0;
	_ =	sdelay $0x1  }
0xd1: {  	v3 =	vperm.xlane v3, v2;
	v4 =	vadd.s32 v1, v4;
	_ =	sdelay $0x1  }
0xd2: {  	v3 =	vadd.s32 v1, v3;
	_ =	sdelay $0x2  }
0xd3: {  	[tilespmem:s18], [sflag:$0x1] =	stream.indirect_vreg.gather [hbm4b:s3+s2], $0x80, v4, vm0, $0xb8;
	[tilespmem:$0x1FC00] =	vst v63  }
0xd4: {  	_ = 	snop  }
0xd5: {  	[tilespmem:s19], [sflag:$0x1] =	stream.indirect_vreg.gather [hbm4b:s3+s2], $0x80, v3, vm0, $0xb8;
	[tilespmem:$0x1FC00] =	vst v63  }
0xd6: {  	v3 =	vld [tilespmem:$0x120];
	_ =	sdelay $0x4  }
0xd7: {  	v62 =	vshll.u32 v3, $0x1  }
0xd8: {  	v3 =	vand.u32 $0x7, v3;
	v4 =	vand.u32 $0xFFFFFFF0, v62  }
0xd9: {  	v3 =	vor.u32 v3, v4  }
0xda: {  	v4 =	vperm.xlane v3, v0;
	_ =	sdelay $0x1  }
0xdb: {  	v3 =	vperm.xlane v3, v2;
	v4 =	vadd.s32 v1, v4;
	_ =	sdelay $0x1  }
0xdc: {  	v3 =	vadd.s32 v1, v3;
	_ =	sdelay $0x2  }
0xdd: {  	[tilespmem:s20], [sflag:$0x1] =	stream.indirect_vreg.gather [hbm4b:s3+s2], $0x80, v4, vm0, $0xb8;
	[tilespmem:$0x1FC00] =	vst v63  }
0xde: {  	_ = 	snop  }
0xdf: {  	[tilespmem:s21], [sflag:$0x1] =	stream.indirect_vreg.gather [hbm4b:s3+s2], $0x80, v3, vm0, $0xb8;
	[tilespmem:$0x1FC00] =	vst v63  }
0xe0: {  	v3 =	vld [tilespmem:$0x130];
	_ =	sdelay $0x4  }
0xe1: {  	v63 =	vshll.u32 v3, $0x1  }
0xe2: {  	v3 =	vand.u32 $0x7, v3;
	v4 =	vand.u32 $0xFFFFFFF0, v63  }
0xe3: {  	v3 =	vor.u32 v3, v4  }
0xe4: {  	v4 =	vperm.xlane v3, v0;
	_ =	sdelay $0x1  }
0xe5: {  	v3 =	vperm.xlane v3, v2;
	v4 =	vadd.s32 v1, v4;
	_ =	sdelay $0x1  }
0xe6: {  	v3 =	vadd.s32 v1, v3;
	_ =	sdelay $0x1  }
0xe7: {  	s29 =	simm.s32 $0x140;
	s30 =	simm.s32 $0x5  }
0xe8: {  	[tilespmem:s22], [sflag:$0x1] =	stream.indirect_vreg.gather [hbm4b:s3+s2], $0x80, v4, vm0, $0xb8;
	[tilespmem:$0x1FC00] =	vst v63  }
0xe9: {  	s31 =	simm.s32 $0x500;
	s0 =	simm.s32 $0x0;
	s7 =	smov.u32 s1  }
0xea: {  	[tilespmem:s23], [sflag:$0x1] =	stream.indirect_vreg.gather [hbm4b:s3+s2], $0x80, v3, vm0, $0xb8;
	[tilespmem:$0x1FC00] =	vst v63  }
.LBB2_2:
0xeb: {  	s9 =	smulhi.u32 $0x24924925, s0;
	_ =	sdelay $0x1  }
0xec: {  	s10 =	ssub.s32 s0, s9  }
0xed: {  	s10 =	sshrl.u32 s10, $0x1  }
0xee: {  	s9 =	sadd.s32 s9, s10  }
0xef: {  	s9 =	sshrl.u32 s9, $0x2  }
0xf0: {  	s9 =	smul.u32 $0xFFF90000, s9  }
0xf1: {  	_ =	swait.ge [sflag:s24], $0x4000  }
0xf2: {  	p1 =	slt.u32 s0, $0x2;
	[sflag:s24] =	ssyncset.done $0x0;
	s9 =	sshra.s32 s9, $0x2  }
0xf3: {  	[sflag:s24] =	ssyncadd.s32 $0xFFFFC000;
	s0 =	sadd.s32 $0x5, s0;
	s9 =	sadd.s32 s9, s28  }
0xf4: {  	[hbm4b:s7+s2] =	stream.linear.scatter [tilespmem:s9], [sflag:$0x2], $0x4000, $0x38;
	[tilespmem:$0x1FC00] =	vst v63  }
0xf5: {  	p0 =	sge.u32 s0, s4;
	s9 =	simm.s32 @!p1 $0x2  }
0xf6: {  	s10 =	sand.u32 @!p0 $0x7FFFFE00, s31;
	_ =	swait.ge @!p1 [sflag:s9], $0x4000  }
0xf7: {  	s11 =	sand.u32 @!p0 $0x40, s29;
	s10 =	sshrl.u32 @!p0 s10, $0x2;
	[sflag:s9] =	ssyncset.done @!p1 $0x0  }
0xf8: {  	[sflag:s9] =	ssyncadd.s32 @!p1 $0xFFFFC000;
	s9 =	sor.u32 @!p0 s11, s10  }
0xf9: {  	v3 =	vld @!p0 [tilespmem:s9+$0x0];
	_ =	sdelay $0x2  }
0xfa: {  	s10 =	smulhi.u32 $0x24924925, s30;
	_ =	sdelay $0x1  }
0xfb: {  	s12 =	ssub.s32 s30, s10;
	v4 =	vshll.u32 @!p0 v3, $0x1  }
0xfc: {  	v5 =	vlaneseq.u32 @!p0;
	s11 =	sshrl.u32 s12, $0x1;
	v3 =	vand.u32 @!p0 $0x7, v3;
	v4 =	vand.u32 @!p0 $0xFFFFFFF0, v4  }
0xfd: {  	v6 =	vshrl.u32 @!p0 v5, $0x3;
	s10 =	sadd.s32 s10, s11;
	v3 =	vor.u32 @!p0 v3, v4;
	v4 =	vand.u32 @!p0 $0x7, v5  }
0xfe: {  	v6 =	vmul.u32 @!p0 $0x8, v6;
	s10 =	sshrl.u32 s10, $0x2;
	v7 =	vperm.xlane @!p0 v3, v4  }
0xff: {  	s10 =	smul.u32 $0x70000, s10;
	v5 =	vor.u32 @!p0 $0x8, v5  }
0x100: {  	v3 =	vperm.xlane @!p0 v3, v5;
	v7 =	vadd.s32 @!p0 v6, v7  }
0x101: {  	s10 =	ssub.s32 $0x5E000, s10  }
0x102: {  	s10 =	sshra.s32 @!p0 s10, $0x2;
	v3 =	vadd.s32 @!p0 v6, v3  }
0x103: {  	s10 =	sadd.s32 @!p0 s10, s28  }
0x104: {  	vm1 =	vmmov @!p0 $0xffff;
	s12 =	simm.s32 @!p0 $0x0;
	s11 =	sadd.s32 @!p0 $0xFFFFC800, s10  }
0x105: {  	[tilespmem:s11], [sflag:$0x1] =	stream.indirect_vreg.gather @!p0 [hbm4b:s3+s12], $0x80, v7, vm1, $0xb8;
	[tilespmem:$0x1FC00] =	vst v63  }
0x106: {  	s11 =	sadd.s32 @!p0 $0xFFFFD000, s10  }
0x107: {  	[tilespmem:s11], [sflag:$0x1] =	stream.indirect_vreg.gather @!p0 [hbm4b:s3+s12], $0x80, v3, vm1, $0xb8;
	[tilespmem:$0x1FC00] =	vst v63  }
0x108: {  	v3 =	vld @!p0 [tilespmem:s9+$0x10];
	_ =	sdelay $0x4  }
0x109: {  	v7 =	vshll.u32 @!p0 v3, $0x1  }
0x10a: {  	v3 =	vand.u32 @!p0 $0x7, v3;
	v7 =	vand.u32 @!p0 $0xFFFFFFF0, v7  }
0x10b: {  	v3 =	vor.u32 @!p0 v3, v7  }
0x10c: {  	v7 =	vperm.xlane @!p0 v3, v4;
	_ =	sdelay $0x1  }
0x10d: {  	v3 =	vperm.xlane @!p0 v3, v5;
	v7 =	vadd.s32 @!p0 v6, v7;
	_ =	sdelay $0x1  }
0x10e: {  	v3 =	vadd.s32 @!p0 v6, v3;
	_ =	sdelay $0x1  }
0x10f: {  	s11 =	sadd.s32 @!p0 $0xFFFFD800, s10  }
0x110: {  	[tilespmem:s11], [sflag:$0x1] =	stream.indirect_vreg.gather @!p0 [hbm4b:s3+s12], $0x80, v7, vm1, $0xb8;
	[tilespmem:$0x1FC00] =	vst v63  }
0x111: {  	s11 =	sadd.s32 @!p0 $0xFFFFE000, s10  }
0x112: {  	[tilespmem:s11], [sflag:$0x1] =	stream.indirect_vreg.gather @!p0 [hbm4b:s3+s12], $0x80, v3, vm1, $0xb8;
	[tilespmem:$0x1FC00] =	vst v63  }
0x113: {  	v3 =	vld @!p0 [tilespmem:s9+$0x20];
	_ =	sdelay $0x4  }
0x114: {  	v7 =	vshll.u32 @!p0 v3, $0x1  }
0x115: {  	v3 =	vand.u32 @!p0 $0x7, v3;
	v7 =	vand.u32 @!p0 $0xFFFFFFF0, v7  }
0x116: {  	v3 =	vor.u32 @!p0 v3, v7  }
0x117: {  	v7 =	vperm.xlane @!p0 v3, v4;
	_ =	sdelay $0x1  }
0x118: {  	v3 =	vperm.xlane @!p0 v3, v5;
	v7 =	vadd.s32 @!p0 v6, v7;
	_ =	sdelay $0x1  }
0x119: {  	v3 =	vadd.s32 @!p0 v6, v3;
	_ =	sdelay $0x1  }
0x11a: {  	s11 =	sadd.s32 @!p0 $0xFFFFE800, s10  }
0x11b: {  	[tilespmem:s11], [sflag:$0x1] =	stream.indirect_vreg.gather @!p0 [hbm4b:s3+s12], $0x80, v7, vm1, $0xb8;
	[tilespmem:$0x1FC00] =	vst v63  }
0x11c: {  	s11 =	sadd.s32 @!p0 $0xFFFFF000, s10  }
0x11d: {  	[tilespmem:s11], [sflag:$0x1] =	stream.indirect_vreg.gather @!p0 [hbm4b:s3+s12], $0x80, v3, vm1, $0xb8;
	[tilespmem:$0x1FC00] =	vst v63  }
0x11e: {  	v3 =	vld @!p0 [tilespmem:s9+$0x30];
	_ =	sdelay $0x4  }
0x11f: {  	v7 =	vshll.u32 @!p0 v3, $0x1  }
0x120: {  	v3 =	vand.u32 @!p0 $0x7, v3;
	v7 =	vand.u32 @!p0 $0xFFFFFFF0, v7  }
0x121: {  	v3 =	vor.u32 @!p0 v3, v7  }
0x122: {  	v4 =	vperm.xlane @!p0 v3, v4;
	_ =	sdelay $0x1  }
0x123: {  	v3 =	vperm.xlane @!p0 v3, v5;
	v4 =	vadd.s32 @!p0 v6, v4;
	_ =	sdelay $0x1  }
0x124: {  	v3 =	vadd.s32 @!p0 v6, v3;
	_ =	sdelay $0x1  }
0x125: {  	s9 =	sadd.s32 @!p0 $0xFFFFF800, s10  }
0x126: {  	[tilespmem:s9], [sflag:$0x1] =	stream.indirect_vreg.gather @!p0 [hbm4b:s3+s12], $0x80, v4, vm1, $0xb8;
	[tilespmem:$0x1FC00] =	vst v63  }
0x127: {  	s0 =	sadd.s32 $0xFFFFFFFC, s0  }
0x128: {  	[tilespmem:s10], [sflag:$0x1] =	stream.indirect_vreg.gather @!p0 [hbm4b:s3+s12], $0x80, v3, vm1, $0xb8;
	[tilespmem:$0x1FC00] =	vst v63  }
0x129: {  	p0 =	sne.s32 s0, s4  }
.Ltmp0:
0x12a: {  	_ = 	snop;
	(pc) =	sbr.rel @p0 .LBB2_2-.Ltmp0, $3  }
0x12b: {  	_ =	sdelay $0x1  }
0x12c: {  	s29 =	sadd.s32 $0x40, s29;
	s31 =	sadd.s32 $0x100, s31  }
0x12d: {  	s7 =	sadd.s32 $0x800, s7;
	s30 =	sadd.s32 $0x1, s30;
	s28 =	sadd.s32 $0x4000, s28  }
0x12e: {  	s26 =	sadd.s32 $0x1, s26  }
0x12f: {  	_ =	swait.ge [sflag:s25], $0x4000;
	p0 =	sne.s32 s26, s6  }
.Ltmp1:
0x130: {  	[sflag:s25] =	ssyncset.done $0x0;
	(pc) =	sbr.rel @p0 .LBB2_1-.Ltmp1, $4  }
0x131: {  	[sflag:s25] =	ssyncadd.s32 $0xFFFFC000  }
0x132: {  	_ =	swait.ge [sflag:s25], $0x4000  }
0x133: {  	[sflag:s25] =	ssyncset.done $0x0  }
0x134: {  	[sflag:s25] =	ssyncadd.s32 $0xFFFFC000  }
0x135: {  	_ =	sfence.sel $0x180000  }
0x136: {  	[bflag:$0x0] =	sbarrier.arrive $0xFFFF  }
0x137: {  	_ =	strace $0x9000004A  }
0x138: {  	s0 =	stileid.u32;
	[bflag:$0x2] =	sbarrier.arrive $0xFFFF  }
0x139: {  	p0 =	sne.s32 s0, $0x0;
	s0 =	rddreg [dreg:$0x1]  }
0x13a: {  	s0 =	sadd.s32 @!p0 $0x100000, s0  }
0x13b: {  	[sflag:s0] =	ssyncadd.tile.s32 @!p0 $0x1;
	_ =	shalt  }
.Lfunc_end2:
_tile_overlayer_lowered:
.L_overlay_start_2:
0x13c: {  	(tag) =	ssettag $0x2  }
0x13d: {  	s0 =	rddreg [dreg:$0x0];
	s2 =	stileid.u32  }
0x13e: {  	s1 =	rddreg [dreg:$0x1];
	p0 =	sne.s32 s2, $0x0  }
0x13f: {  	s3 =	rddreg [dreg:$0x2];
	[bflag:$0x3] =	sbarrier.arrive $0xFFFF;
	s2 =	simm.s32 @!p0 $0x1C03  }
0x140: {  	[timem:s3], [sflag:s2] =	dma.local @!p0 [hbm:s0], s1  }
0x141: {  	s0 =	simm.s32 @!p0 $0x3  }
0x142: {  	_ =	swait.ge @!p0 [sflag:s0], s1  }
0x143: {  	s1 =	ssub.s32 @!p0 $0x0, s1;
	[sflag:s0] =	ssyncset.done @!p0 $0x0  }
0x144: {  	[sflag:s0] =	ssyncadd.s32 @!p0 s1  }
0x145: {  	[bflag:$0x3] =	sbarrier.arrive $0xFFFF  }
0x146: {  	_ =	shalt  }

// kernel: kernel.24.cloned.1.call-start
scs
__scs_entry_jumppad:
0x0: {  	(pc) =	sbr.rel $0x88, $3  }
0x1: {  	(tag) =	ssettag $0x0;
	lr =	simm.s32 $0x1  }
0x2: {  	[smem:$0x3F93] =	sst lr;
	_ =	strace $0xD0000000  }
0x3: {  	_ = 	snop  }
0x4: {  	_ = 	snop  }
0x5: {  	_ = 	snop  }
0x6: {  	_ = 	snop  }
0x7: {  	_ = 	snop  }
__scs_overlays_trampoline_lowered:
0x8: {  	[smem:$0x3FA2] =	sst s0  }
0x9: {  	[smem:$0x3FA3] =	sst s1  }
0xa: {  	[smem:$0x3FA4] =	sst s2  }
0xb: {  	[smem:$0x3FA5] =	sst s3  }
0xc: {  	[smem:$0x3FA6] =	sst s4  }
0xd: {  	[smem:$0x3FA7] =	sst s5  }
0xe: {  	[smem:$0x3FA8] =	sst s6  }
0xf: {  	[smem:$0x3FA9] =	sst s7  }
0x10: {  	[smem:$0x3FAA] =	sst s8  }
0x11: {  	[smem:$0x3FAB] =	sst s9;
	s0 =	simm.s32 @!p0 $0x0  }
0x12: {  	s1 =	sld [smem:$0x3F91];
	s0 =	simm.s32 @p0 $0x1  }
0x13: {  	[smem:$0x3FAC] =	sst s0;
	s0 =	simm.s32 @!p1 $0x0  }
0x14: {  	s2 =	sld [smem:$0x3F90];
	s0 =	simm.s32 @p1 $0x1  }
0x15: {  	[smem:$0x3FAD] =	sst s0;
	s0 =	simm.s32 @!p2 $0x0  }
0x16: {  	s3 =	sld [smem:$0x3FDB];
	s0 =	simm.s32 @p2 $0x1  }
0x17: {  	s4 =	simm.s32 $0x1BF5;
	[smem:$0x3FAF] =	sst s0  }
0x18: {  	s0 =	sld [smem:$0x3F92];
	_ =	swait.ge [sflag:s4], $0x0  }
0x19: {  	s7 =	sld [smem:$0x3F93]  }
0x1a: {  	s8 =	sadd.s32 $0xFFFFE003, lr  }
0x1b: {  	s9 =	sadd.s32 $0xFFFFFEF7, lr;
	s5 =	simm.s32 $0xFFFFFFFF;
	p2 =	slt.u32 s8, $0xFFFFF086  }
0x1c: {  	p1 =	slt.u32 s9, $0xF7A;
	s5 =	simm.s32 @!p2 $0x0  }
0x1d: {  	s5 =	simm.s32 @p1 $0x1;
	p0 =	seq.s32 s7, s2  }
0x1e: {  	s7 =	smul.u32 @!p0 $0xF7A, s2;
	p2 =	seq.s32 @!p0 s5, $0x0  }
0x1f: {  	s9 =	smul.u32 $0xF7A, s1;
	s8 =	simm.s32 @!p0 $0x1BF5;
	p2 =	por !p2, p0  }
0x20: {  	[sflag:s8] =	ssyncset.s32 @!p0 $0xFFFFF086;
	s6 =	sadd.s32 @!p0 s3, s7;
	s7 =	simm.s32 @!p0 $0x108  }
0x21: {  	s3 =	sadd.s32 s3, s9;
	s6 =	sadd.s32 @!p0 $0x88, s6;
	s7 =	simm.s32 @p2 $0x1082  }
0x22: {  	[simem:s7], [sflag:s8] =	dma.local @!p0 [hbm:s6], $0xF7A  }
0x23: {  	s9 =	sor.u32 $0xD0000000, s2;
	s6 =	simm.s32 $0x108;
	_ =	swait.ge @!p0 [sflag:s8], $0x0  }
0x24: {  	s3 =	sadd.s32 $0x88, s3;
	s6 =	simm.s32 @!p1 $0x1082;
	[sflag:s4] =	ssyncset.s32 $0xFFFFF086  }
0x25: {  	[simem:s6], [sflag:s4] =	dma.local [hbm:s3], $0xF7A  }
0x26: {  	[smem:$0x3F93] =	sst s1;
	(tag) =	ssettag s2;
	_ =	strace s9  }
0x27: {  	s1 =	sld [smem:$0x3FA3]  }
0x28: {  	s2 =	sld [smem:$0x3FA4]  }
0x29: {  	s4 =	sld [smem:$0x3FA6]  }
0x2a: {  	p0 =	seq.s32 s5, $0x0;
	s5 =	sld [smem:$0x3FA7]  }
0x2b: {  	s6 =	sld [smem:$0x3FA8]  }
0x2c: {  	s7 =	sld [smem:$0x3FA9]  }
0x2d: {  	s3 =	simm.s32 $0x108;
	s8 =	sld [smem:$0x3FAA]  }
0x2e: {  	s3 =	simm.s32 @!p0 $0x1082;
	s9 =	sld [smem:$0x3FAB]  }
0x2f: {  	lr =	sadd.s32 s0, s3;
	s0 =	sld [smem:$0x3FA2]  }
0x30: {  	s3 =	sld [smem:$0x3FA5]  }
0x31: {  	[smem:$0x3FAE] =	sst s10  }
0x32: {  	s10 =	sld [smem:$0x3FAC];
	_ =	sdelay $0x3  }
0x33: {  	p0 =	seq.s32 s10, $0x1;
	s10 =	sld [smem:$0x3FAE];
	_ =	sdelay $0x3  }
0x34: {  	[smem:$0x3FAE] =	sst s10  }
0x35: {  	s10 =	sld [smem:$0x3FAD];
	_ =	sdelay $0x3  }
0x36: {  	p1 =	seq.s32 s10, $0x1;
	s10 =	sld [smem:$0x3FAE];
	_ =	sdelay $0x3  }
0x37: {  	[smem:$0x3FAE] =	sst s10  }
0x38: {  	s10 =	sld [smem:$0x3FAF]  }
0x39: {  	_ = 	snop;
	(pc) =	sbr.ind lr, $3  }
0x3a: {  	_ = 	snop  }
0x3b: {  	_ = 	snop  }
0x3c: {  	p2 =	seq.s32 s10, $0x1;
	s10 =	sld [smem:$0x3FAE]  }
0x3d: {  	_ =	shalt  }
0x3e: {  	_ =	shalt  }
0x3f: {  	_ =	shalt  }
0x40: {  	_ =	shalt  }
0x41: {  	_ =	shalt  }
0x42: {  	_ =	shalt  }
0x43: {  	_ =	shalt  }
0x44: {  	_ =	shalt  }
0x45: {  	_ =	shalt  }
0x46: {  	_ =	shalt  }
0x47: {  	_ =	shalt  }
0x48: {  	_ =	shalt  }
0x49: {  	_ =	shalt  }
0x4a: {  	_ =	shalt  }
0x4b: {  	_ =	shalt  }
0x4c: {  	_ =	shalt  }
0x4d: {  	_ =	shalt  }
0x4e: {  	_ =	shalt  }
0x4f: {  	_ =	shalt  }
0x50: {  	_ =	shalt  }
0x51: {  	_ =	shalt  }
0x52: {  	_ =	shalt  }
0x53: {  	_ =	shalt  }
0x54: {  	_ =	shalt  }
0x55: {  	_ =	shalt  }
0x56: {  	_ =	shalt  }
0x57: {  	_ =	shalt  }
0x58: {  	_ =	shalt  }
0x59: {  	_ =	shalt  }
0x5a: {  	_ =	shalt  }
0x5b: {  	_ =	shalt  }
0x5c: {  	_ =	shalt  }
0x5d: {  	_ =	shalt  }
0x5e: {  	_ =	shalt  }
0x5f: {  	_ =	shalt  }
0x60: {  	_ =	shalt  }
0x61: {  	_ =	shalt  }
0x62: {  	_ =	shalt  }
0x63: {  	_ =	shalt  }
0x64: {  	_ =	shalt  }
0x65: {  	_ =	shalt  }
0x66: {  	_ =	shalt  }
0x67: {  	_ =	shalt  }
0x68: {  	_ =	shalt  }
0x69: {  	_ =	shalt  }
0x6a: {  	_ =	shalt  }
0x6b: {  	_ =	shalt  }
0x6c: {  	_ =	shalt  }
0x6d: {  	_ =	shalt  }
0x6e: {  	_ =	shalt  }
0x6f: {  	_ =	shalt  }
0x70: {  	_ =	shalt  }
0x71: {  	_ =	shalt  }
0x72: {  	_ =	shalt  }
0x73: {  	_ =	shalt  }
0x74: {  	_ =	shalt  }
0x75: {  	_ =	shalt  }
0x76: {  	_ =	shalt  }
0x77: {  	_ =	shalt  }
0x78: {  	_ =	shalt  }
0x79: {  	_ =	shalt  }
0x7a: {  	_ =	shalt  }
0x7b: {  	_ =	shalt  }
0x7c: {  	_ =	shalt  }
0x7d: {  	_ =	shalt  }
0x7e: {  	_ =	shalt  }
0x7f: {  	_ =	shalt  }
0x80: {  	_ =	shalt  }
0x81: {  	_ =	shalt  }
0x82: {  	_ =	shalt  }
0x83: {  	_ =	shalt  }
0x84: {  	_ =	shalt  }
0x85: {  	_ =	shalt  }
0x86: {  	_ =	shalt  }
0x87: {  	_ =	shalt  }
.Lfunc_end0:
.L_simem_size_0:
called_computation.2_lowered:
.L_overlay_start_0:
0x88: {  	s2 =	sld [smem:$0x3FD9]  }
0x89: {  	s3 =	sld [smem:$0x3FFE];
	_ =	sdelay $0x1  }
0x8a: {  	s1 =	srdreg.scid  }
0x8b: {  	s0 =	sand.u32 $0x1, s1  }
0x8c: {  	s16 =	sshll.u32 s0, $0xA;
	s2 =	sadd.s32 s3, s2  }
0x8d: {  	s2 =	sadd.s32 s2, s16  }
0x8e: {  	[smem:$0x3FBA] =	sst s2  }
0x8f: {  	_ = 	snop  }
0x90: {  	(tm) =	ssettm $0x1  }
0x91: {  	s17 =	sld [smem:$0x3FFB];
	_ =	sdelay $0x3  }
0x92: {  	_ =	strace s17  }
0x93: {  	s2 =	sld [smem:$0x3FFC];
	_ =	sdelay $0x3  }
0x94: {  	_ =	strace s2  }
0x95: {  	s2 =	sld [smem:$0x3FFD];
	_ =	sdelay $0x3  }
0x96: {  	_ =	strace s2  }
0x97: {  	_ =	strace $0x8FFFFFFF  }
0x98: {  	s18 =	sld [smem:$0x3FDB];
	_ =	sdelay $0x1  }
0x99: {  	s19 =	simm.s32 $_scs_section_size  }
0x9a: {  	s4 =	simm.s32 $_size__tile_overlayer_lowered;
	s5 =	simm.s32 $_tile_overlayer_lowered  }
0x9b: {  	s22 =	simm.s32 $0x1BFF;
	s21 =	sshll.u32 s5, $0x1;
	s2 =	sadd.s32 s19, s18  }
0x9c: {  	s6 =	simm.s32 $0x0;
	s20 =	sshll.u32 s4, $0x1;
	s4 =	sadd.s32 s21, s2  }
0x9d: {  	[timem:s6], [sflag:s22] =	dma.local [hbm:s4], s20  }
0x9e: {  	_ =	swait.ge [sflag:s22], s20  }
0x9f: {  	s3 =	ssub.s32 $0x0, s20;
	[sflag:s22] =	ssyncset.done $0x0  }
0xa0: {  	[sflag:s22] =	ssyncadd.s32 s3;
	_ =	sdelay $0x1  }
0xa1: {  	s23 =	simm.s32 $0x1B8B  }
0xa2: {  	_ =	swait.ge [sflag:s23], $0x1  }
0xa3: {  	[sflag:s23] =	ssyncset.done $0x0  }
0xa4: {  	s25 =	simm.s32 $0x1B8E;
	s24 =	sld [smem:$0x3FFE];
	[sflag:s23] =	ssyncadd.s32 $0xFFFFFFFF  }
0xa5: {  	s26 =	simm.s32 $execute0_lowered;
	[smem:$0x3FD2] =	sst s25  }
0xa6: {  	s4 =	sshll.u32 s26, $0x1;
	_ =	strace $0x8000004C;
	[dreg:$0x1] =	wrdreg $0xFFFFFFFF  }
0xa7: {  	s28 =	simm.s32 $_size_execute0_lowered;
	s2 =	sadd.s32 s2, s4;
	[dreg:$0x0] =	wrdreg $0x0  }
0xa8: {  	s4 =	sshll.u32 s28, $0x1;
	[dreg:$0x2] =	wrdreg s2  }
0xa9: {  	[dreg:$0x3] =	wrdreg s4  }
0xaa: {  	[dreg:$0x4] =	wrdreg $0xC0  }
0xab: {  	_ =	task [dreg:s6], $0x5FFFF  }
0xac: {  	[dreg:$0x1] =	wrdreg $0xFFFFFFFF  }
0xad: {  	[dreg:$0x0] =	wrdreg $0x60  }
0xae: {  	[dreg:$0x2] =	wrdreg s24  }
0xaf: {  	[dreg:$0x3] =	wrdreg $0xC2000  }
0xb0: {  	[dreg:$0x4] =	wrdreg $0x9  }
0xb1: {  	_ =	task.clear_ibuf [dreg:s6], $0x5FFFF;
	_ =	strace $0x9000004C  }
0xb2: {  	s29 =	simm.s32 $0x9;
	_ =	strace $0x8000004E  }
0xb3: {  	_ =	swait.ge [sflag:s29], $0x1  }
0xb4: {  	[sflag:s29] =	ssyncadd.s32 $0xFFFFFFFF  }
0xb5: {  	_ =	strace $0x9000004E  }
0xb6: {  	_ =	sfence  }
0xb7: {  	s30 =	sld [smem:$0x0];
	_ =	sdelay $0x2  }
0xb8: {  	s31 =	sshll.u32 s1, $0xD;
	s1 =	sshrl.u32 s1, $0x2  }
0xb9: {  	s3 =	sand.u32 $0x4000, s31;
	s1 =	sadd.s32 s1, s30  }
0xba: {  	s0 =	sor.u32 s3, s0;
	s1 =	sshll.u32 s1, $0x11  }
0xbb: {  	s0 =	sor.u32 s1, s0  }
0xbc: {  	s0 =	sadd.s32 $0x8F2B, s0  }
0xbd: {  	[sflag:s0] =	ssyncadd.remote.s32 $0x1  }
0xbe: {  	_ =	sfence.sel $0xFFFF  }
0xbf: {  	[dreg:$0x0] =	wrdreg $0xFFFFFFFF;
	(pc) =	sbr.abs _section_cstart, $3  }
0xc0: {  	[dreg:$0x1] =	wrdreg $0xFFFFFFFF  }
0xc1: {  	_ =	task.clear_ibuf [dreg:s6], $0x2FFFF;
	_ =	strace $0x9FFFFFFF  }
0xc2: {  	(tm) =	ssettm $0x7FFFFFFF  }
0xc3: {  	_ =	shalt  }
tec
execute0_lowered:
.L_overlay_start_1:
0x0: {  	(tag) =	ssettag $0x1  }
0x1: {  	s6 =	rddreg [dreg:$0x0]  }
0x2: {  	s1 =	rddreg [dreg:$0x1]  }
0x3: {  	s0 =	rddreg [dreg:$0x2];
	s2 =	simm.s32 $0x0;
	s3 =	stileid.u32  }
0x4: {  	s7 =	srdreg.scid;
	s19 =	simm.s32 $0x3;
	s20 =	simm.s32 $0x1  }
0x5: {  	s21 =	simm.s32 $0x80;
	s22 =	simm.s32 $0x2;
	s23 =	simm.s32 $0x0  }
0x6: {  	[smem:$0x7FF] =	sst s2;
	s4 =	sadd.s32 $0x1C200, s6;
	s8 =	smul.u32 $0x4F000, s3  }
0x7: {  	s5 =	sadd.s32 $0x7C00, s6;
	s15 =	sadd.s32 $0xA52400, s6;
	s13 =	smul.u32 $0x280000, s3  }
0x8: {  	s7 =	sand.u32 $0x1, s7;
	s17 =	smul.u32 $0x13C00, s3;
	p0 =	sne.s32 s3, $0x0  }
0x9: {  	_ =	strace $0x8000004D;
	s9 =	ssub.s32 $0x2, s7;
	s12 =	smul.u32 $0x140000, s7  }
0xa: {  	s11 =	smul.u32 $0x2800000, s7;
	s28 =	sshrl.u32 s8, $0x2;
	s29 =	sshrl.u32 s9, $0x1  }
0xb: {  	s6 =	sadd.s32 s28, s1;
	s16 =	ssub.s32 s9, s29;
	s14 =	sshrl.u32 s12, $0x3  }
0xc: {  	s18 =	sadd.s32 s13, s11;
	s11 =	smul.u32 $0xA00, s3;
	s30 =	sadd.s32 s17, s12  }
.Ltmp0:
0xd: {  	s7 =	sadd.s32 $0x4000, s6;
	s8 =	sadd.s32 $0x8000, s6;
	(pc) =	sbr.rel .LBB2_1-.Ltmp0, $4  }
0xe: {  	s9 =	sadd.s32 $0xC000, s6;
	s10 =	sadd.s32 $0x10000, s6;
	s14 =	sadd.s32 s15, s14  }
0xf: {  	s31 =	sshrl.u32 s18, $0x3;
	s17 =	sshrl.u32 s30, $0x3;
	s16 =	smax.u32 s16, $0x1  }
0x10: {  	s12 =	sadd.s32 $0x27800, s14;
	s13 =	sadd.s32 s4, s31;
	s14 =	sadd.s32 s5, s11  }
0x11: {  	v0 =	vimm.f32 $0.0e+00;
	s15 =	sadd.s32 s15, s17;
	s17 =	sor.u32 $0x4000, s18;
	s18 =	simm.s32 $0x200  }
.LBB2_6:
0x12: {  	_ =	swait.ge [sflag:s22], $0x4000  }
0x13: {  	[sflag:s22] =	ssyncset.done $0x0  }
0x14: {  	[sflag:s22] =	ssyncadd.s32 $0xFFFFC000  }
0x15: {  	_ =	swait.ge [sflag:s22], $0x4000  }
0x16: {  	s24 =	sshll.u32 s3, $0x6;
	s23 =	sadd.s32 $0x1, s23;
	[sflag:s22] =	ssyncset.done $0x0  }
0x17: {  	s25 =	sshrl.u32 s6, $0x3;
	p1 =	sne.s32 s23, s16;
	[sflag:s22] =	ssyncadd.s32 $0xFFFFC000  }
.Ltmp1:
0x18: {  	s24 =	sor.u32 $0x1C03, s24;
	[bflag:$0x0] =	sbarrier.arrive $0xFFFF;
	(pc) =	sbr.rel @!p1 .LBB2_7-.Ltmp1, $4  }
0x19: {  	[hbm:s15], [sflag:s24] =	dma.local [spmem:s25], $0x2780  }
0x1a: {  	_ =	swait.ge [sflag:s19], $0x2780  }
0x1b: {  	[sflag:s19] =	ssyncset.done $0x0  }
0x1c: {  	[sflag:s19] =	ssyncadd.s32 $0xFFFFD880  }
.LBB2_1:
0x1d: {  	s24 =	simm.s32 $0x0;
	s25 =	simm.s32 $0x200  }
.LBB2_2:
0x1e: {  	p1 =	sne.s32 s25, $0xFE00;
	[tilespmem:s24+$0x270] =	vst v0  }
0x1f: {  	[tilespmem:s24+$0x200] =	vst v0  }
0x20: {  	[tilespmem:s24+$0x210] =	vst v0  }
.Ltmp2:
0x21: {  	[tilespmem:s24+$0x220] =	vst v0;
	(pc) =	sbr.rel @p1 .LBB2_2-.Ltmp2, $4  }
0x22: {  	[tilespmem:s24+$0x230] =	vst v0  }
0x23: {  	[tilespmem:s24+$0x240] =	vst v0  }
0x24: {  	[tilespmem:s24+$0x250] =	vst v0  }
0x25: {  	[tilespmem:s24+$0x260] =	vst v0;
	s24 =	sshra.s32 s25, $0x2;
	s25 =	sadd.s32 $0x200, s25  }
0x26: {  	[tilespmem:s24+$0x270] =	vst v0  }
0x27: {  	[tilespmem:s24+$0x200] =	vst v0  }
0x28: {  	[tilespmem:s24+$0x210] =	vst v0  }
0x29: {  	[tilespmem:s24+$0x220] =	vst v0  }
0x2a: {  	[tilespmem:s24+$0x230] =	vst v0  }
0x2b: {  	[tilespmem:s24+$0x240] =	vst v0  }
0x2c: {  	[tilespmem:s24+$0x250] =	vst v0  }
0x2d: {  	[tilespmem:s24+$0x260] =	vst v0  }
0x2e: {  	[spmem:s6] =	stream.linear.scatter [tilespmem:s18], [sflag:$0x3], $0x4000, $0x38;
	[tilespmem:$0x1FE00] =	vst v63  }
0x2f: {  	_ =	swait.ge [sflag:s19], $0x4000  }
0x30: {  	[sflag:s19] =	ssyncset.done $0x0  }
0x31: {  	[sflag:s19] =	ssyncadd.s32 $0xFFFFC000  }
0x32: {  	[spmem:s7] =	stream.linear.scatter [tilespmem:s18], [sflag:$0x3], $0x4000, $0x38;
	[tilespmem:$0x1FE00] =	vst v63  }
0x33: {  	_ =	swait.ge [sflag:s19], $0x4000  }
0x34: {  	[sflag:s19] =	ssyncset.done $0x0  }
0x35: {  	[sflag:s19] =	ssyncadd.s32 $0xFFFFC000  }
0x36: {  	[spmem:s8] =	stream.linear.scatter [tilespmem:s18], [sflag:$0x3], $0x4000, $0x38;
	[tilespmem:$0x1FE00] =	vst v63  }
0x37: {  	_ =	swait.ge [sflag:s19], $0x4000  }
0x38: {  	[sflag:s19] =	ssyncset.done $0x0  }
0x39: {  	[sflag:s19] =	ssyncadd.s32 $0xFFFFC000  }
0x3a: {  	[spmem:s9] =	stream.linear.scatter [tilespmem:s18], [sflag:$0x3], $0x4000, $0x38;
	[tilespmem:$0x1FE00] =	vst v63  }
0x3b: {  	_ =	swait.ge [sflag:s19], $0x4000  }
0x3c: {  	[sflag:s19] =	ssyncset.done $0x0  }
0x3d: {  	[sflag:s19] =	ssyncadd.s32 $0xFFFFC000  }
0x3e: {  	[spmem:s10] =	stream.linear.scatter [tilespmem:s18], [sflag:$0x3], $0x3C00, $0x38;
	[tilespmem:$0x1FE00] =	vst v63  }
0x3f: {  	_ =	swait.ge [sflag:s19], $0x3C00  }
0x40: {  	[sflag:s19] =	ssyncset.done $0x0  }
0x41: {  	s24 =	simm.s32 @!p0 $0x0;
	s25 =	simm.s32 @!p0 $0x200;
	[sflag:s19] =	ssyncadd.s32 $0xFFFFC400  }
0x42: {  	[hbm4b:s12+s24] =	stream.linear.scatter @!p0 [tilespmem:s25], [sflag:$0x3], $0x4000, $0x38;
	[tilespmem:$0x1FE00] =	vst v63  }
0x43: {  	s24 =	simm.s32 @!p0 $0x3  }
0x44: {  	_ =	swait.ge @!p0 [sflag:s24], $0x4000  }
0x45: {  	s28 =	simm.s32 $0x0;
	[sflag:s24] =	ssyncset.done @!p0 $0x0  }
0x46: {  	s26 =	smov.u32 s17;
	s29 =	smov.u32 s14;
	[sflag:s24] =	ssyncadd.s32 @!p0 $0xFFFFC000  }
0x47: {  	s25 =	simm.s32 $0x10;
	s24 =	simm.s32 $0x1;
	[bflag:$0x0] =	sbarrier.arrive $0xFFFF  }
0x48: {  	[tilespmem:s18], [sflag:$0x1] =	stream.linear.gather [hbm4b:s13+s28], $0x4000, $0x38;
	[tilespmem:$0x1FE00] =	vst v63  }
.LBB2_4:
0x49: {  	s30 =	sadd.s32 $0xFFFFFFFF, s24  }
0x4a: {  	s31 =	smul.u32 $0xAB, s30  }
0x4b: {  	[tilespmem:s28], [sflag:$0x1] =	stream.linear.gather [hbm4b:s29+s2], $0x80, $0x38;
	[tilespmem:$0x1FE00] =	vst v63  }
0x4c: {  	s29 =	sshrl.u32 s31, $0x9  }
0x4d: {  	s28 =	sand.u32 $0x7F, s29  }
0x4e: {  	_ =	swait.ge [sflag:s20], $0x4000;
	s28 =	smul.u32 $0x3, s28  }
0x4f: {  	[sflag:s20] =	ssyncset.done $0x0  }
0x50: {  	p1 =	slt.u32 s30, $0x2;
	[sflag:s20] =	ssyncadd.s32 $0xFFFFC000;
	s28 =	ssub.s32 s30, s28  }
0x51: {  	p2 =	seq.s32 @!p1 s24, $0xA0;
	_ =	swait.ge [sflag:s20], $0x80;
	s28 =	sand.u32 $0xFF, s28  }
0x52: {  	p2 =	por p1, !p2;
	[sflag:s20] =	ssyncset.done $0x0;
	s31 =	sshll.u32 s28, $0xE  }
0x53: {  	[sflag:s20] =	ssyncadd.s32 $0xFFFFFF80;
	s28 =	sshll.u32 s28, $0x7;
	s29 =	sor.u32 $0x200, s31  }
0x54: {  	[spmem:s1] =	stream.indirect.scatter.add.f32 [tilespmem:s29], [sflag:$0x2], $0x80, s28, s21, $0xb8;
	[tilespmem:$0x1FE00] =	vst v63  }
.Ltmp3:
0x55: {  	_ = 	snop;
	(pc) =	sbr.rel @!p2 .LBB2_6-.Ltmp3, $4  }
0x56: {  	s28 =	simm.s32 @!p1 $0x2  }
0x57: {  	_ =	swait.ge @!p1 [sflag:s28], $0x4000  }
0x58: {  	[sflag:s28] =	ssyncset.done @!p1 $0x0  }
0x59: {  	[sflag:s28] =	ssyncadd.s32 @!p1 $0xFFFFC000  }
0x5a: {  	s28 =	smul.u32 $0xAB, s24;
	_ =	sdelay $0x1  }
0x5b: {  	s28 =	sshrl.u32 s28, $0x9  }
0x5c: {  	s28 =	sand.u32 $0x7F, s28  }
0x5d: {  	s28 =	smul.u32 $0x3, s28;
	_ =	sdelay $0x1  }
0x5e: {  	s28 =	ssub.s32 s24, s28  }
0x5f: {  	s28 =	sand.u32 $0xFF, s28  }
0x60: {  	s30 =	sshrl.u32 s26, $0x3;
	s29 =	sshll.u32 s28, $0xE  }
.Ltmp4:
0x61: {  	s30 =	sadd.s32 s4, s30;
	s29 =	sor.u32 $0x200, s29;
	(pc) =	sbr.rel .LBB2_4-.Ltmp4, $4  }
0x62: {  	[tilespmem:s29], [sflag:$0x1] =	stream.linear.gather [hbm4b:s30+s2], $0x4000, $0x38;
	[tilespmem:$0x1FE00] =	vst v63  }
0x63: {  	s31 =	sand.u32 $0x70, s25;
	s26 =	sadd.s32 $0x4000, s26;
	s29 =	sadd.s32 s25, s11  }
0x64: {  	s24 =	sadd.s32 $0x1, s24;
	s30 =	sadd.s32 s5, s31;
	s29 =	sand.u32 $0x1FF80, s29  }
0x65: {  	s28 =	sshll.u32 s28, $0x7;
	s25 =	sadd.s32 $0x10, s25;
	s29 =	sadd.s32 s29, s30  }
.LBB2_7:
0x66: {  	_ =	sfence.sel $0x180000  }
0x67: {  	[bflag:$0x0] =	sbarrier.arrive $0xFFFF  }
0x68: {  	_ =	strace $0x9000004D  }
0x69: {  	s0 =	sadd.s32 @!p0 $0x100000, s0;
	[bflag:$0x2] =	sbarrier.arrive $0xFFFF  }
0x6a: {  	[sflag:s0] =	ssyncadd.tile.s32 @!p0 $0x1;
	_ =	shalt  }
.Lfunc_end2:
_tile_overlayer_lowered:
.L_overlay_start_2:
0x6b: {  	(tag) =	ssettag $0x2  }
0x6c: {  	s0 =	rddreg [dreg:$0x0];
	s2 =	stileid.u32  }
0x6d: {  	s1 =	rddreg [dreg:$0x1];
	p0 =	sne.s32 s2, $0x0  }
0x6e: {  	s3 =	rddreg [dreg:$0x2];
	[bflag:$0x3] =	sbarrier.arrive $0xFFFF;
	s2 =	simm.s32 @!p0 $0x1C03  }
0x6f: {  	[timem:s3], [sflag:s2] =	dma.local @!p0 [hbm:s0], s1  }
0x70: {  	s0 =	simm.s32 @!p0 $0x3  }
0x71: {  	_ =	swait.ge @!p0 [sflag:s0], s1  }
0x72: {  	s1 =	ssub.s32 @!p0 $0x0, s1;
	[sflag:s0] =	ssyncset.done @!p0 $0x0  }
0x73: {  	[sflag:s0] =	ssyncadd.s32 @!p0 s1  }
0x74: {  	[bflag:$0x3] =	sbarrier.arrive $0xFFFF  }
0x75: {  	_ =	shalt  }

// kernel: kernel.27.cloned.1.call-start
scs
__scs_entry_jumppad:
0x0: {  	(pc) =	sbr.rel $0x88, $3  }
0x1: {  	(tag) =	ssettag $0x0;
	lr =	simm.s32 $0x1  }
0x2: {  	[smem:$0x3F93] =	sst lr;
	_ =	strace $0xD0000000  }
0x3: {  	_ = 	snop  }
0x4: {  	_ = 	snop  }
0x5: {  	_ = 	snop  }
0x6: {  	_ = 	snop  }
0x7: {  	_ = 	snop  }
__scs_overlays_trampoline_lowered:
0x8: {  	[smem:$0x3FA2] =	sst s0  }
0x9: {  	[smem:$0x3FA3] =	sst s1  }
0xa: {  	[smem:$0x3FA4] =	sst s2  }
0xb: {  	[smem:$0x3FA5] =	sst s3  }
0xc: {  	[smem:$0x3FA6] =	sst s4  }
0xd: {  	[smem:$0x3FA7] =	sst s5  }
0xe: {  	[smem:$0x3FA8] =	sst s6  }
0xf: {  	[smem:$0x3FA9] =	sst s7  }
0x10: {  	[smem:$0x3FAA] =	sst s8  }
0x11: {  	[smem:$0x3FAB] =	sst s9;
	s0 =	simm.s32 @!p0 $0x0  }
0x12: {  	s1 =	sld [smem:$0x3F91];
	s0 =	simm.s32 @p0 $0x1  }
0x13: {  	[smem:$0x3FAC] =	sst s0;
	s0 =	simm.s32 @!p1 $0x0  }
0x14: {  	s2 =	sld [smem:$0x3F90];
	s0 =	simm.s32 @p1 $0x1  }
0x15: {  	[smem:$0x3FAD] =	sst s0;
	s0 =	simm.s32 @!p2 $0x0  }
0x16: {  	s3 =	sld [smem:$0x3FDB];
	s0 =	simm.s32 @p2 $0x1  }
0x17: {  	s4 =	simm.s32 $0x1BF5;
	[smem:$0x3FAF] =	sst s0  }
0x18: {  	s0 =	sld [smem:$0x3F92];
	_ =	swait.ge [sflag:s4], $0x0  }
0x19: {  	s7 =	sld [smem:$0x3F93]  }
0x1a: {  	s8 =	sadd.s32 $0xFFFFE003, lr  }
0x1b: {  	s9 =	sadd.s32 $0xFFFFFEF7, lr;
	s5 =	simm.s32 $0xFFFFFFFF;
	p2 =	slt.u32 s8, $0xFFFFF086  }
0x1c: {  	p1 =	slt.u32 s9, $0xF7A;
	s5 =	simm.s32 @!p2 $0x0  }
0x1d: {  	s5 =	simm.s32 @p1 $0x1;
	p0 =	seq.s32 s7, s2  }
0x1e: {  	s7 =	smul.u32 @!p0 $0xF7A, s2;
	p2 =	seq.s32 @!p0 s5, $0x0  }
0x1f: {  	s9 =	smul.u32 $0xF7A, s1;
	s8 =	simm.s32 @!p0 $0x1BF5;
	p2 =	por !p2, p0  }
0x20: {  	[sflag:s8] =	ssyncset.s32 @!p0 $0xFFFFF086;
	s6 =	sadd.s32 @!p0 s3, s7;
	s7 =	simm.s32 @!p0 $0x108  }
0x21: {  	s3 =	sadd.s32 s3, s9;
	s6 =	sadd.s32 @!p0 $0x88, s6;
	s7 =	simm.s32 @p2 $0x1082  }
0x22: {  	[simem:s7], [sflag:s8] =	dma.local @!p0 [hbm:s6], $0xF7A  }
0x23: {  	s9 =	sor.u32 $0xD0000000, s2;
	s6 =	simm.s32 $0x108;
	_ =	swait.ge @!p0 [sflag:s8], $0x0  }
0x24: {  	s3 =	sadd.s32 $0x88, s3;
	s6 =	simm.s32 @!p1 $0x1082;
	[sflag:s4] =	ssyncset.s32 $0xFFFFF086  }
0x25: {  	[simem:s6], [sflag:s4] =	dma.local [hbm:s3], $0xF7A  }
0x26: {  	[smem:$0x3F93] =	sst s1;
	(tag) =	ssettag s2;
	_ =	strace s9  }
0x27: {  	s1 =	sld [smem:$0x3FA3]  }
0x28: {  	s2 =	sld [smem:$0x3FA4]  }
0x29: {  	s4 =	sld [smem:$0x3FA6]  }
0x2a: {  	p0 =	seq.s32 s5, $0x0;
	s5 =	sld [smem:$0x3FA7]  }
0x2b: {  	s6 =	sld [smem:$0x3FA8]  }
0x2c: {  	s7 =	sld [smem:$0x3FA9]  }
0x2d: {  	s3 =	simm.s32 $0x108;
	s8 =	sld [smem:$0x3FAA]  }
0x2e: {  	s3 =	simm.s32 @!p0 $0x1082;
	s9 =	sld [smem:$0x3FAB]  }
0x2f: {  	lr =	sadd.s32 s0, s3;
	s0 =	sld [smem:$0x3FA2]  }
0x30: {  	s3 =	sld [smem:$0x3FA5]  }
0x31: {  	[smem:$0x3FAE] =	sst s10  }
0x32: {  	s10 =	sld [smem:$0x3FAC];
	_ =	sdelay $0x3  }
0x33: {  	p0 =	seq.s32 s10, $0x1;
	s10 =	sld [smem:$0x3FAE];
	_ =	sdelay $0x3  }
0x34: {  	[smem:$0x3FAE] =	sst s10  }
0x35: {  	s10 =	sld [smem:$0x3FAD];
	_ =	sdelay $0x3  }
0x36: {  	p1 =	seq.s32 s10, $0x1;
	s10 =	sld [smem:$0x3FAE];
	_ =	sdelay $0x3  }
0x37: {  	[smem:$0x3FAE] =	sst s10  }
0x38: {  	s10 =	sld [smem:$0x3FAF]  }
0x39: {  	_ = 	snop;
	(pc) =	sbr.ind lr, $3  }
0x3a: {  	_ = 	snop  }
0x3b: {  	_ = 	snop  }
0x3c: {  	p2 =	seq.s32 s10, $0x1;
	s10 =	sld [smem:$0x3FAE]  }
0x3d: {  	_ =	shalt  }
0x3e: {  	_ =	shalt  }
0x3f: {  	_ =	shalt  }
0x40: {  	_ =	shalt  }
0x41: {  	_ =	shalt  }
0x42: {  	_ =	shalt  }
0x43: {  	_ =	shalt  }
0x44: {  	_ =	shalt  }
0x45: {  	_ =	shalt  }
0x46: {  	_ =	shalt  }
0x47: {  	_ =	shalt  }
0x48: {  	_ =	shalt  }
0x49: {  	_ =	shalt  }
0x4a: {  	_ =	shalt  }
0x4b: {  	_ =	shalt  }
0x4c: {  	_ =	shalt  }
0x4d: {  	_ =	shalt  }
0x4e: {  	_ =	shalt  }
0x4f: {  	_ =	shalt  }
0x50: {  	_ =	shalt  }
0x51: {  	_ =	shalt  }
0x52: {  	_ =	shalt  }
0x53: {  	_ =	shalt  }
0x54: {  	_ =	shalt  }
0x55: {  	_ =	shalt  }
0x56: {  	_ =	shalt  }
0x57: {  	_ =	shalt  }
0x58: {  	_ =	shalt  }
0x59: {  	_ =	shalt  }
0x5a: {  	_ =	shalt  }
0x5b: {  	_ =	shalt  }
0x5c: {  	_ =	shalt  }
0x5d: {  	_ =	shalt  }
0x5e: {  	_ =	shalt  }
0x5f: {  	_ =	shalt  }
0x60: {  	_ =	shalt  }
0x61: {  	_ =	shalt  }
0x62: {  	_ =	shalt  }
0x63: {  	_ =	shalt  }
0x64: {  	_ =	shalt  }
0x65: {  	_ =	shalt  }
0x66: {  	_ =	shalt  }
0x67: {  	_ =	shalt  }
0x68: {  	_ =	shalt  }
0x69: {  	_ =	shalt  }
0x6a: {  	_ =	shalt  }
0x6b: {  	_ =	shalt  }
0x6c: {  	_ =	shalt  }
0x6d: {  	_ =	shalt  }
0x6e: {  	_ =	shalt  }
0x6f: {  	_ =	shalt  }
0x70: {  	_ =	shalt  }
0x71: {  	_ =	shalt  }
0x72: {  	_ =	shalt  }
0x73: {  	_ =	shalt  }
0x74: {  	_ =	shalt  }
0x75: {  	_ =	shalt  }
0x76: {  	_ =	shalt  }
0x77: {  	_ =	shalt  }
0x78: {  	_ =	shalt  }
0x79: {  	_ =	shalt  }
0x7a: {  	_ =	shalt  }
0x7b: {  	_ =	shalt  }
0x7c: {  	_ =	shalt  }
0x7d: {  	_ =	shalt  }
0x7e: {  	_ =	shalt  }
0x7f: {  	_ =	shalt  }
0x80: {  	_ =	shalt  }
0x81: {  	_ =	shalt  }
0x82: {  	_ =	shalt  }
0x83: {  	_ =	shalt  }
0x84: {  	_ =	shalt  }
0x85: {  	_ =	shalt  }
0x86: {  	_ =	shalt  }
0x87: {  	_ =	shalt  }
.Lfunc_end0:
.L_simem_size_0:
called_computation.3_lowered:
.L_overlay_start_0:
0x88: {  	s2 =	sld [smem:$0x3FD9]  }
0x89: {  	s3 =	sld [smem:$0x3FFE];
	_ =	sdelay $0x1  }
0x8a: {  	s1 =	srdreg.scid  }
0x8b: {  	s0 =	sand.u32 $0x1, s1  }
0x8c: {  	s16 =	sshll.u32 s0, $0xA;
	s2 =	sadd.s32 s3, s2  }
0x8d: {  	s2 =	sadd.s32 s2, s16  }
0x8e: {  	[smem:$0x3FBA] =	sst s2  }
0x8f: {  	_ = 	snop  }
0x90: {  	(tm) =	ssettm $0x1  }
0x91: {  	s17 =	sld [smem:$0x3FFB];
	_ =	sdelay $0x3  }
0x92: {  	_ =	strace s17  }
0x93: {  	s2 =	sld [smem:$0x3FFC];
	_ =	sdelay $0x3  }
0x94: {  	_ =	strace s2  }
0x95: {  	s2 =	sld [smem:$0x3FFD];
	_ =	sdelay $0x3  }
0x96: {  	_ =	strace s2  }
0x97: {  	_ =	strace $0x8FFFFFFF  }
0x98: {  	s18 =	sld [smem:$0x3FDB];
	_ =	sdelay $0x1  }
0x99: {  	s19 =	simm.s32 $_scs_section_size  }
0x9a: {  	s4 =	simm.s32 $_size__tile_overlayer_lowered;
	s5 =	simm.s32 $_tile_overlayer_lowered  }
0x9b: {  	s22 =	simm.s32 $0x1BFF;
	s21 =	sshll.u32 s5, $0x1;
	s2 =	sadd.s32 s19, s18  }
0x9c: {  	s6 =	simm.s32 $0x0;
	s20 =	sshll.u32 s4, $0x1;
	s4 =	sadd.s32 s21, s2  }
0x9d: {  	[timem:s6], [sflag:s22] =	dma.local [hbm:s4], s20  }
0x9e: {  	_ =	swait.ge [sflag:s22], s20  }
0x9f: {  	s3 =	ssub.s32 $0x0, s20;
	[sflag:s22] =	ssyncset.done $0x0  }
0xa0: {  	[sflag:s22] =	ssyncadd.s32 s3;
	_ =	sdelay $0x1  }
0xa1: {  	s23 =	simm.s32 $0x1B8B  }
0xa2: {  	_ =	swait.ge [sflag:s23], $0x1  }
0xa3: {  	[sflag:s23] =	ssyncset.done $0x0  }
0xa4: {  	s25 =	simm.s32 $0x1B8E;
	s24 =	sld [smem:$0x3FFE];
	[sflag:s23] =	ssyncadd.s32 $0xFFFFFFFF  }
0xa5: {  	s26 =	simm.s32 $execute0_lowered;
	[smem:$0x3FD2] =	sst s25  }
0xa6: {  	s4 =	sshll.u32 s26, $0x1;
	_ =	strace $0x8000004F;
	[dreg:$0x1] =	wrdreg $0xFFFFFFFF  }
0xa7: {  	s28 =	simm.s32 $_size_execute0_lowered;
	s2 =	sadd.s32 s2, s4;
	[dreg:$0x0] =	wrdreg $0x0  }
0xa8: {  	s4 =	sshll.u32 s28, $0x1;
	[dreg:$0x2] =	wrdreg s2  }
0xa9: {  	[dreg:$0x3] =	wrdreg s4  }
0xaa: {  	[dreg:$0x4] =	wrdreg $0xC0  }
0xab: {  	_ =	task [dreg:s6], $0x5FFFF  }
0xac: {  	[dreg:$0x1] =	wrdreg $0xFFFFFFFF  }
0xad: {  	[dreg:$0x0] =	wrdreg $0x60  }
0xae: {  	[dreg:$0x2] =	wrdreg s24  }
0xaf: {  	[dreg:$0x3] =	wrdreg $0x9  }
0xb0: {  	_ =	task.clear_ibuf [dreg:s6], $0x4FFFF;
	_ =	strace $0x9000004F  }
0xb1: {  	s29 =	simm.s32 $0x9;
	_ =	strace $0x80000051  }
0xb2: {  	_ =	swait.ge [sflag:s29], $0x1  }
0xb3: {  	[sflag:s29] =	ssyncadd.s32 $0xFFFFFFFF  }
0xb4: {  	_ =	strace $0x90000051  }
0xb5: {  	_ =	sfence  }
0xb6: {  	s30 =	sld [smem:$0x0];
	_ =	sdelay $0x2  }
0xb7: {  	s31 =	sshll.u32 s1, $0xD;
	s1 =	sshrl.u32 s1, $0x2  }
0xb8: {  	s3 =	sand.u32 $0x4000, s31;
	s1 =	sadd.s32 s1, s30  }
0xb9: {  	s0 =	sor.u32 s3, s0;
	s1 =	sshll.u32 s1, $0x11  }
0xba: {  	s0 =	sor.u32 s1, s0  }
0xbb: {  	s0 =	sadd.s32 $0x8F2B, s0  }
0xbc: {  	[sflag:s0] =	ssyncadd.remote.s32 $0x1  }
0xbd: {  	_ =	sfence.sel $0xFFFF  }
0xbe: {  	[dreg:$0x0] =	wrdreg $0xFFFFFFFF;
	(pc) =	sbr.abs _section_cstart, $3  }
0xbf: {  	[dreg:$0x1] =	wrdreg $0xFFFFFFFF  }
0xc0: {  	_ =	task.clear_ibuf [dreg:s6], $0x2FFFF;
	_ =	strace $0x9FFFFFFF  }
0xc1: {  	(tm) =	ssettm $0x7FFFFFFF  }
tec
execute0_lowered:
.L_overlay_start_1:
0x0: {  	(tag) =	ssettag $0x1  }
0x1: {  	s0 =	rddreg [dreg:$0x0]  }
0x2: {  	s2 =	stileid.u32;
	s1 =	srdreg.scid;
	s8 =	simm.s32 $0x3  }
0x3: {  	s13 =	simm.s32 $0x12400;
	s14 =	simm.s32 $0x12C00;
	s15 =	simm.s32 $0x13400  }
0x4: {  	s16 =	simm.s32 $0x13C00;
	s17 =	simm.s32 $0x14400;
	s18 =	simm.s32 $0x14C00  }
0x5: {  	s19 =	simm.s32 $0x15400;
	s20 =	simm.s32 $0x15C00;
	s21 =	simm.s32 $0x16400  }
0x6: {  	s22 =	simm.s32 $0x16C00;
	s23 =	simm.s32 $0x17400;
	s24 =	simm.s32 $0x1  }
0x7: {  	s25 =	simm.s32 $0x2;
	s26 =	simm.s32 $0x0;
	s3 =	smul.u32 $0x50, s2  }
0x8: {  	s1 =	sand.u32 $0x1, s1;
	s4 =	smul.u32 $0xF0, s2;
	s2 =	simm.s32 $0x0  }
0x9: {  	p0 =	seq.s32 s1, $0x0;
	[smem:$0x7FF] =	sst s2;
	s5 =	sadd.s32 $0xF00, s3  }
0xa: {  	s1 =	ssub.s32 $0x2, s1;
	_ =	strace $0x80000050;
	s5 =	smov.u32 @p0 s4  }
0xb: {  	s3 =	sadd.s32 $0x1C200, s0;
	s31 =	sshrl.u32 s1, $0x1;
	s4 =	sshll.u32 s5, $0x3  }
0xc: {  	v2 =	vlaneseq.u32;
	s30 =	sshll.u32 s5, $0xB;
	s6 =	sadd.s32 s4, s0;
	s4 =	simm.s32 $0xF0  }
0xd: {  	vm0 =	vmmov $0xffff;
	v1 =	vshrl.u32 v2, $0x3;
	s1 =	ssub.s32 s1, s31;
	s0 =	sadd.s32 s30, s0;
	s4 =	simm.s32 @!p0 $0x50  }
0xe: {  	v0 =	vand.u32 $0x7, v2;
	v2 =	vor.u32 $0x8, v2;
	v1 =	vmul.u32 $0x8, v1;
	s5 =	sadd.s32 $0x11C00, s6;
	s6 =	smax.u32 s1, $0x1;
	s1 =	sadd.s32 $0xA52400, s0  }
.LBB2_1:
0xf: {  	[tilespmem:s2], [sflag:$0x3] =	stream.linear.gather [hbm4b:s5+s2], $0x3C00, $0x38;
	[tilespmem:$0x1FC00] =	vst v63  }
0x10: {  	_ =	swait.ge [sflag:s8], $0x3C00  }
0x11: {  	[sflag:s8] =	ssyncset.done $0x0  }
0x12: {  	[sflag:s8] =	ssyncadd.s32 $0xFFFFC400  }
0x13: {  	v3 =	vld [tilespmem:$0x0];
	_ =	sdelay $0x4  }
0x14: {  	v4 =	vshll.u32 v3, $0x1  }
0x15: {  	v3 =	vand.u32 $0x7, v3;
	v4 =	vand.u32 $0xFFFFFFF0, v4  }
0x16: {  	v3 =	vor.u32 v3, v4  }
0x17: {  	v4 =	vperm.xlane v3, v0;
	_ =	sdelay $0x1  }
0x18: {  	v3 =	vperm.xlane v3, v2;
	v4 =	vadd.s32 v1, v4;
	_ =	sdelay $0x1  }
0x19: {  	v3 =	vadd.s32 v1, v3;
	_ =	sdelay $0x1  }
0x1a: {  	s28 =	simm.s32 $0x3C00  }
0x1b: {  	[tilespmem:s28], [sflag:$0x1] =	stream.indirect_vreg.gather [hbm4b:s3+s2], $0x80, v4, vm0, $0xb8;
	[tilespmem:$0x1FC00] =	vst v63  }
0x1c: {  	s0 =	simm.s32 $0x4400  }
0x1d: {  	[tilespmem:s0], [sflag:$0x1] =	stream.indirect_vreg.gather [hbm4b:s3+s2], $0x80, v3, vm0, $0xb8;
	[tilespmem:$0x1FC00] =	vst v63  }
0x1e: {  	v3 =	vld [tilespmem:$0x10];
	_ =	sdelay $0x4  }
0x1f: {  	v45 =	vshll.u32 v3, $0x1  }
0x20: {  	v3 =	vand.u32 $0x7, v3;
	v4 =	vand.u32 $0xFFFFFFF0, v45  }
0x21: {  	v3 =	vor.u32 v3, v4  }
0x22: {  	v4 =	vperm.xlane v3, v0;
	_ =	sdelay $0x1  }
0x23: {  	v3 =	vperm.xlane v3, v2;
	v4 =	vadd.s32 v1, v4;
	_ =	sdelay $0x1  }
0x24: {  	v3 =	vadd.s32 v1, v3;
	_ =	sdelay $0x1  }
0x25: {  	s11 =	simm.s32 $0x4C00  }
0x26: {  	[tilespmem:s11], [sflag:$0x1] =	stream.indirect_vreg.gather [hbm4b:s3+s2], $0x80, v4, vm0, $0xb8;
	[tilespmem:$0x1FC00] =	vst v63  }
0x27: {  	s12 =	simm.s32 $0x5400  }
0x28: {  	[tilespmem:s12], [sflag:$0x1] =	stream.indirect_vreg.gather [hbm4b:s3+s2], $0x80, v3, vm0, $0xb8;
	[tilespmem:$0x1FC00] =	vst v63  }
0x29: {  	v3 =	vld [tilespmem:$0x20];
	_ =	sdelay $0x4  }
0x2a: {  	v46 =	vshll.u32 v3, $0x1  }
0x2b: {  	v3 =	vand.u32 $0x7, v3;
	v4 =	vand.u32 $0xFFFFFFF0, v46  }
0x2c: {  	v3 =	vor.u32 v3, v4  }
0x2d: {  	v4 =	vperm.xlane v3, v0;
	_ =	sdelay $0x1  }
0x2e: {  	v3 =	vperm.xlane v3, v2;
	v4 =	vadd.s32 v1, v4;
	_ =	sdelay $0x1  }
0x2f: {  	v3 =	vadd.s32 v1, v3;
	_ =	sdelay $0x1  }
0x30: {  	s7 =	simm.s32 $0x5C00  }
0x31: {  	[tilespmem:s7], [sflag:$0x1] =	stream.indirect_vreg.gather [hbm4b:s3+s2], $0x80, v4, vm0, $0xb8;
	[tilespmem:$0x1FC00] =	vst v63  }
0x32: {  	s9 =	simm.s32 $0x6400  }
0x33: {  	[tilespmem:s9], [sflag:$0x1] =	stream.indirect_vreg.gather [hbm4b:s3+s2], $0x80, v3, vm0, $0xb8;
	[tilespmem:$0x1FC00] =	vst v63  }
0x34: {  	v3 =	vld [tilespmem:$0x30];
	_ =	sdelay $0x4  }
0x35: {  	v47 =	vshll.u32 v3, $0x1  }
0x36: {  	v3 =	vand.u32 $0x7, v3;
	v4 =	vand.u32 $0xFFFFFFF0, v47  }
0x37: {  	v3 =	vor.u32 v3, v4  }
0x38: {  	v4 =	vperm.xlane v3, v0;
	_ =	sdelay $0x1  }
0x39: {  	v3 =	vperm.xlane v3, v2;
	v4 =	vadd.s32 v1, v4;
	_ =	sdelay $0x1  }
0x3a: {  	v3 =	vadd.s32 v1, v3;
	_ =	sdelay $0x1  }
0x3b: {  	s10 =	simm.s32 $0x6C00  }
0x3c: {  	[tilespmem:s10], [sflag:$0x1] =	stream.indirect_vreg.gather [hbm4b:s3+s2], $0x80, v4, vm0, $0xb8;
	[tilespmem:$0x1FC00] =	vst v63  }
0x3d: {  	s11 =	simm.s32 $0x7400  }
0x3e: {  	[tilespmem:s11], [sflag:$0x1] =	stream.indirect_vreg.gather [hbm4b:s3+s2], $0x80, v3, vm0, $0xb8;
	[tilespmem:$0x1FC00] =	vst v63  }
0x3f: {  	v3 =	vld [tilespmem:$0x40];
	_ =	sdelay $0x4  }
0x40: {  	v48 =	vshll.u32 v3, $0x1  }
0x41: {  	v3 =	vand.u32 $0x7, v3;
	v4 =	vand.u32 $0xFFFFFFF0, v48  }
0x42: {  	v3 =	vor.u32 v3, v4  }
0x43: {  	v4 =	vperm.xlane v3, v0;
	_ =	sdelay $0x1  }
0x44: {  	v3 =	vperm.xlane v3, v2;
	v4 =	vadd.s32 v1, v4;
	_ =	sdelay $0x1  }
0x45: {  	v3 =	vadd.s32 v1, v3;
	_ =	sdelay $0x1  }
0x46: {  	s12 =	simm.s32 $0x7C00  }
0x47: {  	[tilespmem:s12], [sflag:$0x1] =	stream.indirect_vreg.gather [hbm4b:s3+s2], $0x80, v4, vm0, $0xb8;
	[tilespmem:$0x1FC00] =	vst v63  }
0x48: {  	s7 =	simm.s32 $0x8400  }
0x49: {  	[tilespmem:s7], [sflag:$0x1] =	stream.indirect_vreg.gather [hbm4b:s3+s2], $0x80, v3, vm0, $0xb8;
	[tilespmem:$0x1FC00] =	vst v63  }
0x4a: {  	v3 =	vld [tilespmem:$0x50];
	_ =	sdelay $0x4  }
0x4b: {  	v49 =	vshll.u32 v3, $0x1  }
0x4c: {  	v3 =	vand.u32 $0x7, v3;
	v4 =	vand.u32 $0xFFFFFFF0, v49  }
0x4d: {  	v3 =	vor.u32 v3, v4  }
0x4e: {  	v4 =	vperm.xlane v3, v0;
	_ =	sdelay $0x1  }
0x4f: {  	v3 =	vperm.xlane v3, v2;
	v4 =	vadd.s32 v1, v4;
	_ =	sdelay $0x1  }
0x50: {  	v3 =	vadd.s32 v1, v3;
	_ =	sdelay $0x1  }
0x51: {  	s9 =	simm.s32 $0x8C00  }
0x52: {  	[tilespmem:s9], [sflag:$0x1] =	stream.indirect_vreg.gather [hbm4b:s3+s2], $0x80, v4, vm0, $0xb8;
	[tilespmem:$0x1FC00] =	vst v63  }
0x53: {  	s10 =	simm.s32 $0x9400  }
0x54: {  	[tilespmem:s10], [sflag:$0x1] =	stream.indirect_vreg.gather [hbm4b:s3+s2], $0x80, v3, vm0, $0xb8;
	[tilespmem:$0x1FC00] =	vst v63  }
0x55: {  	v3 =	vld [tilespmem:$0x60];
	_ =	sdelay $0x4  }
0x56: {  	v50 =	vshll.u32 v3, $0x1  }
0x57: {  	v3 =	vand.u32 $0x7, v3;
	v4 =	vand.u32 $0xFFFFFFF0, v50  }
0x58: {  	v3 =	vor.u32 v3, v4  }
0x59: {  	v4 =	vperm.xlane v3, v0;
	_ =	sdelay $0x1  }
0x5a: {  	v3 =	vperm.xlane v3, v2;
	v4 =	vadd.s32 v1, v4;
	_ =	sdelay $0x1  }
0x5b: {  	v3 =	vadd.s32 v1, v3;
	_ =	sdelay $0x1  }
0x5c: {  	s11 =	simm.s32 $0x9C00  }
0x5d: {  	[tilespmem:s11], [sflag:$0x1] =	stream.indirect_vreg.gather [hbm4b:s3+s2], $0x80, v4, vm0, $0xb8;
	[tilespmem:$0x1FC00] =	vst v63  }
0x5e: {  	s12 =	simm.s32 $0xA400  }
0x5f: {  	[tilespmem:s12], [sflag:$0x1] =	stream.indirect_vreg.gather [hbm4b:s3+s2], $0x80, v3, vm0, $0xb8;
	[tilespmem:$0x1FC00] =	vst v63  }
0x60: {  	v3 =	vld [tilespmem:$0x70];
	_ =	sdelay $0x4  }
0x61: {  	v51 =	vshll.u32 v3, $0x1  }
0x62: {  	v3 =	vand.u32 $0x7, v3;
	v4 =	vand.u32 $0xFFFFFFF0, v51  }
0x63: {  	v3 =	vor.u32 v3, v4  }
0x64: {  	v4 =	vperm.xlane v3, v0;
	_ =	sdelay $0x1  }
0x65: {  	v3 =	vperm.xlane v3, v2;
	v4 =	vadd.s32 v1, v4;
	_ =	sdelay $0x1  }
0x66: {  	v3 =	vadd.s32 v1, v3;
	_ =	sdelay $0x1  }
0x67: {  	s7 =	simm.s32 $0xAC00  }
0x68: {  	[tilespmem:s7], [sflag:$0x1] =	stream.indirect_vreg.gather [hbm4b:s3+s2], $0x80, v4, vm0, $0xb8;
	[tilespmem:$0x1FC00] =	vst v63  }
0x69: {  	s9 =	simm.s32 $0xB400  }
0x6a: {  	[tilespmem:s9], [sflag:$0x1] =	stream.indirect_vreg.gather [hbm4b:s3+s2], $0x80, v3, vm0, $0xb8;
	[tilespmem:$0x1FC00] =	vst v63  }
0x6b: {  	v3 =	vld [tilespmem:$0x80];
	_ =	sdelay $0x4  }
0x6c: {  	v52 =	vshll.u32 v3, $0x1  }
0x6d: {  	v3 =	vand.u32 $0x7, v3;
	v4 =	vand.u32 $0xFFFFFFF0, v52  }
0x6e: {  	v3 =	vor.u32 v3, v4  }
0x6f: {  	v4 =	vperm.xlane v3, v0;
	_ =	sdelay $0x1  }
0x70: {  	v3 =	vperm.xlane v3, v2;
	v4 =	vadd.s32 v1, v4;
	_ =	sdelay $0x1  }
0x71: {  	v3 =	vadd.s32 v1, v3;
	_ =	sdelay $0x1  }
0x72: {  	s10 =	simm.s32 $0xBC00  }
0x73: {  	[tilespmem:s10], [sflag:$0x1] =	stream.indirect_vreg.gather [hbm4b:s3+s2], $0x80, v4, vm0, $0xb8;
	[tilespmem:$0x1FC00] =	vst v63  }
0x74: {  	s11 =	simm.s32 $0xC400  }
0x75: {  	[tilespmem:s11], [sflag:$0x1] =	stream.indirect_vreg.gather [hbm4b:s3+s2], $0x80, v3, vm0, $0xb8;
	[tilespmem:$0x1FC00] =	vst v63  }
0x76: {  	v3 =	vld [tilespmem:$0x90];
	_ =	sdelay $0x4  }
0x77: {  	v53 =	vshll.u32 v3, $0x1  }
0x78: {  	v3 =	vand.u32 $0x7, v3;
	v4 =	vand.u32 $0xFFFFFFF0, v53  }
0x79: {  	v3 =	vor.u32 v3, v4  }
0x7a: {  	v4 =	vperm.xlane v3, v0;
	_ =	sdelay $0x1  }
0x7b: {  	v3 =	vperm.xlane v3, v2;
	v4 =	vadd.s32 v1, v4;
	_ =	sdelay $0x1  }
0x7c: {  	v3 =	vadd.s32 v1, v3;
	_ =	sdelay $0x1  }
0x7d: {  	s12 =	simm.s32 $0xCC00  }
0x7e: {  	[tilespmem:s12], [sflag:$0x1] =	stream.indirect_vreg.gather [hbm4b:s3+s2], $0x80, v4, vm0, $0xb8;
	[tilespmem:$0x1FC00] =	vst v63  }
0x7f: {  	s7 =	simm.s32 $0xD400  }
0x80: {  	[tilespmem:s7], [sflag:$0x1] =	stream.indirect_vreg.gather [hbm4b:s3+s2], $0x80, v3, vm0, $0xb8;
	[tilespmem:$0x1FC00] =	vst v63  }
0x81: {  	v3 =	vld [tilespmem:$0xA0];
	_ =	sdelay $0x4  }
0x82: {  	v54 =	vshll.u32 v3, $0x1  }
0x83: {  	v3 =	vand.u32 $0x7, v3;
	v4 =	vand.u32 $0xFFFFFFF0, v54  }
0x84: {  	v3 =	vor.u32 v3, v4  }
0x85: {  	v4 =	vperm.xlane v3, v0;
	_ =	sdelay $0x1  }
0x86: {  	v3 =	vperm.xlane v3, v2;
	v4 =	vadd.s32 v1, v4;
	_ =	sdelay $0x1  }
0x87: {  	v3 =	vadd.s32 v1, v3;
	_ =	sdelay $0x1  }
0x88: {  	s9 =	simm.s32 $0xDC00  }
0x89: {  	[tilespmem:s9], [sflag:$0x1] =	stream.indirect_vreg.gather [hbm4b:s3+s2], $0x80, v4, vm0, $0xb8;
	[tilespmem:$0x1FC00] =	vst v63  }
0x8a: {  	s10 =	simm.s32 $0xE400  }
0x8b: {  	[tilespmem:s10], [sflag:$0x1] =	stream.indirect_vreg.gather [hbm4b:s3+s2], $0x80, v3, vm0, $0xb8;
	[tilespmem:$0x1FC00] =	vst v63  }
0x8c: {  	v3 =	vld [tilespmem:$0xB0];
	_ =	sdelay $0x4  }
0x8d: {  	v55 =	vshll.u32 v3, $0x1  }
0x8e: {  	v3 =	vand.u32 $0x7, v3;
	v4 =	vand.u32 $0xFFFFFFF0, v55  }
0x8f: {  	v3 =	vor.u32 v3, v4  }
0x90: {  	v4 =	vperm.xlane v3, v0;
	_ =	sdelay $0x1  }
0x91: {  	v3 =	vperm.xlane v3, v2;
	v4 =	vadd.s32 v1, v4;
	_ =	sdelay $0x1  }
0x92: {  	v3 =	vadd.s32 v1, v3;
	_ =	sdelay $0x1  }
0x93: {  	s11 =	simm.s32 $0xEC00  }
0x94: {  	[tilespmem:s11], [sflag:$0x1] =	stream.indirect_vreg.gather [hbm4b:s3+s2], $0x80, v4, vm0, $0xb8;
	[tilespmem:$0x1FC00] =	vst v63  }
0x95: {  	s12 =	simm.s32 $0xF400  }
0x96: {  	[tilespmem:s12], [sflag:$0x1] =	stream.indirect_vreg.gather [hbm4b:s3+s2], $0x80, v3, vm0, $0xb8;
	[tilespmem:$0x1FC00] =	vst v63  }
0x97: {  	v3 =	vld [tilespmem:$0xC0];
	_ =	sdelay $0x4  }
0x98: {  	v56 =	vshll.u32 v3, $0x1  }
0x99: {  	v3 =	vand.u32 $0x7, v3;
	v4 =	vand.u32 $0xFFFFFFF0, v56  }
0x9a: {  	v3 =	vor.u32 v3, v4  }
0x9b: {  	v4 =	vperm.xlane v3, v0;
	_ =	sdelay $0x1  }
0x9c: {  	v3 =	vperm.xlane v3, v2;
	v4 =	vadd.s32 v1, v4;
	_ =	sdelay $0x1  }
0x9d: {  	v3 =	vadd.s32 v1, v3;
	_ =	sdelay $0x1  }
0x9e: {  	s7 =	simm.s32 $0xFC00  }
0x9f: {  	[tilespmem:s7], [sflag:$0x1] =	stream.indirect_vreg.gather [hbm4b:s3+s2], $0x80, v4, vm0, $0xb8;
	[tilespmem:$0x1FC00] =	vst v63  }
0xa0: {  	s9 =	simm.s32 $0x10400  }
0xa1: {  	[tilespmem:s9], [sflag:$0x1] =	stream.indirect_vreg.gather [hbm4b:s3+s2], $0x80, v3, vm0, $0xb8;
	[tilespmem:$0x1FC00] =	vst v63  }
0xa2: {  	v3 =	vld [tilespmem:$0xD0];
	_ =	sdelay $0x4  }
0xa3: {  	v57 =	vshll.u32 v3, $0x1  }
0xa4: {  	v3 =	vand.u32 $0x7, v3;
	v4 =	vand.u32 $0xFFFFFFF0, v57  }
0xa5: {  	v3 =	vor.u32 v3, v4  }
0xa6: {  	v4 =	vperm.xlane v3, v0;
	_ =	sdelay $0x1  }
0xa7: {  	v3 =	vperm.xlane v3, v2;
	v4 =	vadd.s32 v1, v4;
	_ =	sdelay $0x1  }
0xa8: {  	v3 =	vadd.s32 v1, v3;
	_ =	sdelay $0x1  }
0xa9: {  	s10 =	simm.s32 $0x10C00  }
0xaa: {  	[tilespmem:s10], [sflag:$0x1] =	stream.indirect_vreg.gather [hbm4b:s3+s2], $0x80, v4, vm0, $0xb8;
	[tilespmem:$0x1FC00] =	vst v63  }
0xab: {  	s11 =	simm.s32 $0x11400  }
0xac: {  	[tilespmem:s11], [sflag:$0x1] =	stream.indirect_vreg.gather [hbm4b:s3+s2], $0x80, v3, vm0, $0xb8;
	[tilespmem:$0x1FC00] =	vst v63  }
0xad: {  	v3 =	vld [tilespmem:$0xE0];
	_ =	sdelay $0x4  }
0xae: {  	v58 =	vshll.u32 v3, $0x1  }
0xaf: {  	v3 =	vand.u32 $0x7, v3;
	v4 =	vand.u32 $0xFFFFFFF0, v58  }
0xb0: {  	v3 =	vor.u32 v3, v4  }
0xb1: {  	v4 =	vperm.xlane v3, v0;
	_ =	sdelay $0x1  }
0xb2: {  	v3 =	vperm.xlane v3, v2;
	v4 =	vadd.s32 v1, v4;
	_ =	sdelay $0x1  }
0xb3: {  	v3 =	vadd.s32 v1, v3;
	_ =	sdelay $0x1  }
0xb4: {  	s12 =	simm.s32 $0x11C00  }
0xb5: {  	[tilespmem:s12], [sflag:$0x1] =	stream.indirect_vreg.gather [hbm4b:s3+s2], $0x80, v4, vm0, $0xb8;
	[tilespmem:$0x1FC00] =	vst v63  }
0xb6: {  	_ = 	snop  }
0xb7: {  	[tilespmem:s13], [sflag:$0x1] =	stream.indirect_vreg.gather [hbm4b:s3+s2], $0x80, v3, vm0, $0xb8;
	[tilespmem:$0x1FC00] =	vst v63  }
0xb8: {  	v3 =	vld [tilespmem:$0xF0];
	_ =	sdelay $0x4  }
0xb9: {  	v59 =	vshll.u32 v3, $0x1  }
0xba: {  	v3 =	vand.u32 $0x7, v3;
	v4 =	vand.u32 $0xFFFFFFF0, v59  }
0xbb: {  	v3 =	vor.u32 v3, v4  }
0xbc: {  	v4 =	vperm.xlane v3, v0;
	_ =	sdelay $0x1  }
0xbd: {  	v3 =	vperm.xlane v3, v2;
	v4 =	vadd.s32 v1, v4;
	_ =	sdelay $0x1  }
0xbe: {  	v3 =	vadd.s32 v1, v3;
	_ =	sdelay $0x2  }
0xbf: {  	[tilespmem:s14], [sflag:$0x1] =	stream.indirect_vreg.gather [hbm4b:s3+s2], $0x80, v4, vm0, $0xb8;
	[tilespmem:$0x1FC00] =	vst v63  }
0xc0: {  	_ = 	snop  }
0xc1: {  	[tilespmem:s15], [sflag:$0x1] =	stream.indirect_vreg.gather [hbm4b:s3+s2], $0x80, v3, vm0, $0xb8;
	[tilespmem:$0x1FC00] =	vst v63  }
0xc2: {  	v3 =	vld [tilespmem:$0x100];
	_ =	sdelay $0x4  }
0xc3: {  	v60 =	vshll.u32 v3, $0x1  }
0xc4: {  	v3 =	vand.u32 $0x7, v3;
	v4 =	vand.u32 $0xFFFFFFF0, v60  }
0xc5: {  	v3 =	vor.u32 v3, v4  }
0xc6: {  	v4 =	vperm.xlane v3, v0;
	_ =	sdelay $0x1  }
0xc7: {  	v3 =	vperm.xlane v3, v2;
	v4 =	vadd.s32 v1, v4;
	_ =	sdelay $0x1  }
0xc8: {  	v3 =	vadd.s32 v1, v3;
	_ =	sdelay $0x2  }
0xc9: {  	[tilespmem:s16], [sflag:$0x1] =	stream.indirect_vreg.gather [hbm4b:s3+s2], $0x80, v4, vm0, $0xb8;
	[tilespmem:$0x1FC00] =	vst v63  }
0xca: {  	_ = 	snop  }
0xcb: {  	[tilespmem:s17], [sflag:$0x1] =	stream.indirect_vreg.gather [hbm4b:s3+s2], $0x80, v3, vm0, $0xb8;
	[tilespmem:$0x1FC00] =	vst v63  }
0xcc: {  	v3 =	vld [tilespmem:$0x110];
	_ =	sdelay $0x4  }
0xcd: {  	v61 =	vshll.u32 v3, $0x1  }
0xce: {  	v3 =	vand.u32 $0x7, v3;
	v4 =	vand.u32 $0xFFFFFFF0, v61  }
0xcf: {  	v3 =	vor.u32 v3, v4  }
0xd0: {  	v4 =	vperm.xlane v3, v0;
	_ =	sdelay $0x1  }
0xd1: {  	v3 =	vperm.xlane v3, v2;
	v4 =	vadd.s32 v1, v4;
	_ =	sdelay $0x1  }
0xd2: {  	v3 =	vadd.s32 v1, v3;
	_ =	sdelay $0x2  }
0xd3: {  	[tilespmem:s18], [sflag:$0x1] =	stream.indirect_vreg.gather [hbm4b:s3+s2], $0x80, v4, vm0, $0xb8;
	[tilespmem:$0x1FC00] =	vst v63  }
0xd4: {  	_ = 	snop  }
0xd5: {  	[tilespmem:s19], [sflag:$0x1] =	stream.indirect_vreg.gather [hbm4b:s3+s2], $0x80, v3, vm0, $0xb8;
	[tilespmem:$0x1FC00] =	vst v63  }
0xd6: {  	v3 =	vld [tilespmem:$0x120];
	_ =	sdelay $0x4  }
0xd7: {  	v62 =	vshll.u32 v3, $0x1  }
0xd8: {  	v3 =	vand.u32 $0x7, v3;
	v4 =	vand.u32 $0xFFFFFFF0, v62  }
0xd9: {  	v3 =	vor.u32 v3, v4  }
0xda: {  	v4 =	vperm.xlane v3, v0;
	_ =	sdelay $0x1  }
0xdb: {  	v3 =	vperm.xlane v3, v2;
	v4 =	vadd.s32 v1, v4;
	_ =	sdelay $0x1  }
0xdc: {  	v3 =	vadd.s32 v1, v3;
	_ =	sdelay $0x2  }
0xdd: {  	[tilespmem:s20], [sflag:$0x1] =	stream.indirect_vreg.gather [hbm4b:s3+s2], $0x80, v4, vm0, $0xb8;
	[tilespmem:$0x1FC00] =	vst v63  }
0xde: {  	_ = 	snop  }
0xdf: {  	[tilespmem:s21], [sflag:$0x1] =	stream.indirect_vreg.gather [hbm4b:s3+s2], $0x80, v3, vm0, $0xb8;
	[tilespmem:$0x1FC00] =	vst v63  }
0xe0: {  	v3 =	vld [tilespmem:$0x130];
	_ =	sdelay $0x4  }
0xe1: {  	v63 =	vshll.u32 v3, $0x1  }
0xe2: {  	v3 =	vand.u32 $0x7, v3;
	v4 =	vand.u32 $0xFFFFFFF0, v63  }
0xe3: {  	v3 =	vor.u32 v3, v4  }
0xe4: {  	v4 =	vperm.xlane v3, v0;
	_ =	sdelay $0x1  }
0xe5: {  	v3 =	vperm.xlane v3, v2;
	v4 =	vadd.s32 v1, v4;
	_ =	sdelay $0x1  }
0xe6: {  	v3 =	vadd.s32 v1, v3;
	_ =	sdelay $0x1  }
0xe7: {  	s29 =	simm.s32 $0x140;
	s30 =	simm.s32 $0x5  }
0xe8: {  	[tilespmem:s22], [sflag:$0x1] =	stream.indirect_vreg.gather [hbm4b:s3+s2], $0x80, v4, vm0, $0xb8;
	[tilespmem:$0x1FC00] =	vst v63  }
0xe9: {  	s31 =	simm.s32 $0x500;
	s0 =	simm.s32 $0x0;
	s7 =	smov.u32 s1  }
0xea: {  	[tilespmem:s23], [sflag:$0x1] =	stream.indirect_vreg.gather [hbm4b:s3+s2], $0x80, v3, vm0, $0xb8;
	[tilespmem:$0x1FC00] =	vst v63  }
.LBB2_2:
0xeb: {  	s9 =	smulhi.u32 $0x24924925, s0;
	_ =	sdelay $0x1  }
0xec: {  	s10 =	ssub.s32 s0, s9  }
0xed: {  	s10 =	sshrl.u32 s10, $0x1  }
0xee: {  	s9 =	sadd.s32 s9, s10  }
0xef: {  	s9 =	sshrl.u32 s9, $0x2  }
0xf0: {  	s9 =	smul.u32 $0xFFF90000, s9  }
0xf1: {  	_ =	swait.ge [sflag:s24], $0x4000  }
0xf2: {  	p1 =	slt.u32 s0, $0x2;
	[sflag:s24] =	ssyncset.done $0x0;
	s9 =	sshra.s32 s9, $0x2  }
0xf3: {  	[sflag:s24] =	ssyncadd.s32 $0xFFFFC000;
	s0 =	sadd.s32 $0x5, s0;
	s9 =	sadd.s32 s9, s28  }
0xf4: {  	[hbm4b:s7+s2] =	stream.linear.scatter [tilespmem:s9], [sflag:$0x2], $0x4000, $0x38;
	[tilespmem:$0x1FC00] =	vst v63  }
0xf5: {  	p0 =	sge.u32 s0, s4;
	s9 =	simm.s32 @!p1 $0x2  }
0xf6: {  	s10 =	sand.u32 @!p0 $0x7FFFFE00, s31;
	_ =	swait.ge @!p1 [sflag:s9], $0x4000  }
0xf7: {  	s11 =	sand.u32 @!p0 $0x40, s29;
	s10 =	sshrl.u32 @!p0 s10, $0x2;
	[sflag:s9] =	ssyncset.done @!p1 $0x0  }
0xf8: {  	[sflag:s9] =	ssyncadd.s32 @!p1 $0xFFFFC000;
	s9 =	sor.u32 @!p0 s11, s10  }
0xf9: {  	v3 =	vld @!p0 [tilespmem:s9+$0x0];
	_ =	sdelay $0x2  }
0xfa: {  	s10 =	smulhi.u32 $0x24924925, s30;
	_ =	sdelay $0x1  }
0xfb: {  	s12 =	ssub.s32 s30, s10;
	v4 =	vshll.u32 @!p0 v3, $0x1  }
0xfc: {  	v5 =	vlaneseq.u32 @!p0;
	s11 =	sshrl.u32 s12, $0x1;
	v3 =	vand.u32 @!p0 $0x7, v3;
	v4 =	vand.u32 @!p0 $0xFFFFFFF0, v4  }
0xfd: {  	v6 =	vshrl.u32 @!p0 v5, $0x3;
	s10 =	sadd.s32 s10, s11;
	v3 =	vor.u32 @!p0 v3, v4;
	v4 =	vand.u32 @!p0 $0x7, v5  }
0xfe: {  	v6 =	vmul.u32 @!p0 $0x8, v6;
	s10 =	sshrl.u32 s10, $0x2;
	v7 =	vperm.xlane @!p0 v3, v4  }
0xff: {  	s10 =	smul.u32 $0x70000, s10;
	v5 =	vor.u32 @!p0 $0x8, v5  }
0x100: {  	v3 =	vperm.xlane @!p0 v3, v5;
	v7 =	vadd.s32 @!p0 v6, v7  }
0x101: {  	s10 =	ssub.s32 $0x5E000, s10  }
0x102: {  	s10 =	sshra.s32 @!p0 s10, $0x2;
	v3 =	vadd.s32 @!p0 v6, v3  }
0x103: {  	s10 =	sadd.s32 @!p0 s10, s28  }
0x104: {  	vm1 =	vmmov @!p0 $0xffff;
	s12 =	simm.s32 @!p0 $0x0;
	s11 =	sadd.s32 @!p0 $0xFFFFC800, s10  }
0x105: {  	[tilespmem:s11], [sflag:$0x1] =	stream.indirect_vreg.gather @!p0 [hbm4b:s3+s12], $0x80, v7, vm1, $0xb8;
	[tilespmem:$0x1FC00] =	vst v63  }
0x106: {  	s11 =	sadd.s32 @!p0 $0xFFFFD000, s10  }
0x107: {  	[tilespmem:s11], [sflag:$0x1] =	stream.indirect_vreg.gather @!p0 [hbm4b:s3+s12], $0x80, v3, vm1, $0xb8;
	[tilespmem:$0x1FC00] =	vst v63  }
0x108: {  	v3 =	vld @!p0 [tilespmem:s9+$0x10];
	_ =	sdelay $0x4  }
0x109: {  	v7 =	vshll.u32 @!p0 v3, $0x1  }
0x10a: {  	v3 =	vand.u32 @!p0 $0x7, v3;
	v7 =	vand.u32 @!p0 $0xFFFFFFF0, v7  }
0x10b: {  	v3 =	vor.u32 @!p0 v3, v7  }
0x10c: {  	v7 =	vperm.xlane @!p0 v3, v4;
	_ =	sdelay $0x1  }
0x10d: {  	v3 =	vperm.xlane @!p0 v3, v5;
	v7 =	vadd.s32 @!p0 v6, v7;
	_ =	sdelay $0x1  }
0x10e: {  	v3 =	vadd.s32 @!p0 v6, v3;
	_ =	sdelay $0x1  }
0x10f: {  	s11 =	sadd.s32 @!p0 $0xFFFFD800, s10  }
0x110: {  	[tilespmem:s11], [sflag:$0x1] =	stream.indirect_vreg.gather @!p0 [hbm4b:s3+s12], $0x80, v7, vm1, $0xb8;
	[tilespmem:$0x1FC00] =	vst v63  }
0x111: {  	s11 =	sadd.s32 @!p0 $0xFFFFE000, s10  }
0x112: {  	[tilespmem:s11], [sflag:$0x1] =	stream.indirect_vreg.gather @!p0 [hbm4b:s3+s12], $0x80, v3, vm1, $0xb8;
	[tilespmem:$0x1FC00] =	vst v63  }
0x113: {  	v3 =	vld @!p0 [tilespmem:s9+$0x20];
	_ =	sdelay $0x4  }
0x114: {  	v7 =	vshll.u32 @!p0 v3, $0x1  }
0x115: {  	v3 =	vand.u32 @!p0 $0x7, v3;
	v7 =	vand.u32 @!p0 $0xFFFFFFF0, v7  }
0x116: {  	v3 =	vor.u32 @!p0 v3, v7  }
0x117: {  	v7 =	vperm.xlane @!p0 v3, v4;
	_ =	sdelay $0x1  }
0x118: {  	v3 =	vperm.xlane @!p0 v3, v5;
	v7 =	vadd.s32 @!p0 v6, v7;
	_ =	sdelay $0x1  }
0x119: {  	v3 =	vadd.s32 @!p0 v6, v3;
	_ =	sdelay $0x1  }
0x11a: {  	s11 =	sadd.s32 @!p0 $0xFFFFE800, s10  }
0x11b: {  	[tilespmem:s11], [sflag:$0x1] =	stream.indirect_vreg.gather @!p0 [hbm4b:s3+s12], $0x80, v7, vm1, $0xb8;
	[tilespmem:$0x1FC00] =	vst v63  }
0x11c: {  	s11 =	sadd.s32 @!p0 $0xFFFFF000, s10  }
0x11d: {  	[tilespmem:s11], [sflag:$0x1] =	stream.indirect_vreg.gather @!p0 [hbm4b:s3+s12], $0x80, v3, vm1, $0xb8;
	[tilespmem:$0x1FC00] =	vst v63  }
0x11e: {  	v3 =	vld @!p0 [tilespmem:s9+$0x30];
	_ =	sdelay $0x4  }
0x11f: {  	v7 =	vshll.u32 @!p0 v3, $0x1  }
0x120: {  	v3 =	vand.u32 @!p0 $0x7, v3;
	v7 =	vand.u32 @!p0 $0xFFFFFFF0, v7  }
0x121: {  	v3 =	vor.u32 @!p0 v3, v7  }
0x122: {  	v4 =	vperm.xlane @!p0 v3, v4;
	_ =	sdelay $0x1  }
0x123: {  	v3 =	vperm.xlane @!p0 v3, v5;
	v4 =	vadd.s32 @!p0 v6, v4;
	_ =	sdelay $0x1  }
0x124: {  	v3 =	vadd.s32 @!p0 v6, v3;
	_ =	sdelay $0x1  }
0x125: {  	s9 =	sadd.s32 @!p0 $0xFFFFF800, s10  }
0x126: {  	[tilespmem:s9], [sflag:$0x1] =	stream.indirect_vreg.gather @!p0 [hbm4b:s3+s12], $0x80, v4, vm1, $0xb8;
	[tilespmem:$0x1FC00] =	vst v63  }
0x127: {  	s0 =	sadd.s32 $0xFFFFFFFC, s0  }
0x128: {  	[tilespmem:s10], [sflag:$0x1] =	stream.indirect_vreg.gather @!p0 [hbm4b:s3+s12], $0x80, v3, vm1, $0xb8;
	[tilespmem:$0x1FC00] =	vst v63  }
0x129: {  	p0 =	sne.s32 s0, s4  }
.Ltmp0:
0x12a: {  	_ = 	snop;
	(pc) =	sbr.rel @p0 .LBB2_2-.Ltmp0, $3  }
0x12b: {  	_ =	sdelay $0x1  }
0x12c: {  	s29 =	sadd.s32 $0x40, s29;
	s31 =	sadd.s32 $0x100, s31  }
0x12d: {  	s7 =	sadd.s32 $0x800, s7;
	s30 =	sadd.s32 $0x1, s30;
	s28 =	sadd.s32 $0x4000, s28  }
0x12e: {  	s26 =	sadd.s32 $0x1, s26  }
0x12f: {  	_ =	swait.ge [sflag:s25], $0x4000;
	p0 =	sne.s32 s26, s6  }
.Ltmp1:
0x130: {  	[sflag:s25] =	ssyncset.done $0x0;
	(pc) =	sbr.rel @p0 .LBB2_1-.Ltmp1, $4  }
0x131: {  	[sflag:s25] =	ssyncadd.s32 $0xFFFFC000  }
0x132: {  	_ =	swait.ge [sflag:s25], $0x4000  }
0x133: {  	[sflag:s25] =	ssyncset.done $0x0  }
0x134: {  	[sflag:s25] =	ssyncadd.s32 $0xFFFFC000  }
0x135: {  	_ =	sfence.sel $0x180000  }
0x136: {  	[bflag:$0x0] =	sbarrier.arrive $0xFFFF  }
0x137: {  	_ =	strace $0x90000050  }
0x138: {  	s0 =	stileid.u32;
	[bflag:$0x2] =	sbarrier.arrive $0xFFFF  }
0x139: {  	p0 =	sne.s32 s0, $0x0;
	s0 =	rddreg [dreg:$0x1]  }
0x13a: {  	s0 =	sadd.s32 @!p0 $0x100000, s0  }
0x13b: {  	[sflag:s0] =	ssyncadd.tile.s32 @!p0 $0x1;
	_ =	shalt  }
.Lfunc_end2:
_tile_overlayer_lowered:
.L_overlay_start_2:
0x13c: {  	(tag) =	ssettag $0x2  }
0x13d: {  	s0 =	rddreg [dreg:$0x0];
	s2 =	stileid.u32  }
0x13e: {  	s1 =	rddreg [dreg:$0x1];
	p0 =	sne.s32 s2, $0x0  }
0x13f: {  	s3 =	rddreg [dreg:$0x2];
	[bflag:$0x3] =	sbarrier.arrive $0xFFFF;
	s2 =	simm.s32 @!p0 $0x1C03  }
0x140: {  	[timem:s3], [sflag:s2] =	dma.local @!p0 [hbm:s0], s1  }
0x141: {  	s0 =	simm.s32 @!p0 $0x3  }
0x142: {  	_ =	swait.ge @!p0 [sflag:s0], s1  }
0x143: {  	s1 =	ssub.s32 @!p0 $0x0, s1;
	[sflag:s0] =	ssyncset.done @!p0 $0x0  }
0x144: {  	[sflag:s0] =	ssyncadd.s32 @!p0 s1  }
0x145: {  	[bflag:$0x3] =	sbarrier.arrive $0xFFFF  }
0x146: {  	_ =	shalt  }

// kernel: kernel.30.cloned.1.call-start
scs
__scs_entry_jumppad:
0x0: {  	(pc) =	sbr.rel $0x88, $3  }
0x1: {  	(tag) =	ssettag $0x0;
	lr =	simm.s32 $0x1  }
0x2: {  	[smem:$0x3F93] =	sst lr;
	_ =	strace $0xD0000000  }
0x3: {  	_ = 	snop  }
0x4: {  	_ = 	snop  }
0x5: {  	_ = 	snop  }
0x6: {  	_ = 	snop  }
0x7: {  	_ = 	snop  }
__scs_overlays_trampoline_lowered:
0x8: {  	[smem:$0x3FA2] =	sst s0  }
0x9: {  	[smem:$0x3FA3] =	sst s1  }
0xa: {  	[smem:$0x3FA4] =	sst s2  }
0xb: {  	[smem:$0x3FA5] =	sst s3  }
0xc: {  	[smem:$0x3FA6] =	sst s4  }
0xd: {  	[smem:$0x3FA7] =	sst s5  }
0xe: {  	[smem:$0x3FA8] =	sst s6  }
0xf: {  	[smem:$0x3FA9] =	sst s7  }
0x10: {  	[smem:$0x3FAA] =	sst s8  }
0x11: {  	[smem:$0x3FAB] =	sst s9;
	s0 =	simm.s32 @!p0 $0x0  }
0x12: {  	s1 =	sld [smem:$0x3F91];
	s0 =	simm.s32 @p0 $0x1  }
0x13: {  	[smem:$0x3FAC] =	sst s0;
	s0 =	simm.s32 @!p1 $0x0  }
0x14: {  	s2 =	sld [smem:$0x3F90];
	s0 =	simm.s32 @p1 $0x1  }
0x15: {  	[smem:$0x3FAD] =	sst s0;
	s0 =	simm.s32 @!p2 $0x0  }
0x16: {  	s3 =	sld [smem:$0x3FDB];
	s0 =	simm.s32 @p2 $0x1  }
0x17: {  	s4 =	simm.s32 $0x1BF5;
	[smem:$0x3FAF] =	sst s0  }
0x18: {  	s0 =	sld [smem:$0x3F92];
	_ =	swait.ge [sflag:s4], $0x0  }
0x19: {  	s7 =	sld [smem:$0x3F93]  }
0x1a: {  	s8 =	sadd.s32 $0xFFFFE003, lr  }
0x1b: {  	s9 =	sadd.s32 $0xFFFFFEF7, lr;
	s5 =	simm.s32 $0xFFFFFFFF;
	p2 =	slt.u32 s8, $0xFFFFF086  }
0x1c: {  	p1 =	slt.u32 s9, $0xF7A;
	s5 =	simm.s32 @!p2 $0x0  }
0x1d: {  	s5 =	simm.s32 @p1 $0x1;
	p0 =	seq.s32 s7, s2  }
0x1e: {  	s7 =	smul.u32 @!p0 $0xF7A, s2;
	p2 =	seq.s32 @!p0 s5, $0x0  }
0x1f: {  	s9 =	smul.u32 $0xF7A, s1;
	s8 =	simm.s32 @!p0 $0x1BF5;
	p2 =	por !p2, p0  }
0x20: {  	[sflag:s8] =	ssyncset.s32 @!p0 $0xFFFFF086;
	s6 =	sadd.s32 @!p0 s3, s7;
	s7 =	simm.s32 @!p0 $0x108  }
0x21: {  	s3 =	sadd.s32 s3, s9;
	s6 =	sadd.s32 @!p0 $0x88, s6;
	s7 =	simm.s32 @p2 $0x1082  }
0x22: {  	[simem:s7], [sflag:s8] =	dma.local @!p0 [hbm:s6], $0xF7A  }
0x23: {  	s9 =	sor.u32 $0xD0000000, s2;
	s6 =	simm.s32 $0x108;
	_ =	swait.ge @!p0 [sflag:s8], $0x0  }
0x24: {  	s3 =	sadd.s32 $0x88, s3;
	s6 =	simm.s32 @!p1 $0x1082;
	[sflag:s4] =	ssyncset.s32 $0xFFFFF086  }
0x25: {  	[simem:s6], [sflag:s4] =	dma.local [hbm:s3], $0xF7A  }
0x26: {  	[smem:$0x3F93] =	sst s1;
	(tag) =	ssettag s2;
	_ =	strace s9  }
0x27: {  	s1 =	sld [smem:$0x3FA3]  }
0x28: {  	s2 =	sld [smem:$0x3FA4]  }
0x29: {  	s4 =	sld [smem:$0x3FA6]  }
0x2a: {  	p0 =	seq.s32 s5, $0x0;
	s5 =	sld [smem:$0x3FA7]  }
0x2b: {  	s6 =	sld [smem:$0x3FA8]  }
0x2c: {  	s7 =	sld [smem:$0x3FA9]  }
0x2d: {  	s3 =	simm.s32 $0x108;
	s8 =	sld [smem:$0x3FAA]  }
0x2e: {  	s3 =	simm.s32 @!p0 $0x1082;
	s9 =	sld [smem:$0x3FAB]  }
0x2f: {  	lr =	sadd.s32 s0, s3;
	s0 =	sld [smem:$0x3FA2]  }
0x30: {  	s3 =	sld [smem:$0x3FA5]  }
0x31: {  	[smem:$0x3FAE] =	sst s10  }
0x32: {  	s10 =	sld [smem:$0x3FAC];
	_ =	sdelay $0x3  }
0x33: {  	p0 =	seq.s32 s10, $0x1;
	s10 =	sld [smem:$0x3FAE];
	_ =	sdelay $0x3  }
0x34: {  	[smem:$0x3FAE] =	sst s10  }
0x35: {  	s10 =	sld [smem:$0x3FAD];
	_ =	sdelay $0x3  }
0x36: {  	p1 =	seq.s32 s10, $0x1;
	s10 =	sld [smem:$0x3FAE];
	_ =	sdelay $0x3  }
0x37: {  	[smem:$0x3FAE] =	sst s10  }
0x38: {  	s10 =	sld [smem:$0x3FAF]  }
0x39: {  	_ = 	snop;
	(pc) =	sbr.ind lr, $3  }
0x3a: {  	_ = 	snop  }
0x3b: {  	_ = 	snop  }
0x3c: {  	p2 =	seq.s32 s10, $0x1;
	s10 =	sld [smem:$0x3FAE]  }
0x3d: {  	_ =	shalt  }
0x3e: {  	_ =	shalt  }
0x3f: {  	_ =	shalt  }
0x40: {  	_ =	shalt  }
0x41: {  	_ =	shalt  }
0x42: {  	_ =	shalt  }
0x43: {  	_ =	shalt  }
0x44: {  	_ =	shalt  }
0x45: {  	_ =	shalt  }
0x46: {  	_ =	shalt  }
0x47: {  	_ =	shalt  }
0x48: {  	_ =	shalt  }
0x49: {  	_ =	shalt  }
0x4a: {  	_ =	shalt  }
0x4b: {  	_ =	shalt  }
0x4c: {  	_ =	shalt  }
0x4d: {  	_ =	shalt  }
0x4e: {  	_ =	shalt  }
0x4f: {  	_ =	shalt  }
0x50: {  	_ =	shalt  }
0x51: {  	_ =	shalt  }
0x52: {  	_ =	shalt  }
0x53: {  	_ =	shalt  }
0x54: {  	_ =	shalt  }
0x55: {  	_ =	shalt  }
0x56: {  	_ =	shalt  }
0x57: {  	_ =	shalt  }
0x58: {  	_ =	shalt  }
0x59: {  	_ =	shalt  }
0x5a: {  	_ =	shalt  }
0x5b: {  	_ =	shalt  }
0x5c: {  	_ =	shalt  }
0x5d: {  	_ =	shalt  }
0x5e: {  	_ =	shalt  }
0x5f: {  	_ =	shalt  }
0x60: {  	_ =	shalt  }
0x61: {  	_ =	shalt  }
0x62: {  	_ =	shalt  }
0x63: {  	_ =	shalt  }
0x64: {  	_ =	shalt  }
0x65: {  	_ =	shalt  }
0x66: {  	_ =	shalt  }
0x67: {  	_ =	shalt  }
0x68: {  	_ =	shalt  }
0x69: {  	_ =	shalt  }
0x6a: {  	_ =	shalt  }
0x6b: {  	_ =	shalt  }
0x6c: {  	_ =	shalt  }
0x6d: {  	_ =	shalt  }
0x6e: {  	_ =	shalt  }
0x6f: {  	_ =	shalt  }
0x70: {  	_ =	shalt  }
0x71: {  	_ =	shalt  }
0x72: {  	_ =	shalt  }
0x73: {  	_ =	shalt  }
0x74: {  	_ =	shalt  }
0x75: {  	_ =	shalt  }
0x76: {  	_ =	shalt  }
0x77: {  	_ =	shalt  }
0x78: {  	_ =	shalt  }
0x79: {  	_ =	shalt  }
0x7a: {  	_ =	shalt  }
0x7b: {  	_ =	shalt  }
0x7c: {  	_ =	shalt  }
0x7d: {  	_ =	shalt  }
0x7e: {  	_ =	shalt  }
0x7f: {  	_ =	shalt  }
0x80: {  	_ =	shalt  }
0x81: {  	_ =	shalt  }
0x82: {  	_ =	shalt  }
0x83: {  	_ =	shalt  }
0x84: {  	_ =	shalt  }
0x85: {  	_ =	shalt  }
0x86: {  	_ =	shalt  }
0x87: {  	_ =	shalt  }
.Lfunc_end0:
.L_simem_size_0:
called_computation.4_lowered:
.L_overlay_start_0:
0x88: {  	s2 =	sld [smem:$0x3FD9]  }
0x89: {  	s3 =	sld [smem:$0x3FFE];
	_ =	sdelay $0x1  }
0x8a: {  	s1 =	srdreg.scid  }
0x8b: {  	s0 =	sand.u32 $0x1, s1  }
0x8c: {  	s16 =	sshll.u32 s0, $0xA;
	s2 =	sadd.s32 s3, s2  }
0x8d: {  	s2 =	sadd.s32 s2, s16  }
0x8e: {  	[smem:$0x3FBA] =	sst s2  }
0x8f: {  	_ = 	snop  }
0x90: {  	(tm) =	ssettm $0x1  }
0x91: {  	s17 =	sld [smem:$0x3FFB];
	_ =	sdelay $0x3  }
0x92: {  	_ =	strace s17  }
0x93: {  	s2 =	sld [smem:$0x3FFC];
	_ =	sdelay $0x3  }
0x94: {  	_ =	strace s2  }
0x95: {  	s2 =	sld [smem:$0x3FFD];
	_ =	sdelay $0x3  }
0x96: {  	_ =	strace s2  }
0x97: {  	_ =	strace $0x8FFFFFFF  }
0x98: {  	s18 =	sld [smem:$0x3FDB];
	_ =	sdelay $0x1  }
0x99: {  	s19 =	simm.s32 $_scs_section_size  }
0x9a: {  	s4 =	simm.s32 $_size__tile_overlayer_lowered;
	s5 =	simm.s32 $_tile_overlayer_lowered  }
0x9b: {  	s22 =	simm.s32 $0x1BFF;
	s21 =	sshll.u32 s5, $0x1;
	s2 =	sadd.s32 s19, s18  }
0x9c: {  	s6 =	simm.s32 $0x0;
	s20 =	sshll.u32 s4, $0x1;
	s4 =	sadd.s32 s21, s2  }
0x9d: {  	[timem:s6], [sflag:s22] =	dma.local [hbm:s4], s20  }
0x9e: {  	_ =	swait.ge [sflag:s22], s20  }
0x9f: {  	s3 =	ssub.s32 $0x0, s20;
	[sflag:s22] =	ssyncset.done $0x0  }
0xa0: {  	[sflag:s22] =	ssyncadd.s32 s3;
	_ =	sdelay $0x1  }
0xa1: {  	s23 =	simm.s32 $0x1B8B  }
0xa2: {  	_ =	swait.ge [sflag:s23], $0x1  }
0xa3: {  	[sflag:s23] =	ssyncset.done $0x0  }
0xa4: {  	s25 =	simm.s32 $0x1B8E;
	s24 =	sld [smem:$0x3FFE];
	[sflag:s23] =	ssyncadd.s32 $0xFFFFFFFF  }
0xa5: {  	s26 =	simm.s32 $execute0_lowered;
	[smem:$0x3FD2] =	sst s25  }
0xa6: {  	s4 =	sshll.u32 s26, $0x1;
	_ =	strace $0x80000052;
	[dreg:$0x1] =	wrdreg $0xFFFFFFFF  }
0xa7: {  	s28 =	simm.s32 $_size_execute0_lowered;
	s2 =	sadd.s32 s2, s4;
	[dreg:$0x0] =	wrdreg $0x0  }
0xa8: {  	s4 =	sshll.u32 s28, $0x1;
	[dreg:$0x2] =	wrdreg s2  }
0xa9: {  	[dreg:$0x3] =	wrdreg s4  }
0xaa: {  	[dreg:$0x4] =	wrdreg $0xC0  }
0xab: {  	_ =	task [dreg:s6], $0x5FFFF  }
0xac: {  	[dreg:$0x1] =	wrdreg $0xFFFFFFFF  }
0xad: {  	[dreg:$0x0] =	wrdreg $0x60  }
0xae: {  	[dreg:$0x2] =	wrdreg s24  }
0xaf: {  	[dreg:$0x3] =	wrdreg $0xC2000  }
0xb0: {  	[dreg:$0x4] =	wrdreg $0x9  }
0xb1: {  	_ =	task.clear_ibuf [dreg:s6], $0x5FFFF;
	_ =	strace $0x90000052  }
0xb2: {  	s29 =	simm.s32 $0x9;
	_ =	strace $0x80000054  }
0xb3: {  	_ =	swait.ge [sflag:s29], $0x1  }
0xb4: {  	[sflag:s29] =	ssyncadd.s32 $0xFFFFFFFF  }
0xb5: {  	_ =	strace $0x90000054  }
0xb6: {  	_ =	sfence  }
0xb7: {  	s30 =	sld [smem:$0x0];
	_ =	sdelay $0x2  }
0xb8: {  	s31 =	sshll.u32 s1, $0xD;
	s1 =	sshrl.u32 s1, $0x2  }
0xb9: {  	s3 =	sand.u32 $0x4000, s31;
	s1 =	sadd.s32 s1, s30  }
0xba: {  	s0 =	sor.u32 s3, s0;
	s1 =	sshll.u32 s1, $0x11  }
0xbb: {  	s0 =	sor.u32 s1, s0  }
0xbc: {  	s0 =	sadd.s32 $0x8F2B, s0  }
0xbd: {  	[sflag:s0] =	ssyncadd.remote.s32 $0x1  }
0xbe: {  	_ =	sfence.sel $0xFFFF  }
0xbf: {  	[dreg:$0x0] =	wrdreg $0xFFFFFFFF;
	(pc) =	sbr.abs _section_cstart, $3  }
0xc0: {  	[dreg:$0x1] =	wrdreg $0xFFFFFFFF  }
0xc1: {  	_ =	task.clear_ibuf [dreg:s6], $0x2FFFF;
	_ =	strace $0x9FFFFFFF  }
0xc2: {  	(tm) =	ssettm $0x7FFFFFFF  }
0xc3: {  	_ =	shalt  }
tec
execute0_lowered:
.L_overlay_start_1:
0x0: {  	(tag) =	ssettag $0x1  }
0x1: {  	s6 =	rddreg [dreg:$0x0]  }
0x2: {  	s1 =	rddreg [dreg:$0x1]  }
0x3: {  	s0 =	rddreg [dreg:$0x2];
	s2 =	simm.s32 $0x0;
	s3 =	stileid.u32  }
0x4: {  	s7 =	srdreg.scid;
	s19 =	simm.s32 $0x3;
	s20 =	simm.s32 $0x1  }
0x5: {  	s21 =	simm.s32 $0x80;
	s22 =	simm.s32 $0x2;
	s23 =	simm.s32 $0x0  }
0x6: {  	[smem:$0x7FF] =	sst s2;
	s4 =	sadd.s32 $0x19F4200, s6;
	s8 =	smul.u32 $0x4F000, s3  }
0x7: {  	s5 =	sadd.s32 $0x7C00, s6;
	s15 =	sadd.s32 $0x1C200, s6;
	s13 =	smul.u32 $0x280000, s3  }
0x8: {  	s7 =	sand.u32 $0x1, s7;
	s17 =	smul.u32 $0x13C00, s3;
	p0 =	sne.s32 s3, $0x0  }
0x9: {  	_ =	strace $0x80000053;
	s9 =	ssub.s32 $0x2, s7;
	s12 =	smul.u32 $0x140000, s7  }
0xa: {  	s11 =	smul.u32 $0x2800000, s7;
	s28 =	sshrl.u32 s8, $0x2;
	s29 =	sshrl.u32 s9, $0x1  }
0xb: {  	s6 =	sadd.s32 s28, s1;
	s16 =	ssub.s32 s9, s29;
	s14 =	sshrl.u32 s12, $0x3  }
0xc: {  	s18 =	sadd.s32 s13, s11;
	s11 =	smul.u32 $0xA00, s3;
	s30 =	sadd.s32 s17, s12  }
.Ltmp0:
0xd: {  	s7 =	sadd.s32 $0x4000, s6;
	s8 =	sadd.s32 $0x8000, s6;
	(pc) =	sbr.rel .LBB2_1-.Ltmp0, $4  }
0xe: {  	s9 =	sadd.s32 $0xC000, s6;
	s10 =	sadd.s32 $0x10000, s6;
	s14 =	sadd.s32 s15, s14  }
0xf: {  	s31 =	sshrl.u32 s18, $0x3;
	s17 =	sshrl.u32 s30, $0x3;
	s16 =	smax.u32 s16, $0x1  }
0x10: {  	s12 =	sadd.s32 $0x27800, s14;
	s13 =	sadd.s32 s4, s31;
	s14 =	sadd.s32 s5, s11  }
0x11: {  	v0 =	vimm.f32 $0.0e+00;
	s15 =	sadd.s32 s15, s17;
	s17 =	sor.u32 $0x4000, s18;
	s18 =	simm.s32 $0x200  }
.LBB2_6:
0x12: {  	_ =	swait.ge [sflag:s22], $0x4000  }
0x13: {  	[sflag:s22] =	ssyncset.done $0x0  }
0x14: {  	[sflag:s22] =	ssyncadd.s32 $0xFFFFC000  }
0x15: {  	_ =	swait.ge [sflag:s22], $0x4000  }
0x16: {  	s24 =	sshll.u32 s3, $0x6;
	s23 =	sadd.s32 $0x1, s23;
	[sflag:s22] =	ssyncset.done $0x0  }
0x17: {  	s25 =	sshrl.u32 s6, $0x3;
	p1 =	sne.s32 s23, s16;
	[sflag:s22] =	ssyncadd.s32 $0xFFFFC000  }
.Ltmp1:
0x18: {  	s24 =	sor.u32 $0x1C03, s24;
	[bflag:$0x0] =	sbarrier.arrive $0xFFFF;
	(pc) =	sbr.rel @!p1 .LBB2_7-.Ltmp1, $4  }
0x19: {  	[hbm:s15], [sflag:s24] =	dma.local [spmem:s25], $0x2780  }
0x1a: {  	_ =	swait.ge [sflag:s19], $0x2780  }
0x1b: {  	[sflag:s19] =	ssyncset.done $0x0  }
0x1c: {  	[sflag:s19] =	ssyncadd.s32 $0xFFFFD880  }
.LBB2_1:
0x1d: {  	s24 =	simm.s32 $0x0;
	s25 =	simm.s32 $0x200  }
.LBB2_2:
0x1e: {  	p1 =	sne.s32 s25, $0xFE00;
	[tilespmem:s24+$0x270] =	vst v0  }
0x1f: {  	[tilespmem:s24+$0x200] =	vst v0  }
0x20: {  	[tilespmem:s24+$0x210] =	vst v0  }
.Ltmp2:
0x21: {  	[tilespmem:s24+$0x220] =	vst v0;
	(pc) =	sbr.rel @p1 .LBB2_2-.Ltmp2, $4  }
0x22: {  	[tilespmem:s24+$0x230] =	vst v0  }
0x23: {  	[tilespmem:s24+$0x240] =	vst v0  }
0x24: {  	[tilespmem:s24+$0x250] =	vst v0  }
0x25: {  	[tilespmem:s24+$0x260] =	vst v0;
	s24 =	sshra.s32 s25, $0x2;
	s25 =	sadd.s32 $0x200, s25  }
0x26: {  	[tilespmem:s24+$0x270] =	vst v0  }
0x27: {  	[tilespmem:s24+$0x200] =	vst v0  }
0x28: {  	[tilespmem:s24+$0x210] =	vst v0  }
0x29: {  	[tilespmem:s24+$0x220] =	vst v0  }
0x2a: {  	[tilespmem:s24+$0x230] =	vst v0  }
0x2b: {  	[tilespmem:s24+$0x240] =	vst v0  }
0x2c: {  	[tilespmem:s24+$0x250] =	vst v0  }
0x2d: {  	[tilespmem:s24+$0x260] =	vst v0  }
0x2e: {  	[spmem:s6] =	stream.linear.scatter [tilespmem:s18], [sflag:$0x3], $0x4000, $0x38;
	[tilespmem:$0x1FE00] =	vst v63  }
0x2f: {  	_ =	swait.ge [sflag:s19], $0x4000  }
0x30: {  	[sflag:s19] =	ssyncset.done $0x0  }
0x31: {  	[sflag:s19] =	ssyncadd.s32 $0xFFFFC000  }
0x32: {  	[spmem:s7] =	stream.linear.scatter [tilespmem:s18], [sflag:$0x3], $0x4000, $0x38;
	[tilespmem:$0x1FE00] =	vst v63  }
0x33: {  	_ =	swait.ge [sflag:s19], $0x4000  }
0x34: {  	[sflag:s19] =	ssyncset.done $0x0  }
0x35: {  	[sflag:s19] =	ssyncadd.s32 $0xFFFFC000  }
0x36: {  	[spmem:s8] =	stream.linear.scatter [tilespmem:s18], [sflag:$0x3], $0x4000, $0x38;
	[tilespmem:$0x1FE00] =	vst v63  }
0x37: {  	_ =	swait.ge [sflag:s19], $0x4000  }
0x38: {  	[sflag:s19] =	ssyncset.done $0x0  }
0x39: {  	[sflag:s19] =	ssyncadd.s32 $0xFFFFC000  }
0x3a: {  	[spmem:s9] =	stream.linear.scatter [tilespmem:s18], [sflag:$0x3], $0x4000, $0x38;
	[tilespmem:$0x1FE00] =	vst v63  }
0x3b: {  	_ =	swait.ge [sflag:s19], $0x4000  }
0x3c: {  	[sflag:s19] =	ssyncset.done $0x0  }
0x3d: {  	[sflag:s19] =	ssyncadd.s32 $0xFFFFC000  }
0x3e: {  	[spmem:s10] =	stream.linear.scatter [tilespmem:s18], [sflag:$0x3], $0x3C00, $0x38;
	[tilespmem:$0x1FE00] =	vst v63  }
0x3f: {  	_ =	swait.ge [sflag:s19], $0x3C00  }
0x40: {  	[sflag:s19] =	ssyncset.done $0x0  }
0x41: {  	s24 =	simm.s32 @!p0 $0x0;
	s25 =	simm.s32 @!p0 $0x200;
	[sflag:s19] =	ssyncadd.s32 $0xFFFFC400  }
0x42: {  	[hbm4b:s12+s24] =	stream.linear.scatter @!p0 [tilespmem:s25], [sflag:$0x3], $0x4000, $0x38;
	[tilespmem:$0x1FE00] =	vst v63  }
0x43: {  	s24 =	simm.s32 @!p0 $0x3  }
0x44: {  	_ =	swait.ge @!p0 [sflag:s24], $0x4000  }
0x45: {  	s28 =	simm.s32 $0x0;
	[sflag:s24] =	ssyncset.done @!p0 $0x0  }
0x46: {  	s26 =	smov.u32 s17;
	s29 =	smov.u32 s14;
	[sflag:s24] =	ssyncadd.s32 @!p0 $0xFFFFC000  }
0x47: {  	s25 =	simm.s32 $0x10;
	s24 =	simm.s32 $0x1;
	[bflag:$0x0] =	sbarrier.arrive $0xFFFF  }
0x48: {  	[tilespmem:s18], [sflag:$0x1] =	stream.linear.gather [hbm4b:s13+s28], $0x4000, $0x38;
	[tilespmem:$0x1FE00] =	vst v63  }
.LBB2_4:
0x49: {  	s30 =	sadd.s32 $0xFFFFFFFF, s24  }
0x4a: {  	s31 =	smul.u32 $0xAB, s30  }
0x4b: {  	[tilespmem:s28], [sflag:$0x1] =	stream.linear.gather [hbm4b:s29+s2], $0x80, $0x38;
	[tilespmem:$0x1FE00] =	vst v63  }
0x4c: {  	s29 =	sshrl.u32 s31, $0x9  }
0x4d: {  	s28 =	sand.u32 $0x7F, s29  }
0x4e: {  	_ =	swait.ge [sflag:s20], $0x4000;
	s28 =	smul.u32 $0x3, s28  }
0x4f: {  	[sflag:s20] =	ssyncset.done $0x0  }
0x50: {  	p1 =	slt.u32 s30, $0x2;
	[sflag:s20] =	ssyncadd.s32 $0xFFFFC000;
	s28 =	ssub.s32 s30, s28  }
0x51: {  	p2 =	seq.s32 @!p1 s24, $0xA0;
	_ =	swait.ge [sflag:s20], $0x80;
	s28 =	sand.u32 $0xFF, s28  }
0x52: {  	p2 =	por p1, !p2;
	[sflag:s20] =	ssyncset.done $0x0;
	s31 =	sshll.u32 s28, $0xE  }
0x53: {  	[sflag:s20] =	ssyncadd.s32 $0xFFFFFF80;
	s28 =	sshll.u32 s28, $0x7;
	s29 =	sor.u32 $0x200, s31  }
0x54: {  	[spmem:s1] =	stream.indirect.scatter.add.f32 [tilespmem:s29], [sflag:$0x2], $0x80, s28, s21, $0xb8;
	[tilespmem:$0x1FE00] =	vst v63  }
.Ltmp3:
0x55: {  	_ = 	snop;
	(pc) =	sbr.rel @!p2 .LBB2_6-.Ltmp3, $4  }
0x56: {  	s28 =	simm.s32 @!p1 $0x2  }
0x57: {  	_ =	swait.ge @!p1 [sflag:s28], $0x4000  }
0x58: {  	[sflag:s28] =	ssyncset.done @!p1 $0x0  }
0x59: {  	[sflag:s28] =	ssyncadd.s32 @!p1 $0xFFFFC000  }
0x5a: {  	s28 =	smul.u32 $0xAB, s24;
	_ =	sdelay $0x1  }
0x5b: {  	s28 =	sshrl.u32 s28, $0x9  }
0x5c: {  	s28 =	sand.u32 $0x7F, s28  }
0x5d: {  	s28 =	smul.u32 $0x3, s28;
	_ =	sdelay $0x1  }
0x5e: {  	s28 =	ssub.s32 s24, s28  }
0x5f: {  	s28 =	sand.u32 $0xFF, s28  }
0x60: {  	s30 =	sshrl.u32 s26, $0x3;
	s29 =	sshll.u32 s28, $0xE  }
.Ltmp4:
0x61: {  	s30 =	sadd.s32 s4, s30;
	s29 =	sor.u32 $0x200, s29;
	(pc) =	sbr.rel .LBB2_4-.Ltmp4, $4  }
0x62: {  	[tilespmem:s29], [sflag:$0x1] =	stream.linear.gather [hbm4b:s30+s2], $0x4000, $0x38;
	[tilespmem:$0x1FE00] =	vst v63  }
0x63: {  	s31 =	sand.u32 $0x70, s25;
	s26 =	sadd.s32 $0x4000, s26;
	s29 =	sadd.s32 s25, s11  }
0x64: {  	s24 =	sadd.s32 $0x1, s24;
	s30 =	sadd.s32 s5, s31;
	s29 =	sand.u32 $0x1FF80, s29  }
0x65: {  	s28 =	sshll.u32 s28, $0x7;
	s25 =	sadd.s32 $0x10, s25;
	s29 =	sadd.s32 s29, s30  }
.LBB2_7:
0x66: {  	_ =	sfence.sel $0x180000  }
0x67: {  	[bflag:$0x0] =	sbarrier.arrive $0xFFFF  }
0x68: {  	_ =	strace $0x90000053  }
0x69: {  	s0 =	sadd.s32 @!p0 $0x100000, s0;
	[bflag:$0x2] =	sbarrier.arrive $0xFFFF  }
0x6a: {  	[sflag:s0] =	ssyncadd.tile.s32 @!p0 $0x1;
	_ =	shalt  }
.Lfunc_end2:
_tile_overlayer_lowered:
.L_overlay_start_2:
0x6b: {  	(tag) =	ssettag $0x2  }
0x6c: {  	s0 =	rddreg [dreg:$0x0];
	s2 =	stileid.u32  }
0x6d: {  	s1 =	rddreg [dreg:$0x1];
	p0 =	sne.s32 s2, $0x0  }
0x6e: {  	s3 =	rddreg [dreg:$0x2];
	[bflag:$0x3] =	sbarrier.arrive $0xFFFF;
	s2 =	simm.s32 @!p0 $0x1C03  }
0x6f: {  	[timem:s3], [sflag:s2] =	dma.local @!p0 [hbm:s0], s1  }
0x70: {  	s0 =	simm.s32 @!p0 $0x3  }
0x71: {  	_ =	swait.ge @!p0 [sflag:s0], s1  }
0x72: {  	s1 =	ssub.s32 @!p0 $0x0, s1;
	[sflag:s0] =	ssyncset.done @!p0 $0x0  }
0x73: {  	[sflag:s0] =	ssyncadd.s32 @!p0 s1  }
0x74: {  	[bflag:$0x3] =	sbarrier.arrive $0xFFFF  }
0x75: {  	_ =	shalt  }

// kernel: kernel.33.cloned.1.call-start
scs
__scs_entry_jumppad:
0x0: {  	(pc) =	sbr.rel $0x88, $3  }
0x1: {  	(tag) =	ssettag $0x0;
	lr =	simm.s32 $0x1  }
0x2: {  	[smem:$0x3F93] =	sst lr;
	_ =	strace $0xD0000000  }
0x3: {  	_ = 	snop  }
0x4: {  	_ = 	snop  }
0x5: {  	_ = 	snop  }
0x6: {  	_ = 	snop  }
0x7: {  	_ = 	snop  }
__scs_overlays_trampoline_lowered:
0x8: {  	[smem:$0x3FA2] =	sst s0  }
0x9: {  	[smem:$0x3FA3] =	sst s1  }
0xa: {  	[smem:$0x3FA4] =	sst s2  }
0xb: {  	[smem:$0x3FA5] =	sst s3  }
0xc: {  	[smem:$0x3FA6] =	sst s4  }
0xd: {  	[smem:$0x3FA7] =	sst s5  }
0xe: {  	[smem:$0x3FA8] =	sst s6  }
0xf: {  	[smem:$0x3FA9] =	sst s7  }
0x10: {  	[smem:$0x3FAA] =	sst s8  }
0x11: {  	[smem:$0x3FAB] =	sst s9;
	s0 =	simm.s32 @!p0 $0x0  }
0x12: {  	s1 =	sld [smem:$0x3F91];
	s0 =	simm.s32 @p0 $0x1  }
0x13: {  	[smem:$0x3FAC] =	sst s0;
	s0 =	simm.s32 @!p1 $0x0  }
0x14: {  	s2 =	sld [smem:$0x3F90];
	s0 =	simm.s32 @p1 $0x1  }
0x15: {  	[smem:$0x3FAD] =	sst s0;
	s0 =	simm.s32 @!p2 $0x0  }
0x16: {  	s3 =	sld [smem:$0x3FDB];
	s0 =	simm.s32 @p2 $0x1  }
0x17: {  	s4 =	simm.s32 $0x1BF5;
	[smem:$0x3FAF] =	sst s0  }
0x18: {  	s0 =	sld [smem:$0x3F92];
	_ =	swait.ge [sflag:s4], $0x0  }
0x19: {  	s7 =	sld [smem:$0x3F93]  }
0x1a: {  	s8 =	sadd.s32 $0xFFFFE003, lr  }
0x1b: {  	s9 =	sadd.s32 $0xFFFFFEF7, lr;
	s5 =	simm.s32 $0xFFFFFFFF;
	p2 =	slt.u32 s8, $0xFFFFF086  }
0x1c: {  	p1 =	slt.u32 s9, $0xF7A;
	s5 =	simm.s32 @!p2 $0x0  }
0x1d: {  	s5 =	simm.s32 @p1 $0x1;
	p0 =	seq.s32 s7, s2  }
0x1e: {  	s7 =	smul.u32 @!p0 $0xF7A, s2;
	p2 =	seq.s32 @!p0 s5, $0x0  }
0x1f: {  	s9 =	smul.u32 $0xF7A, s1;
	s8 =	simm.s32 @!p0 $0x1BF5;
	p2 =	por !p2, p0  }
0x20: {  	[sflag:s8] =	ssyncset.s32 @!p0 $0xFFFFF086;
	s6 =	sadd.s32 @!p0 s3, s7;
	s7 =	simm.s32 @!p0 $0x108  }
0x21: {  	s3 =	sadd.s32 s3, s9;
	s6 =	sadd.s32 @!p0 $0x88, s6;
	s7 =	simm.s32 @p2 $0x1082  }
0x22: {  	[simem:s7], [sflag:s8] =	dma.local @!p0 [hbm:s6], $0xF7A  }
0x23: {  	s9 =	sor.u32 $0xD0000000, s2;
	s6 =	simm.s32 $0x108;
	_ =	swait.ge @!p0 [sflag:s8], $0x0  }
0x24: {  	s3 =	sadd.s32 $0x88, s3;
	s6 =	simm.s32 @!p1 $0x1082;
	[sflag:s4] =	ssyncset.s32 $0xFFFFF086  }
0x25: {  	[simem:s6], [sflag:s4] =	dma.local [hbm:s3], $0xF7A  }
0x26: {  	[smem:$0x3F93] =	sst s1;
	(tag) =	ssettag s2;
	_ =	strace s9  }
0x27: {  	s1 =	sld [smem:$0x3FA3]  }
0x28: {  	s2 =	sld [smem:$0x3FA4]  }
0x29: {  	s4 =	sld [smem:$0x3FA6]  }
0x2a: {  	p0 =	seq.s32 s5, $0x0;
	s5 =	sld [smem:$0x3FA7]  }
0x2b: {  	s6 =	sld [smem:$0x3FA8]  }
0x2c: {  	s7 =	sld [smem:$0x3FA9]  }
0x2d: {  	s3 =	simm.s32 $0x108;
	s8 =	sld [smem:$0x3FAA]  }
0x2e: {  	s3 =	simm.s32 @!p0 $0x1082;
	s9 =	sld [smem:$0x3FAB]  }
0x2f: {  	lr =	sadd.s32 s0, s3;
	s0 =	sld [smem:$0x3FA2]  }
0x30: {  	s3 =	sld [smem:$0x3FA5]  }
0x31: {  	[smem:$0x3FAE] =	sst s10  }
0x32: {  	s10 =	sld [smem:$0x3FAC];
	_ =	sdelay $0x3  }
0x33: {  	p0 =	seq.s32 s10, $0x1;
	s10 =	sld [smem:$0x3FAE];
	_ =	sdelay $0x3  }
0x34: {  	[smem:$0x3FAE] =	sst s10  }
0x35: {  	s10 =	sld [smem:$0x3FAD];
	_ =	sdelay $0x3  }
0x36: {  	p1 =	seq.s32 s10, $0x1;
	s10 =	sld [smem:$0x3FAE];
	_ =	sdelay $0x3  }
0x37: {  	[smem:$0x3FAE] =	sst s10  }
0x38: {  	s10 =	sld [smem:$0x3FAF]  }
0x39: {  	_ = 	snop;
	(pc) =	sbr.ind lr, $3  }
0x3a: {  	_ = 	snop  }
0x3b: {  	_ = 	snop  }
0x3c: {  	p2 =	seq.s32 s10, $0x1;
	s10 =	sld [smem:$0x3FAE]  }
0x3d: {  	_ =	shalt  }
0x3e: {  	_ =	shalt  }
0x3f: {  	_ =	shalt  }
0x40: {  	_ =	shalt  }
0x41: {  	_ =	shalt  }
0x42: {  	_ =	shalt  }
0x43: {  	_ =	shalt  }
0x44: {  	_ =	shalt  }
0x45: {  	_ =	shalt  }
0x46: {  	_ =	shalt  }
0x47: {  	_ =	shalt  }
0x48: {  	_ =	shalt  }
0x49: {  	_ =	shalt  }
0x4a: {  	_ =	shalt  }
0x4b: {  	_ =	shalt  }
0x4c: {  	_ =	shalt  }
0x4d: {  	_ =	shalt  }
0x4e: {  	_ =	shalt  }
0x4f: {  	_ =	shalt  }
0x50: {  	_ =	shalt  }
0x51: {  	_ =	shalt  }
0x52: {  	_ =	shalt  }
0x53: {  	_ =	shalt  }
0x54: {  	_ =	shalt  }
0x55: {  	_ =	shalt  }
0x56: {  	_ =	shalt  }
0x57: {  	_ =	shalt  }
0x58: {  	_ =	shalt  }
0x59: {  	_ =	shalt  }
0x5a: {  	_ =	shalt  }
0x5b: {  	_ =	shalt  }
0x5c: {  	_ =	shalt  }
0x5d: {  	_ =	shalt  }
0x5e: {  	_ =	shalt  }
0x5f: {  	_ =	shalt  }
0x60: {  	_ =	shalt  }
0x61: {  	_ =	shalt  }
0x62: {  	_ =	shalt  }
0x63: {  	_ =	shalt  }
0x64: {  	_ =	shalt  }
0x65: {  	_ =	shalt  }
0x66: {  	_ =	shalt  }
0x67: {  	_ =	shalt  }
0x68: {  	_ =	shalt  }
0x69: {  	_ =	shalt  }
0x6a: {  	_ =	shalt  }
0x6b: {  	_ =	shalt  }
0x6c: {  	_ =	shalt  }
0x6d: {  	_ =	shalt  }
0x6e: {  	_ =	shalt  }
0x6f: {  	_ =	shalt  }
0x70: {  	_ =	shalt  }
0x71: {  	_ =	shalt  }
0x72: {  	_ =	shalt  }
0x73: {  	_ =	shalt  }
0x74: {  	_ =	shalt  }
0x75: {  	_ =	shalt  }
0x76: {  	_ =	shalt  }
0x77: {  	_ =	shalt  }
0x78: {  	_ =	shalt  }
0x79: {  	_ =	shalt  }
0x7a: {  	_ =	shalt  }
0x7b: {  	_ =	shalt  }
0x7c: {  	_ =	shalt  }
0x7d: {  	_ =	shalt  }
0x7e: {  	_ =	shalt  }
0x7f: {  	_ =	shalt  }
0x80: {  	_ =	shalt  }
0x81: {  	_ =	shalt  }
0x82: {  	_ =	shalt  }
0x83: {  	_ =	shalt  }
0x84: {  	_ =	shalt  }
0x85: {  	_ =	shalt  }
0x86: {  	_ =	shalt  }
0x87: {  	_ =	shalt  }
.Lfunc_end0:
.L_simem_size_0:
called_computation.5_lowered:
.L_overlay_start_0:
0x88: {  	s2 =	sld [smem:$0x3FD9]  }
0x89: {  	s3 =	sld [smem:$0x3FFE];
	_ =	sdelay $0x1  }
0x8a: {  	s1 =	srdreg.scid  }
0x8b: {  	s0 =	sand.u32 $0x1, s1  }
0x8c: {  	s16 =	sshll.u32 s0, $0xA;
	s2 =	sadd.s32 s3, s2  }
0x8d: {  	s2 =	sadd.s32 s2, s16  }
0x8e: {  	[smem:$0x3FBA] =	sst s2  }
0x8f: {  	_ = 	snop  }
0x90: {  	(tm) =	ssettm $0x1  }
0x91: {  	s17 =	sld [smem:$0x3FFB];
	_ =	sdelay $0x3  }
0x92: {  	_ =	strace s17  }
0x93: {  	s2 =	sld [smem:$0x3FFC];
	_ =	sdelay $0x3  }
0x94: {  	_ =	strace s2  }
0x95: {  	s2 =	sld [smem:$0x3FFD];
	_ =	sdelay $0x3  }
0x96: {  	_ =	strace s2  }
0x97: {  	_ =	strace $0x8FFFFFFF  }
0x98: {  	s18 =	sld [smem:$0x3FDB];
	_ =	sdelay $0x1  }
0x99: {  	s19 =	simm.s32 $_scs_section_size  }
0x9a: {  	s4 =	simm.s32 $_size__tile_overlayer_lowered;
	s5 =	simm.s32 $_tile_overlayer_lowered  }
0x9b: {  	s22 =	simm.s32 $0x1BFF;
	s21 =	sshll.u32 s5, $0x1;
	s2 =	sadd.s32 s19, s18  }
0x9c: {  	s6 =	simm.s32 $0x0;
	s20 =	sshll.u32 s4, $0x1;
	s4 =	sadd.s32 s21, s2  }
0x9d: {  	[timem:s6], [sflag:s22] =	dma.local [hbm:s4], s20  }
0x9e: {  	_ =	swait.ge [sflag:s22], s20  }
0x9f: {  	s3 =	ssub.s32 $0x0, s20;
	[sflag:s22] =	ssyncset.done $0x0  }
0xa0: {  	[sflag:s22] =	ssyncadd.s32 s3;
	_ =	sdelay $0x1  }
0xa1: {  	s23 =	simm.s32 $0x1B8B  }
0xa2: {  	_ =	swait.ge [sflag:s23], $0x1  }
0xa3: {  	[sflag:s23] =	ssyncset.done $0x0  }
0xa4: {  	s25 =	simm.s32 $0x1B8E;
	s24 =	sld [smem:$0x3FFE];
	[sflag:s23] =	ssyncadd.s32 $0xFFFFFFFF  }
0xa5: {  	s26 =	simm.s32 $execute0_lowered;
	[smem:$0x3FD2] =	sst s25  }
0xa6: {  	s4 =	sshll.u32 s26, $0x1;
	_ =	strace $0x80000055;
	[dreg:$0x1] =	wrdreg $0xFFFFFFFF  }
0xa7: {  	s28 =	simm.s32 $_size_execute0_lowered;
	s2 =	sadd.s32 s2, s4;
	[dreg:$0x0] =	wrdreg $0x0  }
0xa8: {  	s4 =	sshll.u32 s28, $0x1;
	[dreg:$0x2] =	wrdreg s2  }
0xa9: {  	[dreg:$0x3] =	wrdreg s4  }
0xaa: {  	[dreg:$0x4] =	wrdreg $0xC0  }
0xab: {  	_ =	task [dreg:s6], $0x5FFFF  }
0xac: {  	[dreg:$0x1] =	wrdreg $0xFFFFFFFF  }
0xad: {  	[dreg:$0x0] =	wrdreg $0x60  }
0xae: {  	[dreg:$0x2] =	wrdreg s24  }
0xaf: {  	[dreg:$0x3] =	wrdreg $0x9  }
0xb0: {  	_ =	task.clear_ibuf [dreg:s6], $0x4FFFF;
	_ =	strace $0x90000055  }
0xb1: {  	s29 =	simm.s32 $0x9;
	_ =	strace $0x80000057  }
0xb2: {  	_ =	swait.ge [sflag:s29], $0x1  }
0xb3: {  	[sflag:s29] =	ssyncadd.s32 $0xFFFFFFFF  }
0xb4: {  	_ =	strace $0x90000057  }
0xb5: {  	_ =	sfence  }
0xb6: {  	s30 =	sld [smem:$0x0];
	_ =	sdelay $0x2  }
0xb7: {  	s31 =	sshll.u32 s1, $0xD;
	s1 =	sshrl.u32 s1, $0x2  }
0xb8: {  	s3 =	sand.u32 $0x4000, s31;
	s1 =	sadd.s32 s1, s30  }
0xb9: {  	s0 =	sor.u32 s3, s0;
	s1 =	sshll.u32 s1, $0x11  }
0xba: {  	s0 =	sor.u32 s1, s0  }
0xbb: {  	s0 =	sadd.s32 $0x8F2B, s0  }
0xbc: {  	[sflag:s0] =	ssyncadd.remote.s32 $0x1  }
0xbd: {  	_ =	sfence.sel $0xFFFF  }
0xbe: {  	[dreg:$0x0] =	wrdreg $0xFFFFFFFF;
	(pc) =	sbr.abs _section_cstart, $3  }
0xbf: {  	[dreg:$0x1] =	wrdreg $0xFFFFFFFF  }
0xc0: {  	_ =	task.clear_ibuf [dreg:s6], $0x2FFFF;
	_ =	strace $0x9FFFFFFF  }
0xc1: {  	(tm) =	ssettm $0x7FFFFFFF  }
tec
execute0_lowered:
.L_overlay_start_1:
0x0: {  	(tag) =	ssettag $0x1  }
0x1: {  	s0 =	rddreg [dreg:$0x0]  }
0x2: {  	s2 =	stileid.u32;
	s1 =	srdreg.scid;
	s8 =	simm.s32 $0x3  }
0x3: {  	s13 =	simm.s32 $0x12400;
	s14 =	simm.s32 $0x12C00;
	s15 =	simm.s32 $0x13400  }
0x4: {  	s16 =	simm.s32 $0x13C00;
	s17 =	simm.s32 $0x14400;
	s18 =	simm.s32 $0x14C00  }
0x5: {  	s19 =	simm.s32 $0x15400;
	s20 =	simm.s32 $0x15C00;
	s21 =	simm.s32 $0x16400  }
0x6: {  	s22 =	simm.s32 $0x16C00;
	s23 =	simm.s32 $0x17400;
	s24 =	simm.s32 $0x1  }
0x7: {  	s25 =	simm.s32 $0x2;
	s26 =	simm.s32 $0x0;
	s3 =	smul.u32 $0x50, s2  }
0x8: {  	s1 =	sand.u32 $0x1, s1;
	s4 =	smul.u32 $0xF0, s2;
	s2 =	simm.s32 $0x0  }
0x9: {  	p0 =	seq.s32 s1, $0x0;
	[smem:$0x7FF] =	sst s2;
	s5 =	sadd.s32 $0xF00, s3  }
0xa: {  	s1 =	ssub.s32 $0x2, s1;
	_ =	strace $0x80000056;
	s5 =	smov.u32 @p0 s4  }
0xb: {  	s3 =	sadd.s32 $0x1C200, s0;
	s31 =	sshrl.u32 s1, $0x1;
	s4 =	sshll.u32 s5, $0x3  }
0xc: {  	v2 =	vlaneseq.u32;
	s30 =	sshll.u32 s5, $0xB;
	s6 =	sadd.s32 s4, s0;
	s4 =	simm.s32 $0xF0  }
0xd: {  	vm0 =	vmmov $0xffff;
	v1 =	vshrl.u32 v2, $0x3;
	s1 =	ssub.s32 s1, s31;
	s0 =	sadd.s32 s30, s0;
	s4 =	simm.s32 @!p0 $0x50  }
0xe: {  	v0 =	vand.u32 $0x7, v2;
	v2 =	vor.u32 $0x8, v2;
	v1 =	vmul.u32 $0x8, v1;
	s5 =	sadd.s32 $0x11C00, s6;
	s6 =	smax.u32 s1, $0x1;
	s1 =	sadd.s32 $0xA2C200, s0  }
.LBB2_1:
0xf: {  	[tilespmem:s2], [sflag:$0x3] =	stream.linear.gather [hbm4b:s5+s2], $0x3C00, $0x38;
	[tilespmem:$0x1FC00] =	vst v63  }
0x10: {  	_ =	swait.ge [sflag:s8], $0x3C00  }
0x11: {  	[sflag:s8] =	ssyncset.done $0x0  }
0x12: {  	[sflag:s8] =	ssyncadd.s32 $0xFFFFC400  }
0x13: {  	v3 =	vld [tilespmem:$0x0];
	_ =	sdelay $0x4  }
0x14: {  	v4 =	vshll.u32 v3, $0x1  }
0x15: {  	v3 =	vand.u32 $0x7, v3;
	v4 =	vand.u32 $0xFFFFFFF0, v4  }
0x16: {  	v3 =	vor.u32 v3, v4  }
0x17: {  	v4 =	vperm.xlane v3, v0;
	_ =	sdelay $0x1  }
0x18: {  	v3 =	vperm.xlane v3, v2;
	v4 =	vadd.s32 v1, v4;
	_ =	sdelay $0x1  }
0x19: {  	v3 =	vadd.s32 v1, v3;
	_ =	sdelay $0x1  }
0x1a: {  	s28 =	simm.s32 $0x3C00  }
0x1b: {  	[tilespmem:s28], [sflag:$0x1] =	stream.indirect_vreg.gather [hbm4b:s3+s2], $0x80, v4, vm0, $0xb8;
	[tilespmem:$0x1FC00] =	vst v63  }
0x1c: {  	s0 =	simm.s32 $0x4400  }
0x1d: {  	[tilespmem:s0], [sflag:$0x1] =	stream.indirect_vreg.gather [hbm4b:s3+s2], $0x80, v3, vm0, $0xb8;
	[tilespmem:$0x1FC00] =	vst v63  }
0x1e: {  	v3 =	vld [tilespmem:$0x10];
	_ =	sdelay $0x4  }
0x1f: {  	v45 =	vshll.u32 v3, $0x1  }
0x20: {  	v3 =	vand.u32 $0x7, v3;
	v4 =	vand.u32 $0xFFFFFFF0, v45  }
0x21: {  	v3 =	vor.u32 v3, v4  }
0x22: {  	v4 =	vperm.xlane v3, v0;
	_ =	sdelay $0x1  }
0x23: {  	v3 =	vperm.xlane v3, v2;
	v4 =	vadd.s32 v1, v4;
	_ =	sdelay $0x1  }
0x24: {  	v3 =	vadd.s32 v1, v3;
	_ =	sdelay $0x1  }
0x25: {  	s11 =	simm.s32 $0x4C00  }
0x26: {  	[tilespmem:s11], [sflag:$0x1] =	stream.indirect_vreg.gather [hbm4b:s3+s2], $0x80, v4, vm0, $0xb8;
	[tilespmem:$0x1FC00] =	vst v63  }
0x27: {  	s12 =	simm.s32 $0x5400  }
0x28: {  	[tilespmem:s12], [sflag:$0x1] =	stream.indirect_vreg.gather [hbm4b:s3+s2], $0x80, v3, vm0, $0xb8;
	[tilespmem:$0x1FC00] =	vst v63  }
0x29: {  	v3 =	vld [tilespmem:$0x20];
	_ =	sdelay $0x4  }
0x2a: {  	v46 =	vshll.u32 v3, $0x1  }
0x2b: {  	v3 =	vand.u32 $0x7, v3;
	v4 =	vand.u32 $0xFFFFFFF0, v46  }
0x2c: {  	v3 =	vor.u32 v3, v4  }
0x2d: {  	v4 =	vperm.xlane v3, v0;
	_ =	sdelay $0x1  }
0x2e: {  	v3 =	vperm.xlane v3, v2;
	v4 =	vadd.s32 v1, v4;
	_ =	sdelay $0x1  }
0x2f: {  	v3 =	vadd.s32 v1, v3;
	_ =	sdelay $0x1  }
0x30: {  	s7 =	simm.s32 $0x5C00  }
0x31: {  	[tilespmem:s7], [sflag:$0x1] =	stream.indirect_vreg.gather [hbm4b:s3+s2], $0x80, v4, vm0, $0xb8;
	[tilespmem:$0x1FC00] =	vst v63  }
0x32: {  	s9 =	simm.s32 $0x6400  }
0x33: {  	[tilespmem:s9], [sflag:$0x1] =	stream.indirect_vreg.gather [hbm4b:s3+s2], $0x80, v3, vm0, $0xb8;
	[tilespmem:$0x1FC00] =	vst v63  }
0x34: {  	v3 =	vld [tilespmem:$0x30];
	_ =	sdelay $0x4  }
0x35: {  	v47 =	vshll.u32 v3, $0x1  }
0x36: {  	v3 =	vand.u32 $0x7, v3;
	v4 =	vand.u32 $0xFFFFFFF0, v47  }
0x37: {  	v3 =	vor.u32 v3, v4  }
0x38: {  	v4 =	vperm.xlane v3, v0;
	_ =	sdelay $0x1  }
0x39: {  	v3 =	vperm.xlane v3, v2;
	v4 =	vadd.s32 v1, v4;
	_ =	sdelay $0x1  }
0x3a: {  	v3 =	vadd.s32 v1, v3;
	_ =	sdelay $0x1  }
0x3b: {  	s10 =	simm.s32 $0x6C00  }
0x3c: {  	[tilespmem:s10], [sflag:$0x1] =	stream.indirect_vreg.gather [hbm4b:s3+s2], $0x80, v4, vm0, $0xb8;
	[tilespmem:$0x1FC00] =	vst v63  }
0x3d: {  	s11 =	simm.s32 $0x7400  }
0x3e: {  	[tilespmem:s11], [sflag:$0x1] =	stream.indirect_vreg.gather [hbm4b:s3+s2], $0x80, v3, vm0, $0xb8;
	[tilespmem:$0x1FC00] =	vst v63  }
0x3f: {  	v3 =	vld [tilespmem:$0x40];
	_ =	sdelay $0x4  }
0x40: {  	v48 =	vshll.u32 v3, $0x1  }
0x41: {  	v3 =	vand.u32 $0x7, v3;
	v4 =	vand.u32 $0xFFFFFFF0, v48  }
0x42: {  	v3 =	vor.u32 v3, v4  }
0x43: {  	v4 =	vperm.xlane v3, v0;
	_ =	sdelay $0x1  }
0x44: {  	v3 =	vperm.xlane v3, v2;
	v4 =	vadd.s32 v1, v4;
	_ =	sdelay $0x1  }
0x45: {  	v3 =	vadd.s32 v1, v3;
	_ =	sdelay $0x1  }
0x46: {  	s12 =	simm.s32 $0x7C00  }
0x47: {  	[tilespmem:s12], [sflag:$0x1] =	stream.indirect_vreg.gather [hbm4b:s3+s2], $0x80, v4, vm0, $0xb8;
	[tilespmem:$0x1FC00] =	vst v63  }
0x48: {  	s7 =	simm.s32 $0x8400  }
0x49: {  	[tilespmem:s7], [sflag:$0x1] =	stream.indirect_vreg.gather [hbm4b:s3+s2], $0x80, v3, vm0, $0xb8;
	[tilespmem:$0x1FC00] =	vst v63  }
0x4a: {  	v3 =	vld [tilespmem:$0x50];
	_ =	sdelay $0x4  }
0x4b: {  	v49 =	vshll.u32 v3, $0x1  }
0x4c: {  	v3 =	vand.u32 $0x7, v3;
	v4 =	vand.u32 $0xFFFFFFF0, v49  }
0x4d: {  	v3 =	vor.u32 v3, v4  }
0x4e: {  	v4 =	vperm.xlane v3, v0;
	_ =	sdelay $0x1  }
0x4f: {  	v3 =	vperm.xlane v3, v2;
	v4 =	vadd.s32 v1, v4;
	_ =	sdelay $0x1  }
0x50: {  	v3 =	vadd.s32 v1, v3;
	_ =	sdelay $0x1  }
0x51: {  	s9 =	simm.s32 $0x8C00  }
0x52: {  	[tilespmem:s9], [sflag:$0x1] =	stream.indirect_vreg.gather [hbm4b:s3+s2], $0x80, v4, vm0, $0xb8;
	[tilespmem:$0x1FC00] =	vst v63  }
0x53: {  	s10 =	simm.s32 $0x9400  }
0x54: {  	[tilespmem:s10], [sflag:$0x1] =	stream.indirect_vreg.gather [hbm4b:s3+s2], $0x80, v3, vm0, $0xb8;
	[tilespmem:$0x1FC00] =	vst v63  }
0x55: {  	v3 =	vld [tilespmem:$0x60];
	_ =	sdelay $0x4  }
0x56: {  	v50 =	vshll.u32 v3, $0x1  }
0x57: {  	v3 =	vand.u32 $0x7, v3;
	v4 =	vand.u32 $0xFFFFFFF0, v50  }
0x58: {  	v3 =	vor.u32 v3, v4  }
0x59: {  	v4 =	vperm.xlane v3, v0;
	_ =	sdelay $0x1  }
0x5a: {  	v3 =	vperm.xlane v3, v2;
	v4 =	vadd.s32 v1, v4;
	_ =	sdelay $0x1  }
0x5b: {  	v3 =	vadd.s32 v1, v3;
	_ =	sdelay $0x1  }
0x5c: {  	s11 =	simm.s32 $0x9C00  }
0x5d: {  	[tilespmem:s11], [sflag:$0x1] =	stream.indirect_vreg.gather [hbm4b:s3+s2], $0x80, v4, vm0, $0xb8;
	[tilespmem:$0x1FC00] =	vst v63  }
0x5e: {  	s12 =	simm.s32 $0xA400  }
0x5f: {  	[tilespmem:s12], [sflag:$0x1] =	stream.indirect_vreg.gather [hbm4b:s3+s2], $0x80, v3, vm0, $0xb8;
	[tilespmem:$0x1FC00] =	vst v63  }
0x60: {  	v3 =	vld [tilespmem:$0x70];
	_ =	sdelay $0x4  }
0x61: {  	v51 =	vshll.u32 v3, $0x1  }
0x62: {  	v3 =	vand.u32 $0x7, v3;
	v4 =	vand.u32 $0xFFFFFFF0, v51  }
0x63: {  	v3 =	vor.u32 v3, v4  }
0x64: {  	v4 =	vperm.xlane v3, v0;
	_ =	sdelay $0x1  }
0x65: {  	v3 =	vperm.xlane v3, v2;
	v4 =	vadd.s32 v1, v4;
	_ =	sdelay $0x1  }
0x66: {  	v3 =	vadd.s32 v1, v3;
	_ =	sdelay $0x1  }
0x67: {  	s7 =	simm.s32 $0xAC00  }
0x68: {  	[tilespmem:s7], [sflag:$0x1] =	stream.indirect_vreg.gather [hbm4b:s3+s2], $0x80, v4, vm0, $0xb8;
	[tilespmem:$0x1FC00] =	vst v63  }
0x69: {  	s9 =	simm.s32 $0xB400  }
0x6a: {  	[tilespmem:s9], [sflag:$0x1] =	stream.indirect_vreg.gather [hbm4b:s3+s2], $0x80, v3, vm0, $0xb8;
	[tilespmem:$0x1FC00] =	vst v63  }
0x6b: {  	v3 =	vld [tilespmem:$0x80];
	_ =	sdelay $0x4  }
0x6c: {  	v52 =	vshll.u32 v3, $0x1  }
0x6d: {  	v3 =	vand.u32 $0x7, v3;
	v4 =	vand.u32 $0xFFFFFFF0, v52  }
0x6e: {  	v3 =	vor.u32 v3, v4  }
0x6f: {  	v4 =	vperm.xlane v3, v0;
	_ =	sdelay $0x1  }
0x70: {  	v3 =	vperm.xlane v3, v2;
	v4 =	vadd.s32 v1, v4;
	_ =	sdelay $0x1  }
0x71: {  	v3 =	vadd.s32 v1, v3;
	_ =	sdelay $0x1  }
0x72: {  	s10 =	simm.s32 $0xBC00  }
0x73: {  	[tilespmem:s10], [sflag:$0x1] =	stream.indirect_vreg.gather [hbm4b:s3+s2], $0x80, v4, vm0, $0xb8;
	[tilespmem:$0x1FC00] =	vst v63  }
0x74: {  	s11 =	simm.s32 $0xC400  }
0x75: {  	[tilespmem:s11], [sflag:$0x1] =	stream.indirect_vreg.gather [hbm4b:s3+s2], $0x80, v3, vm0, $0xb8;
	[tilespmem:$0x1FC00] =	vst v63  }
0x76: {  	v3 =	vld [tilespmem:$0x90];
	_ =	sdelay $0x4  }
0x77: {  	v53 =	vshll.u32 v3, $0x1  }
0x78: {  	v3 =	vand.u32 $0x7, v3;
	v4 =	vand.u32 $0xFFFFFFF0, v53  }
0x79: {  	v3 =	vor.u32 v3, v4  }
0x7a: {  	v4 =	vperm.xlane v3, v0;
	_ =	sdelay $0x1  }
0x7b: {  	v3 =	vperm.xlane v3, v2;
	v4 =	vadd.s32 v1, v4;
	_ =	sdelay $0x1  }
0x7c: {  	v3 =	vadd.s32 v1, v3;
	_ =	sdelay $0x1  }
0x7d: {  	s12 =	simm.s32 $0xCC00  }
0x7e: {  	[tilespmem:s12], [sflag:$0x1] =	stream.indirect_vreg.gather [hbm4b:s3+s2], $0x80, v4, vm0, $0xb8;
	[tilespmem:$0x1FC00] =	vst v63  }
0x7f: {  	s7 =	simm.s32 $0xD400  }
0x80: {  	[tilespmem:s7], [sflag:$0x1] =	stream.indirect_vreg.gather [hbm4b:s3+s2], $0x80, v3, vm0, $0xb8;
	[tilespmem:$0x1FC00] =	vst v63  }
0x81: {  	v3 =	vld [tilespmem:$0xA0];
	_ =	sdelay $0x4  }
0x82: {  	v54 =	vshll.u32 v3, $0x1  }
0x83: {  	v3 =	vand.u32 $0x7, v3;
	v4 =	vand.u32 $0xFFFFFFF0, v54  }
0x84: {  	v3 =	vor.u32 v3, v4  }
0x85: {  	v4 =	vperm.xlane v3, v0;
	_ =	sdelay $0x1  }
0x86: {  	v3 =	vperm.xlane v3, v2;
	v4 =	vadd.s32 v1, v4;
	_ =	sdelay $0x1  }
0x87: {  	v3 =	vadd.s32 v1, v3;
	_ =	sdelay $0x1  }
0x88: {  	s9 =	simm.s32 $0xDC00  }
0x89: {  	[tilespmem:s9], [sflag:$0x1] =	stream.indirect_vreg.gather [hbm4b:s3+s2], $0x80, v4, vm0, $0xb8;
	[tilespmem:$0x1FC00] =	vst v63  }
0x8a: {  	s10 =	simm.s32 $0xE400  }
0x8b: {  	[tilespmem:s10], [sflag:$0x1] =	stream.indirect_vreg.gather [hbm4b:s3+s2], $0x80, v3, vm0, $0xb8;
	[tilespmem:$0x1FC00] =	vst v63  }
0x8c: {  	v3 =	vld [tilespmem:$0xB0];
	_ =	sdelay $0x4  }
0x8d: {  	v55 =	vshll.u32 v3, $0x1  }
0x8e: {  	v3 =	vand.u32 $0x7, v3;
	v4 =	vand.u32 $0xFFFFFFF0, v55  }
0x8f: {  	v3 =	vor.u32 v3, v4  }
0x90: {  	v4 =	vperm.xlane v3, v0;
	_ =	sdelay $0x1  }
0x91: {  	v3 =	vperm.xlane v3, v2;
	v4 =	vadd.s32 v1, v4;
	_ =	sdelay $0x1  }
0x92: {  	v3 =	vadd.s32 v1, v3;
	_ =	sdelay $0x1  }
0x93: {  	s11 =	simm.s32 $0xEC00  }
0x94: {  	[tilespmem:s11], [sflag:$0x1] =	stream.indirect_vreg.gather [hbm4b:s3+s2], $0x80, v4, vm0, $0xb8;
	[tilespmem:$0x1FC00] =	vst v63  }
0x95: {  	s12 =	simm.s32 $0xF400  }
0x96: {  	[tilespmem:s12], [sflag:$0x1] =	stream.indirect_vreg.gather [hbm4b:s3+s2], $0x80, v3, vm0, $0xb8;
	[tilespmem:$0x1FC00] =	vst v63  }
0x97: {  	v3 =	vld [tilespmem:$0xC0];
	_ =	sdelay $0x4  }
0x98: {  	v56 =	vshll.u32 v3, $0x1  }
0x99: {  	v3 =	vand.u32 $0x7, v3;
	v4 =	vand.u32 $0xFFFFFFF0, v56  }
0x9a: {  	v3 =	vor.u32 v3, v4  }
0x9b: {  	v4 =	vperm.xlane v3, v0;
	_ =	sdelay $0x1  }
0x9c: {  	v3 =	vperm.xlane v3, v2;
	v4 =	vadd.s32 v1, v4;
	_ =	sdelay $0x1  }
0x9d: {  	v3 =	vadd.s32 v1, v3;
	_ =	sdelay $0x1  }
0x9e: {  	s7 =	simm.s32 $0xFC00  }
0x9f: {  	[tilespmem:s7], [sflag:$0x1] =	stream.indirect_vreg.gather [hbm4b:s3+s2], $0x80, v4, vm0, $0xb8;
	[tilespmem:$0x1FC00] =	vst v63  }
0xa0: {  	s9 =	simm.s32 $0x10400  }
0xa1: {  	[tilespmem:s9], [sflag:$0x1] =	stream.indirect_vreg.gather [hbm4b:s3+s2], $0x80, v3, vm0, $0xb8;
	[tilespmem:$0x1FC00] =	vst v63  }
0xa2: {  	v3 =	vld [tilespmem:$0xD0];
	_ =	sdelay $0x4  }
0xa3: {  	v57 =	vshll.u32 v3, $0x1  }
0xa4: {  	v3 =	vand.u32 $0x7, v3;
	v4 =	vand.u32 $0xFFFFFFF0, v57  }
0xa5: {  	v3 =	vor.u32 v3, v4  }
0xa6: {  	v4 =	vperm.xlane v3, v0;
	_ =	sdelay $0x1  }
0xa7: {  	v3 =	vperm.xlane v3, v2;
	v4 =	vadd.s32 v1, v4;
	_ =	sdelay $0x1  }
0xa8: {  	v3 =	vadd.s32 v1, v3;
	_ =	sdelay $0x1  }
0xa9: {  	s10 =	simm.s32 $0x10C00  }
0xaa: {  	[tilespmem:s10], [sflag:$0x1] =	stream.indirect_vreg.gather [hbm4b:s3+s2], $0x80, v4, vm0, $0xb8;
	[tilespmem:$0x1FC00] =	vst v63  }
0xab: {  	s11 =	simm.s32 $0x11400  }
0xac: {  	[tilespmem:s11], [sflag:$0x1] =	stream.indirect_vreg.gather [hbm4b:s3+s2], $0x80, v3, vm0, $0xb8;
	[tilespmem:$0x1FC00] =	vst v63  }
0xad: {  	v3 =	vld [tilespmem:$0xE0];
	_ =	sdelay $0x4  }
0xae: {  	v58 =	vshll.u32 v3, $0x1  }
0xaf: {  	v3 =	vand.u32 $0x7, v3;
	v4 =	vand.u32 $0xFFFFFFF0, v58  }
0xb0: {  	v3 =	vor.u32 v3, v4  }
0xb1: {  	v4 =	vperm.xlane v3, v0;
	_ =	sdelay $0x1  }
0xb2: {  	v3 =	vperm.xlane v3, v2;
	v4 =	vadd.s32 v1, v4;
	_ =	sdelay $0x1  }
0xb3: {  	v3 =	vadd.s32 v1, v3;
	_ =	sdelay $0x1  }
0xb4: {  	s12 =	simm.s32 $0x11C00  }
0xb5: {  	[tilespmem:s12], [sflag:$0x1] =	stream.indirect_vreg.gather [hbm4b:s3+s2], $0x80, v4, vm0, $0xb8;
	[tilespmem:$0x1FC00] =	vst v63  }
0xb6: {  	_ = 	snop  }
0xb7: {  	[tilespmem:s13], [sflag:$0x1] =	stream.indirect_vreg.gather [hbm4b:s3+s2], $0x80, v3, vm0, $0xb8;
	[tilespmem:$0x1FC00] =	vst v63  }
0xb8: {  	v3 =	vld [tilespmem:$0xF0];
	_ =	sdelay $0x4  }
0xb9: {  	v59 =	vshll.u32 v3, $0x1  }
0xba: {  	v3 =	vand.u32 $0x7, v3;
	v4 =	vand.u32 $0xFFFFFFF0, v59  }
0xbb: {  	v3 =	vor.u32 v3, v4  }
0xbc: {  	v4 =	vperm.xlane v3, v0;
	_ =	sdelay $0x1  }
0xbd: {  	v3 =	vperm.xlane v3, v2;
	v4 =	vadd.s32 v1, v4;
	_ =	sdelay $0x1  }
0xbe: {  	v3 =	vadd.s32 v1, v3;
	_ =	sdelay $0x2  }
0xbf: {  	[tilespmem:s14], [sflag:$0x1] =	stream.indirect_vreg.gather [hbm4b:s3+s2], $0x80, v4, vm0, $0xb8;
	[tilespmem:$0x1FC00] =	vst v63  }
0xc0: {  	_ = 	snop  }
0xc1: {  	[tilespmem:s15], [sflag:$0x1] =	stream.indirect_vreg.gather [hbm4b:s3+s2], $0x80, v3, vm0, $0xb8;
	[tilespmem:$0x1FC00] =	vst v63  }
0xc2: {  	v3 =	vld [tilespmem:$0x100];
	_ =	sdelay $0x4  }
0xc3: {  	v60 =	vshll.u32 v3, $0x1  }
0xc4: {  	v3 =	vand.u32 $0x7, v3;
	v4 =	vand.u32 $0xFFFFFFF0, v60  }
0xc5: {  	v3 =	vor.u32 v3, v4  }
0xc6: {  	v4 =	vperm.xlane v3, v0;
	_ =	sdelay $0x1  }
0xc7: {  	v3 =	vperm.xlane v3, v2;
	v4 =	vadd.s32 v1, v4;
	_ =	sdelay $0x1  }
0xc8: {  	v3 =	vadd.s32 v1, v3;
	_ =	sdelay $0x2  }
0xc9: {  	[tilespmem:s16], [sflag:$0x1] =	stream.indirect_vreg.gather [hbm4b:s3+s2], $0x80, v4, vm0, $0xb8;
	[tilespmem:$0x1FC00] =	vst v63  }
0xca: {  	_ = 	snop  }
0xcb: {  	[tilespmem:s17], [sflag:$0x1] =	stream.indirect_vreg.gather [hbm4b:s3+s2], $0x80, v3, vm0, $0xb8;
	[tilespmem:$0x1FC00] =	vst v63  }
0xcc: {  	v3 =	vld [tilespmem:$0x110];
	_ =	sdelay $0x4  }
0xcd: {  	v61 =	vshll.u32 v3, $0x1  }
0xce: {  	v3 =	vand.u32 $0x7, v3;
	v4 =	vand.u32 $0xFFFFFFF0, v61  }
0xcf: {  	v3 =	vor.u32 v3, v4  }
0xd0: {  	v4 =	vperm.xlane v3, v0;
	_ =	sdelay $0x1  }
0xd1: {  	v3 =	vperm.xlane v3, v2;
	v4 =	vadd.s32 v1, v4;
	_ =	sdelay $0x1  }
0xd2: {  	v3 =	vadd.s32 v1, v3;
	_ =	sdelay $0x2  }
0xd3: {  	[tilespmem:s18], [sflag:$0x1] =	stream.indirect_vreg.gather [hbm4b:s3+s2], $0x80, v4, vm0, $0xb8;
	[tilespmem:$0x1FC00] =	vst v63  }
0xd4: {  	_ = 	snop  }
0xd5: {  	[tilespmem:s19], [sflag:$0x1] =	stream.indirect_vreg.gather [hbm4b:s3+s2], $0x80, v3, vm0, $0xb8;
	[tilespmem:$0x1FC00] =	vst v63  }
0xd6: {  	v3 =	vld [tilespmem:$0x120];
	_ =	sdelay $0x4  }
0xd7: {  	v62 =	vshll.u32 v3, $0x1  }
0xd8: {  	v3 =	vand.u32 $0x7, v3;
	v4 =	vand.u32 $0xFFFFFFF0, v62  }
0xd9: {  	v3 =	vor.u32 v3, v4  }
0xda: {  	v4 =	vperm.xlane v3, v0;
	_ =	sdelay $0x1  }
0xdb: {  	v3 =	vperm.xlane v3, v2;
	v4 =	vadd.s32 v1, v4;
	_ =	sdelay $0x1  }
0xdc: {  	v3 =	vadd.s32 v1, v3;
	_ =	sdelay $0x2  }
0xdd: {  	[tilespmem:s20], [sflag:$0x1] =	stream.indirect_vreg.gather [hbm4b:s3+s2], $0x80, v4, vm0, $0xb8;
	[tilespmem:$0x1FC00] =	vst v63  }
0xde: {  	_ = 	snop  }
0xdf: {  	[tilespmem:s21], [sflag:$0x1] =	stream.indirect_vreg.gather [hbm4b:s3+s2], $0x80, v3, vm0, $0xb8;
	[tilespmem:$0x1FC00] =	vst v63  }
0xe0: {  	v3 =	vld [tilespmem:$0x130];
	_ =	sdelay $0x4  }
0xe1: {  	v63 =	vshll.u32 v3, $0x1  }
0xe2: {  	v3 =	vand.u32 $0x7, v3;
	v4 =	vand.u32 $0xFFFFFFF0, v63  }
0xe3: {  	v3 =	vor.u32 v3, v4  }
0xe4: {  	v4 =	vperm.xlane v3, v0;
	_ =	sdelay $0x1  }
0xe5: {  	v3 =	vperm.xlane v3, v2;
	v4 =	vadd.s32 v1, v4;
	_ =	sdelay $0x1  }
0xe6: {  	v3 =	vadd.s32 v1, v3;
	_ =	sdelay $0x1  }
0xe7: {  	s29 =	simm.s32 $0x140;
	s30 =	simm.s32 $0x5  }
0xe8: {  	[tilespmem:s22], [sflag:$0x1] =	stream.indirect_vreg.gather [hbm4b:s3+s2], $0x80, v4, vm0, $0xb8;
	[tilespmem:$0x1FC00] =	vst v63  }
0xe9: {  	s31 =	simm.s32 $0x500;
	s0 =	simm.s32 $0x0;
	s7 =	smov.u32 s1  }
0xea: {  	[tilespmem:s23], [sflag:$0x1] =	stream.indirect_vreg.gather [hbm4b:s3+s2], $0x80, v3, vm0, $0xb8;
	[tilespmem:$0x1FC00] =	vst v63  }
.LBB2_2:
0xeb: {  	s9 =	smulhi.u32 $0x24924925, s0;
	_ =	sdelay $0x1  }
0xec: {  	s10 =	ssub.s32 s0, s9  }
0xed: {  	s10 =	sshrl.u32 s10, $0x1  }
0xee: {  	s9 =	sadd.s32 s9, s10  }
0xef: {  	s9 =	sshrl.u32 s9, $0x2  }
0xf0: {  	s9 =	smul.u32 $0xFFF90000, s9  }
0xf1: {  	_ =	swait.ge [sflag:s24], $0x4000  }
0xf2: {  	p1 =	slt.u32 s0, $0x2;
	[sflag:s24] =	ssyncset.done $0x0;
	s9 =	sshra.s32 s9, $0x2  }
0xf3: {  	[sflag:s24] =	ssyncadd.s32 $0xFFFFC000;
	s0 =	sadd.s32 $0x5, s0;
	s9 =	sadd.s32 s9, s28  }
0xf4: {  	[hbm4b:s7+s2] =	stream.linear.scatter [tilespmem:s9], [sflag:$0x2], $0x4000, $0x38;
	[tilespmem:$0x1FC00] =	vst v63  }
0xf5: {  	p0 =	sge.u32 s0, s4;
	s9 =	simm.s32 @!p1 $0x2  }
0xf6: {  	s10 =	sand.u32 @!p0 $0x7FFFFE00, s31;
	_ =	swait.ge @!p1 [sflag:s9], $0x4000  }
0xf7: {  	s11 =	sand.u32 @!p0 $0x40, s29;
	s10 =	sshrl.u32 @!p0 s10, $0x2;
	[sflag:s9] =	ssyncset.done @!p1 $0x0  }
0xf8: {  	[sflag:s9] =	ssyncadd.s32 @!p1 $0xFFFFC000;
	s9 =	sor.u32 @!p0 s11, s10  }
0xf9: {  	v3 =	vld @!p0 [tilespmem:s9+$0x0];
	_ =	sdelay $0x2  }
0xfa: {  	s10 =	smulhi.u32 $0x24924925, s30;
	_ =	sdelay $0x1  }
0xfb: {  	s12 =	ssub.s32 s30, s10;
	v4 =	vshll.u32 @!p0 v3, $0x1  }
0xfc: {  	v5 =	vlaneseq.u32 @!p0;
	s11 =	sshrl.u32 s12, $0x1;
	v3 =	vand.u32 @!p0 $0x7, v3;
	v4 =	vand.u32 @!p0 $0xFFFFFFF0, v4  }
0xfd: {  	v6 =	vshrl.u32 @!p0 v5, $0x3;
	s10 =	sadd.s32 s10, s11;
	v3 =	vor.u32 @!p0 v3, v4;
	v4 =	vand.u32 @!p0 $0x7, v5  }
0xfe: {  	v6 =	vmul.u32 @!p0 $0x8, v6;
	s10 =	sshrl.u32 s10, $0x2;
	v7 =	vperm.xlane @!p0 v3, v4  }
0xff: {  	s10 =	smul.u32 $0x70000, s10;
	v5 =	vor.u32 @!p0 $0x8, v5  }
0x100: {  	v3 =	vperm.xlane @!p0 v3, v5;
	v7 =	vadd.s32 @!p0 v6, v7  }
0x101: {  	s10 =	ssub.s32 $0x5E000, s10  }
0x102: {  	s10 =	sshra.s32 @!p0 s10, $0x2;
	v3 =	vadd.s32 @!p0 v6, v3  }
0x103: {  	s10 =	sadd.s32 @!p0 s10, s28  }
0x104: {  	vm1 =	vmmov @!p0 $0xffff;
	s12 =	simm.s32 @!p0 $0x0;
	s11 =	sadd.s32 @!p0 $0xFFFFC800, s10  }
0x105: {  	[tilespmem:s11], [sflag:$0x1] =	stream.indirect_vreg.gather @!p0 [hbm4b:s3+s12], $0x80, v7, vm1, $0xb8;
	[tilespmem:$0x1FC00] =	vst v63  }
0x106: {  	s11 =	sadd.s32 @!p0 $0xFFFFD000, s10  }
0x107: {  	[tilespmem:s11], [sflag:$0x1] =	stream.indirect_vreg.gather @!p0 [hbm4b:s3+s12], $0x80, v3, vm1, $0xb8;
	[tilespmem:$0x1FC00] =	vst v63  }
0x108: {  	v3 =	vld @!p0 [tilespmem:s9+$0x10];
	_ =	sdelay $0x4  }
0x109: {  	v7 =	vshll.u32 @!p0 v3, $0x1  }
0x10a: {  	v3 =	vand.u32 @!p0 $0x7, v3;
	v7 =	vand.u32 @!p0 $0xFFFFFFF0, v7  }
0x10b: {  	v3 =	vor.u32 @!p0 v3, v7  }
0x10c: {  	v7 =	vperm.xlane @!p0 v3, v4;
	_ =	sdelay $0x1  }
0x10d: {  	v3 =	vperm.xlane @!p0 v3, v5;
	v7 =	vadd.s32 @!p0 v6, v7;
	_ =	sdelay $0x1  }
0x10e: {  	v3 =	vadd.s32 @!p0 v6, v3;
	_ =	sdelay $0x1  }
0x10f: {  	s11 =	sadd.s32 @!p0 $0xFFFFD800, s10  }
0x110: {  	[tilespmem:s11], [sflag:$0x1] =	stream.indirect_vreg.gather @!p0 [hbm4b:s3+s12], $0x80, v7, vm1, $0xb8;
	[tilespmem:$0x1FC00] =	vst v63  }
0x111: {  	s11 =	sadd.s32 @!p0 $0xFFFFE000, s10  }
0x112: {  	[tilespmem:s11], [sflag:$0x1] =	stream.indirect_vreg.gather @!p0 [hbm4b:s3+s12], $0x80, v3, vm1, $0xb8;
	[tilespmem:$0x1FC00] =	vst v63  }
0x113: {  	v3 =	vld @!p0 [tilespmem:s9+$0x20];
	_ =	sdelay $0x4  }
0x114: {  	v7 =	vshll.u32 @!p0 v3, $0x1  }
0x115: {  	v3 =	vand.u32 @!p0 $0x7, v3;
	v7 =	vand.u32 @!p0 $0xFFFFFFF0, v7  }
0x116: {  	v3 =	vor.u32 @!p0 v3, v7  }
0x117: {  	v7 =	vperm.xlane @!p0 v3, v4;
	_ =	sdelay $0x1  }
0x118: {  	v3 =	vperm.xlane @!p0 v3, v5;
	v7 =	vadd.s32 @!p0 v6, v7;
	_ =	sdelay $0x1  }
0x119: {  	v3 =	vadd.s32 @!p0 v6, v3;
	_ =	sdelay $0x1  }
0x11a: {  	s11 =	sadd.s32 @!p0 $0xFFFFE800, s10  }
0x11b: {  	[tilespmem:s11], [sflag:$0x1] =	stream.indirect_vreg.gather @!p0 [hbm4b:s3+s12], $0x80, v7, vm1, $0xb8;
	[tilespmem:$0x1FC00] =	vst v63  }
0x11c: {  	s11 =	sadd.s32 @!p0 $0xFFFFF000, s10  }
0x11d: {  	[tilespmem:s11], [sflag:$0x1] =	stream.indirect_vreg.gather @!p0 [hbm4b:s3+s12], $0x80, v3, vm1, $0xb8;
	[tilespmem:$0x1FC00] =	vst v63  }
0x11e: {  	v3 =	vld @!p0 [tilespmem:s9+$0x30];
	_ =	sdelay $0x4  }
0x11f: {  	v7 =	vshll.u32 @!p0 v3, $0x1  }
0x120: {  	v3 =	vand.u32 @!p0 $0x7, v3;
	v7 =	vand.u32 @!p0 $0xFFFFFFF0, v7  }
0x121: {  	v3 =	vor.u32 @!p0 v3, v7  }
0x122: {  	v4 =	vperm.xlane @!p0 v3, v4;
	_ =	sdelay $0x1  }
0x123: {  	v3 =	vperm.xlane @!p0 v3, v5;
	v4 =	vadd.s32 @!p0 v6, v4;
	_ =	sdelay $0x1  }
0x124: {  	v3 =	vadd.s32 @!p0 v6, v3;
	_ =	sdelay $0x1  }
0x125: {  	s9 =	sadd.s32 @!p0 $0xFFFFF800, s10  }
0x126: {  	[tilespmem:s9], [sflag:$0x1] =	stream.indirect_vreg.gather @!p0 [hbm4b:s3+s12], $0x80, v4, vm1, $0xb8;
	[tilespmem:$0x1FC00] =	vst v63  }
0x127: {  	s0 =	sadd.s32 $0xFFFFFFFC, s0  }
0x128: {  	[tilespmem:s10], [sflag:$0x1] =	stream.indirect_vreg.gather @!p0 [hbm4b:s3+s12], $0x80, v3, vm1, $0xb8;
	[tilespmem:$0x1FC00] =	vst v63  }
0x129: {  	p0 =	sne.s32 s0, s4  }
.Ltmp0:
0x12a: {  	_ = 	snop;
	(pc) =	sbr.rel @p0 .LBB2_2-.Ltmp0, $3  }
0x12b: {  	_ =	sdelay $0x1  }
0x12c: {  	s29 =	sadd.s32 $0x40, s29;
	s31 =	sadd.s32 $0x100, s31  }
0x12d: {  	s7 =	sadd.s32 $0x800, s7;
	s30 =	sadd.s32 $0x1, s30;
	s28 =	sadd.s32 $0x4000, s28  }
0x12e: {  	s26 =	sadd.s32 $0x1, s26  }
0x12f: {  	_ =	swait.ge [sflag:s25], $0x4000;
	p0 =	sne.s32 s26, s6  }
.Ltmp1:
0x130: {  	[sflag:s25] =	ssyncset.done $0x0;
	(pc) =	sbr.rel @p0 .LBB2_1-.Ltmp1, $4  }
0x131: {  	[sflag:s25] =	ssyncadd.s32 $0xFFFFC000  }
0x132: {  	_ =	swait.ge [sflag:s25], $0x4000  }
0x133: {  	[sflag:s25] =	ssyncset.done $0x0  }
0x134: {  	[sflag:s25] =	ssyncadd.s32 $0xFFFFC000  }
0x135: {  	_ =	sfence.sel $0x180000  }
0x136: {  	[bflag:$0x0] =	sbarrier.arrive $0xFFFF  }
0x137: {  	_ =	strace $0x90000056  }
0x138: {  	s0 =	stileid.u32;
	[bflag:$0x2] =	sbarrier.arrive $0xFFFF  }
0x139: {  	p0 =	sne.s32 s0, $0x0;
	s0 =	rddreg [dreg:$0x1]  }
0x13a: {  	s0 =	sadd.s32 @!p0 $0x100000, s0  }
0x13b: {  	[sflag:s0] =	ssyncadd.tile.s32 @!p0 $0x1;
	_ =	shalt  }
.Lfunc_end2:
_tile_overlayer_lowered:
.L_overlay_start_2:
0x13c: {  	(tag) =	ssettag $0x2  }
0x13d: {  	s0 =	rddreg [dreg:$0x0];
	s2 =	stileid.u32  }
0x13e: {  	s1 =	rddreg [dreg:$0x1];
	p0 =	sne.s32 s2, $0x0  }
0x13f: {  	s3 =	rddreg [dreg:$0x2];
	[bflag:$0x3] =	sbarrier.arrive $0xFFFF;
	s2 =	simm.s32 @!p0 $0x1C03  }
0x140: {  	[timem:s3], [sflag:s2] =	dma.local @!p0 [hbm:s0], s1  }
0x141: {  	s0 =	simm.s32 @!p0 $0x3  }
0x142: {  	_ =	swait.ge @!p0 [sflag:s0], s1  }
0x143: {  	s1 =	ssub.s32 @!p0 $0x0, s1;
	[sflag:s0] =	ssyncset.done @!p0 $0x0  }
0x144: {  	[sflag:s0] =	ssyncadd.s32 @!p0 s1  }
0x145: {  	[bflag:$0x3] =	sbarrier.arrive $0xFFFF  }
0x146: {  	_ =	shalt  }

// kernel: kernel.36.cloned.1.call-start
scs
__scs_entry_jumppad:
0x0: {  	(pc) =	sbr.rel $0x88, $3  }
0x1: {  	(tag) =	ssettag $0x0;
	lr =	simm.s32 $0x1  }
0x2: {  	[smem:$0x3F93] =	sst lr;
	_ =	strace $0xD0000000  }
0x3: {  	_ = 	snop  }
0x4: {  	_ = 	snop  }
0x5: {  	_ = 	snop  }
0x6: {  	_ = 	snop  }
0x7: {  	_ = 	snop  }
__scs_overlays_trampoline_lowered:
0x8: {  	[smem:$0x3FA2] =	sst s0  }
0x9: {  	[smem:$0x3FA3] =	sst s1  }
0xa: {  	[smem:$0x3FA4] =	sst s2  }
0xb: {  	[smem:$0x3FA5] =	sst s3  }
0xc: {  	[smem:$0x3FA6] =	sst s4  }
0xd: {  	[smem:$0x3FA7] =	sst s5  }
0xe: {  	[smem:$0x3FA8] =	sst s6  }
0xf: {  	[smem:$0x3FA9] =	sst s7  }
0x10: {  	[smem:$0x3FAA] =	sst s8  }
0x11: {  	[smem:$0x3FAB] =	sst s9;
	s0 =	simm.s32 @!p0 $0x0  }
0x12: {  	s1 =	sld [smem:$0x3F91];
	s0 =	simm.s32 @p0 $0x1  }
0x13: {  	[smem:$0x3FAC] =	sst s0;
	s0 =	simm.s32 @!p1 $0x0  }
0x14: {  	s2 =	sld [smem:$0x3F90];
	s0 =	simm.s32 @p1 $0x1  }
0x15: {  	[smem:$0x3FAD] =	sst s0;
	s0 =	simm.s32 @!p2 $0x0  }
0x16: {  	s3 =	sld [smem:$0x3FDB];
	s0 =	simm.s32 @p2 $0x1  }
0x17: {  	s4 =	simm.s32 $0x1BF5;
	[smem:$0x3FAF] =	sst s0  }
0x18: {  	s0 =	sld [smem:$0x3F92];
	_ =	swait.ge [sflag:s4], $0x0  }
0x19: {  	s7 =	sld [smem:$0x3F93]  }
0x1a: {  	s8 =	sadd.s32 $0xFFFFE003, lr  }
0x1b: {  	s9 =	sadd.s32 $0xFFFFFEF7, lr;
	s5 =	simm.s32 $0xFFFFFFFF;
	p2 =	slt.u32 s8, $0xFFFFF086  }
0x1c: {  	p1 =	slt.u32 s9, $0xF7A;
	s5 =	simm.s32 @!p2 $0x0  }
0x1d: {  	s5 =	simm.s32 @p1 $0x1;
	p0 =	seq.s32 s7, s2  }
0x1e: {  	s7 =	smul.u32 @!p0 $0xF7A, s2;
	p2 =	seq.s32 @!p0 s5, $0x0  }
0x1f: {  	s9 =	smul.u32 $0xF7A, s1;
	s8 =	simm.s32 @!p0 $0x1BF5;
	p2 =	por !p2, p0  }
0x20: {  	[sflag:s8] =	ssyncset.s32 @!p0 $0xFFFFF086;
	s6 =	sadd.s32 @!p0 s3, s7;
	s7 =	simm.s32 @!p0 $0x108  }
0x21: {  	s3 =	sadd.s32 s3, s9;
	s6 =	sadd.s32 @!p0 $0x88, s6;
	s7 =	simm.s32 @p2 $0x1082  }
0x22: {  	[simem:s7], [sflag:s8] =	dma.local @!p0 [hbm:s6], $0xF7A  }
0x23: {  	s9 =	sor.u32 $0xD0000000, s2;
	s6 =	simm.s32 $0x108;
	_ =	swait.ge @!p0 [sflag:s8], $0x0  }
0x24: {  	s3 =	sadd.s32 $0x88, s3;
	s6 =	simm.s32 @!p1 $0x1082;
	[sflag:s4] =	ssyncset.s32 $0xFFFFF086  }
0x25: {  	[simem:s6], [sflag:s4] =	dma.local [hbm:s3], $0xF7A  }
0x26: {  	[smem:$0x3F93] =	sst s1;
	(tag) =	ssettag s2;
	_ =	strace s9  }
0x27: {  	s1 =	sld [smem:$0x3FA3]  }
0x28: {  	s2 =	sld [smem:$0x3FA4]  }
0x29: {  	s4 =	sld [smem:$0x3FA6]  }
0x2a: {  	p0 =	seq.s32 s5, $0x0;
	s5 =	sld [smem:$0x3FA7]  }
0x2b: {  	s6 =	sld [smem:$0x3FA8]  }
0x2c: {  	s7 =	sld [smem:$0x3FA9]  }
0x2d: {  	s3 =	simm.s32 $0x108;
	s8 =	sld [smem:$0x3FAA]  }
0x2e: {  	s3 =	simm.s32 @!p0 $0x1082;
	s9 =	sld [smem:$0x3FAB]  }
0x2f: {  	lr =	sadd.s32 s0, s3;
	s0 =	sld [smem:$0x3FA2]  }
0x30: {  	s3 =	sld [smem:$0x3FA5]  }
0x31: {  	[smem:$0x3FAE] =	sst s10  }
0x32: {  	s10 =	sld [smem:$0x3FAC];
	_ =	sdelay $0x3  }
0x33: {  	p0 =	seq.s32 s10, $0x1;
	s10 =	sld [smem:$0x3FAE];
	_ =	sdelay $0x3  }
0x34: {  	[smem:$0x3FAE] =	sst s10  }
0x35: {  	s10 =	sld [smem:$0x3FAD];
	_ =	sdelay $0x3  }
0x36: {  	p1 =	seq.s32 s10, $0x1;
	s10 =	sld [smem:$0x3FAE];
	_ =	sdelay $0x3  }
0x37: {  	[smem:$0x3FAE] =	sst s10  }
0x38: {  	s10 =	sld [smem:$0x3FAF]  }
0x39: {  	_ = 	snop;
	(pc) =	sbr.ind lr, $3  }
0x3a: {  	_ = 	snop  }
0x3b: {  	_ = 	snop  }
0x3c: {  	p2 =	seq.s32 s10, $0x1;
	s10 =	sld [smem:$0x3FAE]  }
0x3d: {  	_ =	shalt  }
0x3e: {  	_ =	shalt  }
0x3f: {  	_ =	shalt  }
0x40: {  	_ =	shalt  }
0x41: {  	_ =	shalt  }
0x42: {  	_ =	shalt  }
0x43: {  	_ =	shalt  }
0x44: {  	_ =	shalt  }
0x45: {  	_ =	shalt  }
0x46: {  	_ =	shalt  }
0x47: {  	_ =	shalt  }
0x48: {  	_ =	shalt  }
0x49: {  	_ =	shalt  }
0x4a: {  	_ =	shalt  }
0x4b: {  	_ =	shalt  }
0x4c: {  	_ =	shalt  }
0x4d: {  	_ =	shalt  }
0x4e: {  	_ =	shalt  }
0x4f: {  	_ =	shalt  }
0x50: {  	_ =	shalt  }
0x51: {  	_ =	shalt  }
0x52: {  	_ =	shalt  }
0x53: {  	_ =	shalt  }
0x54: {  	_ =	shalt  }
0x55: {  	_ =	shalt  }
0x56: {  	_ =	shalt  }
0x57: {  	_ =	shalt  }
0x58: {  	_ =	shalt  }
0x59: {  	_ =	shalt  }
0x5a: {  	_ =	shalt  }
0x5b: {  	_ =	shalt  }
0x5c: {  	_ =	shalt  }
0x5d: {  	_ =	shalt  }
0x5e: {  	_ =	shalt  }
0x5f: {  	_ =	shalt  }
0x60: {  	_ =	shalt  }
0x61: {  	_ =	shalt  }
0x62: {  	_ =	shalt  }
0x63: {  	_ =	shalt  }
0x64: {  	_ =	shalt  }
0x65: {  	_ =	shalt  }
0x66: {  	_ =	shalt  }
0x67: {  	_ =	shalt  }
0x68: {  	_ =	shalt  }
0x69: {  	_ =	shalt  }
0x6a: {  	_ =	shalt  }
0x6b: {  	_ =	shalt  }
0x6c: {  	_ =	shalt  }
0x6d: {  	_ =	shalt  }
0x6e: {  	_ =	shalt  }
0x6f: {  	_ =	shalt  }
0x70: {  	_ =	shalt  }
0x71: {  	_ =	shalt  }
0x72: {  	_ =	shalt  }
0x73: {  	_ =	shalt  }
0x74: {  	_ =	shalt  }
0x75: {  	_ =	shalt  }
0x76: {  	_ =	shalt  }
0x77: {  	_ =	shalt  }
0x78: {  	_ =	shalt  }
0x79: {  	_ =	shalt  }
0x7a: {  	_ =	shalt  }
0x7b: {  	_ =	shalt  }
0x7c: {  	_ =	shalt  }
0x7d: {  	_ =	shalt  }
0x7e: {  	_ =	shalt  }
0x7f: {  	_ =	shalt  }
0x80: {  	_ =	shalt  }
0x81: {  	_ =	shalt  }
0x82: {  	_ =	shalt  }
0x83: {  	_ =	shalt  }
0x84: {  	_ =	shalt  }
0x85: {  	_ =	shalt  }
0x86: {  	_ =	shalt  }
0x87: {  	_ =	shalt  }
.Lfunc_end0:
.L_simem_size_0:
called_computation.6_lowered:
.L_overlay_start_0:
0x88: {  	s2 =	sld [smem:$0x3FD9]  }
0x89: {  	s3 =	sld [smem:$0x3FFE];
	_ =	sdelay $0x1  }
0x8a: {  	s1 =	srdreg.scid  }
0x8b: {  	s0 =	sand.u32 $0x1, s1  }
0x8c: {  	s16 =	sshll.u32 s0, $0xA;
	s2 =	sadd.s32 s3, s2  }
0x8d: {  	s2 =	sadd.s32 s2, s16  }
0x8e: {  	[smem:$0x3FBA] =	sst s2  }
0x8f: {  	_ = 	snop  }
0x90: {  	(tm) =	ssettm $0x1  }
0x91: {  	s17 =	sld [smem:$0x3FFB];
	_ =	sdelay $0x3  }
0x92: {  	_ =	strace s17  }
0x93: {  	s2 =	sld [smem:$0x3FFC];
	_ =	sdelay $0x3  }
0x94: {  	_ =	strace s2  }
0x95: {  	s2 =	sld [smem:$0x3FFD];
	_ =	sdelay $0x3  }
0x96: {  	_ =	strace s2  }
0x97: {  	_ =	strace $0x8FFFFFFF  }
0x98: {  	s18 =	sld [smem:$0x3FDB];
	_ =	sdelay $0x1  }
0x99: {  	s19 =	simm.s32 $_scs_section_size  }
0x9a: {  	s4 =	simm.s32 $_size__tile_overlayer_lowered;
	s5 =	simm.s32 $_tile_overlayer_lowered  }
0x9b: {  	s22 =	simm.s32 $0x1BFF;
	s21 =	sshll.u32 s5, $0x1;
	s2 =	sadd.s32 s19, s18  }
0x9c: {  	s6 =	simm.s32 $0x0;
	s20 =	sshll.u32 s4, $0x1;
	s4 =	sadd.s32 s21, s2  }
0x9d: {  	[timem:s6], [sflag:s22] =	dma.local [hbm:s4], s20  }
0x9e: {  	_ =	swait.ge [sflag:s22], s20  }
0x9f: {  	s3 =	ssub.s32 $0x0, s20;
	[sflag:s22] =	ssyncset.done $0x0  }
0xa0: {  	[sflag:s22] =	ssyncadd.s32 s3;
	_ =	sdelay $0x1  }
0xa1: {  	s23 =	simm.s32 $0x1B8B  }
0xa2: {  	_ =	swait.ge [sflag:s23], $0x1  }
0xa3: {  	[sflag:s23] =	ssyncset.done $0x0  }
0xa4: {  	s25 =	simm.s32 $0x1B8E;
	s24 =	sld [smem:$0x3FFE];
	[sflag:s23] =	ssyncadd.s32 $0xFFFFFFFF  }
0xa5: {  	s26 =	simm.s32 $execute0_lowered;
	[smem:$0x3FD2] =	sst s25  }
0xa6: {  	s4 =	sshll.u32 s26, $0x1;
	_ =	strace $0x80000058;
	[dreg:$0x1] =	wrdreg $0xFFFFFFFF  }
0xa7: {  	s28 =	simm.s32 $_size_execute0_lowered;
	s2 =	sadd.s32 s2, s4;
	[dreg:$0x0] =	wrdreg $0x0  }
0xa8: {  	s4 =	sshll.u32 s28, $0x1;
	[dreg:$0x2] =	wrdreg s2  }
0xa9: {  	[dreg:$0x3] =	wrdreg s4  }
0xaa: {  	[dreg:$0x4] =	wrdreg $0xC0  }
0xab: {  	_ =	task [dreg:s6], $0x5FFFF  }
0xac: {  	[dreg:$0x1] =	wrdreg $0xFFFFFFFF  }
0xad: {  	[dreg:$0x0] =	wrdreg $0x60  }
0xae: {  	[dreg:$0x2] =	wrdreg s24  }
0xaf: {  	[dreg:$0x3] =	wrdreg $0xC2000  }
0xb0: {  	[dreg:$0x4] =	wrdreg $0x9  }
0xb1: {  	_ =	task.clear_ibuf [dreg:s6], $0x5FFFF;
	_ =	strace $0x90000058  }
0xb2: {  	s29 =	simm.s32 $0x9;
	_ =	strace $0x8000005A  }
0xb3: {  	_ =	swait.ge [sflag:s29], $0x1  }
0xb4: {  	[sflag:s29] =	ssyncadd.s32 $0xFFFFFFFF  }
0xb5: {  	_ =	strace $0x9000005A  }
0xb6: {  	_ =	sfence  }
0xb7: {  	s30 =	sld [smem:$0x0];
	_ =	sdelay $0x2  }
0xb8: {  	s31 =	sshll.u32 s1, $0xD;
	s1 =	sshrl.u32 s1, $0x2  }
0xb9: {  	s3 =	sand.u32 $0x4000, s31;
	s1 =	sadd.s32 s1, s30  }
0xba: {  	s0 =	sor.u32 s3, s0;
	s1 =	sshll.u32 s1, $0x11  }
0xbb: {  	s0 =	sor.u32 s1, s0  }
0xbc: {  	s0 =	sadd.s32 $0x8F2B, s0  }
0xbd: {  	[sflag:s0] =	ssyncadd.remote.s32 $0x1  }
0xbe: {  	_ =	sfence.sel $0xFFFF  }
0xbf: {  	[dreg:$0x0] =	wrdreg $0xFFFFFFFF;
	(pc) =	sbr.abs _section_cstart, $3  }
0xc0: {  	[dreg:$0x1] =	wrdreg $0xFFFFFFFF  }
0xc1: {  	_ =	task.clear_ibuf [dreg:s6], $0x2FFFF;
	_ =	strace $0x9FFFFFFF  }
0xc2: {  	(tm) =	ssettm $0x7FFFFFFF  }
0xc3: {  	_ =	shalt  }
tec
execute0_lowered:
.L_overlay_start_1:
0x0: {  	(tag) =	ssettag $0x1  }
0x1: {  	s6 =	rddreg [dreg:$0x0]  }
0x2: {  	s1 =	rddreg [dreg:$0x1]  }
0x3: {  	s0 =	rddreg [dreg:$0x2];
	s2 =	simm.s32 $0x0;
	s3 =	stileid.u32  }
0x4: {  	s7 =	srdreg.scid;
	s19 =	simm.s32 $0x3;
	s20 =	simm.s32 $0x1  }
0x5: {  	s21 =	simm.s32 $0x80;
	s22 =	simm.s32 $0x2;
	s23 =	simm.s32 $0x0  }
0x6: {  	[smem:$0x7FF] =	sst s2;
	s4 =	sadd.s32 $0x19F4200, s6;
	s8 =	smul.u32 $0x4F000, s3  }
0x7: {  	s5 =	sadd.s32 $0x7C00, s6;
	s15 =	sadd.s32 $0x11C00, s6;
	s13 =	smul.u32 $0x280000, s3  }
0x8: {  	s7 =	sand.u32 $0x1, s7;
	s17 =	smul.u32 $0x13C00, s3;
	p0 =	sne.s32 s3, $0x0  }
0x9: {  	_ =	strace $0x80000059;
	s9 =	ssub.s32 $0x2, s7;
	s12 =	smul.u32 $0x140000, s7  }
0xa: {  	s11 =	smul.u32 $0x2800000, s7;
	s28 =	sshrl.u32 s8, $0x2;
	s29 =	sshrl.u32 s9, $0x1  }
0xb: {  	s6 =	sadd.s32 s28, s1;
	s16 =	ssub.s32 s9, s29;
	s14 =	sshrl.u32 s12, $0x3  }
0xc: {  	s18 =	sadd.s32 s13, s11;
	s11 =	smul.u32 $0xA00, s3;
	s30 =	sadd.s32 s17, s12  }
.Ltmp0:
0xd: {  	s7 =	sadd.s32 $0x4000, s6;
	s8 =	sadd.s32 $0x8000, s6;
	(pc) =	sbr.rel .LBB2_1-.Ltmp0, $4  }
0xe: {  	s9 =	sadd.s32 $0xC000, s6;
	s10 =	sadd.s32 $0x10000, s6;
	s14 =	sadd.s32 s15, s14  }
0xf: {  	s31 =	sshrl.u32 s18, $0x3;
	s17 =	sshrl.u32 s30, $0x3;
	s16 =	smax.u32 s16, $0x1  }
0x10: {  	s12 =	sadd.s32 $0x27800, s14;
	s13 =	sadd.s32 s4, s31;
	s14 =	sadd.s32 s5, s11  }
0x11: {  	v0 =	vimm.f32 $0.0e+00;
	s15 =	sadd.s32 s15, s17;
	s17 =	sor.u32 $0x4000, s18;
	s18 =	simm.s32 $0x200  }
.LBB2_6:
0x12: {  	_ =	swait.ge [sflag:s22], $0x4000  }
0x13: {  	[sflag:s22] =	ssyncset.done $0x0  }
0x14: {  	[sflag:s22] =	ssyncadd.s32 $0xFFFFC000  }
0x15: {  	_ =	swait.ge [sflag:s22], $0x4000  }
0x16: {  	s24 =	sshll.u32 s3, $0x6;
	s23 =	sadd.s32 $0x1, s23;
	[sflag:s22] =	ssyncset.done $0x0  }
0x17: {  	s25 =	sshrl.u32 s6, $0x3;
	p1 =	sne.s32 s23, s16;
	[sflag:s22] =	ssyncadd.s32 $0xFFFFC000  }
.Ltmp1:
0x18: {  	s24 =	sor.u32 $0x1C03, s24;
	[bflag:$0x0] =	sbarrier.arrive $0xFFFF;
	(pc) =	sbr.rel @!p1 .LBB2_7-.Ltmp1, $4  }
0x19: {  	[hbm:s15], [sflag:s24] =	dma.local [spmem:s25], $0x2780  }
0x1a: {  	_ =	swait.ge [sflag:s19], $0x2780  }
0x1b: {  	[sflag:s19] =	ssyncset.done $0x0  }
0x1c: {  	[sflag:s19] =	ssyncadd.s32 $0xFFFFD880  }
.LBB2_1:
0x1d: {  	s24 =	simm.s32 $0x0;
	s25 =	simm.s32 $0x200  }
.LBB2_2:
0x1e: {  	p1 =	sne.s32 s25, $0xFE00;
	[tilespmem:s24+$0x270] =	vst v0  }
0x1f: {  	[tilespmem:s24+$0x200] =	vst v0  }
0x20: {  	[tilespmem:s24+$0x210] =	vst v0  }
.Ltmp2:
0x21: {  	[tilespmem:s24+$0x220] =	vst v0;
	(pc) =	sbr.rel @p1 .LBB2_2-.Ltmp2, $4  }
0x22: {  	[tilespmem:s24+$0x230] =	vst v0  }
0x23: {  	[tilespmem:s24+$0x240] =	vst v0  }
0x24: {  	[tilespmem:s24+$0x250] =	vst v0  }
0x25: {  	[tilespmem:s24+$0x260] =	vst v0;
	s24 =	sshra.s32 s25, $0x2;
	s25 =	sadd.s32 $0x200, s25  }
0x26: {  	[tilespmem:s24+$0x270] =	vst v0  }
0x27: {  	[tilespmem:s24+$0x200] =	vst v0  }
0x28: {  	[tilespmem:s24+$0x210] =	vst v0  }
0x29: {  	[tilespmem:s24+$0x220] =	vst v0  }
0x2a: {  	[tilespmem:s24+$0x230] =	vst v0  }
0x2b: {  	[tilespmem:s24+$0x240] =	vst v0  }
0x2c: {  	[tilespmem:s24+$0x250] =	vst v0  }
0x2d: {  	[tilespmem:s24+$0x260] =	vst v0  }
0x2e: {  	[spmem:s6] =	stream.linear.scatter [tilespmem:s18], [sflag:$0x3], $0x4000, $0x38;
	[tilespmem:$0x1FE00] =	vst v63  }
0x2f: {  	_ =	swait.ge [sflag:s19], $0x4000  }
0x30: {  	[sflag:s19] =	ssyncset.done $0x0  }
0x31: {  	[sflag:s19] =	ssyncadd.s32 $0xFFFFC000  }
0x32: {  	[spmem:s7] =	stream.linear.scatter [tilespmem:s18], [sflag:$0x3], $0x4000, $0x38;
	[tilespmem:$0x1FE00] =	vst v63  }
0x33: {  	_ =	swait.ge [sflag:s19], $0x4000  }
0x34: {  	[sflag:s19] =	ssyncset.done $0x0  }
0x35: {  	[sflag:s19] =	ssyncadd.s32 $0xFFFFC000  }
0x36: {  	[spmem:s8] =	stream.linear.scatter [tilespmem:s18], [sflag:$0x3], $0x4000, $0x38;
	[tilespmem:$0x1FE00] =	vst v63  }
0x37: {  	_ =	swait.ge [sflag:s19], $0x4000  }
0x38: {  	[sflag:s19] =	ssyncset.done $0x0  }
0x39: {  	[sflag:s19] =	ssyncadd.s32 $0xFFFFC000  }
0x3a: {  	[spmem:s9] =	stream.linear.scatter [tilespmem:s18], [sflag:$0x3], $0x4000, $0x38;
	[tilespmem:$0x1FE00] =	vst v63  }
0x3b: {  	_ =	swait.ge [sflag:s19], $0x4000  }
0x3c: {  	[sflag:s19] =	ssyncset.done $0x0  }
0x3d: {  	[sflag:s19] =	ssyncadd.s32 $0xFFFFC000  }
0x3e: {  	[spmem:s10] =	stream.linear.scatter [tilespmem:s18], [sflag:$0x3], $0x3C00, $0x38;
	[tilespmem:$0x1FE00] =	vst v63  }
0x3f: {  	_ =	swait.ge [sflag:s19], $0x3C00  }
0x40: {  	[sflag:s19] =	ssyncset.done $0x0  }
0x41: {  	s24 =	simm.s32 @!p0 $0x0;
	s25 =	simm.s32 @!p0 $0x200;
	[sflag:s19] =	ssyncadd.s32 $0xFFFFC400  }
0x42: {  	[hbm4b:s12+s24] =	stream.linear.scatter @!p0 [tilespmem:s25], [sflag:$0x3], $0x4000, $0x38;
	[tilespmem:$0x1FE00] =	vst v63  }
0x43: {  	s24 =	simm.s32 @!p0 $0x3  }
0x44: {  	_ =	swait.ge @!p0 [sflag:s24], $0x4000  }
0x45: {  	s28 =	simm.s32 $0x0;
	[sflag:s24] =	ssyncset.done @!p0 $0x0  }
0x46: {  	s26 =	smov.u32 s17;
	s29 =	smov.u32 s14;
	[sflag:s24] =	ssyncadd.s32 @!p0 $0xFFFFC000  }
0x47: {  	s25 =	simm.s32 $0x10;
	s24 =	simm.s32 $0x1;
	[bflag:$0x0] =	sbarrier.arrive $0xFFFF  }
0x48: {  	[tilespmem:s18], [sflag:$0x1] =	stream.linear.gather [hbm4b:s13+s28], $0x4000, $0x38;
	[tilespmem:$0x1FE00] =	vst v63  }
.LBB2_4:
0x49: {  	s30 =	sadd.s32 $0xFFFFFFFF, s24  }
0x4a: {  	s31 =	smul.u32 $0xAB, s30  }
0x4b: {  	[tilespmem:s28], [sflag:$0x1] =	stream.linear.gather [hbm4b:s29+s2], $0x80, $0x38;
	[tilespmem:$0x1FE00] =	vst v63  }
0x4c: {  	s29 =	sshrl.u32 s31, $0x9  }
0x4d: {  	s28 =	sand.u32 $0x7F, s29  }
0x4e: {  	_ =	swait.ge [sflag:s20], $0x4000;
	s28 =	smul.u32 $0x3, s28  }
0x4f: {  	[sflag:s20] =	ssyncset.done $0x0  }
0x50: {  	p1 =	slt.u32 s30, $0x2;
	[sflag:s20] =	ssyncadd.s32 $0xFFFFC000;
	s28 =	ssub.s32 s30, s28  }
0x51: {  	p2 =	seq.s32 @!p1 s24, $0xA0;
	_ =	swait.ge [sflag:s20], $0x80;
	s28 =	sand.u32 $0xFF, s28  }
0x52: {  	p2 =	por p1, !p2;
	[sflag:s20] =	ssyncset.done $0x0;
	s31 =	sshll.u32 s28, $0xE  }
0x53: {  	[sflag:s20] =	ssyncadd.s32 $0xFFFFFF80;
	s28 =	sshll.u32 s28, $0x7;
	s29 =	sor.u32 $0x200, s31  }
0x54: {  	[spmem:s1] =	stream.indirect.scatter.add.f32 [tilespmem:s29], [sflag:$0x2], $0x80, s28, s21, $0xb8;
	[tilespmem:$0x1FE00] =	vst v63  }
.Ltmp3:
0x55: {  	_ = 	snop;
	(pc) =	sbr.rel @!p2 .LBB2_6-.Ltmp3, $4  }
0x56: {  	s28 =	simm.s32 @!p1 $0x2  }
0x57: {  	_ =	swait.ge @!p1 [sflag:s28], $0x4000  }
0x58: {  	[sflag:s28] =	ssyncset.done @!p1 $0x0  }
0x59: {  	[sflag:s28] =	ssyncadd.s32 @!p1 $0xFFFFC000  }
0x5a: {  	s28 =	smul.u32 $0xAB, s24;
	_ =	sdelay $0x1  }
0x5b: {  	s28 =	sshrl.u32 s28, $0x9  }
0x5c: {  	s28 =	sand.u32 $0x7F, s28  }
0x5d: {  	s28 =	smul.u32 $0x3, s28;
	_ =	sdelay $0x1  }
0x5e: {  	s28 =	ssub.s32 s24, s28  }
0x5f: {  	s28 =	sand.u32 $0xFF, s28  }
0x60: {  	s30 =	sshrl.u32 s26, $0x3;
	s29 =	sshll.u32 s28, $0xE  }
.Ltmp4:
0x61: {  	s30 =	sadd.s32 s4, s30;
	s29 =	sor.u32 $0x200, s29;
	(pc) =	sbr.rel .LBB2_4-.Ltmp4, $4  }
0x62: {  	[tilespmem:s29], [sflag:$0x1] =	stream.linear.gather [hbm4b:s30+s2], $0x4000, $0x38;
	[tilespmem:$0x1FE00] =	vst v63  }
0x63: {  	s31 =	sand.u32 $0x70, s25;
	s26 =	sadd.s32 $0x4000, s26;
	s29 =	sadd.s32 s25, s11  }
0x64: {  	s24 =	sadd.s32 $0x1, s24;
	s30 =	sadd.s32 s5, s31;
	s29 =	sand.u32 $0x1FF80, s29  }
0x65: {  	s28 =	sshll.u32 s28, $0x7;
	s25 =	sadd.s32 $0x10, s25;
	s29 =	sadd.s32 s29, s30  }
.LBB2_7:
0x66: {  	_ =	sfence.sel $0x180000  }
0x67: {  	[bflag:$0x0] =	sbarrier.arrive $0xFFFF  }
0x68: {  	_ =	strace $0x90000059  }
0x69: {  	s0 =	sadd.s32 @!p0 $0x100000, s0;
	[bflag:$0x2] =	sbarrier.arrive $0xFFFF  }
0x6a: {  	[sflag:s0] =	ssyncadd.tile.s32 @!p0 $0x1;
	_ =	shalt  }
.Lfunc_end2:
_tile_overlayer_lowered:
.L_overlay_start_2:
0x6b: {  	(tag) =	ssettag $0x2  }
0x6c: {  	s0 =	rddreg [dreg:$0x0];
	s2 =	stileid.u32  }
0x6d: {  	s1 =	rddreg [dreg:$0x1];
	p0 =	sne.s32 s2, $0x0  }
0x6e: {  	s3 =	rddreg [dreg:$0x2];
	[bflag:$0x3] =	sbarrier.arrive $0xFFFF;
	s2 =	simm.s32 @!p0 $0x1C03  }
0x6f: {  	[timem:s3], [sflag:s2] =	dma.local @!p0 [hbm:s0], s1  }
0x70: {  	s0 =	simm.s32 @!p0 $0x3  }
0x71: {  	_ =	swait.ge @!p0 [sflag:s0], s1  }
0x72: {  	s1 =	ssub.s32 @!p0 $0x0, s1;
	[sflag:s0] =	ssyncset.done @!p0 $0x0  }
0x73: {  	[sflag:s0] =	ssyncadd.s32 @!p0 s1  }
0x74: {  	[bflag:$0x3] =	sbarrier.arrive $0xFFFF  }
0x75: {  	_ =	shalt  }

</sc_bundles>
